<compile_context>
chip_gen: v7x
topology: tpu7x:2x2x1
jax: 0.10.2.dev20260603
libtpu: 0.0.44.dev20260713+nightly
codegen_flags: <defaults>
</compile_context>

<pallas_src>
import functools

import jax
import jax.numpy as jnp
from jax import lax
from jax.experimental import pallas as pl
from jax.experimental.pallas import tpu as pltpu
from jax.experimental.pallas import tpu_sc as plsc

_INFO = plsc.get_sparse_core_info()
_NC, _NS, _LANES = _INFO.num_cores, _INFO.num_subcores, _INFO.num_lanes
_NW = _NC * _NS
_BB = 128
_NBUF = 4
_PF = 2


def _build(B, L, E):
    assert E % 8 == 0 and B % _BB == 0
    eh = E // 8
    nbh = B // _BB
    units = L * nbh
    assert units % _NW == 0
    per_w = units // _NW
    assert per_w % _NBUF == 0

    mesh = plsc.VectorSubcoreMesh(core_axis_name="c", subcore_axis_name="s")

    @functools.partial(
        pl.kernel,
        mesh=mesh,
        out_type=jax.ShapeDtypeStruct((L, eh, nbh, 8 * _BB), jnp.float32),
        compiler_params=pltpu.CompilerParams(use_tc_tiling_on_sc=False,
                                             needs_layout_passes=False),
        scratch_types=(
            [
                pltpu.VMEM((per_w, _BB), jnp.int32),
                pltpu.VMEM((L, E), jnp.float32),
                pltpu.VMEM((_NBUF, _BB, E), jnp.float32),
                pltpu.VMEM((_NBUF, eh, 8 * _BB), jnp.float32),
            ]
            + [pltpu.SemaphoreType.DMA] * (2 * _NBUF)
        ),
    )
    def run(srcT_hbm, word_hbm, pos_hbm, out_hbm, idx_v, pos_v, rows_v,
            cbuf_v, *sems):
        gsems, osems = sems[:_NBUF], sems[_NBUF:]
        wid = lax.axis_index("s") * _NC + lax.axis_index("c")
        u0 = wid * per_w
        pltpu.sync_copy(srcT_hbm.at[pl.ds(u0, per_w)], idx_v)
        pltpu.sync_copy(pos_hbm.at[pl.ds(0, L)], pos_v)

        lane = lax.iota(jnp.int32, 16)
        rot = [(lane + t) & 15 for t in range(16)]
        rot_eh = [r >> 3 for r in rot]
        rot_elb = [(r & 7) * _BB for r in rot]

        def issue_gather(i, b):
            pltpu.async_copy(word_hbm.at[idx_v.at[i]], rows_v.at[b], gsems[b])

        def wait_gather(b):
            pltpu.make_async_copy(word_hbm.at[idx_v.at[0]], rows_v.at[b],
                                  gsems[b]).wait()

        def wait_out(b):
            pltpu.make_async_copy(cbuf_v.at[b],
                                  out_hbm.at[0, pl.ds(0, eh), 0], osems[b]).wait()

        for p in range(_PF):
            issue_gather(p, p)

        def group_body(g, carry):
            for b in range(_NBUF):
                i = g * _NBUF + b
                inext = i + _PF
                bnext = (b + _PF) % _NBUF

                @pl.when(inext < per_w)
                def _prefetch():
                    issue_gather(inext, bnext)

                wait_gather(b)

                @pl.when(i >= _NBUF)
                def _drain():
                    wait_out(b)

                u = u0 + i
                lpos = u >> 5
                bh = u & (nbh - 1)

                lv = jnp.full((16,), lpos, jnp.int32)

                def eb_body(ebi, carry2):
                    e0 = ebi << 4
                    ev = [rot[t] + e0 for t in range(16)]
                    prot = [plsc.load_gather(pos_v, [lv, ev[t]])
                            for t in range(16)]
                    eh0 = ebi << 1

                    def bb_body(bb, carry3):
                        bvec = lane + (bb << 4)
                        for t in range(16):
                            v = plsc.load_gather(rows_v.at[b], [bvec, ev[t]])
                            plsc.store_scatter(
                                cbuf_v.at[b],
                                [rot_eh[t] + eh0, rot_elb[t] + bvec],
                                v + prot[t])
                        return carry3

                    lax.fori_loop(0, _BB // 16, bb_body, 0)
                    return carry2

                lax.fori_loop(0, E // 16, eb_body, 0)
                pltpu.async_copy(cbuf_v.at[b],
                                 out_hbm.at[lpos, pl.ds(0, eh), bh], osems[b])
            return carry

        lax.fori_loop(0, per_w // _NBUF, group_body, 0)
        for b in range(_NBUF):
            wait_out(b)

    return run


def kernel(src, seg, word_table, pos_table):
    B, L = src.shape
    V, E = word_table.shape
    srcT = jnp.transpose(src).reshape(L * B // _BB, _BB).astype(jnp.int32)
    run = _build(B, L, E)
    out5 = run(srcT, word_table, pos_table).reshape(L, E // 8, B // _BB, 8, _BB)
    out = out5.transpose(2, 4, 0, 1, 3).reshape(B, L, E)
    return out

# --- scband reference (transcript-rebuilt; emitter-appended) ---
"""Pipeline reference for scband-word-pos-embedding-5746666242500 (READ-ONLY COPY).

The authoritative reference and input builder live on the scoring server;
editing this copy changes nothing except your own understanding.
"""

import jax, jax.numpy as jnp
import numpy as np

VOCAB = 1000000
EMB = 64
MAX_LEN = 512
B = 4096
L = 200

def setup_inputs(seed: int = 0) -> dict:
    key = jax.random.key(seed)
    k1, k2, k3 = jax.random.split(key, 3)
    src = jax.random.randint(k1, (B, L), 0, VOCAB, dtype=jnp.int64 if jax.config.jax_enable_x64 else jnp.int32)
    seg = jnp.zeros((B, L), dtype=src.dtype)
    word_table = jax.random.normal(k2, (VOCAB, EMB), dtype=jnp.float32) * 0.02
    pos_table = jax.random.normal(k3, (MAX_LEN, EMB), dtype=jnp.float32) * 0.02
    return {"src": src, "seg": seg, "word_table": word_table, "pos_table": pos_table}

def reference(src, seg, word_table, pos_table):
    # word embedding lookup (gather)
    word_emb = jnp.take(word_table, src, axis=0)          # [B, L, EMB]
    # position embedding: arange(L) repeated across batch
    pos_ids = jnp.arange(word_emb.shape[1], dtype=src.dtype)
    pos_emb = jnp.take(pos_table, pos_ids, axis=0)        # [L, EMB]
    pos_emb = jnp.broadcast_to(pos_emb[None, :, :], word_emb.shape)
    emb = word_emb + pos_emb
    # dropout is identity in eval mode
    return emb

if __name__ == "__main__":
    import jax
    _d = setup_inputs()
    print(jax.jit(kernel)(*tuple(_d.values())))

</pallas_src>

<mosaic_0001>
#map = affine_map<(d0, d1) -> (0, 0)>
#map1 = affine_map<(d0, d1) -> (0, 0, 0, 0)>
module attributes {stable_mosaic.version = 14 : i64} {
  func.func @run(%arg0: i32, %arg1: i32, %arg2: memref<6400x128xi32, #tpu.memory_space<hbm>>, %arg3: memref<1000000x64xf32, #tpu.memory_space<hbm>>, %arg4: memref<512x64xf32, #tpu.memory_space<hbm>>, %arg5: memref<200x8x32x1024xf32, #tpu.memory_space<hbm>>, %arg6: memref<200x128xi32, #tpu.memory_space<vmem>>, %arg7: memref<200x64xf32, #tpu.memory_space<vmem>>, %arg8: memref<4x128x64xf32, #tpu.memory_space<vmem>>, %arg9: memref<4x8x1024xf32, #tpu.memory_space<vmem>>, %arg10: memref<!tpu.dma_semaphore, #tpu.memory_space<semaphore_mem>>, %arg11: memref<!tpu.dma_semaphore, #tpu.memory_space<semaphore_mem>>, %arg12: memref<!tpu.dma_semaphore, #tpu.memory_space<semaphore_mem>>, %arg13: memref<!tpu.dma_semaphore, #tpu.memory_space<semaphore_mem>>, %arg14: memref<!tpu.dma_semaphore, #tpu.memory_space<semaphore_mem>>, %arg15: memref<!tpu.dma_semaphore, #tpu.memory_space<semaphore_mem>>, %arg16: memref<!tpu.dma_semaphore, #tpu.memory_space<semaphore_mem>>, %arg17: memref<!tpu.dma_semaphore, #tpu.memory_space<semaphore_mem>>) attributes {dimension_semantics = [#tpu.dimension_semantics<core_parallel>, #tpu.dimension_semantics<subcore_parallel>], iteration_bounds = array<i64: 2, 16>, scalar_prefetch = 0 : i64, scratch_operands = 12 : i64, tpu.core_type = #tpu.core_type<sc_vector_subcore>, window_params = [{transform_indices = #map}, {transform_indices = #map}, {transform_indices = #map}, {transform_indices = #map1}]} {
    %mul3A = arith.constant 2 : i32
    %mul3A_0 = arith.muli %arg1, %mul3A : i32
    %add3A = arith.addi %mul3A_0, %arg0 : i32
    %mul3A_1 = arith.constant 200 : i32
    %mul3A_2 = arith.muli %add3A, %mul3A_1 : i32
    "tpu.region"() ({
      %run_scoped3A = tpu.sem_alloc : memref<!tpu.dma_semaphore, #tpu.memory_space<semaphore_mem>>
      %dma_start3A_344 = arith.constant 0 : i32
      %dma_start3A_345 = tpu.memref_slice %arg2[%mul3A_2, %dma_start3A_344] : memref<6400x128xi32, #tpu.memory_space<hbm>> -> memref<200x128xi32, #tpu.memory_space<hbm>>
      %dma_start3A_346 = arith.constant 0 : i32
      %dma_start3A_347 = tpu.memref_slice %arg2[%mul3A_2, %dma_start3A_346] : memref<6400x128xi32, #tpu.memory_space<hbm>> -> memref<200x128xi32, #tpu.memory_space<hbm>>
      tpu.enqueue_dma source(%dma_start3A_347 : memref<200x128xi32, #tpu.memory_space<hbm>>) target(%arg6 : memref<200x128xi32, #tpu.memory_space<vmem>>) target_semaphore(%run_scoped3A : memref<!tpu.dma_semaphore, #tpu.memory_space<semaphore_mem>>)
      %dma_wait3A_348 = arith.constant 0 : i32
      %dma_wait3A_349 = tpu.memref_slice %arg2[%mul3A_2, %dma_wait3A_348] : memref<6400x128xi32, #tpu.memory_space<hbm>> -> memref<200x128xi32, #tpu.memory_space<hbm>>
      %dma_wait3A_350 = arith.constant 0 : i32
      %dma_wait3A_351 = tpu.memref_slice %arg2[%mul3A_2, %dma_wait3A_350] : memref<6400x128xi32, #tpu.memory_space<hbm>> -> memref<200x128xi32, #tpu.memory_space<hbm>>
      tpu.wait_dma2 semaphore(%run_scoped3A : memref<!tpu.dma_semaphore, #tpu.memory_space<semaphore_mem>>) src(%dma_wait3A_351 : memref<200x128xi32, #tpu.memory_space<hbm>>) dst(%arg6 : memref<200x128xi32, #tpu.memory_space<vmem>>)
      tpu.yield
    }) : () -> ()
    "tpu.region"() ({
      %run_scoped3A = tpu.sem_alloc : memref<!tpu.dma_semaphore, #tpu.memory_space<semaphore_mem>>
      %dma_start3A_344 = arith.constant 0 : i32
      %dma_start3A_345 = arith.constant 0 : i32
      %dma_start3A_346 = tpu.memref_slice %arg4[%dma_start3A_344, %dma_start3A_345] : memref<512x64xf32, #tpu.memory_space<hbm>> -> memref<200x64xf32, #tpu.memory_space<hbm>>
      %dma_start3A_347 = arith.constant 0 : i32
      %dma_start3A_348 = arith.constant 0 : i32
      %dma_start3A_349 = tpu.memref_slice %arg4[%dma_start3A_347, %dma_start3A_348] : memref<512x64xf32, #tpu.memory_space<hbm>> -> memref<200x64xf32, #tpu.memory_space<hbm>>
      tpu.enqueue_dma source(%dma_start3A_349 : memref<200x64xf32, #tpu.memory_space<hbm>>) target(%arg7 : memref<200x64xf32, #tpu.memory_space<vmem>>) target_semaphore(%run_scoped3A : memref<!tpu.dma_semaphore, #tpu.memory_space<semaphore_mem>>)
      %dma_wait3A_350 = arith.constant 0 : i32
      %dma_wait3A_351 = arith.constant 0 : i32
      %dma_wait3A_352 = tpu.memref_slice %arg4[%dma_wait3A_350, %dma_wait3A_351] : memref<512x64xf32, #tpu.memory_space<hbm>> -> memref<200x64xf32, #tpu.memory_space<hbm>>
      %dma_wait3A_353 = arith.constant 0 : i32
      %dma_wait3A_354 = arith.constant 0 : i32
      %dma_wait3A_355 = tpu.memref_slice %arg4[%dma_wait3A_353, %dma_wait3A_354] : memref<512x64xf32, #tpu.memory_space<hbm>> -> memref<200x64xf32, #tpu.memory_space<hbm>>
      tpu.wait_dma2 semaphore(%run_scoped3A : memref<!tpu.dma_semaphore, #tpu.memory_space<semaphore_mem>>) src(%dma_wait3A_355 : memref<200x64xf32, #tpu.memory_space<hbm>>) dst(%arg7 : memref<200x64xf32, #tpu.memory_space<vmem>>)
      tpu.yield
    }) : () -> ()
    %iota3A = tpu.iota {dimensions = array<i32: 0>} : vector<16xi32>
    %add3A_3 = arith.constant 0 : i32
    %add3A_4 = vector.broadcast %add3A_3 : i32 to vector<16xi32>
    %add3A_5 = arith.addi %iota3A, %add3A_4 : vector<16xi32>
    %and3A = arith.constant 15 : i32
    %and3A_6 = vector.broadcast %and3A : i32 to vector<16xi32>
    %and3A_7 = arith.andi %add3A_5, %and3A_6 : vector<16xi32>
    %add3A_8 = arith.constant 1 : i32
    %add3A_9 = vector.broadcast %add3A_8 : i32 to vector<16xi32>
    %add3A_10 = arith.addi %iota3A, %add3A_9 : vector<16xi32>
    %and3A_11 = arith.constant 15 : i32
    %and3A_12 = vector.broadcast %and3A_11 : i32 to vector<16xi32>
    %and3A_13 = arith.andi %add3A_10, %and3A_12 : vector<16xi32>
    %add3A_14 = arith.constant 2 : i32
    %add3A_15 = vector.broadcast %add3A_14 : i32 to vector<16xi32>
    %add3A_16 = arith.addi %iota3A, %add3A_15 : vector<16xi32>
    %and3A_17 = arith.constant 15 : i32
    %and3A_18 = vector.broadcast %and3A_17 : i32 to vector<16xi32>
    %and3A_19 = arith.andi %add3A_16, %and3A_18 : vector<16xi32>
    %add3A_20 = arith.constant 3 : i32
    %add3A_21 = vector.broadcast %add3A_20 : i32 to vector<16xi32>
    %add3A_22 = arith.addi %iota3A, %add3A_21 : vector<16xi32>
    %and3A_23 = arith.constant 15 : i32
    %and3A_24 = vector.broadcast %and3A_23 : i32 to vector<16xi32>
    %and3A_25 = arith.andi %add3A_22, %and3A_24 : vector<16xi32>
    %add3A_26 = arith.constant 4 : i32
    %add3A_27 = vector.broadcast %add3A_26 : i32 to vector<16xi32>
    %add3A_28 = arith.addi %iota3A, %add3A_27 : vector<16xi32>
    %and3A_29 = arith.constant 15 : i32
    %and3A_30 = vector.broadcast %and3A_29 : i32 to vector<16xi32>
    %and3A_31 = arith.andi %add3A_28, %and3A_30 : vector<16xi32>
    %add3A_32 = arith.constant 5 : i32
    %add3A_33 = vector.broadcast %add3A_32 : i32 to vector<16xi32>
    %add3A_34 = arith.addi %iota3A, %add3A_33 : vector<16xi32>
    %and3A_35 = arith.constant 15 : i32
    %and3A_36 = vector.broadcast %and3A_35 : i32 to vector<16xi32>
    %and3A_37 = arith.andi %add3A_34, %and3A_36 : vector<16xi32>
    %add3A_38 = arith.constant 6 : i32
    %add3A_39 = vector.broadcast %add3A_38 : i32 to vector<16xi32>
    %add3A_40 = arith.addi %iota3A, %add3A_39 : vector<16xi32>
    %and3A_41 = arith.constant 15 : i32
    %and3A_42 = vector.broadcast %and3A_41 : i32 to vector<16xi32>
    %and3A_43 = arith.andi %add3A_40, %and3A_42 : vector<16xi32>
    %add3A_44 = arith.constant 7 : i32
    %add3A_45 = vector.broadcast %add3A_44 : i32 to vector<16xi32>
    %add3A_46 = arith.addi %iota3A, %add3A_45 : vector<16xi32>
    %and3A_47 = arith.constant 15 : i32
    %and3A_48 = vector.broadcast %and3A_47 : i32 to vector<16xi32>
    %and3A_49 = arith.andi %add3A_46, %and3A_48 : vector<16xi32>
    %add3A_50 = arith.constant 8 : i32
    %add3A_51 = vector.broadcast %add3A_50 : i32 to vector<16xi32>
    %add3A_52 = arith.addi %iota3A, %add3A_51 : vector<16xi32>
    %and3A_53 = arith.constant 15 : i32
    %and3A_54 = vector.broadcast %and3A_53 : i32 to vector<16xi32>
    %and3A_55 = arith.andi %add3A_52, %and3A_54 : vector<16xi32>
    %add3A_56 = arith.constant 9 : i32
    %add3A_57 = vector.broadcast %add3A_56 : i32 to vector<16xi32>
    %add3A_58 = arith.addi %iota3A, %add3A_57 : vector<16xi32>
    %and3A_59 = arith.constant 15 : i32
    %and3A_60 = vector.broadcast %and3A_59 : i32 to vector<16xi32>
    %and3A_61 = arith.andi %add3A_58, %and3A_60 : vector<16xi32>
    %add3A_62 = arith.constant 10 : i32
    %add3A_63 = vector.broadcast %add3A_62 : i32 to vector<16xi32>
    %add3A_64 = arith.addi %iota3A, %add3A_63 : vector<16xi32>
    %and3A_65 = arith.constant 15 : i32
    %and3A_66 = vector.broadcast %and3A_65 : i32 to vector<16xi32>
    %and3A_67 = arith.andi %add3A_64, %and3A_66 : vector<16xi32>
    %add3A_68 = arith.constant 11 : i32
    %add3A_69 = vector.broadcast %add3A_68 : i32 to vector<16xi32>
    %add3A_70 = arith.addi %iota3A, %add3A_69 : vector<16xi32>
    %and3A_71 = arith.constant 15 : i32
    %and3A_72 = vector.broadcast %and3A_71 : i32 to vector<16xi32>
    %and3A_73 = arith.andi %add3A_70, %and3A_72 : vector<16xi32>
    %add3A_74 = arith.constant 12 : i32
    %add3A_75 = vector.broadcast %add3A_74 : i32 to vector<16xi32>
    %add3A_76 = arith.addi %iota3A, %add3A_75 : vector<16xi32>
    %and3A_77 = arith.constant 15 : i32
    %and3A_78 = vector.broadcast %and3A_77 : i32 to vector<16xi32>
    %and3A_79 = arith.andi %add3A_76, %and3A_78 : vector<16xi32>
    %add3A_80 = arith.constant 13 : i32
    %add3A_81 = vector.broadcast %add3A_80 : i32 to vector<16xi32>
    %add3A_82 = arith.addi %iota3A, %add3A_81 : vector<16xi32>
    %and3A_83 = arith.constant 15 : i32
    %and3A_84 = vector.broadcast %and3A_83 : i32 to vector<16xi32>
    %and3A_85 = arith.andi %add3A_82, %and3A_84 : vector<16xi32>
    %add3A_86 = arith.constant 14 : i32
    %add3A_87 = vector.broadcast %add3A_86 : i32 to vector<16xi32>
    %add3A_88 = arith.addi %iota3A, %add3A_87 : vector<16xi32>
    %and3A_89 = arith.constant 15 : i32
    %and3A_90 = vector.broadcast %and3A_89 : i32 to vector<16xi32>
    %and3A_91 = arith.andi %add3A_88, %and3A_90 : vector<16xi32>
    %add3A_92 = arith.constant 15 : i32
    %add3A_93 = vector.broadcast %add3A_92 : i32 to vector<16xi32>
    %add3A_94 = arith.addi %iota3A, %add3A_93 : vector<16xi32>
    %and3A_95 = arith.constant 15 : i32
    %and3A_96 = vector.broadcast %and3A_95 : i32 to vector<16xi32>
    %and3A_97 = arith.andi %add3A_94, %and3A_96 : vector<16xi32>
    %shift_right_arithmetic3A = arith.constant 3 : i32
    %shift_right_arithmetic3A_98 = vector.broadcast %shift_right_arithmetic3A : i32 to vector<16xi32>
    %shift_right_arithmetic3A_99 = arith.shrsi %and3A_7, %shift_right_arithmetic3A_98 : vector<16xi32>
    %shift_right_arithmetic3A_100 = arith.constant 3 : i32
    %shift_right_arithmetic3A_101 = vector.broadcast %shift_right_arithmetic3A_100 : i32 to vector<16xi32>
    %shift_right_arithmetic3A_102 = arith.shrsi %and3A_13, %shift_right_arithmetic3A_101 : vector<16xi32>
    %shift_right_arithmetic3A_103 = arith.constant 3 : i32
    %shift_right_arithmetic3A_104 = vector.broadcast %shift_right_arithmetic3A_103 : i32 to vector<16xi32>
    %shift_right_arithmetic3A_105 = arith.shrsi %and3A_19, %shift_right_arithmetic3A_104 : vector<16xi32>
    %shift_right_arithmetic3A_106 = arith.constant 3 : i32
    %shift_right_arithmetic3A_107 = vector.broadcast %shift_right_arithmetic3A_106 : i32 to vector<16xi32>
    %shift_right_arithmetic3A_108 = arith.shrsi %and3A_25, %shift_right_arithmetic3A_107 : vector<16xi32>
    %shift_right_arithmetic3A_109 = arith.constant 3 : i32
    %shift_right_arithmetic3A_110 = vector.broadcast %shift_right_arithmetic3A_109 : i32 to vector<16xi32>
    %shift_right_arithmetic3A_111 = arith.shrsi %and3A_31, %shift_right_arithmetic3A_110 : vector<16xi32>
    %shift_right_arithmetic3A_112 = arith.constant 3 : i32
    %shift_right_arithmetic3A_113 = vector.broadcast %shift_right_arithmetic3A_112 : i32 to vector<16xi32>
    %shift_right_arithmetic3A_114 = arith.shrsi %and3A_37, %shift_right_arithmetic3A_113 : vector<16xi32>
    %shift_right_arithmetic3A_115 = arith.constant 3 : i32
    %shift_right_arithmetic3A_116 = vector.broadcast %shift_right_arithmetic3A_115 : i32 to vector<16xi32>
    %shift_right_arithmetic3A_117 = arith.shrsi %and3A_43, %shift_right_arithmetic3A_116 : vector<16xi32>
    %shift_right_arithmetic3A_118 = arith.constant 3 : i32
    %shift_right_arithmetic3A_119 = vector.broadcast %shift_right_arithmetic3A_118 : i32 to vector<16xi32>
    %shift_right_arithmetic3A_120 = arith.shrsi %and3A_49, %shift_right_arithmetic3A_119 : vector<16xi32>
    %shift_right_arithmetic3A_121 = arith.constant 3 : i32
    %shift_right_arithmetic3A_122 = vector.broadcast %shift_right_arithmetic3A_121 : i32 to vector<16xi32>
    %shift_right_arithmetic3A_123 = arith.shrsi %and3A_55, %shift_right_arithmetic3A_122 : vector<16xi32>
    %shift_right_arithmetic3A_124 = arith.constant 3 : i32
    %shift_right_arithmetic3A_125 = vector.broadcast %shift_right_arithmetic3A_124 : i32 to vector<16xi32>
    %shift_right_arithmetic3A_126 = arith.shrsi %and3A_61, %shift_right_arithmetic3A_125 : vector<16xi32>
    %shift_right_arithmetic3A_127 = arith.constant 3 : i32
    %shift_right_arithmetic3A_128 = vector.broadcast %shift_right_arithmetic3A_127 : i32 to vector<16xi32>
    %shift_right_arithmetic3A_129 = arith.shrsi %and3A_67, %shift_right_arithmetic3A_128 : vector<16xi32>
    %shift_right_arithmetic3A_130 = arith.constant 3 : i32
    %shift_right_arithmetic3A_131 = vector.broadcast %shift_right_arithmetic3A_130 : i32 to vector<16xi32>
    %shift_right_arithmetic3A_132 = arith.shrsi %and3A_73, %shift_right_arithmetic3A_131 : vector<16xi32>
    %shift_right_arithmetic3A_133 = arith.constant 3 : i32
    %shift_right_arithmetic3A_134 = vector.broadcast %shift_right_arithmetic3A_133 : i32 to vector<16xi32>
    %shift_right_arithmetic3A_135 = arith.shrsi %and3A_79, %shift_right_arithmetic3A_134 : vector<16xi32>
    %shift_right_arithmetic3A_136 = arith.constant 3 : i32
    %shift_right_arithmetic3A_137 = vector.broadcast %shift_right_arithmetic3A_136 : i32 to vector<16xi32>
    %shift_right_arithmetic3A_138 = arith.shrsi %and3A_85, %shift_right_arithmetic3A_137 : vector<16xi32>
    %shift_right_arithmetic3A_139 = arith.constant 3 : i32
    %shift_right_arithmetic3A_140 = vector.broadcast %shift_right_arithmetic3A_139 : i32 to vector<16xi32>
    %shift_right_arithmetic3A_141 = arith.shrsi %and3A_91, %shift_right_arithmetic3A_140 : vector<16xi32>
    %shift_right_arithmetic3A_142 = arith.constant 3 : i32
    %shift_right_arithmetic3A_143 = vector.broadcast %shift_right_arithmetic3A_142 : i32 to vector<16xi32>
    %shift_right_arithmetic3A_144 = arith.shrsi %and3A_97, %shift_right_arithmetic3A_143 : vector<16xi32>
    %and3A_145 = arith.constant 7 : i32
    %and3A_146 = vector.broadcast %and3A_145 : i32 to vector<16xi32>
    %and3A_147 = arith.andi %and3A_7, %and3A_146 : vector<16xi32>
    %mul3A_148 = arith.constant 128 : i32
    %mul3A_149 = vector.broadcast %mul3A_148 : i32 to vector<16xi32>
    %mul3A_150 = arith.muli %and3A_147, %mul3A_149 : vector<16xi32>
    %and3A_151 = arith.constant 7 : i32
    %and3A_152 = vector.broadcast %and3A_151 : i32 to vector<16xi32>
    %and3A_153 = arith.andi %and3A_13, %and3A_152 : vector<16xi32>
    %mul3A_154 = arith.constant 128 : i32
    %mul3A_155 = vector.broadcast %mul3A_154 : i32 to vector<16xi32>
    %mul3A_156 = arith.muli %and3A_153, %mul3A_155 : vector<16xi32>
    %and3A_157 = arith.constant 7 : i32
    %and3A_158 = vector.broadcast %and3A_157 : i32 to vector<16xi32>
    %and3A_159 = arith.andi %and3A_19, %and3A_158 : vector<16xi32>
    %mul3A_160 = arith.constant 128 : i32
    %mul3A_161 = vector.broadcast %mul3A_160 : i32 to vector<16xi32>
    %mul3A_162 = arith.muli %and3A_159, %mul3A_161 : vector<16xi32>
    %and3A_163 = arith.constant 7 : i32
    %and3A_164 = vector.broadcast %and3A_163 : i32 to vector<16xi32>
    %and3A_165 = arith.andi %and3A_25, %and3A_164 : vector<16xi32>
    %mul3A_166 = arith.constant 128 : i32
    %mul3A_167 = vector.broadcast %mul3A_166 : i32 to vector<16xi32>
    %mul3A_168 = arith.muli %and3A_165, %mul3A_167 : vector<16xi32>
    %and3A_169 = arith.constant 7 : i32
    %and3A_170 = vector.broadcast %and3A_169 : i32 to vector<16xi32>
    %and3A_171 = arith.andi %and3A_31, %and3A_170 : vector<16xi32>
    %mul3A_172 = arith.constant 128 : i32
    %mul3A_173 = vector.broadcast %mul3A_172 : i32 to vector<16xi32>
    %mul3A_174 = arith.muli %and3A_171, %mul3A_173 : vector<16xi32>
    %and3A_175 = arith.constant 7 : i32
    %and3A_176 = vector.broadcast %and3A_175 : i32 to vector<16xi32>
    %and3A_177 = arith.andi %and3A_37, %and3A_176 : vector<16xi32>
    %mul3A_178 = arith.constant 128 : i32
    %mul3A_179 = vector.broadcast %mul3A_178 : i32 to vector<16xi32>
    %mul3A_180 = arith.muli %and3A_177, %mul3A_179 : vector<16xi32>
    %and3A_181 = arith.constant 7 : i32
    %and3A_182 = vector.broadcast %and3A_181 : i32 to vector<16xi32>
    %and3A_183 = arith.andi %and3A_43, %and3A_182 : vector<16xi32>
    %mul3A_184 = arith.constant 128 : i32
    %mul3A_185 = vector.broadcast %mul3A_184 : i32 to vector<16xi32>
    %mul3A_186 = arith.muli %and3A_183, %mul3A_185 : vector<16xi32>
    %and3A_187 = arith.constant 7 : i32
    %and3A_188 = vector.broadcast %and3A_187 : i32 to vector<16xi32>
    %and3A_189 = arith.andi %and3A_49, %and3A_188 : vector<16xi32>
    %mul3A_190 = arith.constant 128 : i32
    %mul3A_191 = vector.broadcast %mul3A_190 : i32 to vector<16xi32>
    %mul3A_192 = arith.muli %and3A_189, %mul3A_191 : vector<16xi32>
    %and3A_193 = arith.constant 7 : i32
    %and3A_194 = vector.broadcast %and3A_193 : i32 to vector<16xi32>
    %and3A_195 = arith.andi %and3A_55, %and3A_194 : vector<16xi32>
    %mul3A_196 = arith.constant 128 : i32
    %mul3A_197 = vector.broadcast %mul3A_196 : i32 to vector<16xi32>
    %mul3A_198 = arith.muli %and3A_195, %mul3A_197 : vector<16xi32>
    %and3A_199 = arith.constant 7 : i32
    %and3A_200 = vector.broadcast %and3A_199 : i32 to vector<16xi32>
    %and3A_201 = arith.andi %and3A_61, %and3A_200 : vector<16xi32>
    %mul3A_202 = arith.constant 128 : i32
    %mul3A_203 = vector.broadcast %mul3A_202 : i32 to vector<16xi32>
    %mul3A_204 = arith.muli %and3A_201, %mul3A_203 : vector<16xi32>
    %and3A_205 = arith.constant 7 : i32
    %and3A_206 = vector.broadcast %and3A_205 : i32 to vector<16xi32>
    %and3A_207 = arith.andi %and3A_67, %and3A_206 : vector<16xi32>
    %mul3A_208 = arith.constant 128 : i32
    %mul3A_209 = vector.broadcast %mul3A_208 : i32 to vector<16xi32>
    %mul3A_210 = arith.muli %and3A_207, %mul3A_209 : vector<16xi32>
    %and3A_211 = arith.constant 7 : i32
    %and3A_212 = vector.broadcast %and3A_211 : i32 to vector<16xi32>
    %and3A_213 = arith.andi %and3A_73, %and3A_212 : vector<16xi32>
    %mul3A_214 = arith.constant 128 : i32
    %mul3A_215 = vector.broadcast %mul3A_214 : i32 to vector<16xi32>
    %mul3A_216 = arith.muli %and3A_213, %mul3A_215 : vector<16xi32>
    %and3A_217 = arith.constant 7 : i32
    %and3A_218 = vector.broadcast %and3A_217 : i32 to vector<16xi32>
    %and3A_219 = arith.andi %and3A_79, %and3A_218 : vector<16xi32>
    %mul3A_220 = arith.constant 128 : i32
    %mul3A_221 = vector.broadcast %mul3A_220 : i32 to vector<16xi32>
    %mul3A_222 = arith.muli %and3A_219, %mul3A_221 : vector<16xi32>
    %and3A_223 = arith.constant 7 : i32
    %and3A_224 = vector.broadcast %and3A_223 : i32 to vector<16xi32>
    %and3A_225 = arith.andi %and3A_85, %and3A_224 : vector<16xi32>
    %mul3A_226 = arith.constant 128 : i32
    %mul3A_227 = vector.broadcast %mul3A_226 : i32 to vector<16xi32>
    %mul3A_228 = arith.muli %and3A_225, %mul3A_227 : vector<16xi32>
    %and3A_229 = arith.constant 7 : i32
    %and3A_230 = vector.broadcast %and3A_229 : i32 to vector<16xi32>
    %and3A_231 = arith.andi %and3A_91, %and3A_230 : vector<16xi32>
    %mul3A_232 = arith.constant 128 : i32
    %mul3A_233 = vector.broadcast %mul3A_232 : i32 to vector<16xi32>
    %mul3A_234 = arith.muli %and3A_231, %mul3A_233 : vector<16xi32>
    %and3A_235 = arith.constant 7 : i32
    %and3A_236 = vector.broadcast %and3A_235 : i32 to vector<16xi32>
    %and3A_237 = arith.andi %and3A_97, %and3A_236 : vector<16xi32>
    %mul3A_238 = arith.constant 128 : i32
    %mul3A_239 = vector.broadcast %mul3A_238 : i32 to vector<16xi32>
    %mul3A_240 = arith.muli %and3A_237, %mul3A_239 : vector<16xi32>
    %dma_start3A = arith.constant 0 : i32
    %dma_start3A_241 = arith.constant 0 : i32
    %dma_start3A_242 = arith.constant 0 : i32
    %dma_start3A_243 = arith.constant 0 : i32
    %dma_start3A_244 = tpu.memref_slice %arg8[%dma_start3A_241, %dma_start3A_242, %dma_start3A_243] : memref<4x128x64xf32, #tpu.memory_space<vmem>> -> memref<1x128x64xf32, #tpu.memory_space<vmem>>
    %dma_start3A_245 = tpu.memref_squeeze %dma_start3A_244 : memref<1x128x64xf32, #tpu.memory_space<vmem>> -> memref<128x64xf32, #tpu.memory_space<vmem>>
    %dma_start3A_246 = arith.constant 0 : i32
    %dma_start3A_247 = tpu.memref_slice %arg6[%dma_start3A, %dma_start3A_246] : memref<200x128xi32, #tpu.memory_space<vmem>> -> memref<1x128xi32, #tpu.memory_space<vmem>>
    %dma_start3A_248 = tpu.memref_squeeze %dma_start3A_247 : memref<1x128xi32, #tpu.memory_space<vmem>> -> memref<128xi32, #tpu.memory_space<vmem>>
    %dma_start3A_249 = arith.constant 0 : i32
    %dma_start3A_250 = arith.constant 0 : i32
    %dma_start3A_251 = tpu.memref_slice %arg3[%dma_start3A_249, %dma_start3A_250] : memref<1000000x64xf32, #tpu.memory_space<hbm>> -> memref<1000000x64xf32, #tpu.memory_space<hbm>>
    tpu.enqueue_indirect_dma source(%dma_start3A_251 : memref<1000000x64xf32, #tpu.memory_space<hbm>>) target(%dma_start3A_245 : memref<128x64xf32, #tpu.memory_space<vmem>>) offsets(%dma_start3A_248 : memref<128xi32, #tpu.memory_space<vmem>>) semaphore(%arg10 : memref<!tpu.dma_semaphore, #tpu.memory_space<semaphore_mem>>)
    %dma_start3A_252 = arith.constant 1 : i32
    %dma_start3A_253 = arith.constant 1 : i32
    %dma_start3A_254 = arith.constant 0 : i32
    %dma_start3A_255 = arith.constant 0 : i32
    %dma_start3A_256 = tpu.memref_slice %arg8[%dma_start3A_253, %dma_start3A_254, %dma_start3A_255] : memref<4x128x64xf32, #tpu.memory_space<vmem>> -> memref<1x128x64xf32, #tpu.memory_space<vmem>>
    %dma_start3A_257 = tpu.memref_squeeze %dma_start3A_256 : memref<1x128x64xf32, #tpu.memory_space<vmem>> -> memref<128x64xf32, #tpu.memory_space<vmem>>
    %dma_start3A_258 = arith.constant 0 : i32
    %dma_start3A_259 = tpu.memref_slice %arg6[%dma_start3A_252, %dma_start3A_258] : memref<200x128xi32, #tpu.memory_space<vmem>> -> memref<1x128xi32, #tpu.memory_space<vmem>>
    %dma_start3A_260 = tpu.memref_squeeze %dma_start3A_259 : memref<1x128xi32, #tpu.memory_space<vmem>> -> memref<128xi32, #tpu.memory_space<vmem>>
    %dma_start3A_261 = arith.constant 0 : i32
    %dma_start3A_262 = arith.constant 0 : i32
    %dma_start3A_263 = tpu.memref_slice %arg3[%dma_start3A_261, %dma_start3A_262] : memref<1000000x64xf32, #tpu.memory_space<hbm>> -> memref<1000000x64xf32, #tpu.memory_space<hbm>>
    tpu.enqueue_indirect_dma source(%dma_start3A_263 : memref<1000000x64xf32, #tpu.memory_space<hbm>>) target(%dma_start3A_257 : memref<128x64xf32, #tpu.memory_space<vmem>>) offsets(%dma_start3A_260 : memref<128xi32, #tpu.memory_space<vmem>>) semaphore(%arg11 : memref<!tpu.dma_semaphore, #tpu.memory_space<semaphore_mem>>)
    %scan3A = arith.constant 0 : i32
    %scan3A_264 = arith.constant 0 : i32
    %scan3A_265 = arith.constant 50 : i32
    %scan3A_266 = arith.addi %scan3A_264, %scan3A_265 : i32
    %scan3A_267 = arith.constant 1 : i32
    scf.for %scan3A_344 = %scan3A_264 to %scan3A_266 step %scan3A_267  : i32 {
      %mul3A_345 = arith.constant 4 : i32
      %mul3A_346 = arith.muli %scan3A_344, %mul3A_345 : i32
      %add3A_347 = arith.constant 0 : i32
      %add3A_348 = arith.addi %mul3A_346, %add3A_347 : i32
      %add3A_349 = arith.constant 2 : i32
      %add3A_350 = arith.addi %add3A_348, %add3A_349 : i32
      %lt3A = arith.constant 200 : i32
      %lt3A_351 = arith.cmpi slt, %add3A_350, %lt3A : i32
      %convert_element_type3A = arith.extui %lt3A_351 : i1 to i32
      %cond3A = arith.constant 0 : i32
      %cond3A_352 = arith.cmpi ne, %convert_element_type3A, %cond3A : i32
      scf.if %cond3A_352 {
        %dma_start3A_568 = arith.constant 2 : i32
        %dma_start3A_569 = arith.constant 0 : i32
        %dma_start3A_570 = arith.constant 0 : i32
        %dma_start3A_571 = tpu.memref_slice %arg8[%dma_start3A_568, %dma_start3A_569, %dma_start3A_570] : memref<4x128x64xf32, #tpu.memory_space<vmem>> -> memref<1x128x64xf32, #tpu.memory_space<vmem>>
        %dma_start3A_572 = tpu.memref_squeeze %dma_start3A_571 : memref<1x128x64xf32, #tpu.memory_space<vmem>> -> memref<128x64xf32, #tpu.memory_space<vmem>>
        %dma_start3A_573 = arith.constant 0 : i32
        %dma_start3A_574 = tpu.memref_slice %arg6[%add3A_350, %dma_start3A_573] : memref<200x128xi32, #tpu.memory_space<vmem>> -> memref<1x128xi32, #tpu.memory_space<vmem>>
        %dma_start3A_575 = tpu.memref_squeeze %dma_start3A_574 : memref<1x128xi32, #tpu.memory_space<vmem>> -> memref<128xi32, #tpu.memory_space<vmem>>
        %dma_start3A_576 = arith.constant 0 : i32
        %dma_start3A_577 = arith.constant 0 : i32
        %dma_start3A_578 = tpu.memref_slice %arg3[%dma_start3A_576, %dma_start3A_577] : memref<1000000x64xf32, #tpu.memory_space<hbm>> -> memref<1000000x64xf32, #tpu.memory_space<hbm>>
        tpu.enqueue_indirect_dma source(%dma_start3A_578 : memref<1000000x64xf32, #tpu.memory_space<hbm>>) target(%dma_start3A_572 : memref<128x64xf32, #tpu.memory_space<vmem>>) offsets(%dma_start3A_575 : memref<128xi32, #tpu.memory_space<vmem>>) semaphore(%arg12 : memref<!tpu.dma_semaphore, #tpu.memory_space<semaphore_mem>>)
      } else {
      }
      %dma_wait3A_353 = arith.constant 0 : i32
      %dma_wait3A_354 = arith.constant 0 : i32
      %dma_wait3A_355 = arith.constant 0 : i32
      %dma_wait3A_356 = arith.constant 0 : i32
      %dma_wait3A_357 = tpu.memref_slice %arg8[%dma_wait3A_354, %dma_wait3A_355, %dma_wait3A_356] : memref<4x128x64xf32, #tpu.memory_space<vmem>> -> memref<1x128x64xf32, #tpu.memory_space<vmem>>
      %dma_wait3A_358 = tpu.memref_squeeze %dma_wait3A_357 : memref<1x128x64xf32, #tpu.memory_space<vmem>> -> memref<128x64xf32, #tpu.memory_space<vmem>>
      %dma_wait3A_359 = arith.constant 0 : i32
      %dma_wait3A_360 = tpu.memref_slice %arg6[%dma_wait3A_353, %dma_wait3A_359] : memref<200x128xi32, #tpu.memory_space<vmem>> -> memref<1x128xi32, #tpu.memory_space<vmem>>
      %dma_wait3A_361 = tpu.memref_squeeze %dma_wait3A_360 : memref<1x128xi32, #tpu.memory_space<vmem>> -> memref<128xi32, #tpu.memory_space<vmem>>
      %dma_wait3A_362 = arith.constant 0 : i32
      %dma_wait3A_363 = arith.constant 0 : i32
      %dma_wait3A_364 = tpu.memref_slice %arg3[%dma_wait3A_362, %dma_wait3A_363] : memref<1000000x64xf32, #tpu.memory_space<hbm>> -> memref<1000000x64xf32, #tpu.memory_space<hbm>>
      tpu.wait_indirect_dma semaphore(%arg10 : memref<!tpu.dma_semaphore, #tpu.memory_space<semaphore_mem>>) src(%dma_wait3A_364 : memref<1000000x64xf32, #tpu.memory_space<hbm>>) dst(%dma_wait3A_358 : memref<128x64xf32, #tpu.memory_space<vmem>>)
      %ge3A = arith.constant 4 : i32
      %ge3A_365 = arith.cmpi sge, %add3A_348, %ge3A : i32
      %convert_element_type3A_366 = arith.extui %ge3A_365 : i1 to i32
      %cond3A_367 = arith.constant 0 : i32
      %cond3A_368 = arith.cmpi ne, %convert_element_type3A_366, %cond3A_367 : i32
      scf.if %cond3A_368 {
        %dma_wait3A_568 = arith.constant 0 : i32
        %dma_wait3A_569 = arith.constant 0 : i32
        %dma_wait3A_570 = arith.constant 0 : i32
        %dma_wait3A_571 = arith.constant 0 : i32
        %dma_wait3A_572 = arith.constant 0 : i32
        %dma_wait3A_573 = tpu.memref_slice %arg9[%dma_wait3A_568, %dma_wait3A_571, %dma_wait3A_572] : memref<4x8x1024xf32, #tpu.memory_space<vmem>> -> memref<1x8x1024xf32, #tpu.memory_space<vmem>>
        %dma_wait3A_574 = tpu.memref_squeeze %dma_wait3A_573 : memref<1x8x1024xf32, #tpu.memory_space<vmem>> -> memref<8x1024xf32, #tpu.memory_space<vmem>>
        %dma_wait3A_575 = arith.constant 0 : i32
        %dma_wait3A_576 = arith.constant 0 : i32
        %dma_wait3A_577 = tpu.memref_slice %arg5[%dma_wait3A_569, %dma_wait3A_575, %dma_wait3A_570, %dma_wait3A_576] : memref<200x8x32x1024xf32, #tpu.memory_space<hbm>> -> memref<1x8x1x1024xf32, #tpu.memory_space<hbm>>
        %dma_wait3A_578 = tpu.memref_squeeze %dma_wait3A_577 : memref<1x8x1x1024xf32, #tpu.memory_space<hbm>> -> memref<8x1024xf32, #tpu.memory_space<hbm>>
        %dma_wait3A_579 = arith.constant 0 : i32
        %dma_wait3A_580 = arith.constant 0 : i32
        %dma_wait3A_581 = tpu.memref_slice %arg5[%dma_wait3A_569, %dma_wait3A_579, %dma_wait3A_570, %dma_wait3A_580] : memref<200x8x32x1024xf32, #tpu.memory_space<hbm>> -> memref<1x8x1x1024xf32, #tpu.memory_space<hbm>>
        %dma_wait3A_582 = tpu.memref_squeeze %dma_wait3A_581 : memref<1x8x1x1024xf32, #tpu.memory_space<hbm>> -> memref<8x1024xf32, #tpu.memory_space<hbm>>
        %dma_wait3A_583 = arith.constant 0 : i32
        %dma_wait3A_584 = arith.constant 0 : i32
        %dma_wait3A_585 = tpu.memref_slice %arg9[%dma_wait3A_568, %dma_wait3A_583, %dma_wait3A_584] : memref<4x8x1024xf32, #tpu.memory_space<vmem>> -> memref<1x8x1024xf32, #tpu.memory_space<vmem>>
        %dma_wait3A_586 = tpu.memref_squeeze %dma_wait3A_585 : memref<1x8x1024xf32, #tpu.memory_space<vmem>> -> memref<8x1024xf32, #tpu.memory_space<vmem>>
        tpu.wait_dma2 semaphore(%arg14 : memref<!tpu.dma_semaphore, #tpu.memory_space<semaphore_mem>>) src(%dma_wait3A_586 : memref<8x1024xf32, #tpu.memory_space<vmem>>) dst(%dma_wait3A_582 : memref<8x1024xf32, #tpu.memory_space<hbm>>)
      } else {
      }
      %add3A_369 = arith.addi %mul3A_2, %add3A_348 : i32
      %shift_right_arithmetic3A_370 = arith.constant 5 : i32
      %shift_right_arithmetic3A_371 = arith.shrsi %add3A_369, %shift_right_arithmetic3A_370 : i32
      %and3A_372 = arith.constant 31 : i32
      %and3A_373 = arith.andi %add3A_369, %and3A_372 : i32
      %broadcast_in_dim3A = vector.broadcast %shift_right_arithmetic3A_371 : i32 to vector<16xi32>
      %scan3A_374 = arith.constant 0 : i32
      %scan3A_375 = arith.constant 0 : i32
      %scan3A_376 = arith.constant 4 : i32
      %scan3A_377 = arith.addi %scan3A_375, %scan3A_376 : i32
      %scan3A_378 = arith.constant 1 : i32
      scf.for %scan3A_568 = %scan3A_375 to %scan3A_377 step %scan3A_378  : i32 {
        %shift_left3A = arith.constant 4 : i32
        %shift_left3A_569 = arith.shli %scan3A_568, %shift_left3A : i32
        %add3A_570 = vector.broadcast %shift_left3A_569 : i32 to vector<16xi32>
        %add3A_571 = arith.addi %and3A_7, %add3A_570 : vector<16xi32>
        %add3A_572 = vector.broadcast %shift_left3A_569 : i32 to vector<16xi32>
        %add3A_573 = arith.addi %and3A_13, %add3A_572 : vector<16xi32>
        %add3A_574 = vector.broadcast %shift_left3A_569 : i32 to vector<16xi32>
        %add3A_575 = arith.addi %and3A_19, %add3A_574 : vector<16xi32>
        %add3A_576 = vector.broadcast %shift_left3A_569 : i32 to vector<16xi32>
        %add3A_577 = arith.addi %and3A_25, %add3A_576 : vector<16xi32>
        %add3A_578 = vector.broadcast %shift_left3A_569 : i32 to vector<16xi32>
        %add3A_579 = arith.addi %and3A_31, %add3A_578 : vector<16xi32>
        %add3A_580 = vector.broadcast %shift_left3A_569 : i32 to vector<16xi32>
        %add3A_581 = arith.addi %and3A_37, %add3A_580 : vector<16xi32>
        %add3A_582 = vector.broadcast %shift_left3A_569 : i32 to vector<16xi32>
        %add3A_583 = arith.addi %and3A_43, %add3A_582 : vector<16xi32>
        %add3A_584 = vector.broadcast %shift_left3A_569 : i32 to vector<16xi32>
        %add3A_585 = arith.addi %and3A_49, %add3A_584 : vector<16xi32>
        %add3A_586 = vector.broadcast %shift_left3A_569 : i32 to vector<16xi32>
        %add3A_587 = arith.addi %and3A_55, %add3A_586 : vector<16xi32>
        %add3A_588 = vector.broadcast %shift_left3A_569 : i32 to vector<16xi32>
        %add3A_589 = arith.addi %and3A_61, %add3A_588 : vector<16xi32>
        %add3A_590 = vector.broadcast %shift_left3A_569 : i32 to vector<16xi32>
        %add3A_591 = arith.addi %and3A_67, %add3A_590 : vector<16xi32>
        %add3A_592 = vector.broadcast %shift_left3A_569 : i32 to vector<16xi32>
        %add3A_593 = arith.addi %and3A_73, %add3A_592 : vector<16xi32>
        %add3A_594 = vector.broadcast %shift_left3A_569 : i32 to vector<16xi32>
        %add3A_595 = arith.addi %and3A_79, %add3A_594 : vector<16xi32>
        %add3A_596 = vector.broadcast %shift_left3A_569 : i32 to vector<16xi32>
        %add3A_597 = arith.addi %and3A_85, %add3A_596 : vector<16xi32>
        %add3A_598 = vector.broadcast %shift_left3A_569 : i32 to vector<16xi32>
        %add3A_599 = arith.addi %and3A_91, %add3A_598 : vector<16xi32>
        %add3A_600 = vector.broadcast %shift_left3A_569 : i32 to vector<16xi32>
        %add3A_601 = arith.addi %and3A_97, %add3A_600 : vector<16xi32>
        %gather3A = tpu.vector_load_idx %arg7[%broadcast_in_dim3A, %add3A_571] : memref<200x64xf32, #tpu.memory_space<vmem>>[vector<16xi32>, vector<16xi32>], vector<16xf32>,
        %gather3A_602 = tpu.vector_load_idx %arg7[%broadcast_in_dim3A, %add3A_573] : memref<200x64xf32, #tpu.memory_space<vmem>>[vector<16xi32>, vector<16xi32>], vector<16xf32>,
        %gather3A_603 = tpu.vector_load_idx %arg7[%broadcast_in_dim3A, %add3A_575] : memref<200x64xf32, #tpu.memory_space<vmem>>[vector<16xi32>, vector<16xi32>], vector<16xf32>,
        %gather3A_604 = tpu.vector_load_idx %arg7[%broadcast_in_dim3A, %add3A_577] : memref<200x64xf32, #tpu.memory_space<vmem>>[vector<16xi32>, vector<16xi32>], vector<16xf32>,
        %gather3A_605 = tpu.vector_load_idx %arg7[%broadcast_in_dim3A, %add3A_579] : memref<200x64xf32, #tpu.memory_space<vmem>>[vector<16xi32>, vector<16xi32>], vector<16xf32>,
        %gather3A_606 = tpu.vector_load_idx %arg7[%broadcast_in_dim3A, %add3A_581] : memref<200x64xf32, #tpu.memory_space<vmem>>[vector<16xi32>, vector<16xi32>], vector<16xf32>,
        %gather3A_607 = tpu.vector_load_idx %arg7[%broadcast_in_dim3A, %add3A_583] : memref<200x64xf32, #tpu.memory_space<vmem>>[vector<16xi32>, vector<16xi32>], vector<16xf32>,
        %gather3A_608 = tpu.vector_load_idx %arg7[%broadcast_in_dim3A, %add3A_585] : memref<200x64xf32, #tpu.memory_space<vmem>>[vector<16xi32>, vector<16xi32>], vector<16xf32>,
        %gather3A_609 = tpu.vector_load_idx %arg7[%broadcast_in_dim3A, %add3A_587] : memref<200x64xf32, #tpu.memory_space<vmem>>[vector<16xi32>, vector<16xi32>], vector<16xf32>,
        %gather3A_610 = tpu.vector_load_idx %arg7[%broadcast_in_dim3A, %add3A_589] : memref<200x64xf32, #tpu.memory_space<vmem>>[vector<16xi32>, vector<16xi32>], vector<16xf32>,
        %gather3A_611 = tpu.vector_load_idx %arg7[%broadcast_in_dim3A, %add3A_591] : memref<200x64xf32, #tpu.memory_space<vmem>>[vector<16xi32>, vector<16xi32>], vector<16xf32>,
        %gather3A_612 = tpu.vector_load_idx %arg7[%broadcast_in_dim3A, %add3A_593] : memref<200x64xf32, #tpu.memory_space<vmem>>[vector<16xi32>, vector<16xi32>], vector<16xf32>,
        %gather3A_613 = tpu.vector_load_idx %arg7[%broadcast_in_dim3A, %add3A_595] : memref<200x64xf32, #tpu.memory_space<vmem>>[vector<16xi32>, vector<16xi32>], vector<16xf32>,
        %gather3A_614 = tpu.vector_load_idx %arg7[%broadcast_in_dim3A, %add3A_597] : memref<200x64xf32, #tpu.memory_space<vmem>>[vector<16xi32>, vector<16xi32>], vector<16xf32>,
        %gather3A_615 = tpu.vector_load_idx %arg7[%broadcast_in_dim3A, %add3A_599] : memref<200x64xf32, #tpu.memory_space<vmem>>[vector<16xi32>, vector<16xi32>], vector<16xf32>,
        %gather3A_616 = tpu.vector_load_idx %arg7[%broadcast_in_dim3A, %add3A_601] : memref<200x64xf32, #tpu.memory_space<vmem>>[vector<16xi32>, vector<16xi32>], vector<16xf32>,
        %shift_left3A_617 = arith.constant 1 : i32
        %shift_left3A_618 = arith.shli %scan3A_568, %shift_left3A_617 : i32
        %scan3A_619 = arith.constant 0 : i32
        %scan3A_620 = arith.constant 0 : i32
        %scan3A_621 = arith.constant 8 : i32
        %scan3A_622 = arith.addi %scan3A_620, %scan3A_621 : i32
        %scan3A_623 = arith.constant 1 : i32
        scf.for %scan3A_625 = %scan3A_620 to %scan3A_622 step %scan3A_623  : i32 {
          %shift_left3A_626 = arith.constant 4 : i32
          %shift_left3A_627 = arith.shli %scan3A_625, %shift_left3A_626 : i32
          %add3A_628 = vector.broadcast %shift_left3A_627 : i32 to vector<16xi32>
          %add3A_629 = arith.addi %iota3A, %add3A_628 : vector<16xi32>
          %gather3A_630 = arith.constant 0 : i32
          %gather3A_631 = arith.constant 0 : i32
          %gather3A_632 = arith.constant 0 : i32
          %gather3A_633 = tpu.memref_slice %arg8[%gather3A_630, %gather3A_631, %gather3A_632] : memref<4x128x64xf32, #tpu.memory_space<vmem>> -> memref<1x128x64xf32, #tpu.memory_space<vmem>>
          %gather3A_634 = tpu.memref_squeeze %gather3A_633 : memref<1x128x64xf32, #tpu.memory_space<vmem>> -> memref<128x64xf32, #tpu.memory_space<vmem>>
          %gather3A_635 = tpu.vector_load_idx %gather3A_634[%add3A_629, %add3A_571] : memref<128x64xf32, #tpu.memory_space<vmem>>[vector<16xi32>, vector<16xi32>], vector<16xf32>,
          %add3A_636 = vector.broadcast %shift_left3A_618 : i32 to vector<16xi32>
          %add3A_637 = arith.addi %shift_right_arithmetic3A_99, %add3A_636 : vector<16xi32>
          %add3A_638 = arith.addi %mul3A_150, %add3A_629 : vector<16xi32>
          %add3A_639 = arith.addf %gather3A_635, %gather3A : vector<16xf32>
          %scatter3A = arith.constant 0 : i32
          %scatter3A_640 = arith.constant 0 : i32
          %scatter3A_641 = arith.constant 0 : i32
          %scatter3A_642 = tpu.memref_slice %arg9[%scatter3A, %scatter3A_640, %scatter3A_641] : memref<4x8x1024xf32, #tpu.memory_space<vmem>> -> memref<1x8x1024xf32, #tpu.memory_space<vmem>>
          %scatter3A_643 = tpu.memref_squeeze %scatter3A_642 : memref<1x8x1024xf32, #tpu.memory_space<vmem>> -> memref<8x1024xf32, #tpu.memory_space<vmem>>
          tpu.vector_store_idx %scatter3A_643[%add3A_637, %add3A_638], %add3A_639 : memref<8x1024xf32, #tpu.memory_space<vmem>>[vector<16xi32>, vector<16xi32>], vector<16xf32>,
          %gather3A_644 = arith.constant 0 : i32
          %gather3A_645 = arith.constant 0 : i32
          %gather3A_646 = arith.constant 0 : i32
          %gather3A_647 = tpu.memref_slice %arg8[%gather3A_644, %gather3A_645, %gather3A_646] : memref<4x128x64xf32, #tpu.memory_space<vmem>> -> memref<1x128x64xf32, #tpu.memory_space<vmem>>
          %gather3A_648 = tpu.memref_squeeze %gather3A_647 : memref<1x128x64xf32, #tpu.memory_space<vmem>> -> memref<128x64xf32, #tpu.memory_space<vmem>>
          %gather3A_649 = tpu.vector_load_idx %gather3A_648[%add3A_629, %add3A_573] : memref<128x64xf32, #tpu.memory_space<vmem>>[vector<16xi32>, vector<16xi32>], vector<16xf32>,
          %add3A_650 = vector.broadcast %shift_left3A_618 : i32 to vector<16xi32>
          %add3A_651 = arith.addi %shift_right_arithmetic3A_102, %add3A_650 : vector<16xi32>
          %add3A_652 = arith.addi %mul3A_156, %add3A_629 : vector<16xi32>
          %add3A_653 = arith.addf %gather3A_649, %gather3A_602 : vector<16xf32>
          %scatter3A_654 = arith.constant 0 : i32
          %scatter3A_655 = arith.constant 0 : i32
          %scatter3A_656 = arith.constant 0 : i32
          %scatter3A_657 = tpu.memref_slice %arg9[%scatter3A_654, %scatter3A_655, %scatter3A_656] : memref<4x8x1024xf32, #tpu.memory_space<vmem>> -> memref<1x8x1024xf32, #tpu.memory_space<vmem>>
          %scatter3A_658 = tpu.memref_squeeze %scatter3A_657 : memref<1x8x1024xf32, #tpu.memory_space<vmem>> -> memref<8x1024xf32, #tpu.memory_space<vmem>>
          tpu.vector_store_idx %scatter3A_658[%add3A_651, %add3A_652], %add3A_653 : memref<8x1024xf32, #tpu.memory_space<vmem>>[vector<16xi32>, vector<16xi32>], vector<16xf32>,
          %gather3A_659 = arith.constant 0 : i32
          %gather3A_660 = arith.constant 0 : i32
          %gather3A_661 = arith.constant 0 : i32
          %gather3A_662 = tpu.memref_slice %arg8[%gather3A_659, %gather3A_660, %gather3A_661] : memref<4x128x64xf32, #tpu.memory_space<vmem>> -> memref<1x128x64xf32, #tpu.memory_space<vmem>>
          %gather3A_663 = tpu.memref_squeeze %gather3A_662 : memref<1x128x64xf32, #tpu.memory_space<vmem>> -> memref<128x64xf32, #tpu.memory_space<vmem>>
          %gather3A_664 = tpu.vector_load_idx %gather3A_663[%add3A_629, %add3A_575] : memref<128x64xf32, #tpu.memory_space<vmem>>[vector<16xi32>, vector<16xi32>], vector<16xf32>,
          %add3A_665 = vector.broadcast %shift_left3A_618 : i32 to vector<16xi32>
          %add3A_666 = arith.addi %shift_right_arithmetic3A_105, %add3A_665 : vector<16xi32>
          %add3A_667 = arith.addi %mul3A_162, %add3A_629 : vector<16xi32>
          %add3A_668 = arith.addf %gather3A_664, %gather3A_603 : vector<16xf32>
          %scatter3A_669 = arith.constant 0 : i32
          %scatter3A_670 = arith.constant 0 : i32
          %scatter3A_671 = arith.constant 0 : i32
          %scatter3A_672 = tpu.memref_slice %arg9[%scatter3A_669, %scatter3A_670, %scatter3A_671] : memref<4x8x1024xf32, #tpu.memory_space<vmem>> -> memref<1x8x1024xf32, #tpu.memory_space<vmem>>
          %scatter3A_673 = tpu.memref_squeeze %scatter3A_672 : memref<1x8x1024xf32, #tpu.memory_space<vmem>> -> memref<8x1024xf32, #tpu.memory_space<vmem>>
          tpu.vector_store_idx %scatter3A_673[%add3A_666, %add3A_667], %add3A_668 : memref<8x1024xf32, #tpu.memory_space<vmem>>[vector<16xi32>, vector<16xi32>], vector<16xf32>,
          %gather3A_674 = arith.constant 0 : i32
          %gather3A_675 = arith.constant 0 : i32
          %gather3A_676 = arith.constant 0 : i32
          %gather3A_677 = tpu.memref_slice %arg8[%gather3A_674, %gather3A_675, %gather3A_676] : memref<4x128x64xf32, #tpu.memory_space<vmem>> -> memref<1x128x64xf32, #tpu.memory_space<vmem>>
          %gather3A_678 = tpu.memref_squeeze %gather3A_677 : memref<1x128x64xf32, #tpu.memory_space<vmem>> -> memref<128x64xf32, #tpu.memory_space<vmem>>
          %gather3A_679 = tpu.vector_load_idx %gather3A_678[%add3A_629, %add3A_577] : memref<128x64xf32, #tpu.memory_space<vmem>>[vector<16xi32>, vector<16xi32>], vector<16xf32>,
          %add3A_680 = vector.broadcast %shift_left3A_618 : i32 to vector<16xi32>
          %add3A_681 = arith.addi %shift_right_arithmetic3A_108, %add3A_680 : vector<16xi32>
          %add3A_682 = arith.addi %mul3A_168, %add3A_629 : vector<16xi32>
          %add3A_683 = arith.addf %gather3A_679, %gather3A_604 : vector<16xf32>
          %scatter3A_684 = arith.constant 0 : i32
          %scatter3A_685 = arith.constant 0 : i32
          %scatter3A_686 = arith.constant 0 : i32
          %scatter3A_687 = tpu.memref_slice %arg9[%scatter3A_684, %scatter3A_685, %scatter3A_686] : memref<4x8x1024xf32, #tpu.memory_space<vmem>> -> memref<1x8x1024xf32, #tpu.memory_space<vmem>>
          %scatter3A_688 = tpu.memref_squeeze %scatter3A_687 : memref<1x8x1024xf32, #tpu.memory_space<vmem>> -> memref<8x1024xf32, #tpu.memory_space<vmem>>
          tpu.vector_store_idx %scatter3A_688[%add3A_681, %add3A_682], %add3A_683 : memref<8x1024xf32, #tpu.memory_space<vmem>>[vector<16xi32>, vector<16xi32>], vector<16xf32>,
          %gather3A_689 = arith.constant 0 : i32
          %gather3A_690 = arith.constant 0 : i32
          %gather3A_691 = arith.constant 0 : i32
          %gather3A_692 = tpu.memref_slice %arg8[%gather3A_689, %gather3A_690, %gather3A_691] : memref<4x128x64xf32, #tpu.memory_space<vmem>> -> memref<1x128x64xf32, #tpu.memory_space<vmem>>
          %gather3A_693 = tpu.memref_squeeze %gather3A_692 : memref<1x128x64xf32, #tpu.memory_space<vmem>> -> memref<128x64xf32, #tpu.memory_space<vmem>>
          %gather3A_694 = tpu.vector_load_idx %gather3A_693[%add3A_629, %add3A_579] : memref<128x64xf32, #tpu.memory_space<vmem>>[vector<16xi32>, vector<16xi32>], vector<16xf32>,
          %add3A_695 = vector.broadcast %shift_left3A_618 : i32 to vector<16xi32>
          %add3A_696 = arith.addi %shift_right_arithmetic3A_111, %add3A_695 : vector<16xi32>
          %add3A_697 = arith.addi %mul3A_174, %add3A_629 : vector<16xi32>
          %add3A_698 = arith.addf %gather3A_694, %gather3A_605 : vector<16xf32>
          %scatter3A_699 = arith.constant 0 : i32
          %scatter3A_700 = arith.constant 0 : i32
          %scatter3A_701 = arith.constant 0 : i32
          %scatter3A_702 = tpu.memref_slice %arg9[%scatter3A_699, %scatter3A_700, %scatter3A_701] : memref<4x8x1024xf32, #tpu.memory_space<vmem>> -> memref<1x8x1024xf32, #tpu.memory_space<vmem>>
          %scatter3A_703 = tpu.memref_squeeze %scatter3A_702 : memref<1x8x1024xf32, #tpu.memory_space<vmem>> -> memref<8x1024xf32, #tpu.memory_space<vmem>>
          tpu.vector_store_idx %scatter3A_703[%add3A_696, %add3A_697], %add3A_698 : memref<8x1024xf32, #tpu.memory_space<vmem>>[vector<16xi32>, vector<16xi32>], vector<16xf32>,
          %gather3A_704 = arith.constant 0 : i32
          %gather3A_705 = arith.constant 0 : i32
          %gather3A_706 = arith.constant 0 : i32
          %gather3A_707 = tpu.memref_slice %arg8[%gather3A_704, %gather3A_705, %gather3A_706] : memref<4x128x64xf32, #tpu.memory_space<vmem>> -> memref<1x128x64xf32, #tpu.memory_space<vmem>>
          %gather3A_708 = tpu.memref_squeeze %gather3A_707 : memref<1x128x64xf32, #tpu.memory_space<vmem>> -> memref<128x64xf32, #tpu.memory_space<vmem>>
          %gather3A_709 = tpu.vector_load_idx %gather3A_708[%add3A_629, %add3A_581] : memref<128x64xf32, #tpu.memory_space<vmem>>[vector<16xi32>, vector<16xi32>], vector<16xf32>,
          %add3A_710 = vector.broadcast %shift_left3A_618 : i32 to vector<16xi32>
          %add3A_711 = arith.addi %shift_right_arithmetic3A_114, %add3A_710 : vector<16xi32>
          %add3A_712 = arith.addi %mul3A_180, %add3A_629 : vector<16xi32>
          %add3A_713 = arith.addf %gather3A_709, %gather3A_606 : vector<16xf32>
          %scatter3A_714 = arith.constant 0 : i32
          %scatter3A_715 = arith.constant 0 : i32
          %scatter3A_716 = arith.constant 0 : i32
          %scatter3A_717 = tpu.memref_slice %arg9[%scatter3A_714, %scatter3A_715, %scatter3A_716] : memref<4x8x1024xf32, #tpu.memory_space<vmem>> -> memref<1x8x1024xf32, #tpu.memory_space<vmem>>
          %scatter3A_718 = tpu.memref_squeeze %scatter3A_717 : memref<1x8x1024xf32, #tpu.memory_space<vmem>> -> memref<8x1024xf32, #tpu.memory_space<vmem>>
          tpu.vector_store_idx %scatter3A_718[%add3A_711, %add3A_712], %add3A_713 : memref<8x1024xf32, #tpu.memory_space<vmem>>[vector<16xi32>, vector<16xi32>], vector<16xf32>,
          %gather3A_719 = arith.constant 0 : i32
          %gather3A_720 = arith.constant 0 : i32
          %gather3A_721 = arith.constant 0 : i32
          %gather3A_722 = tpu.memref_slice %arg8[%gather3A_719, %gather3A_720, %gather3A_721] : memref<4x128x64xf32, #tpu.memory_space<vmem>> -> memref<1x128x64xf32, #tpu.memory_space<vmem>>
          %gather3A_723 = tpu.memref_squeeze %gather3A_722 : memref<1x128x64xf32, #tpu.memory_space<vmem>> -> memref<128x64xf32, #tpu.memory_space<vmem>>
          %gather3A_724 = tpu.vector_load_idx %gather3A_723[%add3A_629, %add3A_583] : memref<128x64xf32, #tpu.memory_space<vmem>>[vector<16xi32>, vector<16xi32>], vector<16xf32>,
          %add3A_725 = vector.broadcast %shift_left3A_618 : i32 to vector<16xi32>
          %add3A_726 = arith.addi %shift_right_arithmetic3A_117, %add3A_725 : vector<16xi32>
          %add3A_727 = arith.addi %mul3A_186, %add3A_629 : vector<16xi32>
          %add3A_728 = arith.addf %gather3A_724, %gather3A_607 : vector<16xf32>
          %scatter3A_729 = arith.constant 0 : i32
          %scatter3A_730 = arith.constant 0 : i32
          %scatter3A_731 = arith.constant 0 : i32
          %scatter3A_732 = tpu.memref_slice %arg9[%scatter3A_729, %scatter3A_730, %scatter3A_731] : memref<4x8x1024xf32, #tpu.memory_space<vmem>> -> memref<1x8x1024xf32, #tpu.memory_space<vmem>>
          %scatter3A_733 = tpu.memref_squeeze %scatter3A_732 : memref<1x8x1024xf32, #tpu.memory_space<vmem>> -> memref<8x1024xf32, #tpu.memory_space<vmem>>
          tpu.vector_store_idx %scatter3A_733[%add3A_726, %add3A_727], %add3A_728 : memref<8x1024xf32, #tpu.memory_space<vmem>>[vector<16xi32>, vector<16xi32>], vector<16xf32>,
          %gather3A_734 = arith.constant 0 : i32
          %gather3A_735 = arith.constant 0 : i32
          %gather3A_736 = arith.constant 0 : i32
          %gather3A_737 = tpu.memref_slice %arg8[%gather3A_734, %gather3A_735, %gather3A_736] : memref<4x128x64xf32, #tpu.memory_space<vmem>> -> memref<1x128x64xf32, #tpu.memory_space<vmem>>
          %gather3A_738 = tpu.memref_squeeze %gather3A_737 : memref<1x128x64xf32, #tpu.memory_space<vmem>> -> memref<128x64xf32, #tpu.memory_space<vmem>>
          %gather3A_739 = tpu.vector_load_idx %gather3A_738[%add3A_629, %add3A_585] : memref<128x64xf32, #tpu.memory_space<vmem>>[vector<16xi32>, vector<16xi32>], vector<16xf32>,
          %add3A_740 = vector.broadcast %shift_left3A_618 : i32 to vector<16xi32>
          %add3A_741 = arith.addi %shift_right_arithmetic3A_120, %add3A_740 : vector<16xi32>
          %add3A_742 = arith.addi %mul3A_192, %add3A_629 : vector<16xi32>
          %add3A_743 = arith.addf %gather3A_739, %gather3A_608 : vector<16xf32>
          %scatter3A_744 = arith.constant 0 : i32
          %scatter3A_745 = arith.constant 0 : i32
          %scatter3A_746 = arith.constant 0 : i32
          %scatter3A_747 = tpu.memref_slice %arg9[%scatter3A_744, %scatter3A_745, %scatter3A_746] : memref<4x8x1024xf32, #tpu.memory_space<vmem>> -> memref<1x8x1024xf32, #tpu.memory_space<vmem>>
          %scatter3A_748 = tpu.memref_squeeze %scatter3A_747 : memref<1x8x1024xf32, #tpu.memory_space<vmem>> -> memref<8x1024xf32, #tpu.memory_space<vmem>>
          tpu.vector_store_idx %scatter3A_748[%add3A_741, %add3A_742], %add3A_743 : memref<8x1024xf32, #tpu.memory_space<vmem>>[vector<16xi32>, vector<16xi32>], vector<16xf32>,
          %gather3A_749 = arith.constant 0 : i32
          %gather3A_750 = arith.constant 0 : i32
          %gather3A_751 = arith.constant 0 : i32
          %gather3A_752 = tpu.memref_slice %arg8[%gather3A_749, %gather3A_750, %gather3A_751] : memref<4x128x64xf32, #tpu.memory_space<vmem>> -> memref<1x128x64xf32, #tpu.memory_space<vmem>>
          %gather3A_753 = tpu.memref_squeeze %gather3A_752 : memref<1x128x64xf32, #tpu.memory_space<vmem>> -> memref<128x64xf32, #tpu.memory_space<vmem>>
          %gather3A_754 = tpu.vector_load_idx %gather3A_753[%add3A_629, %add3A_587] : memref<128x64xf32, #tpu.memory_space<vmem>>[vector<16xi32>, vector<16xi32>], vector<16xf32>,
          %add3A_755 = vector.broadcast %shift_left3A_618 : i32 to vector<16xi32>
          %add3A_756 = arith.addi %shift_right_arithmetic3A_123, %add3A_755 : vector<16xi32>
          %add3A_757 = arith.addi %mul3A_198, %add3A_629 : vector<16xi32>
          %add3A_758 = arith.addf %gather3A_754, %gather3A_609 : vector<16xf32>
          %scatter3A_759 = arith.constant 0 : i32
          %scatter3A_760 = arith.constant 0 : i32
          %scatter3A_761 = arith.constant 0 : i32
          %scatter3A_762 = tpu.memref_slice %arg9[%scatter3A_759, %scatter3A_760, %scatter3A_761] : memref<4x8x1024xf32, #tpu.memory_space<vmem>> -> memref<1x8x1024xf32, #tpu.memory_space<vmem>>
          %scatter3A_763 = tpu.memref_squeeze %scatter3A_762 : memref<1x8x1024xf32, #tpu.memory_space<vmem>> -> memref<8x1024xf32, #tpu.memory_space<vmem>>
          tpu.vector_store_idx %scatter3A_763[%add3A_756, %add3A_757], %add3A_758 : memref<8x1024xf32, #tpu.memory_space<vmem>>[vector<16xi32>, vector<16xi32>], vector<16xf32>,
          %gather3A_764 = arith.constant 0 : i32
          %gather3A_765 = arith.constant 0 : i32
          %gather3A_766 = arith.constant 0 : i32
          %gather3A_767 = tpu.memref_slice %arg8[%gather3A_764, %gather3A_765, %gather3A_766] : memref<4x128x64xf32, #tpu.memory_space<vmem>> -> memref<1x128x64xf32, #tpu.memory_space<vmem>>
          %gather3A_768 = tpu.memref_squeeze %gather3A_767 : memref<1x128x64xf32, #tpu.memory_space<vmem>> -> memref<128x64xf32, #tpu.memory_space<vmem>>
          %gather3A_769 = tpu.vector_load_idx %gather3A_768[%add3A_629, %add3A_589] : memref<128x64xf32, #tpu.memory_space<vmem>>[vector<16xi32>, vector<16xi32>], vector<16xf32>,
          %add3A_770 = vector.broadcast %shift_left3A_618 : i32 to vector<16xi32>
          %add3A_771 = arith.addi %shift_right_arithmetic3A_126, %add3A_770 : vector<16xi32>
          %add3A_772 = arith.addi %mul3A_204, %add3A_629 : vector<16xi32>
          %add3A_773 = arith.addf %gather3A_769, %gather3A_610 : vector<16xf32>
          %scatter3A_774 = arith.constant 0 : i32
          %scatter3A_775 = arith.constant 0 : i32
          %scatter3A_776 = arith.constant 0 : i32
          %scatter3A_777 = tpu.memref_slice %arg9[%scatter3A_774, %scatter3A_775, %scatter3A_776] : memref<4x8x1024xf32, #tpu.memory_space<vmem>> -> memref<1x8x1024xf32, #tpu.memory_space<vmem>>
          %scatter3A_778 = tpu.memref_squeeze %scatter3A_777 : memref<1x8x1024xf32, #tpu.memory_space<vmem>> -> memref<8x1024xf32, #tpu.memory_space<vmem>>
          tpu.vector_store_idx %scatter3A_778[%add3A_771, %add3A_772], %add3A_773 : memref<8x1024xf32, #tpu.memory_space<vmem>>[vector<16xi32>, vector<16xi32>], vector<16xf32>,
          %gather3A_779 = arith.constant 0 : i32
          %gather3A_780 = arith.constant 0 : i32
          %gather3A_781 = arith.constant 0 : i32
          %gather3A_782 = tpu.memref_slice %arg8[%gather3A_779, %gather3A_780, %gather3A_781] : memref<4x128x64xf32, #tpu.memory_space<vmem>> -> memref<1x128x64xf32, #tpu.memory_space<vmem>>
          %gather3A_783 = tpu.memref_squeeze %gather3A_782 : memref<1x128x64xf32, #tpu.memory_space<vmem>> -> memref<128x64xf32, #tpu.memory_space<vmem>>
          %gather3A_784 = tpu.vector_load_idx %gather3A_783[%add3A_629, %add3A_591] : memref<128x64xf32, #tpu.memory_space<vmem>>[vector<16xi32>, vector<16xi32>], vector<16xf32>,
          %add3A_785 = vector.broadcast %shift_left3A_618 : i32 to vector<16xi32>
          %add3A_786 = arith.addi %shift_right_arithmetic3A_129, %add3A_785 : vector<16xi32>
          %add3A_787 = arith.addi %mul3A_210, %add3A_629 : vector<16xi32>
          %add3A_788 = arith.addf %gather3A_784, %gather3A_611 : vector<16xf32>
          %scatter3A_789 = arith.constant 0 : i32
          %scatter3A_790 = arith.constant 0 : i32
          %scatter3A_791 = arith.constant 0 : i32
          %scatter3A_792 = tpu.memref_slice %arg9[%scatter3A_789, %scatter3A_790, %scatter3A_791] : memref<4x8x1024xf32, #tpu.memory_space<vmem>> -> memref<1x8x1024xf32, #tpu.memory_space<vmem>>
          %scatter3A_793 = tpu.memref_squeeze %scatter3A_792 : memref<1x8x1024xf32, #tpu.memory_space<vmem>> -> memref<8x1024xf32, #tpu.memory_space<vmem>>
          tpu.vector_store_idx %scatter3A_793[%add3A_786, %add3A_787], %add3A_788 : memref<8x1024xf32, #tpu.memory_space<vmem>>[vector<16xi32>, vector<16xi32>], vector<16xf32>,
          %gather3A_794 = arith.constant 0 : i32
          %gather3A_795 = arith.constant 0 : i32
          %gather3A_796 = arith.constant 0 : i32
          %gather3A_797 = tpu.memref_slice %arg8[%gather3A_794, %gather3A_795, %gather3A_796] : memref<4x128x64xf32, #tpu.memory_space<vmem>> -> memref<1x128x64xf32, #tpu.memory_space<vmem>>
          %gather3A_798 = tpu.memref_squeeze %gather3A_797 : memref<1x128x64xf32, #tpu.memory_space<vmem>> -> memref<128x64xf32, #tpu.memory_space<vmem>>
          %gather3A_799 = tpu.vector_load_idx %gather3A_798[%add3A_629, %add3A_593] : memref<128x64xf32, #tpu.memory_space<vmem>>[vector<16xi32>, vector<16xi32>], vector<16xf32>,
          %add3A_800 = vector.broadcast %shift_left3A_618 : i32 to vector<16xi32>
          %add3A_801 = arith.addi %shift_right_arithmetic3A_132, %add3A_800 : vector<16xi32>
          %add3A_802 = arith.addi %mul3A_216, %add3A_629 : vector<16xi32>
          %add3A_803 = arith.addf %gather3A_799, %gather3A_612 : vector<16xf32>
          %scatter3A_804 = arith.constant 0 : i32
          %scatter3A_805 = arith.constant 0 : i32
          %scatter3A_806 = arith.constant 0 : i32
          %scatter3A_807 = tpu.memref_slice %arg9[%scatter3A_804, %scatter3A_805, %scatter3A_806] : memref<4x8x1024xf32, #tpu.memory_space<vmem>> -> memref<1x8x1024xf32, #tpu.memory_space<vmem>>
          %scatter3A_808 = tpu.memref_squeeze %scatter3A_807 : memref<1x8x1024xf32, #tpu.memory_space<vmem>> -> memref<8x1024xf32, #tpu.memory_space<vmem>>
          tpu.vector_store_idx %scatter3A_808[%add3A_801, %add3A_802], %add3A_803 : memref<8x1024xf32, #tpu.memory_space<vmem>>[vector<16xi32>, vector<16xi32>], vector<16xf32>,
          %gather3A_809 = arith.constant 0 : i32
          %gather3A_810 = arith.constant 0 : i32
          %gather3A_811 = arith.constant 0 : i32
          %gather3A_812 = tpu.memref_slice %arg8[%gather3A_809, %gather3A_810, %gather3A_811] : memref<4x128x64xf32, #tpu.memory_space<vmem>> -> memref<1x128x64xf32, #tpu.memory_space<vmem>>
          %gather3A_813 = tpu.memref_squeeze %gather3A_812 : memref<1x128x64xf32, #tpu.memory_space<vmem>> -> memref<128x64xf32, #tpu.memory_space<vmem>>
          %gather3A_814 = tpu.vector_load_idx %gather3A_813[%add3A_629, %add3A_595] : memref<128x64xf32, #tpu.memory_space<vmem>>[vector<16xi32>, vector<16xi32>], vector<16xf32>,
          %add3A_815 = vector.broadcast %shift_left3A_618 : i32 to vector<16xi32>
          %add3A_816 = arith.addi %shift_right_arithmetic3A_135, %add3A_815 : vector<16xi32>
          %add3A_817 = arith.addi %mul3A_222, %add3A_629 : vector<16xi32>
          %add3A_818 = arith.addf %gather3A_814, %gather3A_613 : vector<16xf32>
          %scatter3A_819 = arith.constant 0 : i32
          %scatter3A_820 = arith.constant 0 : i32
          %scatter3A_821 = arith.constant 0 : i32
          %scatter3A_822 = tpu.memref_slice %arg9[%scatter3A_819, %scatter3A_820, %scatter3A_821] : memref<4x8x1024xf32, #tpu.memory_space<vmem>> -> memref<1x8x1024xf32, #tpu.memory_space<vmem>>
          %scatter3A_823 = tpu.memref_squeeze %scatter3A_822 : memref<1x8x1024xf32, #tpu.memory_space<vmem>> -> memref<8x1024xf32, #tpu.memory_space<vmem>>
          tpu.vector_store_idx %scatter3A_823[%add3A_816, %add3A_817], %add3A_818 : memref<8x1024xf32, #tpu.memory_space<vmem>>[vector<16xi32>, vector<16xi32>], vector<16xf32>,
          %gather3A_824 = arith.constant 0 : i32
          %gather3A_825 = arith.constant 0 : i32
          %gather3A_826 = arith.constant 0 : i32
          %gather3A_827 = tpu.memref_slice %arg8[%gather3A_824, %gather3A_825, %gather3A_826] : memref<4x128x64xf32, #tpu.memory_space<vmem>> -> memref<1x128x64xf32, #tpu.memory_space<vmem>>
          %gather3A_828 = tpu.memref_squeeze %gather3A_827 : memref<1x128x64xf32, #tpu.memory_space<vmem>> -> memref<128x64xf32, #tpu.memory_space<vmem>>
          %gather3A_829 = tpu.vector_load_idx %gather3A_828[%add3A_629, %add3A_597] : memref<128x64xf32, #tpu.memory_space<vmem>>[vector<16xi32>, vector<16xi32>], vector<16xf32>,
          %add3A_830 = vector.broadcast %shift_left3A_618 : i32 to vector<16xi32>
          %add3A_831 = arith.addi %shift_right_arithmetic3A_138, %add3A_830 : vector<16xi32>
          %add3A_832 = arith.addi %mul3A_228, %add3A_629 : vector<16xi32>
          %add3A_833 = arith.addf %gather3A_829, %gather3A_614 : vector<16xf32>
          %scatter3A_834 = arith.constant 0 : i32
          %scatter3A_835 = arith.constant 0 : i32
          %scatter3A_836 = arith.constant 0 : i32
          %scatter3A_837 = tpu.memref_slice %arg9[%scatter3A_834, %scatter3A_835, %scatter3A_836] : memref<4x8x1024xf32, #tpu.memory_space<vmem>> -> memref<1x8x1024xf32, #tpu.memory_space<vmem>>
          %scatter3A_838 = tpu.memref_squeeze %scatter3A_837 : memref<1x8x1024xf32, #tpu.memory_space<vmem>> -> memref<8x1024xf32, #tpu.memory_space<vmem>>
          tpu.vector_store_idx %scatter3A_838[%add3A_831, %add3A_832], %add3A_833 : memref<8x1024xf32, #tpu.memory_space<vmem>>[vector<16xi32>, vector<16xi32>], vector<16xf32>,
          %gather3A_839 = arith.constant 0 : i32
          %gather3A_840 = arith.constant 0 : i32
          %gather3A_841 = arith.constant 0 : i32
          %gather3A_842 = tpu.memref_slice %arg8[%gather3A_839, %gather3A_840, %gather3A_841] : memref<4x128x64xf32, #tpu.memory_space<vmem>> -> memref<1x128x64xf32, #tpu.memory_space<vmem>>
          %gather3A_843 = tpu.memref_squeeze %gather3A_842 : memref<1x128x64xf32, #tpu.memory_space<vmem>> -> memref<128x64xf32, #tpu.memory_space<vmem>>
          %gather3A_844 = tpu.vector_load_idx %gather3A_843[%add3A_629, %add3A_599] : memref<128x64xf32, #tpu.memory_space<vmem>>[vector<16xi32>, vector<16xi32>], vector<16xf32>,
          %add3A_845 = vector.broadcast %shift_left3A_618 : i32 to vector<16xi32>
          %add3A_846 = arith.addi %shift_right_arithmetic3A_141, %add3A_845 : vector<16xi32>
          %add3A_847 = arith.addi %mul3A_234, %add3A_629 : vector<16xi32>
          %add3A_848 = arith.addf %gather3A_844, %gather3A_615 : vector<16xf32>
          %scatter3A_849 = arith.constant 0 : i32
          %scatter3A_850 = arith.constant 0 : i32
          %scatter3A_851 = arith.constant 0 : i32
          %scatter3A_852 = tpu.memref_slice %arg9[%scatter3A_849, %scatter3A_850, %scatter3A_851] : memref<4x8x1024xf32, #tpu.memory_space<vmem>> -> memref<1x8x1024xf32, #tpu.memory_space<vmem>>
          %scatter3A_853 = tpu.memref_squeeze %scatter3A_852 : memref<1x8x1024xf32, #tpu.memory_space<vmem>> -> memref<8x1024xf32, #tpu.memory_space<vmem>>
          tpu.vector_store_idx %scatter3A_853[%add3A_846, %add3A_847], %add3A_848 : memref<8x1024xf32, #tpu.memory_space<vmem>>[vector<16xi32>, vector<16xi32>], vector<16xf32>,
          %gather3A_854 = arith.constant 0 : i32
          %gather3A_855 = arith.constant 0 : i32
          %gather3A_856 = arith.constant 0 : i32
          %gather3A_857 = tpu.memref_slice %arg8[%gather3A_854, %gather3A_855, %gather3A_856] : memref<4x128x64xf32, #tpu.memory_space<vmem>> -> memref<1x128x64xf32, #tpu.memory_space<vmem>>
          %gather3A_858 = tpu.memref_squeeze %gather3A_857 : memref<1x128x64xf32, #tpu.memory_space<vmem>> -> memref<128x64xf32, #tpu.memory_space<vmem>>
          %gather3A_859 = tpu.vector_load_idx %gather3A_858[%add3A_629, %add3A_601] : memref<128x64xf32, #tpu.memory_space<vmem>>[vector<16xi32>, vector<16xi32>], vector<16xf32>,
          %add3A_860 = vector.broadcast %shift_left3A_618 : i32 to vector<16xi32>
          %add3A_861 = arith.addi %shift_right_arithmetic3A_144, %add3A_860 : vector<16xi32>
          %add3A_862 = arith.addi %mul3A_240, %add3A_629 : vector<16xi32>
          %add3A_863 = arith.addf %gather3A_859, %gather3A_616 : vector<16xf32>
          %scatter3A_864 = arith.constant 0 : i32
          %scatter3A_865 = arith.constant 0 : i32
          %scatter3A_866 = arith.constant 0 : i32
          %scatter3A_867 = tpu.memref_slice %arg9[%scatter3A_864, %scatter3A_865, %scatter3A_866] : memref<4x8x1024xf32, #tpu.memory_space<vmem>> -> memref<1x8x1024xf32, #tpu.memory_space<vmem>>
          %scatter3A_868 = tpu.memref_squeeze %scatter3A_867 : memref<1x8x1024xf32, #tpu.memory_space<vmem>> -> memref<8x1024xf32, #tpu.memory_space<vmem>>
          tpu.vector_store_idx %scatter3A_868[%add3A_861, %add3A_862], %add3A_863 : memref<8x1024xf32, #tpu.memory_space<vmem>>[vector<16xi32>, vector<16xi32>], vector<16xf32>,
        }
        %scan3A_624 = arith.constant 8 : i32
      }
      %scan3A_379 = arith.constant 4 : i32
      %dma_start3A_380 = arith.constant 0 : i32
      %dma_start3A_381 = arith.constant 0 : i32
      %dma_start3A_382 = arith.constant 0 : i32
      %dma_start3A_383 = tpu.memref_slice %arg9[%dma_start3A_380, %dma_start3A_381, %dma_start3A_382] : memref<4x8x1024xf32, #tpu.memory_space<vmem>> -> memref<1x8x1024xf32, #tpu.memory_space<vmem>>
      %dma_start3A_384 = tpu.memref_squeeze %dma_start3A_383 : memref<1x8x1024xf32, #tpu.memory_space<vmem>> -> memref<8x1024xf32, #tpu.memory_space<vmem>>
      %dma_start3A_385 = arith.constant 0 : i32
      %dma_start3A_386 = arith.constant 0 : i32
      %dma_start3A_387 = tpu.memref_slice %arg5[%shift_right_arithmetic3A_371, %dma_start3A_385, %and3A_373, %dma_start3A_386] : memref<200x8x32x1024xf32, #tpu.memory_space<hbm>> -> memref<1x8x1x1024xf32, #tpu.memory_space<hbm>>
      %dma_start3A_388 = tpu.memref_squeeze %dma_start3A_387 : memref<1x8x1x1024xf32, #tpu.memory_space<hbm>> -> memref<8x1024xf32, #tpu.memory_space<hbm>>
      %dma_start3A_389 = arith.constant 0 : i32
      %dma_start3A_390 = arith.constant 0 : i32
      %dma_start3A_391 = tpu.memref_slice %arg5[%shift_right_arithmetic3A_371, %dma_start3A_389, %and3A_373, %dma_start3A_390] : memref<200x8x32x1024xf32, #tpu.memory_space<hbm>> -> memref<1x8x1x1024xf32, #tpu.memory_space<hbm>>
      %dma_start3A_392 = tpu.memref_squeeze %dma_start3A_391 : memref<1x8x1x1024xf32, #tpu.memory_space<hbm>> -> memref<8x1024xf32, #tpu.memory_space<hbm>>
      %dma_start3A_393 = arith.constant 0 : i32
      %dma_start3A_394 = arith.constant 0 : i32
      %dma_start3A_395 = tpu.memref_slice %arg9[%dma_start3A_380, %dma_start3A_393, %dma_start3A_394] : memref<4x8x1024xf32, #tpu.memory_space<vmem>> -> memref<1x8x1024xf32, #tpu.memory_space<vmem>>
      %dma_start3A_396 = tpu.memref_squeeze %dma_start3A_395 : memref<1x8x1024xf32, #tpu.memory_space<vmem>> -> memref<8x1024xf32, #tpu.memory_space<vmem>>
      tpu.enqueue_dma source(%dma_start3A_396 : memref<8x1024xf32, #tpu.memory_space<vmem>>) target(%dma_start3A_392 : memref<8x1024xf32, #tpu.memory_space<hbm>>) target_semaphore(%arg14 : memref<!tpu.dma_semaphore, #tpu.memory_space<semaphore_mem>>)
      %mul3A_397 = arith.constant 4 : i32
      %mul3A_398 = arith.muli %scan3A_344, %mul3A_397 : i32
      %add3A_399 = arith.constant 1 : i32
      %add3A_400 = arith.addi %mul3A_398, %add3A_399 : i32
      %add3A_401 = arith.constant 2 : i32
      %add3A_402 = arith.addi %add3A_400, %add3A_401 : i32
      %lt3A_403 = arith.constant 200 : i32
      %lt3A_404 = arith.cmpi slt, %add3A_402, %lt3A_403 : i32
      %convert_element_type3A_405 = arith.extui %lt3A_404 : i1 to i32
      %cond3A_406 = arith.constant 0 : i32
      %cond3A_407 = arith.cmpi ne, %convert_element_type3A_405, %cond3A_406 : i32
      scf.if %cond3A_407 {
        %dma_start3A_568 = arith.constant 3 : i32
        %dma_start3A_569 = arith.constant 0 : i32
        %dma_start3A_570 = arith.constant 0 : i32
        %dma_start3A_571 = tpu.memref_slice %arg8[%dma_start3A_568, %dma_start3A_569, %dma_start3A_570] : memref<4x128x64xf32, #tpu.memory_space<vmem>> -> memref<1x128x64xf32, #tpu.memory_space<vmem>>
        %dma_start3A_572 = tpu.memref_squeeze %dma_start3A_571 : memref<1x128x64xf32, #tpu.memory_space<vmem>> -> memref<128x64xf32, #tpu.memory_space<vmem>>
        %dma_start3A_573 = arith.constant 0 : i32
        %dma_start3A_574 = tpu.memref_slice %arg6[%add3A_402, %dma_start3A_573] : memref<200x128xi32, #tpu.memory_space<vmem>> -> memref<1x128xi32, #tpu.memory_space<vmem>>
        %dma_start3A_575 = tpu.memref_squeeze %dma_start3A_574 : memref<1x128xi32, #tpu.memory_space<vmem>> -> memref<128xi32, #tpu.memory_space<vmem>>
        %dma_start3A_576 = arith.constant 0 : i32
        %dma_start3A_577 = arith.constant 0 : i32
        %dma_start3A_578 = tpu.memref_slice %arg3[%dma_start3A_576, %dma_start3A_577] : memref<1000000x64xf32, #tpu.memory_space<hbm>> -> memref<1000000x64xf32, #tpu.memory_space<hbm>>
        tpu.enqueue_indirect_dma source(%dma_start3A_578 : memref<1000000x64xf32, #tpu.memory_space<hbm>>) target(%dma_start3A_572 : memref<128x64xf32, #tpu.memory_space<vmem>>) offsets(%dma_start3A_575 : memref<128xi32, #tpu.memory_space<vmem>>) semaphore(%arg13 : memref<!tpu.dma_semaphore, #tpu.memory_space<semaphore_mem>>)
      } else {
      }
      %dma_wait3A_408 = arith.constant 0 : i32
      %dma_wait3A_409 = arith.constant 1 : i32
      %dma_wait3A_410 = arith.constant 0 : i32
      %dma_wait3A_411 = arith.constant 0 : i32
      %dma_wait3A_412 = tpu.memref_slice %arg8[%dma_wait3A_409, %dma_wait3A_410, %dma_wait3A_411] : memref<4x128x64xf32, #tpu.memory_space<vmem>> -> memref<1x128x64xf32, #tpu.memory_space<vmem>>
      %dma_wait3A_413 = tpu.memref_squeeze %dma_wait3A_412 : memref<1x128x64xf32, #tpu.memory_space<vmem>> -> memref<128x64xf32, #tpu.memory_space<vmem>>
      %dma_wait3A_414 = arith.constant 0 : i32
      %dma_wait3A_415 = tpu.memref_slice %arg6[%dma_wait3A_408, %dma_wait3A_414] : memref<200x128xi32, #tpu.memory_space<vmem>> -> memref<1x128xi32, #tpu.memory_space<vmem>>
      %dma_wait3A_416 = tpu.memref_squeeze %dma_wait3A_415 : memref<1x128xi32, #tpu.memory_space<vmem>> -> memref<128xi32, #tpu.memory_space<vmem>>
      %dma_wait3A_417 = arith.constant 0 : i32
      %dma_wait3A_418 = arith.constant 0 : i32
      %dma_wait3A_419 = tpu.memref_slice %arg3[%dma_wait3A_417, %dma_wait3A_418] : memref<1000000x64xf32, #tpu.memory_space<hbm>> -> memref<1000000x64xf32, #tpu.memory_space<hbm>>
      tpu.wait_indirect_dma semaphore(%arg11 : memref<!tpu.dma_semaphore, #tpu.memory_space<semaphore_mem>>) src(%dma_wait3A_419 : memref<1000000x64xf32, #tpu.memory_space<hbm>>) dst(%dma_wait3A_413 : memref<128x64xf32, #tpu.memory_space<vmem>>)
      %ge3A_420 = arith.constant 4 : i32
      %ge3A_421 = arith.cmpi sge, %add3A_400, %ge3A_420 : i32
      %convert_element_type3A_422 = arith.extui %ge3A_421 : i1 to i32
      %cond3A_423 = arith.constant 0 : i32
      %cond3A_424 = arith.cmpi ne, %convert_element_type3A_422, %cond3A_423 : i32
      scf.if %cond3A_424 {
        %dma_wait3A_568 = arith.constant 1 : i32
        %dma_wait3A_569 = arith.constant 0 : i32
        %dma_wait3A_570 = arith.constant 0 : i32
        %dma_wait3A_571 = arith.constant 0 : i32
        %dma_wait3A_572 = arith.constant 0 : i32
        %dma_wait3A_573 = tpu.memref_slice %arg9[%dma_wait3A_568, %dma_wait3A_571, %dma_wait3A_572] : memref<4x8x1024xf32, #tpu.memory_space<vmem>> -> memref<1x8x1024xf32, #tpu.memory_space<vmem>>
        %dma_wait3A_574 = tpu.memref_squeeze %dma_wait3A_573 : memref<1x8x1024xf32, #tpu.memory_space<vmem>> -> memref<8x1024xf32, #tpu.memory_space<vmem>>
        %dma_wait3A_575 = arith.constant 0 : i32
        %dma_wait3A_576 = arith.constant 0 : i32
        %dma_wait3A_577 = tpu.memref_slice %arg5[%dma_wait3A_569, %dma_wait3A_575, %dma_wait3A_570, %dma_wait3A_576] : memref<200x8x32x1024xf32, #tpu.memory_space<hbm>> -> memref<1x8x1x1024xf32, #tpu.memory_space<hbm>>
        %dma_wait3A_578 = tpu.memref_squeeze %dma_wait3A_577 : memref<1x8x1x1024xf32, #tpu.memory_space<hbm>> -> memref<8x1024xf32, #tpu.memory_space<hbm>>
        %dma_wait3A_579 = arith.constant 0 : i32
        %dma_wait3A_580 = arith.constant 0 : i32
        %dma_wait3A_581 = tpu.memref_slice %arg5[%dma_wait3A_569, %dma_wait3A_579, %dma_wait3A_570, %dma_wait3A_580] : memref<200x8x32x1024xf32, #tpu.memory_space<hbm>> -> memref<1x8x1x1024xf32, #tpu.memory_space<hbm>>
        %dma_wait3A_582 = tpu.memref_squeeze %dma_wait3A_581 : memref<1x8x1x1024xf32, #tpu.memory_space<hbm>> -> memref<8x1024xf32, #tpu.memory_space<hbm>>
        %dma_wait3A_583 = arith.constant 0 : i32
        %dma_wait3A_584 = arith.constant 0 : i32
        %dma_wait3A_585 = tpu.memref_slice %arg9[%dma_wait3A_568, %dma_wait3A_583, %dma_wait3A_584] : memref<4x8x1024xf32, #tpu.memory_space<vmem>> -> memref<1x8x1024xf32, #tpu.memory_space<vmem>>
        %dma_wait3A_586 = tpu.memref_squeeze %dma_wait3A_585 : memref<1x8x1024xf32, #tpu.memory_space<vmem>> -> memref<8x1024xf32, #tpu.memory_space<vmem>>
        tpu.wait_dma2 semaphore(%arg15 : memref<!tpu.dma_semaphore, #tpu.memory_space<semaphore_mem>>) src(%dma_wait3A_586 : memref<8x1024xf32, #tpu.memory_space<vmem>>) dst(%dma_wait3A_582 : memref<8x1024xf32, #tpu.memory_space<hbm>>)
      } else {
      }
      %add3A_425 = arith.addi %mul3A_2, %add3A_400 : i32
      %shift_right_arithmetic3A_426 = arith.constant 5 : i32
      %shift_right_arithmetic3A_427 = arith.shrsi %add3A_425, %shift_right_arithmetic3A_426 : i32
      %and3A_428 = arith.constant 31 : i32
      %and3A_429 = arith.andi %add3A_425, %and3A_428 : i32
      %broadcast_in_dim3A_430 = vector.broadcast %shift_right_arithmetic3A_427 : i32 to vector<16xi32>
      %scan3A_431 = arith.constant 0 : i32
      %scan3A_432 = arith.constant 0 : i32
      %scan3A_433 = arith.constant 4 : i32
      %scan3A_434 = arith.addi %scan3A_432, %scan3A_433 : i32
      %scan3A_435 = arith.constant 1 : i32
      scf.for %scan3A_568 = %scan3A_432 to %scan3A_434 step %scan3A_435  : i32 {
        %shift_left3A = arith.constant 4 : i32
        %shift_left3A_569 = arith.shli %scan3A_568, %shift_left3A : i32
        %add3A_570 = vector.broadcast %shift_left3A_569 : i32 to vector<16xi32>
        %add3A_571 = arith.addi %and3A_7, %add3A_570 : vector<16xi32>
        %add3A_572 = vector.broadcast %shift_left3A_569 : i32 to vector<16xi32>
        %add3A_573 = arith.addi %and3A_13, %add3A_572 : vector<16xi32>
        %add3A_574 = vector.broadcast %shift_left3A_569 : i32 to vector<16xi32>
        %add3A_575 = arith.addi %and3A_19, %add3A_574 : vector<16xi32>
        %add3A_576 = vector.broadcast %shift_left3A_569 : i32 to vector<16xi32>
        %add3A_577 = arith.addi %and3A_25, %add3A_576 : vector<16xi32>
        %add3A_578 = vector.broadcast %shift_left3A_569 : i32 to vector<16xi32>
        %add3A_579 = arith.addi %and3A_31, %add3A_578 : vector<16xi32>
        %add3A_580 = vector.broadcast %shift_left3A_569 : i32 to vector<16xi32>
        %add3A_581 = arith.addi %and3A_37, %add3A_580 : vector<16xi32>
        %add3A_582 = vector.broadcast %shift_left3A_569 : i32 to vector<16xi32>
        %add3A_583 = arith.addi %and3A_43, %add3A_582 : vector<16xi32>
        %add3A_584 = vector.broadcast %shift_left3A_569 : i32 to vector<16xi32>
        %add3A_585 = arith.addi %and3A_49, %add3A_584 : vector<16xi32>
        %add3A_586 = vector.broadcast %shift_left3A_569 : i32 to vector<16xi32>
        %add3A_587 = arith.addi %and3A_55, %add3A_586 : vector<16xi32>
        %add3A_588 = vector.broadcast %shift_left3A_569 : i32 to vector<16xi32>
        %add3A_589 = arith.addi %and3A_61, %add3A_588 : vector<16xi32>
        %add3A_590 = vector.broadcast %shift_left3A_569 : i32 to vector<16xi32>
        %add3A_591 = arith.addi %and3A_67, %add3A_590 : vector<16xi32>
        %add3A_592 = vector.broadcast %shift_left3A_569 : i32 to vector<16xi32>
        %add3A_593 = arith.addi %and3A_73, %add3A_592 : vector<16xi32>
        %add3A_594 = vector.broadcast %shift_left3A_569 : i32 to vector<16xi32>
        %add3A_595 = arith.addi %and3A_79, %add3A_594 : vector<16xi32>
        %add3A_596 = vector.broadcast %shift_left3A_569 : i32 to vector<16xi32>
        %add3A_597 = arith.addi %and3A_85, %add3A_596 : vector<16xi32>
        %add3A_598 = vector.broadcast %shift_left3A_569 : i32 to vector<16xi32>
        %add3A_599 = arith.addi %and3A_91, %add3A_598 : vector<16xi32>
        %add3A_600 = vector.broadcast %shift_left3A_569 : i32 to vector<16xi32>
        %add3A_601 = arith.addi %and3A_97, %add3A_600 : vector<16xi32>
        %gather3A = tpu.vector_load_idx %arg7[%broadcast_in_dim3A_430, %add3A_571] : memref<200x64xf32, #tpu.memory_space<vmem>>[vector<16xi32>, vector<16xi32>], vector<16xf32>,
        %gather3A_602 = tpu.vector_load_idx %arg7[%broadcast_in_dim3A_430, %add3A_573] : memref<200x64xf32, #tpu.memory_space<vmem>>[vector<16xi32>, vector<16xi32>], vector<16xf32>,
        %gather3A_603 = tpu.vector_load_idx %arg7[%broadcast_in_dim3A_430, %add3A_575] : memref<200x64xf32, #tpu.memory_space<vmem>>[vector<16xi32>, vector<16xi32>], vector<16xf32>,
        %gather3A_604 = tpu.vector_load_idx %arg7[%broadcast_in_dim3A_430, %add3A_577] : memref<200x64xf32, #tpu.memory_space<vmem>>[vector<16xi32>, vector<16xi32>], vector<16xf32>,
        %gather3A_605 = tpu.vector_load_idx %arg7[%broadcast_in_dim3A_430, %add3A_579] : memref<200x64xf32, #tpu.memory_space<vmem>>[vector<16xi32>, vector<16xi32>], vector<16xf32>,
        %gather3A_606 = tpu.vector_load_idx %arg7[%broadcast_in_dim3A_430, %add3A_581] : memref<200x64xf32, #tpu.memory_space<vmem>>[vector<16xi32>, vector<16xi32>], vector<16xf32>,
        %gather3A_607 = tpu.vector_load_idx %arg7[%broadcast_in_dim3A_430, %add3A_583] : memref<200x64xf32, #tpu.memory_space<vmem>>[vector<16xi32>, vector<16xi32>], vector<16xf32>,
        %gather3A_608 = tpu.vector_load_idx %arg7[%broadcast_in_dim3A_430, %add3A_585] : memref<200x64xf32, #tpu.memory_space<vmem>>[vector<16xi32>, vector<16xi32>], vector<16xf32>,
        %gather3A_609 = tpu.vector_load_idx %arg7[%broadcast_in_dim3A_430, %add3A_587] : memref<200x64xf32, #tpu.memory_space<vmem>>[vector<16xi32>, vector<16xi32>], vector<16xf32>,
        %gather3A_610 = tpu.vector_load_idx %arg7[%broadcast_in_dim3A_430, %add3A_589] : memref<200x64xf32, #tpu.memory_space<vmem>>[vector<16xi32>, vector<16xi32>], vector<16xf32>,
        %gather3A_611 = tpu.vector_load_idx %arg7[%broadcast_in_dim3A_430, %add3A_591] : memref<200x64xf32, #tpu.memory_space<vmem>>[vector<16xi32>, vector<16xi32>], vector<16xf32>,
        %gather3A_612 = tpu.vector_load_idx %arg7[%broadcast_in_dim3A_430, %add3A_593] : memref<200x64xf32, #tpu.memory_space<vmem>>[vector<16xi32>, vector<16xi32>], vector<16xf32>,
        %gather3A_613 = tpu.vector_load_idx %arg7[%broadcast_in_dim3A_430, %add3A_595] : memref<200x64xf32, #tpu.memory_space<vmem>>[vector<16xi32>, vector<16xi32>], vector<16xf32>,
        %gather3A_614 = tpu.vector_load_idx %arg7[%broadcast_in_dim3A_430, %add3A_597] : memref<200x64xf32, #tpu.memory_space<vmem>>[vector<16xi32>, vector<16xi32>], vector<16xf32>,
        %gather3A_615 = tpu.vector_load_idx %arg7[%broadcast_in_dim3A_430, %add3A_599] : memref<200x64xf32, #tpu.memory_space<vmem>>[vector<16xi32>, vector<16xi32>], vector<16xf32>,
        %gather3A_616 = tpu.vector_load_idx %arg7[%broadcast_in_dim3A_430, %add3A_601] : memref<200x64xf32, #tpu.memory_space<vmem>>[vector<16xi32>, vector<16xi32>], vector<16xf32>,
        %shift_left3A_617 = arith.constant 1 : i32
        %shift_left3A_618 = arith.shli %scan3A_568, %shift_left3A_617 : i32
        %scan3A_619 = arith.constant 0 : i32
        %scan3A_620 = arith.constant 0 : i32
        %scan3A_621 = arith.constant 8 : i32
        %scan3A_622 = arith.addi %scan3A_620, %scan3A_621 : i32
        %scan3A_623 = arith.constant 1 : i32
        scf.for %scan3A_625 = %scan3A_620 to %scan3A_622 step %scan3A_623  : i32 {
          %shift_left3A_626 = arith.constant 4 : i32
          %shift_left3A_627 = arith.shli %scan3A_625, %shift_left3A_626 : i32
          %add3A_628 = vector.broadcast %shift_left3A_627 : i32 to vector<16xi32>
          %add3A_629 = arith.addi %iota3A, %add3A_628 : vector<16xi32>
          %gather3A_630 = arith.constant 1 : i32
          %gather3A_631 = arith.constant 0 : i32
          %gather3A_632 = arith.constant 0 : i32
          %gather3A_633 = tpu.memref_slice %arg8[%gather3A_630, %gather3A_631, %gather3A_632] : memref<4x128x64xf32, #tpu.memory_space<vmem>> -> memref<1x128x64xf32, #tpu.memory_space<vmem>>
          %gather3A_634 = tpu.memref_squeeze %gather3A_633 : memref<1x128x64xf32, #tpu.memory_space<vmem>> -> memref<128x64xf32, #tpu.memory_space<vmem>>
          %gather3A_635 = tpu.vector_load_idx %gather3A_634[%add3A_629, %add3A_571] : memref<128x64xf32, #tpu.memory_space<vmem>>[vector<16xi32>, vector<16xi32>], vector<16xf32>,
          %add3A_636 = vector.broadcast %shift_left3A_618 : i32 to vector<16xi32>
          %add3A_637 = arith.addi %shift_right_arithmetic3A_99, %add3A_636 : vector<16xi32>
          %add3A_638 = arith.addi %mul3A_150, %add3A_629 : vector<16xi32>
          %add3A_639 = arith.addf %gather3A_635, %gather3A : vector<16xf32>
          %scatter3A = arith.constant 1 : i32
          %scatter3A_640 = arith.constant 0 : i32
          %scatter3A_641 = arith.constant 0 : i32
          %scatter3A_642 = tpu.memref_slice %arg9[%scatter3A, %scatter3A_640, %scatter3A_641] : memref<4x8x1024xf32, #tpu.memory_space<vmem>> -> memref<1x8x1024xf32, #tpu.memory_space<vmem>>
          %scatter3A_643 = tpu.memref_squeeze %scatter3A_642 : memref<1x8x1024xf32, #tpu.memory_space<vmem>> -> memref<8x1024xf32, #tpu.memory_space<vmem>>
          tpu.vector_store_idx %scatter3A_643[%add3A_637, %add3A_638], %add3A_639 : memref<8x1024xf32, #tpu.memory_space<vmem>>[vector<16xi32>, vector<16xi32>], vector<16xf32>,
          %gather3A_644 = arith.constant 1 : i32
          %gather3A_645 = arith.constant 0 : i32
          %gather3A_646 = arith.constant 0 : i32
          %gather3A_647 = tpu.memref_slice %arg8[%gather3A_644, %gather3A_645, %gather3A_646] : memref<4x128x64xf32, #tpu.memory_space<vmem>> -> memref<1x128x64xf32, #tpu.memory_space<vmem>>
          %gather3A_648 = tpu.memref_squeeze %gather3A_647 : memref<1x128x64xf32, #tpu.memory_space<vmem>> -> memref<128x64xf32, #tpu.memory_space<vmem>>
          %gather3A_649 = tpu.vector_load_idx %gather3A_648[%add3A_629, %add3A_573] : memref<128x64xf32, #tpu.memory_space<vmem>>[vector<16xi32>, vector<16xi32>], vector<16xf32>,
          %add3A_650 = vector.broadcast %shift_left3A_618 : i32 to vector<16xi32>
          %add3A_651 = arith.addi %shift_right_arithmetic3A_102, %add3A_650 : vector<16xi32>
          %add3A_652 = arith.addi %mul3A_156, %add3A_629 : vector<16xi32>
          %add3A_653 = arith.addf %gather3A_649, %gather3A_602 : vector<16xf32>
          %scatter3A_654 = arith.constant 1 : i32
          %scatter3A_655 = arith.constant 0 : i32
          %scatter3A_656 = arith.constant 0 : i32
          %scatter3A_657 = tpu.memref_slice %arg9[%scatter3A_654, %scatter3A_655, %scatter3A_656] : memref<4x8x1024xf32, #tpu.memory_space<vmem>> -> memref<1x8x1024xf32, #tpu.memory_space<vmem>>
          %scatter3A_658 = tpu.memref_squeeze %scatter3A_657 : memref<1x8x1024xf32, #tpu.memory_space<vmem>> -> memref<8x1024xf32, #tpu.memory_space<vmem>>
          tpu.vector_store_idx %scatter3A_658[%add3A_651, %add3A_652], %add3A_653 : memref<8x1024xf32, #tpu.memory_space<vmem>>[vector<16xi32>, vector<16xi32>], vector<16xf32>,
          %gather3A_659 = arith.constant 1 : i32
          %gather3A_660 = arith.constant 0 : i32
          %gather3A_661 = arith.constant 0 : i32
          %gather3A_662 = tpu.memref_slice %arg8[%gather3A_659, %gather3A_660, %gather3A_661] : memref<4x128x64xf32, #tpu.memory_space<vmem>> -> memref<1x128x64xf32, #tpu.memory_space<vmem>>
          %gather3A_663 = tpu.memref_squeeze %gather3A_662 : memref<1x128x64xf32, #tpu.memory_space<vmem>> -> memref<128x64xf32, #tpu.memory_space<vmem>>
          %gather3A_664 = tpu.vector_load_idx %gather3A_663[%add3A_629, %add3A_575] : memref<128x64xf32, #tpu.memory_space<vmem>>[vector<16xi32>, vector<16xi32>], vector<16xf32>,
          %add3A_665 = vector.broadcast %shift_left3A_618 : i32 to vector<16xi32>
          %add3A_666 = arith.addi %shift_right_arithmetic3A_105, %add3A_665 : vector<16xi32>
          %add3A_667 = arith.addi %mul3A_162, %add3A_629 : vector<16xi32>
          %add3A_668 = arith.addf %gather3A_664, %gather3A_603 : vector<16xf32>
          %scatter3A_669 = arith.constant 1 : i32
          %scatter3A_670 = arith.constant 0 : i32
          %scatter3A_671 = arith.constant 0 : i32
          %scatter3A_672 = tpu.memref_slice %arg9[%scatter3A_669, %scatter3A_670, %scatter3A_671] : memref<4x8x1024xf32, #tpu.memory_space<vmem>> -> memref<1x8x1024xf32, #tpu.memory_space<vmem>>
          %scatter3A_673 = tpu.memref_squeeze %scatter3A_672 : memref<1x8x1024xf32, #tpu.memory_space<vmem>> -> memref<8x1024xf32, #tpu.memory_space<vmem>>
          tpu.vector_store_idx %scatter3A_673[%add3A_666, %add3A_667], %add3A_668 : memref<8x1024xf32, #tpu.memory_space<vmem>>[vector<16xi32>, vector<16xi32>], vector<16xf32>,
          %gather3A_674 = arith.constant 1 : i32
          %gather3A_675 = arith.constant 0 : i32
          %gather3A_676 = arith.constant 0 : i32
          %gather3A_677 = tpu.memref_slice %arg8[%gather3A_674, %gather3A_675, %gather3A_676] : memref<4x128x64xf32, #tpu.memory_space<vmem>> -> memref<1x128x64xf32, #tpu.memory_space<vmem>>
          %gather3A_678 = tpu.memref_squeeze %gather3A_677 : memref<1x128x64xf32, #tpu.memory_space<vmem>> -> memref<128x64xf32, #tpu.memory_space<vmem>>
          %gather3A_679 = tpu.vector_load_idx %gather3A_678[%add3A_629, %add3A_577] : memref<128x64xf32, #tpu.memory_space<vmem>>[vector<16xi32>, vector<16xi32>], vector<16xf32>,
          %add3A_680 = vector.broadcast %shift_left3A_618 : i32 to vector<16xi32>
          %add3A_681 = arith.addi %shift_right_arithmetic3A_108, %add3A_680 : vector<16xi32>
          %add3A_682 = arith.addi %mul3A_168, %add3A_629 : vector<16xi32>
          %add3A_683 = arith.addf %gather3A_679, %gather3A_604 : vector<16xf32>
          %scatter3A_684 = arith.constant 1 : i32
          %scatter3A_685 = arith.constant 0 : i32
          %scatter3A_686 = arith.constant 0 : i32
          %scatter3A_687 = tpu.memref_slice %arg9[%scatter3A_684, %scatter3A_685, %scatter3A_686] : memref<4x8x1024xf32, #tpu.memory_space<vmem>> -> memref<1x8x1024xf32, #tpu.memory_space<vmem>>
          %scatter3A_688 = tpu.memref_squeeze %scatter3A_687 : memref<1x8x1024xf32, #tpu.memory_space<vmem>> -> memref<8x1024xf32, #tpu.memory_space<vmem>>
          tpu.vector_store_idx %scatter3A_688[%add3A_681, %add3A_682], %add3A_683 : memref<8x1024xf32, #tpu.memory_space<vmem>>[vector<16xi32>, vector<16xi32>], vector<16xf32>,
          %gather3A_689 = arith.constant 1 : i32
          %gather3A_690 = arith.constant 0 : i32
          %gather3A_691 = arith.constant 0 : i32
          %gather3A_692 = tpu.memref_slice %arg8[%gather3A_689, %gather3A_690, %gather3A_691] : memref<4x128x64xf32, #tpu.memory_space<vmem>> -> memref<1x128x64xf32, #tpu.memory_space<vmem>>
          %gather3A_693 = tpu.memref_squeeze %gather3A_692 : memref<1x128x64xf32, #tpu.memory_space<vmem>> -> memref<128x64xf32, #tpu.memory_space<vmem>>
          %gather3A_694 = tpu.vector_load_idx %gather3A_693[%add3A_629, %add3A_579] : memref<128x64xf32, #tpu.memory_space<vmem>>[vector<16xi32>, vector<16xi32>], vector<16xf32>,
          %add3A_695 = vector.broadcast %shift_left3A_618 : i32 to vector<16xi32>
          %add3A_696 = arith.addi %shift_right_arithmetic3A_111, %add3A_695 : vector<16xi32>
          %add3A_697 = arith.addi %mul3A_174, %add3A_629 : vector<16xi32>
          %add3A_698 = arith.addf %gather3A_694, %gather3A_605 : vector<16xf32>
          %scatter3A_699 = arith.constant 1 : i32
          %scatter3A_700 = arith.constant 0 : i32
          %scatter3A_701 = arith.constant 0 : i32
          %scatter3A_702 = tpu.memref_slice %arg9[%scatter3A_699, %scatter3A_700, %scatter3A_701] : memref<4x8x1024xf32, #tpu.memory_space<vmem>> -> memref<1x8x1024xf32, #tpu.memory_space<vmem>>
          %scatter3A_703 = tpu.memref_squeeze %scatter3A_702 : memref<1x8x1024xf32, #tpu.memory_space<vmem>> -> memref<8x1024xf32, #tpu.memory_space<vmem>>
          tpu.vector_store_idx %scatter3A_703[%add3A_696, %add3A_697], %add3A_698 : memref<8x1024xf32, #tpu.memory_space<vmem>>[vector<16xi32>, vector<16xi32>], vector<16xf32>,
          %gather3A_704 = arith.constant 1 : i32
          %gather3A_705 = arith.constant 0 : i32
          %gather3A_706 = arith.constant 0 : i32
          %gather3A_707 = tpu.memref_slice %arg8[%gather3A_704, %gather3A_705, %gather3A_706] : memref<4x128x64xf32, #tpu.memory_space<vmem>> -> memref<1x128x64xf32, #tpu.memory_space<vmem>>
          %gather3A_708 = tpu.memref_squeeze %gather3A_707 : memref<1x128x64xf32, #tpu.memory_space<vmem>> -> memref<128x64xf32, #tpu.memory_space<vmem>>
          %gather3A_709 = tpu.vector_load_idx %gather3A_708[%add3A_629, %add3A_581] : memref<128x64xf32, #tpu.memory_space<vmem>>[vector<16xi32>, vector<16xi32>], vector<16xf32>,
          %add3A_710 = vector.broadcast %shift_left3A_618 : i32 to vector<16xi32>
          %add3A_711 = arith.addi %shift_right_arithmetic3A_114, %add3A_710 : vector<16xi32>
          %add3A_712 = arith.addi %mul3A_180, %add3A_629 : vector<16xi32>
          %add3A_713 = arith.addf %gather3A_709, %gather3A_606 : vector<16xf32>
          %scatter3A_714 = arith.constant 1 : i32
          %scatter3A_715 = arith.constant 0 : i32
          %scatter3A_716 = arith.constant 0 : i32
          %scatter3A_717 = tpu.memref_slice %arg9[%scatter3A_714, %scatter3A_715, %scatter3A_716] : memref<4x8x1024xf32, #tpu.memory_space<vmem>> -> memref<1x8x1024xf32, #tpu.memory_space<vmem>>
          %scatter3A_718 = tpu.memref_squeeze %scatter3A_717 : memref<1x8x1024xf32, #tpu.memory_space<vmem>> -> memref<8x1024xf32, #tpu.memory_space<vmem>>
          tpu.vector_store_idx %scatter3A_718[%add3A_711, %add3A_712], %add3A_713 : memref<8x1024xf32, #tpu.memory_space<vmem>>[vector<16xi32>, vector<16xi32>], vector<16xf32>,
          %gather3A_719 = arith.constant 1 : i32
          %gather3A_720 = arith.constant 0 : i32
          %gather3A_721 = arith.constant 0 : i32
          %gather3A_722 = tpu.memref_slice %arg8[%gather3A_719, %gather3A_720, %gather3A_721] : memref<4x128x64xf32, #tpu.memory_space<vmem>> -> memref<1x128x64xf32, #tpu.memory_space<vmem>>
          %gather3A_723 = tpu.memref_squeeze %gather3A_722 : memref<1x128x64xf32, #tpu.memory_space<vmem>> -> memref<128x64xf32, #tpu.memory_space<vmem>>
          %gather3A_724 = tpu.vector_load_idx %gather3A_723[%add3A_629, %add3A_583] : memref<128x64xf32, #tpu.memory_space<vmem>>[vector<16xi32>, vector<16xi32>], vector<16xf32>,
          %add3A_725 = vector.broadcast %shift_left3A_618 : i32 to vector<16xi32>
          %add3A_726 = arith.addi %shift_right_arithmetic3A_117, %add3A_725 : vector<16xi32>
          %add3A_727 = arith.addi %mul3A_186, %add3A_629 : vector<16xi32>
          %add3A_728 = arith.addf %gather3A_724, %gather3A_607 : vector<16xf32>
          %scatter3A_729 = arith.constant 1 : i32
          %scatter3A_730 = arith.constant 0 : i32
          %scatter3A_731 = arith.constant 0 : i32
          %scatter3A_732 = tpu.memref_slice %arg9[%scatter3A_729, %scatter3A_730, %scatter3A_731] : memref<4x8x1024xf32, #tpu.memory_space<vmem>> -> memref<1x8x1024xf32, #tpu.memory_space<vmem>>
          %scatter3A_733 = tpu.memref_squeeze %scatter3A_732 : memref<1x8x1024xf32, #tpu.memory_space<vmem>> -> memref<8x1024xf32, #tpu.memory_space<vmem>>
          tpu.vector_store_idx %scatter3A_733[%add3A_726, %add3A_727], %add3A_728 : memref<8x1024xf32, #tpu.memory_space<vmem>>[vector<16xi32>, vector<16xi32>], vector<16xf32>,
          %gather3A_734 = arith.constant 1 : i32
          %gather3A_735 = arith.constant 0 : i32
          %gather3A_736 = arith.constant 0 : i32
          %gather3A_737 = tpu.memref_slice %arg8[%gather3A_734, %gather3A_735, %gather3A_736] : memref<4x128x64xf32, #tpu.memory_space<vmem>> -> memref<1x128x64xf32, #tpu.memory_space<vmem>>
          %gather3A_738 = tpu.memref_squeeze %gather3A_737 : memref<1x128x64xf32, #tpu.memory_space<vmem>> -> memref<128x64xf32, #tpu.memory_space<vmem>>
          %gather3A_739 = tpu.vector_load_idx %gather3A_738[%add3A_629, %add3A_585] : memref<128x64xf32, #tpu.memory_space<vmem>>[vector<16xi32>, vector<16xi32>], vector<16xf32>,
          %add3A_740 = vector.broadcast %shift_left3A_618 : i32 to vector<16xi32>
          %add3A_741 = arith.addi %shift_right_arithmetic3A_120, %add3A_740 : vector<16xi32>
          %add3A_742 = arith.addi %mul3A_192, %add3A_629 : vector<16xi32>
          %add3A_743 = arith.addf %gather3A_739, %gather3A_608 : vector<16xf32>
          %scatter3A_744 = arith.constant 1 : i32
          %scatter3A_745 = arith.constant 0 : i32
          %scatter3A_746 = arith.constant 0 : i32
          %scatter3A_747 = tpu.memref_slice %arg9[%scatter3A_744, %scatter3A_745, %scatter3A_746] : memref<4x8x1024xf32, #tpu.memory_space<vmem>> -> memref<1x8x1024xf32, #tpu.memory_space<vmem>>
          %scatter3A_748 = tpu.memref_squeeze %scatter3A_747 : memref<1x8x1024xf32, #tpu.memory_space<vmem>> -> memref<8x1024xf32, #tpu.memory_space<vmem>>
          tpu.vector_store_idx %scatter3A_748[%add3A_741, %add3A_742], %add3A_743 : memref<8x1024xf32, #tpu.memory_space<vmem>>[vector<16xi32>, vector<16xi32>], vector<16xf32>,
          %gather3A_749 = arith.constant 1 : i32
          %gather3A_750 = arith.constant 0 : i32
          %gather3A_751 = arith.constant 0 : i32
          %gather3A_752 = tpu.memref_slice %arg8[%gather3A_749, %gather3A_750, %gather3A_751] : memref<4x128x64xf32, #tpu.memory_space<vmem>> -> memref<1x128x64xf32, #tpu.memory_space<vmem>>
          %gather3A_753 = tpu.memref_squeeze %gather3A_752 : memref<1x128x64xf32, #tpu.memory_space<vmem>> -> memref<128x64xf32, #tpu.memory_space<vmem>>
          %gather3A_754 = tpu.vector_load_idx %gather3A_753[%add3A_629, %add3A_587] : memref<128x64xf32, #tpu.memory_space<vmem>>[vector<16xi32>, vector<16xi32>], vector<16xf32>,
          %add3A_755 = vector.broadcast %shift_left3A_618 : i32 to vector<16xi32>
          %add3A_756 = arith.addi %shift_right_arithmetic3A_123, %add3A_755 : vector<16xi32>
          %add3A_757 = arith.addi %mul3A_198, %add3A_629 : vector<16xi32>
          %add3A_758 = arith.addf %gather3A_754, %gather3A_609 : vector<16xf32>
          %scatter3A_759 = arith.constant 1 : i32
          %scatter3A_760 = arith.constant 0 : i32
          %scatter3A_761 = arith.constant 0 : i32
          %scatter3A_762 = tpu.memref_slice %arg9[%scatter3A_759, %scatter3A_760, %scatter3A_761] : memref<4x8x1024xf32, #tpu.memory_space<vmem>> -> memref<1x8x1024xf32, #tpu.memory_space<vmem>>
          %scatter3A_763 = tpu.memref_squeeze %scatter3A_762 : memref<1x8x1024xf32, #tpu.memory_space<vmem>> -> memref<8x1024xf32, #tpu.memory_space<vmem>>
          tpu.vector_store_idx %scatter3A_763[%add3A_756, %add3A_757], %add3A_758 : memref<8x1024xf32, #tpu.memory_space<vmem>>[vector<16xi32>, vector<16xi32>], vector<16xf32>,
          %gather3A_764 = arith.constant 1 : i32
          %gather3A_765 = arith.constant 0 : i32
          %gather3A_766 = arith.constant 0 : i32
          %gather3A_767 = tpu.memref_slice %arg8[%gather3A_764, %gather3A_765, %gather3A_766] : memref<4x128x64xf32, #tpu.memory_space<vmem>> -> memref<1x128x64xf32, #tpu.memory_space<vmem>>
          %gather3A_768 = tpu.memref_squeeze %gather3A_767 : memref<1x128x64xf32, #tpu.memory_space<vmem>> -> memref<128x64xf32, #tpu.memory_space<vmem>>
          %gather3A_769 = tpu.vector_load_idx %gather3A_768[%add3A_629, %add3A_589] : memref<128x64xf32, #tpu.memory_space<vmem>>[vector<16xi32>, vector<16xi32>], vector<16xf32>,
          %add3A_770 = vector.broadcast %shift_left3A_618 : i32 to vector<16xi32>
          %add3A_771 = arith.addi %shift_right_arithmetic3A_126, %add3A_770 : vector<16xi32>
          %add3A_772 = arith.addi %mul3A_204, %add3A_629 : vector<16xi32>
          %add3A_773 = arith.addf %gather3A_769, %gather3A_610 : vector<16xf32>
          %scatter3A_774 = arith.constant 1 : i32
          %scatter3A_775 = arith.constant 0 : i32
          %scatter3A_776 = arith.constant 0 : i32
          %scatter3A_777 = tpu.memref_slice %arg9[%scatter3A_774, %scatter3A_775, %scatter3A_776] : memref<4x8x1024xf32, #tpu.memory_space<vmem>> -> memref<1x8x1024xf32, #tpu.memory_space<vmem>>
          %scatter3A_778 = tpu.memref_squeeze %scatter3A_777 : memref<1x8x1024xf32, #tpu.memory_space<vmem>> -> memref<8x1024xf32, #tpu.memory_space<vmem>>
          tpu.vector_store_idx %scatter3A_778[%add3A_771, %add3A_772], %add3A_773 : memref<8x1024xf32, #tpu.memory_space<vmem>>[vector<16xi32>, vector<16xi32>], vector<16xf32>,
          %gather3A_779 = arith.constant 1 : i32
          %gather3A_780 = arith.constant 0 : i32
          %gather3A_781 = arith.constant 0 : i32
          %gather3A_782 = tpu.memref_slice %arg8[%gather3A_779, %gather3A_780, %gather3A_781] : memref<4x128x64xf32, #tpu.memory_space<vmem>> -> memref<1x128x64xf32, #tpu.memory_space<vmem>>
          %gather3A_783 = tpu.memref_squeeze %gather3A_782 : memref<1x128x64xf32, #tpu.memory_space<vmem>> -> memref<128x64xf32, #tpu.memory_space<vmem>>
          %gather3A_784 = tpu.vector_load_idx %gather3A_783[%add3A_629, %add3A_591] : memref<128x64xf32, #tpu.memory_space<vmem>>[vector<16xi32>, vector<16xi32>], vector<16xf32>,
          %add3A_785 = vector.broadcast %shift_left3A_618 : i32 to vector<16xi32>
          %add3A_786 = arith.addi %shift_right_arithmetic3A_129, %add3A_785 : vector<16xi32>
          %add3A_787 = arith.addi %mul3A_210, %add3A_629 : vector<16xi32>
          %add3A_788 = arith.addf %gather3A_784, %gather3A_611 : vector<16xf32>
          %scatter3A_789 = arith.constant 1 : i32
          %scatter3A_790 = arith.constant 0 : i32
          %scatter3A_791 = arith.constant 0 : i32
          %scatter3A_792 = tpu.memref_slice %arg9[%scatter3A_789, %scatter3A_790, %scatter3A_791] : memref<4x8x1024xf32, #tpu.memory_space<vmem>> -> memref<1x8x1024xf32, #tpu.memory_space<vmem>>
          %scatter3A_793 = tpu.memref_squeeze %scatter3A_792 : memref<1x8x1024xf32, #tpu.memory_space<vmem>> -> memref<8x1024xf32, #tpu.memory_space<vmem>>
          tpu.vector_store_idx %scatter3A_793[%add3A_786, %add3A_787], %add3A_788 : memref<8x1024xf32, #tpu.memory_space<vmem>>[vector<16xi32>, vector<16xi32>], vector<16xf32>,
          %gather3A_794 = arith.constant 1 : i32
          %gather3A_795 = arith.constant 0 : i32
          %gather3A_796 = arith.constant 0 : i32
          %gather3A_797 = tpu.memref_slice %arg8[%gather3A_794, %gather3A_795, %gather3A_796] : memref<4x128x64xf32, #tpu.memory_space<vmem>> -> memref<1x128x64xf32, #tpu.memory_space<vmem>>
          %gather3A_798 = tpu.memref_squeeze %gather3A_797 : memref<1x128x64xf32, #tpu.memory_space<vmem>> -> memref<128x64xf32, #tpu.memory_space<vmem>>
          %gather3A_799 = tpu.vector_load_idx %gather3A_798[%add3A_629, %add3A_593] : memref<128x64xf32, #tpu.memory_space<vmem>>[vector<16xi32>, vector<16xi32>], vector<16xf32>,
          %add3A_800 = vector.broadcast %shift_left3A_618 : i32 to vector<16xi32>
          %add3A_801 = arith.addi %shift_right_arithmetic3A_132, %add3A_800 : vector<16xi32>
          %add3A_802 = arith.addi %mul3A_216, %add3A_629 : vector<16xi32>
          %add3A_803 = arith.addf %gather3A_799, %gather3A_612 : vector<16xf32>
          %scatter3A_804 = arith.constant 1 : i32
          %scatter3A_805 = arith.constant 0 : i32
          %scatter3A_806 = arith.constant 0 : i32
          %scatter3A_807 = tpu.memref_slice %arg9[%scatter3A_804, %scatter3A_805, %scatter3A_806] : memref<4x8x1024xf32, #tpu.memory_space<vmem>> -> memref<1x8x1024xf32, #tpu.memory_space<vmem>>
          %scatter3A_808 = tpu.memref_squeeze %scatter3A_807 : memref<1x8x1024xf32, #tpu.memory_space<vmem>> -> memref<8x1024xf32, #tpu.memory_space<vmem>>
          tpu.vector_store_idx %scatter3A_808[%add3A_801, %add3A_802], %add3A_803 : memref<8x1024xf32, #tpu.memory_space<vmem>>[vector<16xi32>, vector<16xi32>], vector<16xf32>,
          %gather3A_809 = arith.constant 1 : i32
          %gather3A_810 = arith.constant 0 : i32
          %gather3A_811 = arith.constant 0 : i32
          %gather3A_812 = tpu.memref_slice %arg8[%gather3A_809, %gather3A_810, %gather3A_811] : memref<4x128x64xf32, #tpu.memory_space<vmem>> -> memref<1x128x64xf32, #tpu.memory_space<vmem>>
          %gather3A_813 = tpu.memref_squeeze %gather3A_812 : memref<1x128x64xf32, #tpu.memory_space<vmem>> -> memref<128x64xf32, #tpu.memory_space<vmem>>
          %gather3A_814 = tpu.vector_load_idx %gather3A_813[%add3A_629, %add3A_595] : memref<128x64xf32, #tpu.memory_space<vmem>>[vector<16xi32>, vector<16xi32>], vector<16xf32>,
          %add3A_815 = vector.broadcast %shift_left3A_618 : i32 to vector<16xi32>
          %add3A_816 = arith.addi %shift_right_arithmetic3A_135, %add3A_815 : vector<16xi32>
          %add3A_817 = arith.addi %mul3A_222, %add3A_629 : vector<16xi32>
          %add3A_818 = arith.addf %gather3A_814, %gather3A_613 : vector<16xf32>
          %scatter3A_819 = arith.constant 1 : i32
          %scatter3A_820 = arith.constant 0 : i32
          %scatter3A_821 = arith.constant 0 : i32
          %scatter3A_822 = tpu.memref_slice %arg9[%scatter3A_819, %scatter3A_820, %scatter3A_821] : memref<4x8x1024xf32, #tpu.memory_space<vmem>> -> memref<1x8x1024xf32, #tpu.memory_space<vmem>>
          %scatter3A_823 = tpu.memref_squeeze %scatter3A_822 : memref<1x8x1024xf32, #tpu.memory_space<vmem>> -> memref<8x1024xf32, #tpu.memory_space<vmem>>
          tpu.vector_store_idx %scatter3A_823[%add3A_816, %add3A_817], %add3A_818 : memref<8x1024xf32, #tpu.memory_space<vmem>>[vector<16xi32>, vector<16xi32>], vector<16xf32>,
          %gather3A_824 = arith.constant 1 : i32
          %gather3A_825 = arith.constant 0 : i32
          %gather3A_826 = arith.constant 0 : i32
          %gather3A_827 = tpu.memref_slice %arg8[%gather3A_824, %gather3A_825, %gather3A_826] : memref<4x128x64xf32, #tpu.memory_space<vmem>> -> memref<1x128x64xf32, #tpu.memory_space<vmem>>
          %gather3A_828 = tpu.memref_squeeze %gather3A_827 : memref<1x128x64xf32, #tpu.memory_space<vmem>> -> memref<128x64xf32, #tpu.memory_space<vmem>>
          %gather3A_829 = tpu.vector_load_idx %gather3A_828[%add3A_629, %add3A_597] : memref<128x64xf32, #tpu.memory_space<vmem>>[vector<16xi32>, vector<16xi32>], vector<16xf32>,
          %add3A_830 = vector.broadcast %shift_left3A_618 : i32 to vector<16xi32>
          %add3A_831 = arith.addi %shift_right_arithmetic3A_138, %add3A_830 : vector<16xi32>
          %add3A_832 = arith.addi %mul3A_228, %add3A_629 : vector<16xi32>
          %add3A_833 = arith.addf %gather3A_829, %gather3A_614 : vector<16xf32>
          %scatter3A_834 = arith.constant 1 : i32
          %scatter3A_835 = arith.constant 0 : i32
          %scatter3A_836 = arith.constant 0 : i32
          %scatter3A_837 = tpu.memref_slice %arg9[%scatter3A_834, %scatter3A_835, %scatter3A_836] : memref<4x8x1024xf32, #tpu.memory_space<vmem>> -> memref<1x8x1024xf32, #tpu.memory_space<vmem>>
          %scatter3A_838 = tpu.memref_squeeze %scatter3A_837 : memref<1x8x1024xf32, #tpu.memory_space<vmem>> -> memref<8x1024xf32, #tpu.memory_space<vmem>>
          tpu.vector_store_idx %scatter3A_838[%add3A_831, %add3A_832], %add3A_833 : memref<8x1024xf32, #tpu.memory_space<vmem>>[vector<16xi32>, vector<16xi32>], vector<16xf32>,
          %gather3A_839 = arith.constant 1 : i32
          %gather3A_840 = arith.constant 0 : i32
          %gather3A_841 = arith.constant 0 : i32
          %gather3A_842 = tpu.memref_slice %arg8[%gather3A_839, %gather3A_840, %gather3A_841] : memref<4x128x64xf32, #tpu.memory_space<vmem>> -> memref<1x128x64xf32, #tpu.memory_space<vmem>>
          %gather3A_843 = tpu.memref_squeeze %gather3A_842 : memref<1x128x64xf32, #tpu.memory_space<vmem>> -> memref<128x64xf32, #tpu.memory_space<vmem>>
          %gather3A_844 = tpu.vector_load_idx %gather3A_843[%add3A_629, %add3A_599] : memref<128x64xf32, #tpu.memory_space<vmem>>[vector<16xi32>, vector<16xi32>], vector<16xf32>,
          %add3A_845 = vector.broadcast %shift_left3A_618 : i32 to vector<16xi32>
          %add3A_846 = arith.addi %shift_right_arithmetic3A_141, %add3A_845 : vector<16xi32>
          %add3A_847 = arith.addi %mul3A_234, %add3A_629 : vector<16xi32>
          %add3A_848 = arith.addf %gather3A_844, %gather3A_615 : vector<16xf32>
          %scatter3A_849 = arith.constant 1 : i32
          %scatter3A_850 = arith.constant 0 : i32
          %scatter3A_851 = arith.constant 0 : i32
          %scatter3A_852 = tpu.memref_slice %arg9[%scatter3A_849, %scatter3A_850, %scatter3A_851] : memref<4x8x1024xf32, #tpu.memory_space<vmem>> -> memref<1x8x1024xf32, #tpu.memory_space<vmem>>
          %scatter3A_853 = tpu.memref_squeeze %scatter3A_852 : memref<1x8x1024xf32, #tpu.memory_space<vmem>> -> memref<8x1024xf32, #tpu.memory_space<vmem>>
          tpu.vector_store_idx %scatter3A_853[%add3A_846, %add3A_847], %add3A_848 : memref<8x1024xf32, #tpu.memory_space<vmem>>[vector<16xi32>, vector<16xi32>], vector<16xf32>,
          %gather3A_854 = arith.constant 1 : i32
          %gather3A_855 = arith.constant 0 : i32
          %gather3A_856 = arith.constant 0 : i32
          %gather3A_857 = tpu.memref_slice %arg8[%gather3A_854, %gather3A_855, %gather3A_856] : memref<4x128x64xf32, #tpu.memory_space<vmem>> -> memref<1x128x64xf32, #tpu.memory_space<vmem>>
          %gather3A_858 = tpu.memref_squeeze %gather3A_857 : memref<1x128x64xf32, #tpu.memory_space<vmem>> -> memref<128x64xf32, #tpu.memory_space<vmem>>
          %gather3A_859 = tpu.vector_load_idx %gather3A_858[%add3A_629, %add3A_601] : memref<128x64xf32, #tpu.memory_space<vmem>>[vector<16xi32>, vector<16xi32>], vector<16xf32>,
          %add3A_860 = vector.broadcast %shift_left3A_618 : i32 to vector<16xi32>
          %add3A_861 = arith.addi %shift_right_arithmetic3A_144, %add3A_860 : vector<16xi32>
          %add3A_862 = arith.addi %mul3A_240, %add3A_629 : vector<16xi32>
          %add3A_863 = arith.addf %gather3A_859, %gather3A_616 : vector<16xf32>
          %scatter3A_864 = arith.constant 1 : i32
          %scatter3A_865 = arith.constant 0 : i32
          %scatter3A_866 = arith.constant 0 : i32
          %scatter3A_867 = tpu.memref_slice %arg9[%scatter3A_864, %scatter3A_865, %scatter3A_866] : memref<4x8x1024xf32, #tpu.memory_space<vmem>> -> memref<1x8x1024xf32, #tpu.memory_space<vmem>>
          %scatter3A_868 = tpu.memref_squeeze %scatter3A_867 : memref<1x8x1024xf32, #tpu.memory_space<vmem>> -> memref<8x1024xf32, #tpu.memory_space<vmem>>
          tpu.vector_store_idx %scatter3A_868[%add3A_861, %add3A_862], %add3A_863 : memref<8x1024xf32, #tpu.memory_space<vmem>>[vector<16xi32>, vector<16xi32>], vector<16xf32>,
        }
        %scan3A_624 = arith.constant 8 : i32
      }
      %scan3A_436 = arith.constant 4 : i32
      %dma_start3A_437 = arith.constant 1 : i32
      %dma_start3A_438 = arith.constant 0 : i32
      %dma_start3A_439 = arith.constant 0 : i32
      %dma_start3A_440 = tpu.memref_slice %arg9[%dma_start3A_437, %dma_start3A_438, %dma_start3A_439] : memref<4x8x1024xf32, #tpu.memory_space<vmem>> -> memref<1x8x1024xf32, #tpu.memory_space<vmem>>
      %dma_start3A_441 = tpu.memref_squeeze %dma_start3A_440 : memref<1x8x1024xf32, #tpu.memory_space<vmem>> -> memref<8x1024xf32, #tpu.memory_space<vmem>>
      %dma_start3A_442 = arith.constant 0 : i32
      %dma_start3A_443 = arith.constant 0 : i32
      %dma_start3A_444 = tpu.memref_slice %arg5[%shift_right_arithmetic3A_427, %dma_start3A_442, %and3A_429, %dma_start3A_443] : memref<200x8x32x1024xf32, #tpu.memory_space<hbm>> -> memref<1x8x1x1024xf32, #tpu.memory_space<hbm>>
      %dma_start3A_445 = tpu.memref_squeeze %dma_start3A_444 : memref<1x8x1x1024xf32, #tpu.memory_space<hbm>> -> memref<8x1024xf32, #tpu.memory_space<hbm>>
      %dma_start3A_446 = arith.constant 0 : i32
      %dma_start3A_447 = arith.constant 0 : i32
      %dma_start3A_448 = tpu.memref_slice %arg5[%shift_right_arithmetic3A_427, %dma_start3A_446, %and3A_429, %dma_start3A_447] : memref<200x8x32x1024xf32, #tpu.memory_space<hbm>> -> memref<1x8x1x1024xf32, #tpu.memory_space<hbm>>
      %dma_start3A_449 = tpu.memref_squeeze %dma_start3A_448 : memref<1x8x1x1024xf32, #tpu.memory_space<hbm>> -> memref<8x1024xf32, #tpu.memory_space<hbm>>
      %dma_start3A_450 = arith.constant 0 : i32
      %dma_start3A_451 = arith.constant 0 : i32
      %dma_start3A_452 = tpu.memref_slice %arg9[%dma_start3A_437, %dma_start3A_450, %dma_start3A_451] : memref<4x8x1024xf32, #tpu.memory_space<vmem>> -> memref<1x8x1024xf32, #tpu.memory_space<vmem>>
      %dma_start3A_453 = tpu.memref_squeeze %dma_start3A_452 : memref<1x8x1024xf32, #tpu.memory_space<vmem>> -> memref<8x1024xf32, #tpu.memory_space<vmem>>
      tpu.enqueue_dma source(%dma_start3A_453 : memref<8x1024xf32, #tpu.memory_space<vmem>>) target(%dma_start3A_449 : memref<8x1024xf32, #tpu.memory_space<hbm>>) target_semaphore(%arg15 : memref<!tpu.dma_semaphore, #tpu.memory_space<semaphore_mem>>)
      %mul3A_454 = arith.constant 4 : i32
      %mul3A_455 = arith.muli %scan3A_344, %mul3A_454 : i32
      %add3A_456 = arith.constant 2 : i32
      %add3A_457 = arith.addi %mul3A_455, %add3A_456 : i32
      %add3A_458 = arith.constant 2 : i32
      %add3A_459 = arith.addi %add3A_457, %add3A_458 : i32
      %lt3A_460 = arith.constant 200 : i32
      %lt3A_461 = arith.cmpi slt, %add3A_459, %lt3A_460 : i32
      %convert_element_type3A_462 = arith.extui %lt3A_461 : i1 to i32
      %cond3A_463 = arith.constant 0 : i32
      %cond3A_464 = arith.cmpi ne, %convert_element_type3A_462, %cond3A_463 : i32
      scf.if %cond3A_464 {
        %dma_start3A_568 = arith.constant 0 : i32
        %dma_start3A_569 = arith.constant 0 : i32
        %dma_start3A_570 = arith.constant 0 : i32
        %dma_start3A_571 = tpu.memref_slice %arg8[%dma_start3A_568, %dma_start3A_569, %dma_start3A_570] : memref<4x128x64xf32, #tpu.memory_space<vmem>> -> memref<1x128x64xf32, #tpu.memory_space<vmem>>
        %dma_start3A_572 = tpu.memref_squeeze %dma_start3A_571 : memref<1x128x64xf32, #tpu.memory_space<vmem>> -> memref<128x64xf32, #tpu.memory_space<vmem>>
        %dma_start3A_573 = arith.constant 0 : i32
        %dma_start3A_574 = tpu.memref_slice %arg6[%add3A_459, %dma_start3A_573] : memref<200x128xi32, #tpu.memory_space<vmem>> -> memref<1x128xi32, #tpu.memory_space<vmem>>
        %dma_start3A_575 = tpu.memref_squeeze %dma_start3A_574 : memref<1x128xi32, #tpu.memory_space<vmem>> -> memref<128xi32, #tpu.memory_space<vmem>>
        %dma_start3A_576 = arith.constant 0 : i32
        %dma_start3A_577 = arith.constant 0 : i32
        %dma_start3A_578 = tpu.memref_slice %arg3[%dma_start3A_576, %dma_start3A_577] : memref<1000000x64xf32, #tpu.memory_space<hbm>> -> memref<1000000x64xf32, #tpu.memory_space<hbm>>
        tpu.enqueue_indirect_dma source(%dma_start3A_578 : memref<1000000x64xf32, #tpu.memory_space<hbm>>) target(%dma_start3A_572 : memref<128x64xf32, #tpu.memory_space<vmem>>) offsets(%dma_start3A_575 : memref<128xi32, #tpu.memory_space<vmem>>) semaphore(%arg10 : memref<!tpu.dma_semaphore, #tpu.memory_space<semaphore_mem>>)
      } else {
      }
      %dma_wait3A_465 = arith.constant 0 : i32
      %dma_wait3A_466 = arith.constant 2 : i32
      %dma_wait3A_467 = arith.constant 0 : i32
      %dma_wait3A_468 = arith.constant 0 : i32
      %dma_wait3A_469 = tpu.memref_slice %arg8[%dma_wait3A_466, %dma_wait3A_467, %dma_wait3A_468] : memref<4x128x64xf32, #tpu.memory_space<vmem>> -> memref<1x128x64xf32, #tpu.memory_space<vmem>>
      %dma_wait3A_470 = tpu.memref_squeeze %dma_wait3A_469 : memref<1x128x64xf32, #tpu.memory_space<vmem>> -> memref<128x64xf32, #tpu.memory_space<vmem>>
      %dma_wait3A_471 = arith.constant 0 : i32
      %dma_wait3A_472 = tpu.memref_slice %arg6[%dma_wait3A_465, %dma_wait3A_471] : memref<200x128xi32, #tpu.memory_space<vmem>> -> memref<1x128xi32, #tpu.memory_space<vmem>>
      %dma_wait3A_473 = tpu.memref_squeeze %dma_wait3A_472 : memref<1x128xi32, #tpu.memory_space<vmem>> -> memref<128xi32, #tpu.memory_space<vmem>>
      %dma_wait3A_474 = arith.constant 0 : i32
      %dma_wait3A_475 = arith.constant 0 : i32
      %dma_wait3A_476 = tpu.memref_slice %arg3[%dma_wait3A_474, %dma_wait3A_475] : memref<1000000x64xf32, #tpu.memory_space<hbm>> -> memref<1000000x64xf32, #tpu.memory_space<hbm>>
      tpu.wait_indirect_dma semaphore(%arg12 : memref<!tpu.dma_semaphore, #tpu.memory_space<semaphore_mem>>) src(%dma_wait3A_476 : memref<1000000x64xf32, #tpu.memory_space<hbm>>) dst(%dma_wait3A_470 : memref<128x64xf32, #tpu.memory_space<vmem>>)
      %ge3A_477 = arith.constant 4 : i32
      %ge3A_478 = arith.cmpi sge, %add3A_457, %ge3A_477 : i32
      %convert_element_type3A_479 = arith.extui %ge3A_478 : i1 to i32
      %cond3A_480 = arith.constant 0 : i32
      %cond3A_481 = arith.cmpi ne, %convert_element_type3A_479, %cond3A_480 : i32
      scf.if %cond3A_481 {
        %dma_wait3A_568 = arith.constant 2 : i32
        %dma_wait3A_569 = arith.constant 0 : i32
        %dma_wait3A_570 = arith.constant 0 : i32
        %dma_wait3A_571 = arith.constant 0 : i32
        %dma_wait3A_572 = arith.constant 0 : i32
        %dma_wait3A_573 = tpu.memref_slice %arg9[%dma_wait3A_568, %dma_wait3A_571, %dma_wait3A_572] : memref<4x8x1024xf32, #tpu.memory_space<vmem>> -> memref<1x8x1024xf32, #tpu.memory_space<vmem>>
        %dma_wait3A_574 = tpu.memref_squeeze %dma_wait3A_573 : memref<1x8x1024xf32, #tpu.memory_space<vmem>> -> memref<8x1024xf32, #tpu.memory_space<vmem>>
        %dma_wait3A_575 = arith.constant 0 : i32
        %dma_wait3A_576 = arith.constant 0 : i32
        %dma_wait3A_577 = tpu.memref_slice %arg5[%dma_wait3A_569, %dma_wait3A_575, %dma_wait3A_570, %dma_wait3A_576] : memref<200x8x32x1024xf32, #tpu.memory_space<hbm>> -> memref<1x8x1x1024xf32, #tpu.memory_space<hbm>>
        %dma_wait3A_578 = tpu.memref_squeeze %dma_wait3A_577 : memref<1x8x1x1024xf32, #tpu.memory_space<hbm>> -> memref<8x1024xf32, #tpu.memory_space<hbm>>
        %dma_wait3A_579 = arith.constant 0 : i32
        %dma_wait3A_580 = arith.constant 0 : i32
        %dma_wait3A_581 = tpu.memref_slice %arg5[%dma_wait3A_569, %dma_wait3A_579, %dma_wait3A_570, %dma_wait3A_580] : memref<200x8x32x1024xf32, #tpu.memory_space<hbm>> -> memref<1x8x1x1024xf32, #tpu.memory_space<hbm>>
        %dma_wait3A_582 = tpu.memref_squeeze %dma_wait3A_581 : memref<1x8x1x1024xf32, #tpu.memory_space<hbm>> -> memref<8x1024xf32, #tpu.memory_space<hbm>>
        %dma_wait3A_583 = arith.constant 0 : i32
        %dma_wait3A_584 = arith.constant 0 : i32
        %dma_wait3A_585 = tpu.memref_slice %arg9[%dma_wait3A_568, %dma_wait3A_583, %dma_wait3A_584] : memref<4x8x1024xf32, #tpu.memory_space<vmem>> -> memref<1x8x1024xf32, #tpu.memory_space<vmem>>
        %dma_wait3A_586 = tpu.memref_squeeze %dma_wait3A_585 : memref<1x8x1024xf32, #tpu.memory_space<vmem>> -> memref<8x1024xf32, #tpu.memory_space<vmem>>
        tpu.wait_dma2 semaphore(%arg16 : memref<!tpu.dma_semaphore, #tpu.memory_space<semaphore_mem>>) src(%dma_wait3A_586 : memref<8x1024xf32, #tpu.memory_space<vmem>>) dst(%dma_wait3A_582 : memref<8x1024xf32, #tpu.memory_space<hbm>>)
      } else {
      }
      %add3A_482 = arith.addi %mul3A_2, %add3A_457 : i32
      %shift_right_arithmetic3A_483 = arith.constant 5 : i32
      %shift_right_arithmetic3A_484 = arith.shrsi %add3A_482, %shift_right_arithmetic3A_483 : i32
      %and3A_485 = arith.constant 31 : i32
      %and3A_486 = arith.andi %add3A_482, %and3A_485 : i32
      %broadcast_in_dim3A_487 = vector.broadcast %shift_right_arithmetic3A_484 : i32 to vector<16xi32>
      %scan3A_488 = arith.constant 0 : i32
      %scan3A_489 = arith.constant 0 : i32
      %scan3A_490 = arith.constant 4 : i32
      %scan3A_491 = arith.addi %scan3A_489, %scan3A_490 : i32
      %scan3A_492 = arith.constant 1 : i32
      scf.for %scan3A_568 = %scan3A_489 to %scan3A_491 step %scan3A_492  : i32 {
        %shift_left3A = arith.constant 4 : i32
        %shift_left3A_569 = arith.shli %scan3A_568, %shift_left3A : i32
        %add3A_570 = vector.broadcast %shift_left3A_569 : i32 to vector<16xi32>
        %add3A_571 = arith.addi %and3A_7, %add3A_570 : vector<16xi32>
        %add3A_572 = vector.broadcast %shift_left3A_569 : i32 to vector<16xi32>
        %add3A_573 = arith.addi %and3A_13, %add3A_572 : vector<16xi32>
        %add3A_574 = vector.broadcast %shift_left3A_569 : i32 to vector<16xi32>
        %add3A_575 = arith.addi %and3A_19, %add3A_574 : vector<16xi32>
        %add3A_576 = vector.broadcast %shift_left3A_569 : i32 to vector<16xi32>
        %add3A_577 = arith.addi %and3A_25, %add3A_576 : vector<16xi32>
        %add3A_578 = vector.broadcast %shift_left3A_569 : i32 to vector<16xi32>
        %add3A_579 = arith.addi %and3A_31, %add3A_578 : vector<16xi32>
        %add3A_580 = vector.broadcast %shift_left3A_569 : i32 to vector<16xi32>
        %add3A_581 = arith.addi %and3A_37, %add3A_580 : vector<16xi32>
        %add3A_582 = vector.broadcast %shift_left3A_569 : i32 to vector<16xi32>
        %add3A_583 = arith.addi %and3A_43, %add3A_582 : vector<16xi32>
        %add3A_584 = vector.broadcast %shift_left3A_569 : i32 to vector<16xi32>
        %add3A_585 = arith.addi %and3A_49, %add3A_584 : vector<16xi32>
        %add3A_586 = vector.broadcast %shift_left3A_569 : i32 to vector<16xi32>
        %add3A_587 = arith.addi %and3A_55, %add3A_586 : vector<16xi32>
        %add3A_588 = vector.broadcast %shift_left3A_569 : i32 to vector<16xi32>
        %add3A_589 = arith.addi %and3A_61, %add3A_588 : vector<16xi32>
        %add3A_590 = vector.broadcast %shift_left3A_569 : i32 to vector<16xi32>
        %add3A_591 = arith.addi %and3A_67, %add3A_590 : vector<16xi32>
        %add3A_592 = vector.broadcast %shift_left3A_569 : i32 to vector<16xi32>
        %add3A_593 = arith.addi %and3A_73, %add3A_592 : vector<16xi32>
        %add3A_594 = vector.broadcast %shift_left3A_569 : i32 to vector<16xi32>
        %add3A_595 = arith.addi %and3A_79, %add3A_594 : vector<16xi32>
        %add3A_596 = vector.broadcast %shift_left3A_569 : i32 to vector<16xi32>
        %add3A_597 = arith.addi %and3A_85, %add3A_596 : vector<16xi32>
        %add3A_598 = vector.broadcast %shift_left3A_569 : i32 to vector<16xi32>
        %add3A_599 = arith.addi %and3A_91, %add3A_598 : vector<16xi32>
        %add3A_600 = vector.broadcast %shift_left3A_569 : i32 to vector<16xi32>
        %add3A_601 = arith.addi %and3A_97, %add3A_600 : vector<16xi32>
        %gather3A = tpu.vector_load_idx %arg7[%broadcast_in_dim3A_487, %add3A_571] : memref<200x64xf32, #tpu.memory_space<vmem>>[vector<16xi32>, vector<16xi32>], vector<16xf32>,
        %gather3A_602 = tpu.vector_load_idx %arg7[%broadcast_in_dim3A_487, %add3A_573] : memref<200x64xf32, #tpu.memory_space<vmem>>[vector<16xi32>, vector<16xi32>], vector<16xf32>,
        %gather3A_603 = tpu.vector_load_idx %arg7[%broadcast_in_dim3A_487, %add3A_575] : memref<200x64xf32, #tpu.memory_space<vmem>>[vector<16xi32>, vector<16xi32>], vector<16xf32>,
        %gather3A_604 = tpu.vector_load_idx %arg7[%broadcast_in_dim3A_487, %add3A_577] : memref<200x64xf32, #tpu.memory_space<vmem>>[vector<16xi32>, vector<16xi32>], vector<16xf32>,
        %gather3A_605 = tpu.vector_load_idx %arg7[%broadcast_in_dim3A_487, %add3A_579] : memref<200x64xf32, #tpu.memory_space<vmem>>[vector<16xi32>, vector<16xi32>], vector<16xf32>,
        %gather3A_606 = tpu.vector_load_idx %arg7[%broadcast_in_dim3A_487, %add3A_581] : memref<200x64xf32, #tpu.memory_space<vmem>>[vector<16xi32>, vector<16xi32>], vector<16xf32>,
        %gather3A_607 = tpu.vector_load_idx %arg7[%broadcast_in_dim3A_487, %add3A_583] : memref<200x64xf32, #tpu.memory_space<vmem>>[vector<16xi32>, vector<16xi32>], vector<16xf32>,
        %gather3A_608 = tpu.vector_load_idx %arg7[%broadcast_in_dim3A_487, %add3A_585] : memref<200x64xf32, #tpu.memory_space<vmem>>[vector<16xi32>, vector<16xi32>], vector<16xf32>,
        %gather3A_609 = tpu.vector_load_idx %arg7[%broadcast_in_dim3A_487, %add3A_587] : memref<200x64xf32, #tpu.memory_space<vmem>>[vector<16xi32>, vector<16xi32>], vector<16xf32>,
        %gather3A_610 = tpu.vector_load_idx %arg7[%broadcast_in_dim3A_487, %add3A_589] : memref<200x64xf32, #tpu.memory_space<vmem>>[vector<16xi32>, vector<16xi32>], vector<16xf32>,
        %gather3A_611 = tpu.vector_load_idx %arg7[%broadcast_in_dim3A_487, %add3A_591] : memref<200x64xf32, #tpu.memory_space<vmem>>[vector<16xi32>, vector<16xi32>], vector<16xf32>,
        %gather3A_612 = tpu.vector_load_idx %arg7[%broadcast_in_dim3A_487, %add3A_593] : memref<200x64xf32, #tpu.memory_space<vmem>>[vector<16xi32>, vector<16xi32>], vector<16xf32>,
        %gather3A_613 = tpu.vector_load_idx %arg7[%broadcast_in_dim3A_487, %add3A_595] : memref<200x64xf32, #tpu.memory_space<vmem>>[vector<16xi32>, vector<16xi32>], vector<16xf32>,
        %gather3A_614 = tpu.vector_load_idx %arg7[%broadcast_in_dim3A_487, %add3A_597] : memref<200x64xf32, #tpu.memory_space<vmem>>[vector<16xi32>, vector<16xi32>], vector<16xf32>,
        %gather3A_615 = tpu.vector_load_idx %arg7[%broadcast_in_dim3A_487, %add3A_599] : memref<200x64xf32, #tpu.memory_space<vmem>>[vector<16xi32>, vector<16xi32>], vector<16xf32>,
        %gather3A_616 = tpu.vector_load_idx %arg7[%broadcast_in_dim3A_487, %add3A_601] : memref<200x64xf32, #tpu.memory_space<vmem>>[vector<16xi32>, vector<16xi32>], vector<16xf32>,
        %shift_left3A_617 = arith.constant 1 : i32
        %shift_left3A_618 = arith.shli %scan3A_568, %shift_left3A_617 : i32
        %scan3A_619 = arith.constant 0 : i32
        %scan3A_620 = arith.constant 0 : i32
        %scan3A_621 = arith.constant 8 : i32
        %scan3A_622 = arith.addi %scan3A_620, %scan3A_621 : i32
        %scan3A_623 = arith.constant 1 : i32
        scf.for %scan3A_625 = %scan3A_620 to %scan3A_622 step %scan3A_623  : i32 {
          %shift_left3A_626 = arith.constant 4 : i32
          %shift_left3A_627 = arith.shli %scan3A_625, %shift_left3A_626 : i32
          %add3A_628 = vector.broadcast %shift_left3A_627 : i32 to vector<16xi32>
          %add3A_629 = arith.addi %iota3A, %add3A_628 : vector<16xi32>
          %gather3A_630 = arith.constant 2 : i32
          %gather3A_631 = arith.constant 0 : i32
          %gather3A_632 = arith.constant 0 : i32
          %gather3A_633 = tpu.memref_slice %arg8[%gather3A_630, %gather3A_631, %gather3A_632] : memref<4x128x64xf32, #tpu.memory_space<vmem>> -> memref<1x128x64xf32, #tpu.memory_space<vmem>>
          %gather3A_634 = tpu.memref_squeeze %gather3A_633 : memref<1x128x64xf32, #tpu.memory_space<vmem>> -> memref<128x64xf32, #tpu.memory_space<vmem>>
          %gather3A_635 = tpu.vector_load_idx %gather3A_634[%add3A_629, %add3A_571] : memref<128x64xf32, #tpu.memory_space<vmem>>[vector<16xi32>, vector<16xi32>], vector<16xf32>,
          %add3A_636 = vector.broadcast %shift_left3A_618 : i32 to vector<16xi32>
          %add3A_637 = arith.addi %shift_right_arithmetic3A_99, %add3A_636 : vector<16xi32>
          %add3A_638 = arith.addi %mul3A_150, %add3A_629 : vector<16xi32>
          %add3A_639 = arith.addf %gather3A_635, %gather3A : vector<16xf32>
          %scatter3A = arith.constant 2 : i32
          %scatter3A_640 = arith.constant 0 : i32
          %scatter3A_641 = arith.constant 0 : i32
          %scatter3A_642 = tpu.memref_slice %arg9[%scatter3A, %scatter3A_640, %scatter3A_641] : memref<4x8x1024xf32, #tpu.memory_space<vmem>> -> memref<1x8x1024xf32, #tpu.memory_space<vmem>>
          %scatter3A_643 = tpu.memref_squeeze %scatter3A_642 : memref<1x8x1024xf32, #tpu.memory_space<vmem>> -> memref<8x1024xf32, #tpu.memory_space<vmem>>
          tpu.vector_store_idx %scatter3A_643[%add3A_637, %add3A_638], %add3A_639 : memref<8x1024xf32, #tpu.memory_space<vmem>>[vector<16xi32>, vector<16xi32>], vector<16xf32>,
          %gather3A_644 = arith.constant 2 : i32
          %gather3A_645 = arith.constant 0 : i32
          %gather3A_646 = arith.constant 0 : i32
          %gather3A_647 = tpu.memref_slice %arg8[%gather3A_644, %gather3A_645, %gather3A_646] : memref<4x128x64xf32, #tpu.memory_space<vmem>> -> memref<1x128x64xf32, #tpu.memory_space<vmem>>
          %gather3A_648 = tpu.memref_squeeze %gather3A_647 : memref<1x128x64xf32, #tpu.memory_space<vmem>> -> memref<128x64xf32, #tpu.memory_space<vmem>>
          %gather3A_649 = tpu.vector_load_idx %gather3A_648[%add3A_629, %add3A_573] : memref<128x64xf32, #tpu.memory_space<vmem>>[vector<16xi32>, vector<16xi32>], vector<16xf32>,
          %add3A_650 = vector.broadcast %shift_left3A_618 : i32 to vector<16xi32>
          %add3A_651 = arith.addi %shift_right_arithmetic3A_102, %add3A_650 : vector<16xi32>
          %add3A_652 = arith.addi %mul3A_156, %add3A_629 : vector<16xi32>
          %add3A_653 = arith.addf %gather3A_649, %gather3A_602 : vector<16xf32>
          %scatter3A_654 = arith.constant 2 : i32
          %scatter3A_655 = arith.constant 0 : i32
          %scatter3A_656 = arith.constant 0 : i32
          %scatter3A_657 = tpu.memref_slice %arg9[%scatter3A_654, %scatter3A_655, %scatter3A_656] : memref<4x8x1024xf32, #tpu.memory_space<vmem>> -> memref<1x8x1024xf32, #tpu.memory_space<vmem>>
          %scatter3A_658 = tpu.memref_squeeze %scatter3A_657 : memref<1x8x1024xf32, #tpu.memory_space<vmem>> -> memref<8x1024xf32, #tpu.memory_space<vmem>>
          tpu.vector_store_idx %scatter3A_658[%add3A_651, %add3A_652], %add3A_653 : memref<8x1024xf32, #tpu.memory_space<vmem>>[vector<16xi32>, vector<16xi32>], vector<16xf32>,
          %gather3A_659 = arith.constant 2 : i32
          %gather3A_660 = arith.constant 0 : i32
          %gather3A_661 = arith.constant 0 : i32
          %gather3A_662 = tpu.memref_slice %arg8[%gather3A_659, %gather3A_660, %gather3A_661] : memref<4x128x64xf32, #tpu.memory_space<vmem>> -> memref<1x128x64xf32, #tpu.memory_space<vmem>>
          %gather3A_663 = tpu.memref_squeeze %gather3A_662 : memref<1x128x64xf32, #tpu.memory_space<vmem>> -> memref<128x64xf32, #tpu.memory_space<vmem>>
          %gather3A_664 = tpu.vector_load_idx %gather3A_663[%add3A_629, %add3A_575] : memref<128x64xf32, #tpu.memory_space<vmem>>[vector<16xi32>, vector<16xi32>], vector<16xf32>,
          %add3A_665 = vector.broadcast %shift_left3A_618 : i32 to vector<16xi32>
          %add3A_666 = arith.addi %shift_right_arithmetic3A_105, %add3A_665 : vector<16xi32>
          %add3A_667 = arith.addi %mul3A_162, %add3A_629 : vector<16xi32>
          %add3A_668 = arith.addf %gather3A_664, %gather3A_603 : vector<16xf32>
          %scatter3A_669 = arith.constant 2 : i32
          %scatter3A_670 = arith.constant 0 : i32
          %scatter3A_671 = arith.constant 0 : i32
          %scatter3A_672 = tpu.memref_slice %arg9[%scatter3A_669, %scatter3A_670, %scatter3A_671] : memref<4x8x1024xf32, #tpu.memory_space<vmem>> -> memref<1x8x1024xf32, #tpu.memory_space<vmem>>
          %scatter3A_673 = tpu.memref_squeeze %scatter3A_672 : memref<1x8x1024xf32, #tpu.memory_space<vmem>> -> memref<8x1024xf32, #tpu.memory_space<vmem>>
          tpu.vector_store_idx %scatter3A_673[%add3A_666, %add3A_667], %add3A_668 : memref<8x1024xf32, #tpu.memory_space<vmem>>[vector<16xi32>, vector<16xi32>], vector<16xf32>,
          %gather3A_674 = arith.constant 2 : i32
          %gather3A_675 = arith.constant 0 : i32
          %gather3A_676 = arith.constant 0 : i32
          %gather3A_677 = tpu.memref_slice %arg8[%gather3A_674, %gather3A_675, %gather3A_676] : memref<4x128x64xf32, #tpu.memory_space<vmem>> -> memref<1x128x64xf32, #tpu.memory_space<vmem>>
          %gather3A_678 = tpu.memref_squeeze %gather3A_677 : memref<1x128x64xf32, #tpu.memory_space<vmem>> -> memref<128x64xf32, #tpu.memory_space<vmem>>
          %gather3A_679 = tpu.vector_load_idx %gather3A_678[%add3A_629, %add3A_577] : memref<128x64xf32, #tpu.memory_space<vmem>>[vector<16xi32>, vector<16xi32>], vector<16xf32>,
          %add3A_680 = vector.broadcast %shift_left3A_618 : i32 to vector<16xi32>
          %add3A_681 = arith.addi %shift_right_arithmetic3A_108, %add3A_680 : vector<16xi32>
          %add3A_682 = arith.addi %mul3A_168, %add3A_629 : vector<16xi32>
          %add3A_683 = arith.addf %gather3A_679, %gather3A_604 : vector<16xf32>
          %scatter3A_684 = arith.constant 2 : i32
          %scatter3A_685 = arith.constant 0 : i32
          %scatter3A_686 = arith.constant 0 : i32
          %scatter3A_687 = tpu.memref_slice %arg9[%scatter3A_684, %scatter3A_685, %scatter3A_686] : memref<4x8x1024xf32, #tpu.memory_space<vmem>> -> memref<1x8x1024xf32, #tpu.memory_space<vmem>>
          %scatter3A_688 = tpu.memref_squeeze %scatter3A_687 : memref<1x8x1024xf32, #tpu.memory_space<vmem>> -> memref<8x1024xf32, #tpu.memory_space<vmem>>
          tpu.vector_store_idx %scatter3A_688[%add3A_681, %add3A_682], %add3A_683 : memref<8x1024xf32, #tpu.memory_space<vmem>>[vector<16xi32>, vector<16xi32>], vector<16xf32>,
          %gather3A_689 = arith.constant 2 : i32
          %gather3A_690 = arith.constant 0 : i32
          %gather3A_691 = arith.constant 0 : i32
          %gather3A_692 = tpu.memref_slice %arg8[%gather3A_689, %gather3A_690, %gather3A_691] : memref<4x128x64xf32, #tpu.memory_space<vmem>> -> memref<1x128x64xf32, #tpu.memory_space<vmem>>
          %gather3A_693 = tpu.memref_squeeze %gather3A_692 : memref<1x128x64xf32, #tpu.memory_space<vmem>> -> memref<128x64xf32, #tpu.memory_space<vmem>>
          %gather3A_694 = tpu.vector_load_idx %gather3A_693[%add3A_629, %add3A_579] : memref<128x64xf32, #tpu.memory_space<vmem>>[vector<16xi32>, vector<16xi32>], vector<16xf32>,
          %add3A_695 = vector.broadcast %shift_left3A_618 : i32 to vector<16xi32>
          %add3A_696 = arith.addi %shift_right_arithmetic3A_111, %add3A_695 : vector<16xi32>
          %add3A_697 = arith.addi %mul3A_174, %add3A_629 : vector<16xi32>
          %add3A_698 = arith.addf %gather3A_694, %gather3A_605 : vector<16xf32>
          %scatter3A_699 = arith.constant 2 : i32
          %scatter3A_700 = arith.constant 0 : i32
          %scatter3A_701 = arith.constant 0 : i32
          %scatter3A_702 = tpu.memref_slice %arg9[%scatter3A_699, %scatter3A_700, %scatter3A_701] : memref<4x8x1024xf32, #tpu.memory_space<vmem>> -> memref<1x8x1024xf32, #tpu.memory_space<vmem>>
          %scatter3A_703 = tpu.memref_squeeze %scatter3A_702 : memref<1x8x1024xf32, #tpu.memory_space<vmem>> -> memref<8x1024xf32, #tpu.memory_space<vmem>>
          tpu.vector_store_idx %scatter3A_703[%add3A_696, %add3A_697], %add3A_698 : memref<8x1024xf32, #tpu.memory_space<vmem>>[vector<16xi32>, vector<16xi32>], vector<16xf32>,
          %gather3A_704 = arith.constant 2 : i32
          %gather3A_705 = arith.constant 0 : i32
          %gather3A_706 = arith.constant 0 : i32
          %gather3A_707 = tpu.memref_slice %arg8[%gather3A_704, %gather3A_705, %gather3A_706] : memref<4x128x64xf32, #tpu.memory_space<vmem>> -> memref<1x128x64xf32, #tpu.memory_space<vmem>>
          %gather3A_708 = tpu.memref_squeeze %gather3A_707 : memref<1x128x64xf32, #tpu.memory_space<vmem>> -> memref<128x64xf32, #tpu.memory_space<vmem>>
          %gather3A_709 = tpu.vector_load_idx %gather3A_708[%add3A_629, %add3A_581] : memref<128x64xf32, #tpu.memory_space<vmem>>[vector<16xi32>, vector<16xi32>], vector<16xf32>,
          %add3A_710 = vector.broadcast %shift_left3A_618 : i32 to vector<16xi32>
          %add3A_711 = arith.addi %shift_right_arithmetic3A_114, %add3A_710 : vector<16xi32>
          %add3A_712 = arith.addi %mul3A_180, %add3A_629 : vector<16xi32>
          %add3A_713 = arith.addf %gather3A_709, %gather3A_606 : vector<16xf32>
          %scatter3A_714 = arith.constant 2 : i32
          %scatter3A_715 = arith.constant 0 : i32
          %scatter3A_716 = arith.constant 0 : i32
          %scatter3A_717 = tpu.memref_slice %arg9[%scatter3A_714, %scatter3A_715, %scatter3A_716] : memref<4x8x1024xf32, #tpu.memory_space<vmem>> -> memref<1x8x1024xf32, #tpu.memory_space<vmem>>
          %scatter3A_718 = tpu.memref_squeeze %scatter3A_717 : memref<1x8x1024xf32, #tpu.memory_space<vmem>> -> memref<8x1024xf32, #tpu.memory_space<vmem>>
          tpu.vector_store_idx %scatter3A_718[%add3A_711, %add3A_712], %add3A_713 : memref<8x1024xf32, #tpu.memory_space<vmem>>[vector<16xi32>, vector<16xi32>], vector<16xf32>,
          %gather3A_719 = arith.constant 2 : i32
          %gather3A_720 = arith.constant 0 : i32
          %gather3A_721 = arith.constant 0 : i32
          %gather3A_722 = tpu.memref_slice %arg8[%gather3A_719, %gather3A_720, %gather3A_721] : memref<4x128x64xf32, #tpu.memory_space<vmem>> -> memref<1x128x64xf32, #tpu.memory_space<vmem>>
          %gather3A_723 = tpu.memref_squeeze %gather3A_722 : memref<1x128x64xf32, #tpu.memory_space<vmem>> -> memref<128x64xf32, #tpu.memory_space<vmem>>
          %gather3A_724 = tpu.vector_load_idx %gather3A_723[%add3A_629, %add3A_583] : memref<128x64xf32, #tpu.memory_space<vmem>>[vector<16xi32>, vector<16xi32>], vector<16xf32>,
          %add3A_725 = vector.broadcast %shift_left3A_618 : i32 to vector<16xi32>
          %add3A_726 = arith.addi %shift_right_arithmetic3A_117, %add3A_725 : vector<16xi32>
          %add3A_727 = arith.addi %mul3A_186, %add3A_629 : vector<16xi32>
          %add3A_728 = arith.addf %gather3A_724, %gather3A_607 : vector<16xf32>
          %scatter3A_729 = arith.constant 2 : i32
          %scatter3A_730 = arith.constant 0 : i32
          %scatter3A_731 = arith.constant 0 : i32
          %scatter3A_732 = tpu.memref_slice %arg9[%scatter3A_729, %scatter3A_730, %scatter3A_731] : memref<4x8x1024xf32, #tpu.memory_space<vmem>> -> memref<1x8x1024xf32, #tpu.memory_space<vmem>>
          %scatter3A_733 = tpu.memref_squeeze %scatter3A_732 : memref<1x8x1024xf32, #tpu.memory_space<vmem>> -> memref<8x1024xf32, #tpu.memory_space<vmem>>
          tpu.vector_store_idx %scatter3A_733[%add3A_726, %add3A_727], %add3A_728 : memref<8x1024xf32, #tpu.memory_space<vmem>>[vector<16xi32>, vector<16xi32>], vector<16xf32>,
          %gather3A_734 = arith.constant 2 : i32
          %gather3A_735 = arith.constant 0 : i32
          %gather3A_736 = arith.constant 0 : i32
          %gather3A_737 = tpu.memref_slice %arg8[%gather3A_734, %gather3A_735, %gather3A_736] : memref<4x128x64xf32, #tpu.memory_space<vmem>> -> memref<1x128x64xf32, #tpu.memory_space<vmem>>
          %gather3A_738 = tpu.memref_squeeze %gather3A_737 : memref<1x128x64xf32, #tpu.memory_space<vmem>> -> memref<128x64xf32, #tpu.memory_space<vmem>>
          %gather3A_739 = tpu.vector_load_idx %gather3A_738[%add3A_629, %add3A_585] : memref<128x64xf32, #tpu.memory_space<vmem>>[vector<16xi32>, vector<16xi32>], vector<16xf32>,
          %add3A_740 = vector.broadcast %shift_left3A_618 : i32 to vector<16xi32>
          %add3A_741 = arith.addi %shift_right_arithmetic3A_120, %add3A_740 : vector<16xi32>
          %add3A_742 = arith.addi %mul3A_192, %add3A_629 : vector<16xi32>
          %add3A_743 = arith.addf %gather3A_739, %gather3A_608 : vector<16xf32>
          %scatter3A_744 = arith.constant 2 : i32
          %scatter3A_745 = arith.constant 0 : i32
          %scatter3A_746 = arith.constant 0 : i32
          %scatter3A_747 = tpu.memref_slice %arg9[%scatter3A_744, %scatter3A_745, %scatter3A_746] : memref<4x8x1024xf32, #tpu.memory_space<vmem>> -> memref<1x8x1024xf32, #tpu.memory_space<vmem>>
          %scatter3A_748 = tpu.memref_squeeze %scatter3A_747 : memref<1x8x1024xf32, #tpu.memory_space<vmem>> -> memref<8x1024xf32, #tpu.memory_space<vmem>>
          tpu.vector_store_idx %scatter3A_748[%add3A_741, %add3A_742], %add3A_743 : memref<8x1024xf32, #tpu.memory_space<vmem>>[vector<16xi32>, vector<16xi32>], vector<16xf32>,
          %gather3A_749 = arith.constant 2 : i32
          %gather3A_750 = arith.constant 0 : i32
          %gather3A_751 = arith.constant 0 : i32
          %gather3A_752 = tpu.memref_slice %arg8[%gather3A_749, %gather3A_750, %gather3A_751] : memref<4x128x64xf32, #tpu.memory_space<vmem>> -> memref<1x128x64xf32, #tpu.memory_space<vmem>>
          %gather3A_753 = tpu.memref_squeeze %gather3A_752 : memref<1x128x64xf32, #tpu.memory_space<vmem>> -> memref<128x64xf32, #tpu.memory_space<vmem>>
          %gather3A_754 = tpu.vector_load_idx %gather3A_753[%add3A_629, %add3A_587] : memref<128x64xf32, #tpu.memory_space<vmem>>[vector<16xi32>, vector<16xi32>], vector<16xf32>,
          %add3A_755 = vector.broadcast %shift_left3A_618 : i32 to vector<16xi32>
          %add3A_756 = arith.addi %shift_right_arithmetic3A_123, %add3A_755 : vector<16xi32>
          %add3A_757 = arith.addi %mul3A_198, %add3A_629 : vector<16xi32>
          %add3A_758 = arith.addf %gather3A_754, %gather3A_609 : vector<16xf32>
          %scatter3A_759 = arith.constant 2 : i32
          %scatter3A_760 = arith.constant 0 : i32
          %scatter3A_761 = arith.constant 0 : i32
          %scatter3A_762 = tpu.memref_slice %arg9[%scatter3A_759, %scatter3A_760, %scatter3A_761] : memref<4x8x1024xf32, #tpu.memory_space<vmem>> -> memref<1x8x1024xf32, #tpu.memory_space<vmem>>
          %scatter3A_763 = tpu.memref_squeeze %scatter3A_762 : memref<1x8x1024xf32, #tpu.memory_space<vmem>> -> memref<8x1024xf32, #tpu.memory_space<vmem>>
          tpu.vector_store_idx %scatter3A_763[%add3A_756, %add3A_757], %add3A_758 : memref<8x1024xf32, #tpu.memory_space<vmem>>[vector<16xi32>, vector<16xi32>], vector<16xf32>,
          %gather3A_764 = arith.constant 2 : i32
          %gather3A_765 = arith.constant 0 : i32
          %gather3A_766 = arith.constant 0 : i32
          %gather3A_767 = tpu.memref_slice %arg8[%gather3A_764, %gather3A_765, %gather3A_766] : memref<4x128x64xf32, #tpu.memory_space<vmem>> -> memref<1x128x64xf32, #tpu.memory_space<vmem>>
          %gather3A_768 = tpu.memref_squeeze %gather3A_767 : memref<1x128x64xf32, #tpu.memory_space<vmem>> -> memref<128x64xf32, #tpu.memory_space<vmem>>
          %gather3A_769 = tpu.vector_load_idx %gather3A_768[%add3A_629, %add3A_589] : memref<128x64xf32, #tpu.memory_space<vmem>>[vector<16xi32>, vector<16xi32>], vector<16xf32>,
          %add3A_770 = vector.broadcast %shift_left3A_618 : i32 to vector<16xi32>
          %add3A_771 = arith.addi %shift_right_arithmetic3A_126, %add3A_770 : vector<16xi32>
          %add3A_772 = arith.addi %mul3A_204, %add3A_629 : vector<16xi32>
          %add3A_773 = arith.addf %gather3A_769, %gather3A_610 : vector<16xf32>
          %scatter3A_774 = arith.constant 2 : i32
          %scatter3A_775 = arith.constant 0 : i32
          %scatter3A_776 = arith.constant 0 : i32
          %scatter3A_777 = tpu.memref_slice %arg9[%scatter3A_774, %scatter3A_775, %scatter3A_776] : memref<4x8x1024xf32, #tpu.memory_space<vmem>> -> memref<1x8x1024xf32, #tpu.memory_space<vmem>>
          %scatter3A_778 = tpu.memref_squeeze %scatter3A_777 : memref<1x8x1024xf32, #tpu.memory_space<vmem>> -> memref<8x1024xf32, #tpu.memory_space<vmem>>
          tpu.vector_store_idx %scatter3A_778[%add3A_771, %add3A_772], %add3A_773 : memref<8x1024xf32, #tpu.memory_space<vmem>>[vector<16xi32>, vector<16xi32>], vector<16xf32>,
          %gather3A_779 = arith.constant 2 : i32
          %gather3A_780 = arith.constant 0 : i32
          %gather3A_781 = arith.constant 0 : i32
          %gather3A_782 = tpu.memref_slice %arg8[%gather3A_779, %gather3A_780, %gather3A_781] : memref<4x128x64xf32, #tpu.memory_space<vmem>> -> memref<1x128x64xf32, #tpu.memory_space<vmem>>
          %gather3A_783 = tpu.memref_squeeze %gather3A_782 : memref<1x128x64xf32, #tpu.memory_space<vmem>> -> memref<128x64xf32, #tpu.memory_space<vmem>>
          %gather3A_784 = tpu.vector_load_idx %gather3A_783[%add3A_629, %add3A_591] : memref<128x64xf32, #tpu.memory_space<vmem>>[vector<16xi32>, vector<16xi32>], vector<16xf32>,
          %add3A_785 = vector.broadcast %shift_left3A_618 : i32 to vector<16xi32>
          %add3A_786 = arith.addi %shift_right_arithmetic3A_129, %add3A_785 : vector<16xi32>
          %add3A_787 = arith.addi %mul3A_210, %add3A_629 : vector<16xi32>
          %add3A_788 = arith.addf %gather3A_784, %gather3A_611 : vector<16xf32>
          %scatter3A_789 = arith.constant 2 : i32
          %scatter3A_790 = arith.constant 0 : i32
          %scatter3A_791 = arith.constant 0 : i32
          %scatter3A_792 = tpu.memref_slice %arg9[%scatter3A_789, %scatter3A_790, %scatter3A_791] : memref<4x8x1024xf32, #tpu.memory_space<vmem>> -> memref<1x8x1024xf32, #tpu.memory_space<vmem>>
          %scatter3A_793 = tpu.memref_squeeze %scatter3A_792 : memref<1x8x1024xf32, #tpu.memory_space<vmem>> -> memref<8x1024xf32, #tpu.memory_space<vmem>>
          tpu.vector_store_idx %scatter3A_793[%add3A_786, %add3A_787], %add3A_788 : memref<8x1024xf32, #tpu.memory_space<vmem>>[vector<16xi32>, vector<16xi32>], vector<16xf32>,
          %gather3A_794 = arith.constant 2 : i32
          %gather3A_795 = arith.constant 0 : i32
          %gather3A_796 = arith.constant 0 : i32
          %gather3A_797 = tpu.memref_slice %arg8[%gather3A_794, %gather3A_795, %gather3A_796] : memref<4x128x64xf32, #tpu.memory_space<vmem>> -> memref<1x128x64xf32, #tpu.memory_space<vmem>>
          %gather3A_798 = tpu.memref_squeeze %gather3A_797 : memref<1x128x64xf32, #tpu.memory_space<vmem>> -> memref<128x64xf32, #tpu.memory_space<vmem>>
          %gather3A_799 = tpu.vector_load_idx %gather3A_798[%add3A_629, %add3A_593] : memref<128x64xf32, #tpu.memory_space<vmem>>[vector<16xi32>, vector<16xi32>], vector<16xf32>,
          %add3A_800 = vector.broadcast %shift_left3A_618 : i32 to vector<16xi32>
          %add3A_801 = arith.addi %shift_right_arithmetic3A_132, %add3A_800 : vector<16xi32>
          %add3A_802 = arith.addi %mul3A_216, %add3A_629 : vector<16xi32>
          %add3A_803 = arith.addf %gather3A_799, %gather3A_612 : vector<16xf32>
          %scatter3A_804 = arith.constant 2 : i32
          %scatter3A_805 = arith.constant 0 : i32
          %scatter3A_806 = arith.constant 0 : i32
          %scatter3A_807 = tpu.memref_slice %arg9[%scatter3A_804, %scatter3A_805, %scatter3A_806] : memref<4x8x1024xf32, #tpu.memory_space<vmem>> -> memref<1x8x1024xf32, #tpu.memory_space<vmem>>
          %scatter3A_808 = tpu.memref_squeeze %scatter3A_807 : memref<1x8x1024xf32, #tpu.memory_space<vmem>> -> memref<8x1024xf32, #tpu.memory_space<vmem>>
          tpu.vector_store_idx %scatter3A_808[%add3A_801, %add3A_802], %add3A_803 : memref<8x1024xf32, #tpu.memory_space<vmem>>[vector<16xi32>, vector<16xi32>], vector<16xf32>,
          %gather3A_809 = arith.constant 2 : i32
          %gather3A_810 = arith.constant 0 : i32
          %gather3A_811 = arith.constant 0 : i32
          %gather3A_812 = tpu.memref_slice %arg8[%gather3A_809, %gather3A_810, %gather3A_811] : memref<4x128x64xf32, #tpu.memory_space<vmem>> -> memref<1x128x64xf32, #tpu.memory_space<vmem>>
          %gather3A_813 = tpu.memref_squeeze %gather3A_812 : memref<1x128x64xf32, #tpu.memory_space<vmem>> -> memref<128x64xf32, #tpu.memory_space<vmem>>
          %gather3A_814 = tpu.vector_load_idx %gather3A_813[%add3A_629, %add3A_595] : memref<128x64xf32, #tpu.memory_space<vmem>>[vector<16xi32>, vector<16xi32>], vector<16xf32>,
          %add3A_815 = vector.broadcast %shift_left3A_618 : i32 to vector<16xi32>
          %add3A_816 = arith.addi %shift_right_arithmetic3A_135, %add3A_815 : vector<16xi32>
          %add3A_817 = arith.addi %mul3A_222, %add3A_629 : vector<16xi32>
          %add3A_818 = arith.addf %gather3A_814, %gather3A_613 : vector<16xf32>
          %scatter3A_819 = arith.constant 2 : i32
          %scatter3A_820 = arith.constant 0 : i32
          %scatter3A_821 = arith.constant 0 : i32
          %scatter3A_822 = tpu.memref_slice %arg9[%scatter3A_819, %scatter3A_820, %scatter3A_821] : memref<4x8x1024xf32, #tpu.memory_space<vmem>> -> memref<1x8x1024xf32, #tpu.memory_space<vmem>>
          %scatter3A_823 = tpu.memref_squeeze %scatter3A_822 : memref<1x8x1024xf32, #tpu.memory_space<vmem>> -> memref<8x1024xf32, #tpu.memory_space<vmem>>
          tpu.vector_store_idx %scatter3A_823[%add3A_816, %add3A_817], %add3A_818 : memref<8x1024xf32, #tpu.memory_space<vmem>>[vector<16xi32>, vector<16xi32>], vector<16xf32>,
          %gather3A_824 = arith.constant 2 : i32
          %gather3A_825 = arith.constant 0 : i32
          %gather3A_826 = arith.constant 0 : i32
          %gather3A_827 = tpu.memref_slice %arg8[%gather3A_824, %gather3A_825, %gather3A_826] : memref<4x128x64xf32, #tpu.memory_space<vmem>> -> memref<1x128x64xf32, #tpu.memory_space<vmem>>
          %gather3A_828 = tpu.memref_squeeze %gather3A_827 : memref<1x128x64xf32, #tpu.memory_space<vmem>> -> memref<128x64xf32, #tpu.memory_space<vmem>>
          %gather3A_829 = tpu.vector_load_idx %gather3A_828[%add3A_629, %add3A_597] : memref<128x64xf32, #tpu.memory_space<vmem>>[vector<16xi32>, vector<16xi32>], vector<16xf32>,
          %add3A_830 = vector.broadcast %shift_left3A_618 : i32 to vector<16xi32>
          %add3A_831 = arith.addi %shift_right_arithmetic3A_138, %add3A_830 : vector<16xi32>
          %add3A_832 = arith.addi %mul3A_228, %add3A_629 : vector<16xi32>
          %add3A_833 = arith.addf %gather3A_829, %gather3A_614 : vector<16xf32>
          %scatter3A_834 = arith.constant 2 : i32
          %scatter3A_835 = arith.constant 0 : i32
          %scatter3A_836 = arith.constant 0 : i32
          %scatter3A_837 = tpu.memref_slice %arg9[%scatter3A_834, %scatter3A_835, %scatter3A_836] : memref<4x8x1024xf32, #tpu.memory_space<vmem>> -> memref<1x8x1024xf32, #tpu.memory_space<vmem>>
          %scatter3A_838 = tpu.memref_squeeze %scatter3A_837 : memref<1x8x1024xf32, #tpu.memory_space<vmem>> -> memref<8x1024xf32, #tpu.memory_space<vmem>>
          tpu.vector_store_idx %scatter3A_838[%add3A_831, %add3A_832], %add3A_833 : memref<8x1024xf32, #tpu.memory_space<vmem>>[vector<16xi32>, vector<16xi32>], vector<16xf32>,
          %gather3A_839 = arith.constant 2 : i32
          %gather3A_840 = arith.constant 0 : i32
          %gather3A_841 = arith.constant 0 : i32
          %gather3A_842 = tpu.memref_slice %arg8[%gather3A_839, %gather3A_840, %gather3A_841] : memref<4x128x64xf32, #tpu.memory_space<vmem>> -> memref<1x128x64xf32, #tpu.memory_space<vmem>>
          %gather3A_843 = tpu.memref_squeeze %gather3A_842 : memref<1x128x64xf32, #tpu.memory_space<vmem>> -> memref<128x64xf32, #tpu.memory_space<vmem>>
          %gather3A_844 = tpu.vector_load_idx %gather3A_843[%add3A_629, %add3A_599] : memref<128x64xf32, #tpu.memory_space<vmem>>[vector<16xi32>, vector<16xi32>], vector<16xf32>,
          %add3A_845 = vector.broadcast %shift_left3A_618 : i32 to vector<16xi32>
          %add3A_846 = arith.addi %shift_right_arithmetic3A_141, %add3A_845 : vector<16xi32>
          %add3A_847 = arith.addi %mul3A_234, %add3A_629 : vector<16xi32>
          %add3A_848 = arith.addf %gather3A_844, %gather3A_615 : vector<16xf32>
          %scatter3A_849 = arith.constant 2 : i32
          %scatter3A_850 = arith.constant 0 : i32
          %scatter3A_851 = arith.constant 0 : i32
          %scatter3A_852 = tpu.memref_slice %arg9[%scatter3A_849, %scatter3A_850, %scatter3A_851] : memref<4x8x1024xf32, #tpu.memory_space<vmem>> -> memref<1x8x1024xf32, #tpu.memory_space<vmem>>
          %scatter3A_853 = tpu.memref_squeeze %scatter3A_852 : memref<1x8x1024xf32, #tpu.memory_space<vmem>> -> memref<8x1024xf32, #tpu.memory_space<vmem>>
          tpu.vector_store_idx %scatter3A_853[%add3A_846, %add3A_847], %add3A_848 : memref<8x1024xf32, #tpu.memory_space<vmem>>[vector<16xi32>, vector<16xi32>], vector<16xf32>,
          %gather3A_854 = arith.constant 2 : i32
          %gather3A_855 = arith.constant 0 : i32
          %gather3A_856 = arith.constant 0 : i32
          %gather3A_857 = tpu.memref_slice %arg8[%gather3A_854, %gather3A_855, %gather3A_856] : memref<4x128x64xf32, #tpu.memory_space<vmem>> -> memref<1x128x64xf32, #tpu.memory_space<vmem>>
          %gather3A_858 = tpu.memref_squeeze %gather3A_857 : memref<1x128x64xf32, #tpu.memory_space<vmem>> -> memref<128x64xf32, #tpu.memory_space<vmem>>
          %gather3A_859 = tpu.vector_load_idx %gather3A_858[%add3A_629, %add3A_601] : memref<128x64xf32, #tpu.memory_space<vmem>>[vector<16xi32>, vector<16xi32>], vector<16xf32>,
          %add3A_860 = vector.broadcast %shift_left3A_618 : i32 to vector<16xi32>
          %add3A_861 = arith.addi %shift_right_arithmetic3A_144, %add3A_860 : vector<16xi32>
          %add3A_862 = arith.addi %mul3A_240, %add3A_629 : vector<16xi32>
          %add3A_863 = arith.addf %gather3A_859, %gather3A_616 : vector<16xf32>
          %scatter3A_864 = arith.constant 2 : i32
          %scatter3A_865 = arith.constant 0 : i32
          %scatter3A_866 = arith.constant 0 : i32
          %scatter3A_867 = tpu.memref_slice %arg9[%scatter3A_864, %scatter3A_865, %scatter3A_866] : memref<4x8x1024xf32, #tpu.memory_space<vmem>> -> memref<1x8x1024xf32, #tpu.memory_space<vmem>>
          %scatter3A_868 = tpu.memref_squeeze %scatter3A_867 : memref<1x8x1024xf32, #tpu.memory_space<vmem>> -> memref<8x1024xf32, #tpu.memory_space<vmem>>
          tpu.vector_store_idx %scatter3A_868[%add3A_861, %add3A_862], %add3A_863 : memref<8x1024xf32, #tpu.memory_space<vmem>>[vector<16xi32>, vector<16xi32>], vector<16xf32>,
        }
        %scan3A_624 = arith.constant 8 : i32
      }
      %scan3A_493 = arith.constant 4 : i32
      %dma_start3A_494 = arith.constant 2 : i32
      %dma_start3A_495 = arith.constant 0 : i32
      %dma_start3A_496 = arith.constant 0 : i32
      %dma_start3A_497 = tpu.memref_slice %arg9[%dma_start3A_494, %dma_start3A_495, %dma_start3A_496] : memref<4x8x1024xf32, #tpu.memory_space<vmem>> -> memref<1x8x1024xf32, #tpu.memory_space<vmem>>
      %dma_start3A_498 = tpu.memref_squeeze %dma_start3A_497 : memref<1x8x1024xf32, #tpu.memory_space<vmem>> -> memref<8x1024xf32, #tpu.memory_space<vmem>>
      %dma_start3A_499 = arith.constant 0 : i32
      %dma_start3A_500 = arith.constant 0 : i32
      %dma_start3A_501 = tpu.memref_slice %arg5[%shift_right_arithmetic3A_484, %dma_start3A_499, %and3A_486, %dma_start3A_500] : memref<200x8x32x1024xf32, #tpu.memory_space<hbm>> -> memref<1x8x1x1024xf32, #tpu.memory_space<hbm>>
      %dma_start3A_502 = tpu.memref_squeeze %dma_start3A_501 : memref<1x8x1x1024xf32, #tpu.memory_space<hbm>> -> memref<8x1024xf32, #tpu.memory_space<hbm>>
      %dma_start3A_503 = arith.constant 0 : i32
      %dma_start3A_504 = arith.constant 0 : i32
      %dma_start3A_505 = tpu.memref_slice %arg5[%shift_right_arithmetic3A_484, %dma_start3A_503, %and3A_486, %dma_start3A_504] : memref<200x8x32x1024xf32, #tpu.memory_space<hbm>> -> memref<1x8x1x1024xf32, #tpu.memory_space<hbm>>
      %dma_start3A_506 = tpu.memref_squeeze %dma_start3A_505 : memref<1x8x1x1024xf32, #tpu.memory_space<hbm>> -> memref<8x1024xf32, #tpu.memory_space<hbm>>
      %dma_start3A_507 = arith.constant 0 : i32
      %dma_start3A_508 = arith.constant 0 : i32
      %dma_start3A_509 = tpu.memref_slice %arg9[%dma_start3A_494, %dma_start3A_507, %dma_start3A_508] : memref<4x8x1024xf32, #tpu.memory_space<vmem>> -> memref<1x8x1024xf32, #tpu.memory_space<vmem>>
      %dma_start3A_510 = tpu.memref_squeeze %dma_start3A_509 : memref<1x8x1024xf32, #tpu.memory_space<vmem>> -> memref<8x1024xf32, #tpu.memory_space<vmem>>
      tpu.enqueue_dma source(%dma_start3A_510 : memref<8x1024xf32, #tpu.memory_space<vmem>>) target(%dma_start3A_506 : memref<8x1024xf32, #tpu.memory_space<hbm>>) target_semaphore(%arg16 : memref<!tpu.dma_semaphore, #tpu.memory_space<semaphore_mem>>)
      %mul3A_511 = arith.constant 4 : i32
      %mul3A_512 = arith.muli %scan3A_344, %mul3A_511 : i32
      %add3A_513 = arith.constant 3 : i32
      %add3A_514 = arith.addi %mul3A_512, %add3A_513 : i32
      %add3A_515 = arith.constant 2 : i32
      %add3A_516 = arith.addi %add3A_514, %add3A_515 : i32
      %lt3A_517 = arith.constant 200 : i32
      %lt3A_518 = arith.cmpi slt, %add3A_516, %lt3A_517 : i32
      %convert_element_type3A_519 = arith.extui %lt3A_518 : i1 to i32
      %cond3A_520 = arith.constant 0 : i32
      %cond3A_521 = arith.cmpi ne, %convert_element_type3A_519, %cond3A_520 : i32
      scf.if %cond3A_521 {
        %dma_start3A_568 = arith.constant 1 : i32
        %dma_start3A_569 = arith.constant 0 : i32
        %dma_start3A_570 = arith.constant 0 : i32
        %dma_start3A_571 = tpu.memref_slice %arg8[%dma_start3A_568, %dma_start3A_569, %dma_start3A_570] : memref<4x128x64xf32, #tpu.memory_space<vmem>> -> memref<1x128x64xf32, #tpu.memory_space<vmem>>
        %dma_start3A_572 = tpu.memref_squeeze %dma_start3A_571 : memref<1x128x64xf32, #tpu.memory_space<vmem>> -> memref<128x64xf32, #tpu.memory_space<vmem>>
        %dma_start3A_573 = arith.constant 0 : i32
        %dma_start3A_574 = tpu.memref_slice %arg6[%add3A_516, %dma_start3A_573] : memref<200x128xi32, #tpu.memory_space<vmem>> -> memref<1x128xi32, #tpu.memory_space<vmem>>
        %dma_start3A_575 = tpu.memref_squeeze %dma_start3A_574 : memref<1x128xi32, #tpu.memory_space<vmem>> -> memref<128xi32, #tpu.memory_space<vmem>>
        %dma_start3A_576 = arith.constant 0 : i32
        %dma_start3A_577 = arith.constant 0 : i32
        %dma_start3A_578 = tpu.memref_slice %arg3[%dma_start3A_576, %dma_start3A_577] : memref<1000000x64xf32, #tpu.memory_space<hbm>> -> memref<1000000x64xf32, #tpu.memory_space<hbm>>
        tpu.enqueue_indirect_dma source(%dma_start3A_578 : memref<1000000x64xf32, #tpu.memory_space<hbm>>) target(%dma_start3A_572 : memref<128x64xf32, #tpu.memory_space<vmem>>) offsets(%dma_start3A_575 : memref<128xi32, #tpu.memory_space<vmem>>) semaphore(%arg11 : memref<!tpu.dma_semaphore, #tpu.memory_space<semaphore_mem>>)
      } else {
      }
      %dma_wait3A_522 = arith.constant 0 : i32
      %dma_wait3A_523 = arith.constant 3 : i32
      %dma_wait3A_524 = arith.constant 0 : i32
      %dma_wait3A_525 = arith.constant 0 : i32
      %dma_wait3A_526 = tpu.memref_slice %arg8[%dma_wait3A_523, %dma_wait3A_524, %dma_wait3A_525] : memref<4x128x64xf32, #tpu.memory_space<vmem>> -> memref<1x128x64xf32, #tpu.memory_space<vmem>>
      %dma_wait3A_527 = tpu.memref_squeeze %dma_wait3A_526 : memref<1x128x64xf32, #tpu.memory_space<vmem>> -> memref<128x64xf32, #tpu.memory_space<vmem>>
      %dma_wait3A_528 = arith.constant 0 : i32
      %dma_wait3A_529 = tpu.memref_slice %arg6[%dma_wait3A_522, %dma_wait3A_528] : memref<200x128xi32, #tpu.memory_space<vmem>> -> memref<1x128xi32, #tpu.memory_space<vmem>>
      %dma_wait3A_530 = tpu.memref_squeeze %dma_wait3A_529 : memref<1x128xi32, #tpu.memory_space<vmem>> -> memref<128xi32, #tpu.memory_space<vmem>>
      %dma_wait3A_531 = arith.constant 0 : i32
      %dma_wait3A_532 = arith.constant 0 : i32
      %dma_wait3A_533 = tpu.memref_slice %arg3[%dma_wait3A_531, %dma_wait3A_532] : memref<1000000x64xf32, #tpu.memory_space<hbm>> -> memref<1000000x64xf32, #tpu.memory_space<hbm>>
      tpu.wait_indirect_dma semaphore(%arg13 : memref<!tpu.dma_semaphore, #tpu.memory_space<semaphore_mem>>) src(%dma_wait3A_533 : memref<1000000x64xf32, #tpu.memory_space<hbm>>) dst(%dma_wait3A_527 : memref<128x64xf32, #tpu.memory_space<vmem>>)
      %ge3A_534 = arith.constant 4 : i32
      %ge3A_535 = arith.cmpi sge, %add3A_514, %ge3A_534 : i32
      %convert_element_type3A_536 = arith.extui %ge3A_535 : i1 to i32
      %cond3A_537 = arith.constant 0 : i32
      %cond3A_538 = arith.cmpi ne, %convert_element_type3A_536, %cond3A_537 : i32
      scf.if %cond3A_538 {
        %dma_wait3A_568 = arith.constant 3 : i32
        %dma_wait3A_569 = arith.constant 0 : i32
        %dma_wait3A_570 = arith.constant 0 : i32
        %dma_wait3A_571 = arith.constant 0 : i32
        %dma_wait3A_572 = arith.constant 0 : i32
        %dma_wait3A_573 = tpu.memref_slice %arg9[%dma_wait3A_568, %dma_wait3A_571, %dma_wait3A_572] : memref<4x8x1024xf32, #tpu.memory_space<vmem>> -> memref<1x8x1024xf32, #tpu.memory_space<vmem>>
        %dma_wait3A_574 = tpu.memref_squeeze %dma_wait3A_573 : memref<1x8x1024xf32, #tpu.memory_space<vmem>> -> memref<8x1024xf32, #tpu.memory_space<vmem>>
        %dma_wait3A_575 = arith.constant 0 : i32
        %dma_wait3A_576 = arith.constant 0 : i32
        %dma_wait3A_577 = tpu.memref_slice %arg5[%dma_wait3A_569, %dma_wait3A_575, %dma_wait3A_570, %dma_wait3A_576] : memref<200x8x32x1024xf32, #tpu.memory_space<hbm>> -> memref<1x8x1x1024xf32, #tpu.memory_space<hbm>>
        %dma_wait3A_578 = tpu.memref_squeeze %dma_wait3A_577 : memref<1x8x1x1024xf32, #tpu.memory_space<hbm>> -> memref<8x1024xf32, #tpu.memory_space<hbm>>
        %dma_wait3A_579 = arith.constant 0 : i32
        %dma_wait3A_580 = arith.constant 0 : i32
        %dma_wait3A_581 = tpu.memref_slice %arg5[%dma_wait3A_569, %dma_wait3A_579, %dma_wait3A_570, %dma_wait3A_580] : memref<200x8x32x1024xf32, #tpu.memory_space<hbm>> -> memref<1x8x1x1024xf32, #tpu.memory_space<hbm>>
        %dma_wait3A_582 = tpu.memref_squeeze %dma_wait3A_581 : memref<1x8x1x1024xf32, #tpu.memory_space<hbm>> -> memref<8x1024xf32, #tpu.memory_space<hbm>>
        %dma_wait3A_583 = arith.constant 0 : i32
        %dma_wait3A_584 = arith.constant 0 : i32
        %dma_wait3A_585 = tpu.memref_slice %arg9[%dma_wait3A_568, %dma_wait3A_583, %dma_wait3A_584] : memref<4x8x1024xf32, #tpu.memory_space<vmem>> -> memref<1x8x1024xf32, #tpu.memory_space<vmem>>
        %dma_wait3A_586 = tpu.memref_squeeze %dma_wait3A_585 : memref<1x8x1024xf32, #tpu.memory_space<vmem>> -> memref<8x1024xf32, #tpu.memory_space<vmem>>
        tpu.wait_dma2 semaphore(%arg17 : memref<!tpu.dma_semaphore, #tpu.memory_space<semaphore_mem>>) src(%dma_wait3A_586 : memref<8x1024xf32, #tpu.memory_space<vmem>>) dst(%dma_wait3A_582 : memref<8x1024xf32, #tpu.memory_space<hbm>>)
      } else {
      }
      %add3A_539 = arith.addi %mul3A_2, %add3A_514 : i32
      %shift_right_arithmetic3A_540 = arith.constant 5 : i32
      %shift_right_arithmetic3A_541 = arith.shrsi %add3A_539, %shift_right_arithmetic3A_540 : i32
      %and3A_542 = arith.constant 31 : i32
      %and3A_543 = arith.andi %add3A_539, %and3A_542 : i32
      %broadcast_in_dim3A_544 = vector.broadcast %shift_right_arithmetic3A_541 : i32 to vector<16xi32>
      %scan3A_545 = arith.constant 0 : i32
      %scan3A_546 = arith.constant 0 : i32
      %scan3A_547 = arith.constant 4 : i32
      %scan3A_548 = arith.addi %scan3A_546, %scan3A_547 : i32
      %scan3A_549 = arith.constant 1 : i32
      scf.for %scan3A_568 = %scan3A_546 to %scan3A_548 step %scan3A_549  : i32 {
        %shift_left3A = arith.constant 4 : i32
        %shift_left3A_569 = arith.shli %scan3A_568, %shift_left3A : i32
        %add3A_570 = vector.broadcast %shift_left3A_569 : i32 to vector<16xi32>
        %add3A_571 = arith.addi %and3A_7, %add3A_570 : vector<16xi32>
        %add3A_572 = vector.broadcast %shift_left3A_569 : i32 to vector<16xi32>
        %add3A_573 = arith.addi %and3A_13, %add3A_572 : vector<16xi32>
        %add3A_574 = vector.broadcast %shift_left3A_569 : i32 to vector<16xi32>
        %add3A_575 = arith.addi %and3A_19, %add3A_574 : vector<16xi32>
        %add3A_576 = vector.broadcast %shift_left3A_569 : i32 to vector<16xi32>
        %add3A_577 = arith.addi %and3A_25, %add3A_576 : vector<16xi32>
        %add3A_578 = vector.broadcast %shift_left3A_569 : i32 to vector<16xi32>
        %add3A_579 = arith.addi %and3A_31, %add3A_578 : vector<16xi32>
        %add3A_580 = vector.broadcast %shift_left3A_569 : i32 to vector<16xi32>
        %add3A_581 = arith.addi %and3A_37, %add3A_580 : vector<16xi32>
        %add3A_582 = vector.broadcast %shift_left3A_569 : i32 to vector<16xi32>
        %add3A_583 = arith.addi %and3A_43, %add3A_582 : vector<16xi32>
        %add3A_584 = vector.broadcast %shift_left3A_569 : i32 to vector<16xi32>
        %add3A_585 = arith.addi %and3A_49, %add3A_584 : vector<16xi32>
        %add3A_586 = vector.broadcast %shift_left3A_569 : i32 to vector<16xi32>
        %add3A_587 = arith.addi %and3A_55, %add3A_586 : vector<16xi32>
        %add3A_588 = vector.broadcast %shift_left3A_569 : i32 to vector<16xi32>
        %add3A_589 = arith.addi %and3A_61, %add3A_588 : vector<16xi32>
        %add3A_590 = vector.broadcast %shift_left3A_569 : i32 to vector<16xi32>
        %add3A_591 = arith.addi %and3A_67, %add3A_590 : vector<16xi32>
        %add3A_592 = vector.broadcast %shift_left3A_569 : i32 to vector<16xi32>
        %add3A_593 = arith.addi %and3A_73, %add3A_592 : vector<16xi32>
        %add3A_594 = vector.broadcast %shift_left3A_569 : i32 to vector<16xi32>
        %add3A_595 = arith.addi %and3A_79, %add3A_594 : vector<16xi32>
        %add3A_596 = vector.broadcast %shift_left3A_569 : i32 to vector<16xi32>
        %add3A_597 = arith.addi %and3A_85, %add3A_596 : vector<16xi32>
        %add3A_598 = vector.broadcast %shift_left3A_569 : i32 to vector<16xi32>
        %add3A_599 = arith.addi %and3A_91, %add3A_598 : vector<16xi32>
        %add3A_600 = vector.broadcast %shift_left3A_569 : i32 to vector<16xi32>
        %add3A_601 = arith.addi %and3A_97, %add3A_600 : vector<16xi32>
        %gather3A = tpu.vector_load_idx %arg7[%broadcast_in_dim3A_544, %add3A_571] : memref<200x64xf32, #tpu.memory_space<vmem>>[vector<16xi32>, vector<16xi32>], vector<16xf32>,
        %gather3A_602 = tpu.vector_load_idx %arg7[%broadcast_in_dim3A_544, %add3A_573] : memref<200x64xf32, #tpu.memory_space<vmem>>[vector<16xi32>, vector<16xi32>], vector<16xf32>,
        %gather3A_603 = tpu.vector_load_idx %arg7[%broadcast_in_dim3A_544, %add3A_575] : memref<200x64xf32, #tpu.memory_space<vmem>>[vector<16xi32>, vector<16xi32>], vector<16xf32>,
        %gather3A_604 = tpu.vector_load_idx %arg7[%broadcast_in_dim3A_544, %add3A_577] : memref<200x64xf32, #tpu.memory_space<vmem>>[vector<16xi32>, vector<16xi32>], vector<16xf32>,
        %gather3A_605 = tpu.vector_load_idx %arg7[%broadcast_in_dim3A_544, %add3A_579] : memref<200x64xf32, #tpu.memory_space<vmem>>[vector<16xi32>, vector<16xi32>], vector<16xf32>,
        %gather3A_606 = tpu.vector_load_idx %arg7[%broadcast_in_dim3A_544, %add3A_581] : memref<200x64xf32, #tpu.memory_space<vmem>>[vector<16xi32>, vector<16xi32>], vector<16xf32>,
        %gather3A_607 = tpu.vector_load_idx %arg7[%broadcast_in_dim3A_544, %add3A_583] : memref<200x64xf32, #tpu.memory_space<vmem>>[vector<16xi32>, vector<16xi32>], vector<16xf32>,
        %gather3A_608 = tpu.vector_load_idx %arg7[%broadcast_in_dim3A_544, %add3A_585] : memref<200x64xf32, #tpu.memory_space<vmem>>[vector<16xi32>, vector<16xi32>], vector<16xf32>,
        %gather3A_609 = tpu.vector_load_idx %arg7[%broadcast_in_dim3A_544, %add3A_587] : memref<200x64xf32, #tpu.memory_space<vmem>>[vector<16xi32>, vector<16xi32>], vector<16xf32>,
        %gather3A_610 = tpu.vector_load_idx %arg7[%broadcast_in_dim3A_544, %add3A_589] : memref<200x64xf32, #tpu.memory_space<vmem>>[vector<16xi32>, vector<16xi32>], vector<16xf32>,
        %gather3A_611 = tpu.vector_load_idx %arg7[%broadcast_in_dim3A_544, %add3A_591] : memref<200x64xf32, #tpu.memory_space<vmem>>[vector<16xi32>, vector<16xi32>], vector<16xf32>,
        %gather3A_612 = tpu.vector_load_idx %arg7[%broadcast_in_dim3A_544, %add3A_593] : memref<200x64xf32, #tpu.memory_space<vmem>>[vector<16xi32>, vector<16xi32>], vector<16xf32>,
        %gather3A_613 = tpu.vector_load_idx %arg7[%broadcast_in_dim3A_544, %add3A_595] : memref<200x64xf32, #tpu.memory_space<vmem>>[vector<16xi32>, vector<16xi32>], vector<16xf32>,
        %gather3A_614 = tpu.vector_load_idx %arg7[%broadcast_in_dim3A_544, %add3A_597] : memref<200x64xf32, #tpu.memory_space<vmem>>[vector<16xi32>, vector<16xi32>], vector<16xf32>,
        %gather3A_615 = tpu.vector_load_idx %arg7[%broadcast_in_dim3A_544, %add3A_599] : memref<200x64xf32, #tpu.memory_space<vmem>>[vector<16xi32>, vector<16xi32>], vector<16xf32>,
        %gather3A_616 = tpu.vector_load_idx %arg7[%broadcast_in_dim3A_544, %add3A_601] : memref<200x64xf32, #tpu.memory_space<vmem>>[vector<16xi32>, vector<16xi32>], vector<16xf32>,
        %shift_left3A_617 = arith.constant 1 : i32
        %shift_left3A_618 = arith.shli %scan3A_568, %shift_left3A_617 : i32
        %scan3A_619 = arith.constant 0 : i32
        %scan3A_620 = arith.constant 0 : i32
        %scan3A_621 = arith.constant 8 : i32
        %scan3A_622 = arith.addi %scan3A_620, %scan3A_621 : i32
        %scan3A_623 = arith.constant 1 : i32
        scf.for %scan3A_625 = %scan3A_620 to %scan3A_622 step %scan3A_623  : i32 {
          %shift_left3A_626 = arith.constant 4 : i32
          %shift_left3A_627 = arith.shli %scan3A_625, %shift_left3A_626 : i32
          %add3A_628 = vector.broadcast %shift_left3A_627 : i32 to vector<16xi32>
          %add3A_629 = arith.addi %iota3A, %add3A_628 : vector<16xi32>
          %gather3A_630 = arith.constant 3 : i32
          %gather3A_631 = arith.constant 0 : i32
          %gather3A_632 = arith.constant 0 : i32
          %gather3A_633 = tpu.memref_slice %arg8[%gather3A_630, %gather3A_631, %gather3A_632] : memref<4x128x64xf32, #tpu.memory_space<vmem>> -> memref<1x128x64xf32, #tpu.memory_space<vmem>>
          %gather3A_634 = tpu.memref_squeeze %gather3A_633 : memref<1x128x64xf32, #tpu.memory_space<vmem>> -> memref<128x64xf32, #tpu.memory_space<vmem>>
          %gather3A_635 = tpu.vector_load_idx %gather3A_634[%add3A_629, %add3A_571] : memref<128x64xf32, #tpu.memory_space<vmem>>[vector<16xi32>, vector<16xi32>], vector<16xf32>,
          %add3A_636 = vector.broadcast %shift_left3A_618 : i32 to vector<16xi32>
          %add3A_637 = arith.addi %shift_right_arithmetic3A_99, %add3A_636 : vector<16xi32>
          %add3A_638 = arith.addi %mul3A_150, %add3A_629 : vector<16xi32>
          %add3A_639 = arith.addf %gather3A_635, %gather3A : vector<16xf32>
          %scatter3A = arith.constant 3 : i32
          %scatter3A_640 = arith.constant 0 : i32
          %scatter3A_641 = arith.constant 0 : i32
          %scatter3A_642 = tpu.memref_slice %arg9[%scatter3A, %scatter3A_640, %scatter3A_641] : memref<4x8x1024xf32, #tpu.memory_space<vmem>> -> memref<1x8x1024xf32, #tpu.memory_space<vmem>>
          %scatter3A_643 = tpu.memref_squeeze %scatter3A_642 : memref<1x8x1024xf32, #tpu.memory_space<vmem>> -> memref<8x1024xf32, #tpu.memory_space<vmem>>
          tpu.vector_store_idx %scatter3A_643[%add3A_637, %add3A_638], %add3A_639 : memref<8x1024xf32, #tpu.memory_space<vmem>>[vector<16xi32>, vector<16xi32>], vector<16xf32>,
          %gather3A_644 = arith.constant 3 : i32
          %gather3A_645 = arith.constant 0 : i32
          %gather3A_646 = arith.constant 0 : i32
          %gather3A_647 = tpu.memref_slice %arg8[%gather3A_644, %gather3A_645, %gather3A_646] : memref<4x128x64xf32, #tpu.memory_space<vmem>> -> memref<1x128x64xf32, #tpu.memory_space<vmem>>
          %gather3A_648 = tpu.memref_squeeze %gather3A_647 : memref<1x128x64xf32, #tpu.memory_space<vmem>> -> memref<128x64xf32, #tpu.memory_space<vmem>>
          %gather3A_649 = tpu.vector_load_idx %gather3A_648[%add3A_629, %add3A_573] : memref<128x64xf32, #tpu.memory_space<vmem>>[vector<16xi32>, vector<16xi32>], vector<16xf32>,
          %add3A_650 = vector.broadcast %shift_left3A_618 : i32 to vector<16xi32>
          %add3A_651 = arith.addi %shift_right_arithmetic3A_102, %add3A_650 : vector<16xi32>
          %add3A_652 = arith.addi %mul3A_156, %add3A_629 : vector<16xi32>
          %add3A_653 = arith.addf %gather3A_649, %gather3A_602 : vector<16xf32>
          %scatter3A_654 = arith.constant 3 : i32
          %scatter3A_655 = arith.constant 0 : i32
          %scatter3A_656 = arith.constant 0 : i32
          %scatter3A_657 = tpu.memref_slice %arg9[%scatter3A_654, %scatter3A_655, %scatter3A_656] : memref<4x8x1024xf32, #tpu.memory_space<vmem>> -> memref<1x8x1024xf32, #tpu.memory_space<vmem>>
          %scatter3A_658 = tpu.memref_squeeze %scatter3A_657 : memref<1x8x1024xf32, #tpu.memory_space<vmem>> -> memref<8x1024xf32, #tpu.memory_space<vmem>>
          tpu.vector_store_idx %scatter3A_658[%add3A_651, %add3A_652], %add3A_653 : memref<8x1024xf32, #tpu.memory_space<vmem>>[vector<16xi32>, vector<16xi32>], vector<16xf32>,
          %gather3A_659 = arith.constant 3 : i32
          %gather3A_660 = arith.constant 0 : i32
          %gather3A_661 = arith.constant 0 : i32
          %gather3A_662 = tpu.memref_slice %arg8[%gather3A_659, %gather3A_660, %gather3A_661] : memref<4x128x64xf32, #tpu.memory_space<vmem>> -> memref<1x128x64xf32, #tpu.memory_space<vmem>>
          %gather3A_663 = tpu.memref_squeeze %gather3A_662 : memref<1x128x64xf32, #tpu.memory_space<vmem>> -> memref<128x64xf32, #tpu.memory_space<vmem>>
          %gather3A_664 = tpu.vector_load_idx %gather3A_663[%add3A_629, %add3A_575] : memref<128x64xf32, #tpu.memory_space<vmem>>[vector<16xi32>, vector<16xi32>], vector<16xf32>,
          %add3A_665 = vector.broadcast %shift_left3A_618 : i32 to vector<16xi32>
          %add3A_666 = arith.addi %shift_right_arithmetic3A_105, %add3A_665 : vector<16xi32>
          %add3A_667 = arith.addi %mul3A_162, %add3A_629 : vector<16xi32>
          %add3A_668 = arith.addf %gather3A_664, %gather3A_603 : vector<16xf32>
          %scatter3A_669 = arith.constant 3 : i32
          %scatter3A_670 = arith.constant 0 : i32
          %scatter3A_671 = arith.constant 0 : i32
          %scatter3A_672 = tpu.memref_slice %arg9[%scatter3A_669, %scatter3A_670, %scatter3A_671] : memref<4x8x1024xf32, #tpu.memory_space<vmem>> -> memref<1x8x1024xf32, #tpu.memory_space<vmem>>
          %scatter3A_673 = tpu.memref_squeeze %scatter3A_672 : memref<1x8x1024xf32, #tpu.memory_space<vmem>> -> memref<8x1024xf32, #tpu.memory_space<vmem>>
          tpu.vector_store_idx %scatter3A_673[%add3A_666, %add3A_667], %add3A_668 : memref<8x1024xf32, #tpu.memory_space<vmem>>[vector<16xi32>, vector<16xi32>], vector<16xf32>,
          %gather3A_674 = arith.constant 3 : i32
          %gather3A_675 = arith.constant 0 : i32
          %gather3A_676 = arith.constant 0 : i32
          %gather3A_677 = tpu.memref_slice %arg8[%gather3A_674, %gather3A_675, %gather3A_676] : memref<4x128x64xf32, #tpu.memory_space<vmem>> -> memref<1x128x64xf32, #tpu.memory_space<vmem>>
          %gather3A_678 = tpu.memref_squeeze %gather3A_677 : memref<1x128x64xf32, #tpu.memory_space<vmem>> -> memref<128x64xf32, #tpu.memory_space<vmem>>
          %gather3A_679 = tpu.vector_load_idx %gather3A_678[%add3A_629, %add3A_577] : memref<128x64xf32, #tpu.memory_space<vmem>>[vector<16xi32>, vector<16xi32>], vector<16xf32>,
          %add3A_680 = vector.broadcast %shift_left3A_618 : i32 to vector<16xi32>
          %add3A_681 = arith.addi %shift_right_arithmetic3A_108, %add3A_680 : vector<16xi32>
          %add3A_682 = arith.addi %mul3A_168, %add3A_629 : vector<16xi32>
          %add3A_683 = arith.addf %gather3A_679, %gather3A_604 : vector<16xf32>
          %scatter3A_684 = arith.constant 3 : i32
          %scatter3A_685 = arith.constant 0 : i32
          %scatter3A_686 = arith.constant 0 : i32
          %scatter3A_687 = tpu.memref_slice %arg9[%scatter3A_684, %scatter3A_685, %scatter3A_686] : memref<4x8x1024xf32, #tpu.memory_space<vmem>> -> memref<1x8x1024xf32, #tpu.memory_space<vmem>>
          %scatter3A_688 = tpu.memref_squeeze %scatter3A_687 : memref<1x8x1024xf32, #tpu.memory_space<vmem>> -> memref<8x1024xf32, #tpu.memory_space<vmem>>
          tpu.vector_store_idx %scatter3A_688[%add3A_681, %add3A_682], %add3A_683 : memref<8x1024xf32, #tpu.memory_space<vmem>>[vector<16xi32>, vector<16xi32>], vector<16xf32>,
          %gather3A_689 = arith.constant 3 : i32
          %gather3A_690 = arith.constant 0 : i32
          %gather3A_691 = arith.constant 0 : i32
          %gather3A_692 = tpu.memref_slice %arg8[%gather3A_689, %gather3A_690, %gather3A_691] : memref<4x128x64xf32, #tpu.memory_space<vmem>> -> memref<1x128x64xf32, #tpu.memory_space<vmem>>
          %gather3A_693 = tpu.memref_squeeze %gather3A_692 : memref<1x128x64xf32, #tpu.memory_space<vmem>> -> memref<128x64xf32, #tpu.memory_space<vmem>>
          %gather3A_694 = tpu.vector_load_idx %gather3A_693[%add3A_629, %add3A_579] : memref<128x64xf32, #tpu.memory_space<vmem>>[vector<16xi32>, vector<16xi32>], vector<16xf32>,
          %add3A_695 = vector.broadcast %shift_left3A_618 : i32 to vector<16xi32>
          %add3A_696 = arith.addi %shift_right_arithmetic3A_111, %add3A_695 : vector<16xi32>
          %add3A_697 = arith.addi %mul3A_174, %add3A_629 : vector<16xi32>
          %add3A_698 = arith.addf %gather3A_694, %gather3A_605 : vector<16xf32>
          %scatter3A_699 = arith.constant 3 : i32
          %scatter3A_700 = arith.constant 0 : i32
          %scatter3A_701 = arith.constant 0 : i32
          %scatter3A_702 = tpu.memref_slice %arg9[%scatter3A_699, %scatter3A_700, %scatter3A_701] : memref<4x8x1024xf32, #tpu.memory_space<vmem>> -> memref<1x8x1024xf32, #tpu.memory_space<vmem>>
          %scatter3A_703 = tpu.memref_squeeze %scatter3A_702 : memref<1x8x1024xf32, #tpu.memory_space<vmem>> -> memref<8x1024xf32, #tpu.memory_space<vmem>>
          tpu.vector_store_idx %scatter3A_703[%add3A_696, %add3A_697], %add3A_698 : memref<8x1024xf32, #tpu.memory_space<vmem>>[vector<16xi32>, vector<16xi32>], vector<16xf32>,
          %gather3A_704 = arith.constant 3 : i32
          %gather3A_705 = arith.constant 0 : i32
          %gather3A_706 = arith.constant 0 : i32
          %gather3A_707 = tpu.memref_slice %arg8[%gather3A_704, %gather3A_705, %gather3A_706] : memref<4x128x64xf32, #tpu.memory_space<vmem>> -> memref<1x128x64xf32, #tpu.memory_space<vmem>>
          %gather3A_708 = tpu.memref_squeeze %gather3A_707 : memref<1x128x64xf32, #tpu.memory_space<vmem>> -> memref<128x64xf32, #tpu.memory_space<vmem>>
          %gather3A_709 = tpu.vector_load_idx %gather3A_708[%add3A_629, %add3A_581] : memref<128x64xf32, #tpu.memory_space<vmem>>[vector<16xi32>, vector<16xi32>], vector<16xf32>,
          %add3A_710 = vector.broadcast %shift_left3A_618 : i32 to vector<16xi32>
          %add3A_711 = arith.addi %shift_right_arithmetic3A_114, %add3A_710 : vector<16xi32>
          %add3A_712 = arith.addi %mul3A_180, %add3A_629 : vector<16xi32>
          %add3A_713 = arith.addf %gather3A_709, %gather3A_606 : vector<16xf32>
          %scatter3A_714 = arith.constant 3 : i32
          %scatter3A_715 = arith.constant 0 : i32
          %scatter3A_716 = arith.constant 0 : i32
          %scatter3A_717 = tpu.memref_slice %arg9[%scatter3A_714, %scatter3A_715, %scatter3A_716] : memref<4x8x1024xf32, #tpu.memory_space<vmem>> -> memref<1x8x1024xf32, #tpu.memory_space<vmem>>
          %scatter3A_718 = tpu.memref_squeeze %scatter3A_717 : memref<1x8x1024xf32, #tpu.memory_space<vmem>> -> memref<8x1024xf32, #tpu.memory_space<vmem>>
          tpu.vector_store_idx %scatter3A_718[%add3A_711, %add3A_712], %add3A_713 : memref<8x1024xf32, #tpu.memory_space<vmem>>[vector<16xi32>, vector<16xi32>], vector<16xf32>,
          %gather3A_719 = arith.constant 3 : i32
          %gather3A_720 = arith.constant 0 : i32
          %gather3A_721 = arith.constant 0 : i32
          %gather3A_722 = tpu.memref_slice %arg8[%gather3A_719, %gather3A_720, %gather3A_721] : memref<4x128x64xf32, #tpu.memory_space<vmem>> -> memref<1x128x64xf32, #tpu.memory_space<vmem>>
          %gather3A_723 = tpu.memref_squeeze %gather3A_722 : memref<1x128x64xf32, #tpu.memory_space<vmem>> -> memref<128x64xf32, #tpu.memory_space<vmem>>
          %gather3A_724 = tpu.vector_load_idx %gather3A_723[%add3A_629, %add3A_583] : memref<128x64xf32, #tpu.memory_space<vmem>>[vector<16xi32>, vector<16xi32>], vector<16xf32>,
          %add3A_725 = vector.broadcast %shift_left3A_618 : i32 to vector<16xi32>
          %add3A_726 = arith.addi %shift_right_arithmetic3A_117, %add3A_725 : vector<16xi32>
          %add3A_727 = arith.addi %mul3A_186, %add3A_629 : vector<16xi32>
          %add3A_728 = arith.addf %gather3A_724, %gather3A_607 : vector<16xf32>
          %scatter3A_729 = arith.constant 3 : i32
          %scatter3A_730 = arith.constant 0 : i32
          %scatter3A_731 = arith.constant 0 : i32
          %scatter3A_732 = tpu.memref_slice %arg9[%scatter3A_729, %scatter3A_730, %scatter3A_731] : memref<4x8x1024xf32, #tpu.memory_space<vmem>> -> memref<1x8x1024xf32, #tpu.memory_space<vmem>>
          %scatter3A_733 = tpu.memref_squeeze %scatter3A_732 : memref<1x8x1024xf32, #tpu.memory_space<vmem>> -> memref<8x1024xf32, #tpu.memory_space<vmem>>
          tpu.vector_store_idx %scatter3A_733[%add3A_726, %add3A_727], %add3A_728 : memref<8x1024xf32, #tpu.memory_space<vmem>>[vector<16xi32>, vector<16xi32>], vector<16xf32>,
          %gather3A_734 = arith.constant 3 : i32
          %gather3A_735 = arith.constant 0 : i32
          %gather3A_736 = arith.constant 0 : i32
          %gather3A_737 = tpu.memref_slice %arg8[%gather3A_734, %gather3A_735, %gather3A_736] : memref<4x128x64xf32, #tpu.memory_space<vmem>> -> memref<1x128x64xf32, #tpu.memory_space<vmem>>
          %gather3A_738 = tpu.memref_squeeze %gather3A_737 : memref<1x128x64xf32, #tpu.memory_space<vmem>> -> memref<128x64xf32, #tpu.memory_space<vmem>>
          %gather3A_739 = tpu.vector_load_idx %gather3A_738[%add3A_629, %add3A_585] : memref<128x64xf32, #tpu.memory_space<vmem>>[vector<16xi32>, vector<16xi32>], vector<16xf32>,
          %add3A_740 = vector.broadcast %shift_left3A_618 : i32 to vector<16xi32>
          %add3A_741 = arith.addi %shift_right_arithmetic3A_120, %add3A_740 : vector<16xi32>
          %add3A_742 = arith.addi %mul3A_192, %add3A_629 : vector<16xi32>
          %add3A_743 = arith.addf %gather3A_739, %gather3A_608 : vector<16xf32>
          %scatter3A_744 = arith.constant 3 : i32
          %scatter3A_745 = arith.constant 0 : i32
          %scatter3A_746 = arith.constant 0 : i32
          %scatter3A_747 = tpu.memref_slice %arg9[%scatter3A_744, %scatter3A_745, %scatter3A_746] : memref<4x8x1024xf32, #tpu.memory_space<vmem>> -> memref<1x8x1024xf32, #tpu.memory_space<vmem>>
          %scatter3A_748 = tpu.memref_squeeze %scatter3A_747 : memref<1x8x1024xf32, #tpu.memory_space<vmem>> -> memref<8x1024xf32, #tpu.memory_space<vmem>>
          tpu.vector_store_idx %scatter3A_748[%add3A_741, %add3A_742], %add3A_743 : memref<8x1024xf32, #tpu.memory_space<vmem>>[vector<16xi32>, vector<16xi32>], vector<16xf32>,
          %gather3A_749 = arith.constant 3 : i32
          %gather3A_750 = arith.constant 0 : i32
          %gather3A_751 = arith.constant 0 : i32
          %gather3A_752 = tpu.memref_slice %arg8[%gather3A_749, %gather3A_750, %gather3A_751] : memref<4x128x64xf32, #tpu.memory_space<vmem>> -> memref<1x128x64xf32, #tpu.memory_space<vmem>>
          %gather3A_753 = tpu.memref_squeeze %gather3A_752 : memref<1x128x64xf32, #tpu.memory_space<vmem>> -> memref<128x64xf32, #tpu.memory_space<vmem>>
          %gather3A_754 = tpu.vector_load_idx %gather3A_753[%add3A_629, %add3A_587] : memref<128x64xf32, #tpu.memory_space<vmem>>[vector<16xi32>, vector<16xi32>], vector<16xf32>,
          %add3A_755 = vector.broadcast %shift_left3A_618 : i32 to vector<16xi32>
          %add3A_756 = arith.addi %shift_right_arithmetic3A_123, %add3A_755 : vector<16xi32>
          %add3A_757 = arith.addi %mul3A_198, %add3A_629 : vector<16xi32>
          %add3A_758 = arith.addf %gather3A_754, %gather3A_609 : vector<16xf32>
          %scatter3A_759 = arith.constant 3 : i32
          %scatter3A_760 = arith.constant 0 : i32
          %scatter3A_761 = arith.constant 0 : i32
          %scatter3A_762 = tpu.memref_slice %arg9[%scatter3A_759, %scatter3A_760, %scatter3A_761] : memref<4x8x1024xf32, #tpu.memory_space<vmem>> -> memref<1x8x1024xf32, #tpu.memory_space<vmem>>
          %scatter3A_763 = tpu.memref_squeeze %scatter3A_762 : memref<1x8x1024xf32, #tpu.memory_space<vmem>> -> memref<8x1024xf32, #tpu.memory_space<vmem>>
          tpu.vector_store_idx %scatter3A_763[%add3A_756, %add3A_757], %add3A_758 : memref<8x1024xf32, #tpu.memory_space<vmem>>[vector<16xi32>, vector<16xi32>], vector<16xf32>,
          %gather3A_764 = arith.constant 3 : i32
          %gather3A_765 = arith.constant 0 : i32
          %gather3A_766 = arith.constant 0 : i32
          %gather3A_767 = tpu.memref_slice %arg8[%gather3A_764, %gather3A_765, %gather3A_766] : memref<4x128x64xf32, #tpu.memory_space<vmem>> -> memref<1x128x64xf32, #tpu.memory_space<vmem>>
          %gather3A_768 = tpu.memref_squeeze %gather3A_767 : memref<1x128x64xf32, #tpu.memory_space<vmem>> -> memref<128x64xf32, #tpu.memory_space<vmem>>
          %gather3A_769 = tpu.vector_load_idx %gather3A_768[%add3A_629, %add3A_589] : memref<128x64xf32, #tpu.memory_space<vmem>>[vector<16xi32>, vector<16xi32>], vector<16xf32>,
          %add3A_770 = vector.broadcast %shift_left3A_618 : i32 to vector<16xi32>
          %add3A_771 = arith.addi %shift_right_arithmetic3A_126, %add3A_770 : vector<16xi32>
          %add3A_772 = arith.addi %mul3A_204, %add3A_629 : vector<16xi32>
          %add3A_773 = arith.addf %gather3A_769, %gather3A_610 : vector<16xf32>
          %scatter3A_774 = arith.constant 3 : i32
          %scatter3A_775 = arith.constant 0 : i32
          %scatter3A_776 = arith.constant 0 : i32
          %scatter3A_777 = tpu.memref_slice %arg9[%scatter3A_774, %scatter3A_775, %scatter3A_776] : memref<4x8x1024xf32, #tpu.memory_space<vmem>> -> memref<1x8x1024xf32, #tpu.memory_space<vmem>>
          %scatter3A_778 = tpu.memref_squeeze %scatter3A_777 : memref<1x8x1024xf32, #tpu.memory_space<vmem>> -> memref<8x1024xf32, #tpu.memory_space<vmem>>
          tpu.vector_store_idx %scatter3A_778[%add3A_771, %add3A_772], %add3A_773 : memref<8x1024xf32, #tpu.memory_space<vmem>>[vector<16xi32>, vector<16xi32>], vector<16xf32>,
          %gather3A_779 = arith.constant 3 : i32
          %gather3A_780 = arith.constant 0 : i32
          %gather3A_781 = arith.constant 0 : i32
          %gather3A_782 = tpu.memref_slice %arg8[%gather3A_779, %gather3A_780, %gather3A_781] : memref<4x128x64xf32, #tpu.memory_space<vmem>> -> memref<1x128x64xf32, #tpu.memory_space<vmem>>
          %gather3A_783 = tpu.memref_squeeze %gather3A_782 : memref<1x128x64xf32, #tpu.memory_space<vmem>> -> memref<128x64xf32, #tpu.memory_space<vmem>>
          %gather3A_784 = tpu.vector_load_idx %gather3A_783[%add3A_629, %add3A_591] : memref<128x64xf32, #tpu.memory_space<vmem>>[vector<16xi32>, vector<16xi32>], vector<16xf32>,
          %add3A_785 = vector.broadcast %shift_left3A_618 : i32 to vector<16xi32>
          %add3A_786 = arith.addi %shift_right_arithmetic3A_129, %add3A_785 : vector<16xi32>
          %add3A_787 = arith.addi %mul3A_210, %add3A_629 : vector<16xi32>
          %add3A_788 = arith.addf %gather3A_784, %gather3A_611 : vector<16xf32>
          %scatter3A_789 = arith.constant 3 : i32
          %scatter3A_790 = arith.constant 0 : i32
          %scatter3A_791 = arith.constant 0 : i32
          %scatter3A_792 = tpu.memref_slice %arg9[%scatter3A_789, %scatter3A_790, %scatter3A_791] : memref<4x8x1024xf32, #tpu.memory_space<vmem>> -> memref<1x8x1024xf32, #tpu.memory_space<vmem>>
          %scatter3A_793 = tpu.memref_squeeze %scatter3A_792 : memref<1x8x1024xf32, #tpu.memory_space<vmem>> -> memref<8x1024xf32, #tpu.memory_space<vmem>>
          tpu.vector_store_idx %scatter3A_793[%add3A_786, %add3A_787], %add3A_788 : memref<8x1024xf32, #tpu.memory_space<vmem>>[vector<16xi32>, vector<16xi32>], vector<16xf32>,
          %gather3A_794 = arith.constant 3 : i32
          %gather3A_795 = arith.constant 0 : i32
          %gather3A_796 = arith.constant 0 : i32
          %gather3A_797 = tpu.memref_slice %arg8[%gather3A_794, %gather3A_795, %gather3A_796] : memref<4x128x64xf32, #tpu.memory_space<vmem>> -> memref<1x128x64xf32, #tpu.memory_space<vmem>>
          %gather3A_798 = tpu.memref_squeeze %gather3A_797 : memref<1x128x64xf32, #tpu.memory_space<vmem>> -> memref<128x64xf32, #tpu.memory_space<vmem>>
          %gather3A_799 = tpu.vector_load_idx %gather3A_798[%add3A_629, %add3A_593] : memref<128x64xf32, #tpu.memory_space<vmem>>[vector<16xi32>, vector<16xi32>], vector<16xf32>,
          %add3A_800 = vector.broadcast %shift_left3A_618 : i32 to vector<16xi32>
          %add3A_801 = arith.addi %shift_right_arithmetic3A_132, %add3A_800 : vector<16xi32>
          %add3A_802 = arith.addi %mul3A_216, %add3A_629 : vector<16xi32>
          %add3A_803 = arith.addf %gather3A_799, %gather3A_612 : vector<16xf32>
          %scatter3A_804 = arith.constant 3 : i32
          %scatter3A_805 = arith.constant 0 : i32
          %scatter3A_806 = arith.constant 0 : i32
          %scatter3A_807 = tpu.memref_slice %arg9[%scatter3A_804, %scatter3A_805, %scatter3A_806] : memref<4x8x1024xf32, #tpu.memory_space<vmem>> -> memref<1x8x1024xf32, #tpu.memory_space<vmem>>
          %scatter3A_808 = tpu.memref_squeeze %scatter3A_807 : memref<1x8x1024xf32, #tpu.memory_space<vmem>> -> memref<8x1024xf32, #tpu.memory_space<vmem>>
          tpu.vector_store_idx %scatter3A_808[%add3A_801, %add3A_802], %add3A_803 : memref<8x1024xf32, #tpu.memory_space<vmem>>[vector<16xi32>, vector<16xi32>], vector<16xf32>,
          %gather3A_809 = arith.constant 3 : i32
          %gather3A_810 = arith.constant 0 : i32
          %gather3A_811 = arith.constant 0 : i32
          %gather3A_812 = tpu.memref_slice %arg8[%gather3A_809, %gather3A_810, %gather3A_811] : memref<4x128x64xf32, #tpu.memory_space<vmem>> -> memref<1x128x64xf32, #tpu.memory_space<vmem>>
          %gather3A_813 = tpu.memref_squeeze %gather3A_812 : memref<1x128x64xf32, #tpu.memory_space<vmem>> -> memref<128x64xf32, #tpu.memory_space<vmem>>
          %gather3A_814 = tpu.vector_load_idx %gather3A_813[%add3A_629, %add3A_595] : memref<128x64xf32, #tpu.memory_space<vmem>>[vector<16xi32>, vector<16xi32>], vector<16xf32>,
          %add3A_815 = vector.broadcast %shift_left3A_618 : i32 to vector<16xi32>
          %add3A_816 = arith.addi %shift_right_arithmetic3A_135, %add3A_815 : vector<16xi32>
          %add3A_817 = arith.addi %mul3A_222, %add3A_629 : vector<16xi32>
          %add3A_818 = arith.addf %gather3A_814, %gather3A_613 : vector<16xf32>
          %scatter3A_819 = arith.constant 3 : i32
          %scatter3A_820 = arith.constant 0 : i32
          %scatter3A_821 = arith.constant 0 : i32
          %scatter3A_822 = tpu.memref_slice %arg9[%scatter3A_819, %scatter3A_820, %scatter3A_821] : memref<4x8x1024xf32, #tpu.memory_space<vmem>> -> memref<1x8x1024xf32, #tpu.memory_space<vmem>>
          %scatter3A_823 = tpu.memref_squeeze %scatter3A_822 : memref<1x8x1024xf32, #tpu.memory_space<vmem>> -> memref<8x1024xf32, #tpu.memory_space<vmem>>
          tpu.vector_store_idx %scatter3A_823[%add3A_816, %add3A_817], %add3A_818 : memref<8x1024xf32, #tpu.memory_space<vmem>>[vector<16xi32>, vector<16xi32>], vector<16xf32>,
          %gather3A_824 = arith.constant 3 : i32
          %gather3A_825 = arith.constant 0 : i32
          %gather3A_826 = arith.constant 0 : i32
          %gather3A_827 = tpu.memref_slice %arg8[%gather3A_824, %gather3A_825, %gather3A_826] : memref<4x128x64xf32, #tpu.memory_space<vmem>> -> memref<1x128x64xf32, #tpu.memory_space<vmem>>
          %gather3A_828 = tpu.memref_squeeze %gather3A_827 : memref<1x128x64xf32, #tpu.memory_space<vmem>> -> memref<128x64xf32, #tpu.memory_space<vmem>>
          %gather3A_829 = tpu.vector_load_idx %gather3A_828[%add3A_629, %add3A_597] : memref<128x64xf32, #tpu.memory_space<vmem>>[vector<16xi32>, vector<16xi32>], vector<16xf32>,
          %add3A_830 = vector.broadcast %shift_left3A_618 : i32 to vector<16xi32>
          %add3A_831 = arith.addi %shift_right_arithmetic3A_138, %add3A_830 : vector<16xi32>
          %add3A_832 = arith.addi %mul3A_228, %add3A_629 : vector<16xi32>
          %add3A_833 = arith.addf %gather3A_829, %gather3A_614 : vector<16xf32>
          %scatter3A_834 = arith.constant 3 : i32
          %scatter3A_835 = arith.constant 0 : i32
          %scatter3A_836 = arith.constant 0 : i32
          %scatter3A_837 = tpu.memref_slice %arg9[%scatter3A_834, %scatter3A_835, %scatter3A_836] : memref<4x8x1024xf32, #tpu.memory_space<vmem>> -> memref<1x8x1024xf32, #tpu.memory_space<vmem>>
          %scatter3A_838 = tpu.memref_squeeze %scatter3A_837 : memref<1x8x1024xf32, #tpu.memory_space<vmem>> -> memref<8x1024xf32, #tpu.memory_space<vmem>>
          tpu.vector_store_idx %scatter3A_838[%add3A_831, %add3A_832], %add3A_833 : memref<8x1024xf32, #tpu.memory_space<vmem>>[vector<16xi32>, vector<16xi32>], vector<16xf32>,
          %gather3A_839 = arith.constant 3 : i32
          %gather3A_840 = arith.constant 0 : i32
          %gather3A_841 = arith.constant 0 : i32
          %gather3A_842 = tpu.memref_slice %arg8[%gather3A_839, %gather3A_840, %gather3A_841] : memref<4x128x64xf32, #tpu.memory_space<vmem>> -> memref<1x128x64xf32, #tpu.memory_space<vmem>>
          %gather3A_843 = tpu.memref_squeeze %gather3A_842 : memref<1x128x64xf32, #tpu.memory_space<vmem>> -> memref<128x64xf32, #tpu.memory_space<vmem>>
          %gather3A_844 = tpu.vector_load_idx %gather3A_843[%add3A_629, %add3A_599] : memref<128x64xf32, #tpu.memory_space<vmem>>[vector<16xi32>, vector<16xi32>], vector<16xf32>,
          %add3A_845 = vector.broadcast %shift_left3A_618 : i32 to vector<16xi32>
          %add3A_846 = arith.addi %shift_right_arithmetic3A_141, %add3A_845 : vector<16xi32>
          %add3A_847 = arith.addi %mul3A_234, %add3A_629 : vector<16xi32>
          %add3A_848 = arith.addf %gather3A_844, %gather3A_615 : vector<16xf32>
          %scatter3A_849 = arith.constant 3 : i32
          %scatter3A_850 = arith.constant 0 : i32
          %scatter3A_851 = arith.constant 0 : i32
          %scatter3A_852 = tpu.memref_slice %arg9[%scatter3A_849, %scatter3A_850, %scatter3A_851] : memref<4x8x1024xf32, #tpu.memory_space<vmem>> -> memref<1x8x1024xf32, #tpu.memory_space<vmem>>
          %scatter3A_853 = tpu.memref_squeeze %scatter3A_852 : memref<1x8x1024xf32, #tpu.memory_space<vmem>> -> memref<8x1024xf32, #tpu.memory_space<vmem>>
          tpu.vector_store_idx %scatter3A_853[%add3A_846, %add3A_847], %add3A_848 : memref<8x1024xf32, #tpu.memory_space<vmem>>[vector<16xi32>, vector<16xi32>], vector<16xf32>,
          %gather3A_854 = arith.constant 3 : i32
          %gather3A_855 = arith.constant 0 : i32
          %gather3A_856 = arith.constant 0 : i32
          %gather3A_857 = tpu.memref_slice %arg8[%gather3A_854, %gather3A_855, %gather3A_856] : memref<4x128x64xf32, #tpu.memory_space<vmem>> -> memref<1x128x64xf32, #tpu.memory_space<vmem>>
          %gather3A_858 = tpu.memref_squeeze %gather3A_857 : memref<1x128x64xf32, #tpu.memory_space<vmem>> -> memref<128x64xf32, #tpu.memory_space<vmem>>
          %gather3A_859 = tpu.vector_load_idx %gather3A_858[%add3A_629, %add3A_601] : memref<128x64xf32, #tpu.memory_space<vmem>>[vector<16xi32>, vector<16xi32>], vector<16xf32>,
          %add3A_860 = vector.broadcast %shift_left3A_618 : i32 to vector<16xi32>
          %add3A_861 = arith.addi %shift_right_arithmetic3A_144, %add3A_860 : vector<16xi32>
          %add3A_862 = arith.addi %mul3A_240, %add3A_629 : vector<16xi32>
          %add3A_863 = arith.addf %gather3A_859, %gather3A_616 : vector<16xf32>
          %scatter3A_864 = arith.constant 3 : i32
          %scatter3A_865 = arith.constant 0 : i32
          %scatter3A_866 = arith.constant 0 : i32
          %scatter3A_867 = tpu.memref_slice %arg9[%scatter3A_864, %scatter3A_865, %scatter3A_866] : memref<4x8x1024xf32, #tpu.memory_space<vmem>> -> memref<1x8x1024xf32, #tpu.memory_space<vmem>>
          %scatter3A_868 = tpu.memref_squeeze %scatter3A_867 : memref<1x8x1024xf32, #tpu.memory_space<vmem>> -> memref<8x1024xf32, #tpu.memory_space<vmem>>
          tpu.vector_store_idx %scatter3A_868[%add3A_861, %add3A_862], %add3A_863 : memref<8x1024xf32, #tpu.memory_space<vmem>>[vector<16xi32>, vector<16xi32>], vector<16xf32>,
        }
        %scan3A_624 = arith.constant 8 : i32
      }
      %scan3A_550 = arith.constant 4 : i32
      %dma_start3A_551 = arith.constant 3 : i32
      %dma_start3A_552 = arith.constant 0 : i32
      %dma_start3A_553 = arith.constant 0 : i32
      %dma_start3A_554 = tpu.memref_slice %arg9[%dma_start3A_551, %dma_start3A_552, %dma_start3A_553] : memref<4x8x1024xf32, #tpu.memory_space<vmem>> -> memref<1x8x1024xf32, #tpu.memory_space<vmem>>
      %dma_start3A_555 = tpu.memref_squeeze %dma_start3A_554 : memref<1x8x1024xf32, #tpu.memory_space<vmem>> -> memref<8x1024xf32, #tpu.memory_space<vmem>>
      %dma_start3A_556 = arith.constant 0 : i32
      %dma_start3A_557 = arith.constant 0 : i32
      %dma_start3A_558 = tpu.memref_slice %arg5[%shift_right_arithmetic3A_541, %dma_start3A_556, %and3A_543, %dma_start3A_557] : memref<200x8x32x1024xf32, #tpu.memory_space<hbm>> -> memref<1x8x1x1024xf32, #tpu.memory_space<hbm>>
      %dma_start3A_559 = tpu.memref_squeeze %dma_start3A_558 : memref<1x8x1x1024xf32, #tpu.memory_space<hbm>> -> memref<8x1024xf32, #tpu.memory_space<hbm>>
      %dma_start3A_560 = arith.constant 0 : i32
      %dma_start3A_561 = arith.constant 0 : i32
      %dma_start3A_562 = tpu.memref_slice %arg5[%shift_right_arithmetic3A_541, %dma_start3A_560, %and3A_543, %dma_start3A_561] : memref<200x8x32x1024xf32, #tpu.memory_space<hbm>> -> memref<1x8x1x1024xf32, #tpu.memory_space<hbm>>
      %dma_start3A_563 = tpu.memref_squeeze %dma_start3A_562 : memref<1x8x1x1024xf32, #tpu.memory_space<hbm>> -> memref<8x1024xf32, #tpu.memory_space<hbm>>
      %dma_start3A_564 = arith.constant 0 : i32
      %dma_start3A_565 = arith.constant 0 : i32
      %dma_start3A_566 = tpu.memref_slice %arg9[%dma_start3A_551, %dma_start3A_564, %dma_start3A_565] : memref<4x8x1024xf32, #tpu.memory_space<vmem>> -> memref<1x8x1024xf32, #tpu.memory_space<vmem>>
      %dma_start3A_567 = tpu.memref_squeeze %dma_start3A_566 : memref<1x8x1024xf32, #tpu.memory_space<vmem>> -> memref<8x1024xf32, #tpu.memory_space<vmem>>
      tpu.enqueue_dma source(%dma_start3A_567 : memref<8x1024xf32, #tpu.memory_space<vmem>>) target(%dma_start3A_563 : memref<8x1024xf32, #tpu.memory_space<hbm>>) target_semaphore(%arg17 : memref<!tpu.dma_semaphore, #tpu.memory_space<semaphore_mem>>)
    }
    %scan3A_268 = arith.constant 50 : i32
    %dma_wait3A = arith.constant 0 : i32
    %dma_wait3A_269 = arith.constant 0 : i32
    %dma_wait3A_270 = arith.constant 0 : i32
    %dma_wait3A_271 = arith.constant 0 : i32
    %dma_wait3A_272 = arith.constant 0 : i32
    %dma_wait3A_273 = tpu.memref_slice %arg9[%dma_wait3A, %dma_wait3A_271, %dma_wait3A_272] : memref<4x8x1024xf32, #tpu.memory_space<vmem>> -> memref<1x8x1024xf32, #tpu.memory_space<vmem>>
    %dma_wait3A_274 = tpu.memref_squeeze %dma_wait3A_273 : memref<1x8x1024xf32, #tpu.memory_space<vmem>> -> memref<8x1024xf32, #tpu.memory_space<vmem>>
    %dma_wait3A_275 = arith.constant 0 : i32
    %dma_wait3A_276 = arith.constant 0 : i32
    %dma_wait3A_277 = tpu.memref_slice %arg5[%dma_wait3A_269, %dma_wait3A_275, %dma_wait3A_270, %dma_wait3A_276] : memref<200x8x32x1024xf32, #tpu.memory_space<hbm>> -> memref<1x8x1x1024xf32, #tpu.memory_space<hbm>>
    %dma_wait3A_278 = tpu.memref_squeeze %dma_wait3A_277 : memref<1x8x1x1024xf32, #tpu.memory_space<hbm>> -> memref<8x1024xf32, #tpu.memory_space<hbm>>
    %dma_wait3A_279 = arith.constant 0 : i32
    %dma_wait3A_280 = arith.constant 0 : i32
    %dma_wait3A_281 = tpu.memref_slice %arg5[%dma_wait3A_269, %dma_wait3A_279, %dma_wait3A_270, %dma_wait3A_280] : memref<200x8x32x1024xf32, #tpu.memory_space<hbm>> -> memref<1x8x1x1024xf32, #tpu.memory_space<hbm>>
    %dma_wait3A_282 = tpu.memref_squeeze %dma_wait3A_281 : memref<1x8x1x1024xf32, #tpu.memory_space<hbm>> -> memref<8x1024xf32, #tpu.memory_space<hbm>>
    %dma_wait3A_283 = arith.constant 0 : i32
    %dma_wait3A_284 = arith.constant 0 : i32
    %dma_wait3A_285 = tpu.memref_slice %arg9[%dma_wait3A, %dma_wait3A_283, %dma_wait3A_284] : memref<4x8x1024xf32, #tpu.memory_space<vmem>> -> memref<1x8x1024xf32, #tpu.memory_space<vmem>>
    %dma_wait3A_286 = tpu.memref_squeeze %dma_wait3A_285 : memref<1x8x1024xf32, #tpu.memory_space<vmem>> -> memref<8x1024xf32, #tpu.memory_space<vmem>>
    tpu.wait_dma2 semaphore(%arg14 : memref<!tpu.dma_semaphore, #tpu.memory_space<semaphore_mem>>) src(%dma_wait3A_286 : memref<8x1024xf32, #tpu.memory_space<vmem>>) dst(%dma_wait3A_282 : memref<8x1024xf32, #tpu.memory_space<hbm>>)
    %dma_wait3A_287 = arith.constant 1 : i32
    %dma_wait3A_288 = arith.constant 0 : i32
    %dma_wait3A_289 = arith.constant 0 : i32
    %dma_wait3A_290 = arith.constant 0 : i32
    %dma_wait3A_291 = arith.constant 0 : i32
    %dma_wait3A_292 = tpu.memref_slice %arg9[%dma_wait3A_287, %dma_wait3A_290, %dma_wait3A_291] : memref<4x8x1024xf32, #tpu.memory_space<vmem>> -> memref<1x8x1024xf32, #tpu.memory_space<vmem>>
    %dma_wait3A_293 = tpu.memref_squeeze %dma_wait3A_292 : memref<1x8x1024xf32, #tpu.memory_space<vmem>> -> memref<8x1024xf32, #tpu.memory_space<vmem>>
    %dma_wait3A_294 = arith.constant 0 : i32
    %dma_wait3A_295 = arith.constant 0 : i32
    %dma_wait3A_296 = tpu.memref_slice %arg5[%dma_wait3A_288, %dma_wait3A_294, %dma_wait3A_289, %dma_wait3A_295] : memref<200x8x32x1024xf32, #tpu.memory_space<hbm>> -> memref<1x8x1x1024xf32, #tpu.memory_space<hbm>>
    %dma_wait3A_297 = tpu.memref_squeeze %dma_wait3A_296 : memref<1x8x1x1024xf32, #tpu.memory_space<hbm>> -> memref<8x1024xf32, #tpu.memory_space<hbm>>
    %dma_wait3A_298 = arith.constant 0 : i32
    %dma_wait3A_299 = arith.constant 0 : i32
    %dma_wait3A_300 = tpu.memref_slice %arg5[%dma_wait3A_288, %dma_wait3A_298, %dma_wait3A_289, %dma_wait3A_299] : memref<200x8x32x1024xf32, #tpu.memory_space<hbm>> -> memref<1x8x1x1024xf32, #tpu.memory_space<hbm>>
    %dma_wait3A_301 = tpu.memref_squeeze %dma_wait3A_300 : memref<1x8x1x1024xf32, #tpu.memory_space<hbm>> -> memref<8x1024xf32, #tpu.memory_space<hbm>>
    %dma_wait3A_302 = arith.constant 0 : i32
    %dma_wait3A_303 = arith.constant 0 : i32
    %dma_wait3A_304 = tpu.memref_slice %arg9[%dma_wait3A_287, %dma_wait3A_302, %dma_wait3A_303] : memref<4x8x1024xf32, #tpu.memory_space<vmem>> -> memref<1x8x1024xf32, #tpu.memory_space<vmem>>
    %dma_wait3A_305 = tpu.memref_squeeze %dma_wait3A_304 : memref<1x8x1024xf32, #tpu.memory_space<vmem>> -> memref<8x1024xf32, #tpu.memory_space<vmem>>
    tpu.wait_dma2 semaphore(%arg15 : memref<!tpu.dma_semaphore, #tpu.memory_space<semaphore_mem>>) src(%dma_wait3A_305 : memref<8x1024xf32, #tpu.memory_space<vmem>>) dst(%dma_wait3A_301 : memref<8x1024xf32, #tpu.memory_space<hbm>>)
    %dma_wait3A_306 = arith.constant 2 : i32
    %dma_wait3A_307 = arith.constant 0 : i32
    %dma_wait3A_308 = arith.constant 0 : i32
    %dma_wait3A_309 = arith.constant 0 : i32
    %dma_wait3A_310 = arith.constant 0 : i32
    %dma_wait3A_311 = tpu.memref_slice %arg9[%dma_wait3A_306, %dma_wait3A_309, %dma_wait3A_310] : memref<4x8x1024xf32, #tpu.memory_space<vmem>> -> memref<1x8x1024xf32, #tpu.memory_space<vmem>>
    %dma_wait3A_312 = tpu.memref_squeeze %dma_wait3A_311 : memref<1x8x1024xf32, #tpu.memory_space<vmem>> -> memref<8x1024xf32, #tpu.memory_space<vmem>>
    %dma_wait3A_313 = arith.constant 0 : i32
    %dma_wait3A_314 = arith.constant 0 : i32
    %dma_wait3A_315 = tpu.memref_slice %arg5[%dma_wait3A_307, %dma_wait3A_313, %dma_wait3A_308, %dma_wait3A_314] : memref<200x8x32x1024xf32, #tpu.memory_space<hbm>> -> memref<1x8x1x1024xf32, #tpu.memory_space<hbm>>
    %dma_wait3A_316 = tpu.memref_squeeze %dma_wait3A_315 : memref<1x8x1x1024xf32, #tpu.memory_space<hbm>> -> memref<8x1024xf32, #tpu.memory_space<hbm>>
    %dma_wait3A_317 = arith.constant 0 : i32
    %dma_wait3A_318 = arith.constant 0 : i32
    %dma_wait3A_319 = tpu.memref_slice %arg5[%dma_wait3A_307, %dma_wait3A_317, %dma_wait3A_308, %dma_wait3A_318] : memref<200x8x32x1024xf32, #tpu.memory_space<hbm>> -> memref<1x8x1x1024xf32, #tpu.memory_space<hbm>>
    %dma_wait3A_320 = tpu.memref_squeeze %dma_wait3A_319 : memref<1x8x1x1024xf32, #tpu.memory_space<hbm>> -> memref<8x1024xf32, #tpu.memory_space<hbm>>
    %dma_wait3A_321 = arith.constant 0 : i32
    %dma_wait3A_322 = arith.constant 0 : i32
    %dma_wait3A_323 = tpu.memref_slice %arg9[%dma_wait3A_306, %dma_wait3A_321, %dma_wait3A_322] : memref<4x8x1024xf32, #tpu.memory_space<vmem>> -> memref<1x8x1024xf32, #tpu.memory_space<vmem>>
    %dma_wait3A_324 = tpu.memref_squeeze %dma_wait3A_323 : memref<1x8x1024xf32, #tpu.memory_space<vmem>> -> memref<8x1024xf32, #tpu.memory_space<vmem>>
    tpu.wait_dma2 semaphore(%arg16 : memref<!tpu.dma_semaphore, #tpu.memory_space<semaphore_mem>>) src(%dma_wait3A_324 : memref<8x1024xf32, #tpu.memory_space<vmem>>) dst(%dma_wait3A_320 : memref<8x1024xf32, #tpu.memory_space<hbm>>)
    %dma_wait3A_325 = arith.constant 3 : i32
    %dma_wait3A_326 = arith.constant 0 : i32
    %dma_wait3A_327 = arith.constant 0 : i32
    %dma_wait3A_328 = arith.constant 0 : i32
    %dma_wait3A_329 = arith.constant 0 : i32
    %dma_wait3A_330 = tpu.memref_slice %arg9[%dma_wait3A_325, %dma_wait3A_328, %dma_wait3A_329] : memref<4x8x1024xf32, #tpu.memory_space<vmem>> -> memref<1x8x1024xf32, #tpu.memory_space<vmem>>
    %dma_wait3A_331 = tpu.memref_squeeze %dma_wait3A_330 : memref<1x8x1024xf32, #tpu.memory_space<vmem>> -> memref<8x1024xf32, #tpu.memory_space<vmem>>
    %dma_wait3A_332 = arith.constant 0 : i32
    %dma_wait3A_333 = arith.constant 0 : i32
    %dma_wait3A_334 = tpu.memref_slice %arg5[%dma_wait3A_326, %dma_wait3A_332, %dma_wait3A_327, %dma_wait3A_333] : memref<200x8x32x1024xf32, #tpu.memory_space<hbm>> -> memref<1x8x1x1024xf32, #tpu.memory_space<hbm>>
    %dma_wait3A_335 = tpu.memref_squeeze %dma_wait3A_334 : memref<1x8x1x1024xf32, #tpu.memory_space<hbm>> -> memref<8x1024xf32, #tpu.memory_space<hbm>>
    %dma_wait3A_336 = arith.constant 0 : i32
    %dma_wait3A_337 = arith.constant 0 : i32
    %dma_wait3A_338 = tpu.memref_slice %arg5[%dma_wait3A_326, %dma_wait3A_336, %dma_wait3A_327, %dma_wait3A_337] : memref<200x8x32x1024xf32, #tpu.memory_space<hbm>> -> memref<1x8x1x1024xf32, #tpu.memory_space<hbm>>
    %dma_wait3A_339 = tpu.memref_squeeze %dma_wait3A_338 : memref<1x8x1x1024xf32, #tpu.memory_space<hbm>> -> memref<8x1024xf32, #tpu.memory_space<hbm>>
    %dma_wait3A_340 = arith.constant 0 : i32
    %dma_wait3A_341 = arith.constant 0 : i32
    %dma_wait3A_342 = tpu.memref_slice %arg9[%dma_wait3A_325, %dma_wait3A_340, %dma_wait3A_341] : memref<4x8x1024xf32, #tpu.memory_space<vmem>> -> memref<1x8x1024xf32, #tpu.memory_space<vmem>>
    %dma_wait3A_343 = tpu.memref_squeeze %dma_wait3A_342 : memref<1x8x1024xf32, #tpu.memory_space<vmem>> -> memref<8x1024xf32, #tpu.memory_space<vmem>>
    tpu.wait_dma2 semaphore(%arg17 : memref<!tpu.dma_semaphore, #tpu.memory_space<semaphore_mem>>) src(%dma_wait3A_343 : memref<8x1024xf32, #tpu.memory_space<vmem>>) dst(%dma_wait3A_339 : memref<8x1024xf32, #tpu.memory_space<hbm>>)
    return
  }
}

</mosaic_0001>

<sc_bundles>
// kernel: kernel.3.cloned.1.call-start
scs
__scs_entry_jumppad:
0x0: {  	(pc) =	sbr.rel $0x88, $3  }
0x1: {  	(tag) =	ssettag $0x0;
	lr =	simm.s32 $0x1  }
0x2: {  	[smem:$0x3F9E] =	sst lr;
	_ =	strace $0xD0000000  }
0x3: {  	_ = 	snop  }
0x4: {  	_ = 	snop  }
0x5: {  	_ = 	snop  }
0x6: {  	_ = 	snop  }
0x7: {  	_ = 	snop  }
__scs_overlays_trampoline_lowered:
0x8: {  	[smem:$0x3FAD] =	sst s0  }
0x9: {  	[smem:$0x3FAE] =	sst s1  }
0xa: {  	[smem:$0x3FAF] =	sst s2  }
0xb: {  	[smem:$0x3FB0] =	sst s3  }
0xc: {  	[smem:$0x3FB1] =	sst s4  }
0xd: {  	[smem:$0x3FB2] =	sst s5  }
0xe: {  	[smem:$0x3FB3] =	sst s6  }
0xf: {  	[smem:$0x3FB4] =	sst s7  }
0x10: {  	[smem:$0x3FB5] =	sst s8  }
0x11: {  	[smem:$0x3FB6] =	sst s9;
	s0 =	simm.s32 @!p0 $0x0  }
0x12: {  	s1 =	sld [smem:$0x3F9C];
	s0 =	simm.s32 @p0 $0x1  }
0x13: {  	[smem:$0x3FB7] =	sst s0;
	s0 =	simm.s32 @!p1 $0x0  }
0x14: {  	s2 =	sld [smem:$0x3F9B];
	s0 =	simm.s32 @p1 $0x1  }
0x15: {  	[smem:$0x3FB8] =	sst s0;
	s0 =	simm.s32 @!p2 $0x0  }
0x16: {  	s3 =	sld [smem:$0x3FDB];
	s0 =	simm.s32 @p2 $0x1  }
0x17: {  	s4 =	simm.s32 $0x1BF5;
	[smem:$0x3FBA] =	sst s0  }
0x18: {  	s0 =	sld [smem:$0x3F9D];
	_ =	swait.ge [sflag:s4], $0x0  }
0x19: {  	s7 =	sld [smem:$0x3F9E]  }
0x1a: {  	s8 =	sadd.s32 $0xFFFFE003, lr  }
0x1b: {  	s9 =	sadd.s32 $0xFFFFFEF7, lr;
	s5 =	simm.s32 $0xFFFFFFFF;
	p2 =	slt.u32 s8, $0xFFFFF086  }
0x1c: {  	p1 =	slt.u32 s9, $0xF7A;
	s5 =	simm.s32 @!p2 $0x0  }
0x1d: {  	s5 =	simm.s32 @p1 $0x1;
	p0 =	seq.s32 s7, s2  }
0x1e: {  	s7 =	smul.u32 @!p0 $0xF7A, s2;
	p2 =	seq.s32 @!p0 s5, $0x0  }
0x1f: {  	s9 =	smul.u32 $0xF7A, s1;
	s8 =	simm.s32 @!p0 $0x1BF5;
	p2 =	por !p2, p0  }
0x20: {  	[sflag:s8] =	ssyncset.s32 @!p0 $0xFFFFF086;
	s6 =	sadd.s32 @!p0 s3, s7;
	s7 =	simm.s32 @!p0 $0x108  }
0x21: {  	s3 =	sadd.s32 s3, s9;
	s6 =	sadd.s32 @!p0 $0x88, s6;
	s7 =	simm.s32 @p2 $0x1082  }
0x22: {  	[simem:s7], [sflag:s8] =	dma.local @!p0 [hbm:s6], $0xF7A  }
0x23: {  	s9 =	sor.u32 $0xD0000000, s2;
	s6 =	simm.s32 $0x108;
	_ =	swait.ge @!p0 [sflag:s8], $0x0  }
0x24: {  	s3 =	sadd.s32 $0x88, s3;
	s6 =	simm.s32 @!p1 $0x1082;
	[sflag:s4] =	ssyncset.s32 $0xFFFFF086  }
0x25: {  	[simem:s6], [sflag:s4] =	dma.local [hbm:s3], $0xF7A  }
0x26: {  	[smem:$0x3F9E] =	sst s1;
	(tag) =	ssettag s2;
	_ =	strace s9  }
0x27: {  	s1 =	sld [smem:$0x3FAE]  }
0x28: {  	s2 =	sld [smem:$0x3FAF]  }
0x29: {  	s4 =	sld [smem:$0x3FB1]  }
0x2a: {  	p0 =	seq.s32 s5, $0x0;
	s5 =	sld [smem:$0x3FB2]  }
0x2b: {  	s6 =	sld [smem:$0x3FB3]  }
0x2c: {  	s7 =	sld [smem:$0x3FB4]  }
0x2d: {  	s3 =	simm.s32 $0x108;
	s8 =	sld [smem:$0x3FB5]  }
0x2e: {  	s3 =	simm.s32 @!p0 $0x1082;
	s9 =	sld [smem:$0x3FB6]  }
0x2f: {  	lr =	sadd.s32 s0, s3;
	s0 =	sld [smem:$0x3FAD]  }
0x30: {  	s3 =	sld [smem:$0x3FB0]  }
0x31: {  	[smem:$0x3FB9] =	sst s10  }
0x32: {  	s10 =	sld [smem:$0x3FB7];
	_ =	sdelay $0x3  }
0x33: {  	p0 =	seq.s32 s10, $0x1;
	s10 =	sld [smem:$0x3FB9];
	_ =	sdelay $0x3  }
0x34: {  	[smem:$0x3FB9] =	sst s10  }
0x35: {  	s10 =	sld [smem:$0x3FB8];
	_ =	sdelay $0x3  }
0x36: {  	p1 =	seq.s32 s10, $0x1;
	s10 =	sld [smem:$0x3FB9];
	_ =	sdelay $0x3  }
0x37: {  	[smem:$0x3FB9] =	sst s10  }
0x38: {  	s10 =	sld [smem:$0x3FBA]  }
0x39: {  	_ = 	snop;
	(pc) =	sbr.ind lr, $3  }
0x3a: {  	_ = 	snop  }
0x3b: {  	_ = 	snop  }
0x3c: {  	p2 =	seq.s32 s10, $0x1;
	s10 =	sld [smem:$0x3FB9]  }
0x3d: {  	_ =	shalt  }
0x3e: {  	_ =	shalt  }
0x3f: {  	_ =	shalt  }
0x40: {  	_ =	shalt  }
0x41: {  	_ =	shalt  }
0x42: {  	_ =	shalt  }
0x43: {  	_ =	shalt  }
0x44: {  	_ =	shalt  }
0x45: {  	_ =	shalt  }
0x46: {  	_ =	shalt  }
0x47: {  	_ =	shalt  }
0x48: {  	_ =	shalt  }
0x49: {  	_ =	shalt  }
0x4a: {  	_ =	shalt  }
0x4b: {  	_ =	shalt  }
0x4c: {  	_ =	shalt  }
0x4d: {  	_ =	shalt  }
0x4e: {  	_ =	shalt  }
0x4f: {  	_ =	shalt  }
0x50: {  	_ =	shalt  }
0x51: {  	_ =	shalt  }
0x52: {  	_ =	shalt  }
0x53: {  	_ =	shalt  }
0x54: {  	_ =	shalt  }
0x55: {  	_ =	shalt  }
0x56: {  	_ =	shalt  }
0x57: {  	_ =	shalt  }
0x58: {  	_ =	shalt  }
0x59: {  	_ =	shalt  }
0x5a: {  	_ =	shalt  }
0x5b: {  	_ =	shalt  }
0x5c: {  	_ =	shalt  }
0x5d: {  	_ =	shalt  }
0x5e: {  	_ =	shalt  }
0x5f: {  	_ =	shalt  }
0x60: {  	_ =	shalt  }
0x61: {  	_ =	shalt  }
0x62: {  	_ =	shalt  }
0x63: {  	_ =	shalt  }
0x64: {  	_ =	shalt  }
0x65: {  	_ =	shalt  }
0x66: {  	_ =	shalt  }
0x67: {  	_ =	shalt  }
0x68: {  	_ =	shalt  }
0x69: {  	_ =	shalt  }
0x6a: {  	_ =	shalt  }
0x6b: {  	_ =	shalt  }
0x6c: {  	_ =	shalt  }
0x6d: {  	_ =	shalt  }
0x6e: {  	_ =	shalt  }
0x6f: {  	_ =	shalt  }
0x70: {  	_ =	shalt  }
0x71: {  	_ =	shalt  }
0x72: {  	_ =	shalt  }
0x73: {  	_ =	shalt  }
0x74: {  	_ =	shalt  }
0x75: {  	_ =	shalt  }
0x76: {  	_ =	shalt  }
0x77: {  	_ =	shalt  }
0x78: {  	_ =	shalt  }
0x79: {  	_ =	shalt  }
0x7a: {  	_ =	shalt  }
0x7b: {  	_ =	shalt  }
0x7c: {  	_ =	shalt  }
0x7d: {  	_ =	shalt  }
0x7e: {  	_ =	shalt  }
0x7f: {  	_ =	shalt  }
0x80: {  	_ =	shalt  }
0x81: {  	_ =	shalt  }
0x82: {  	_ =	shalt  }
0x83: {  	_ =	shalt  }
0x84: {  	_ =	shalt  }
0x85: {  	_ =	shalt  }
0x86: {  	_ =	shalt  }
0x87: {  	_ =	shalt  }
.Lfunc_end0:
.L_simem_size_0:
called_computation_lowered:
.L_overlay_start_0:
0x88: {  	s2 =	sld [smem:$0x3FD9]  }
0x89: {  	s3 =	sld [smem:$0x3FFE];
	_ =	sdelay $0x1  }
0x8a: {  	s1 =	srdreg.scid  }
0x8b: {  	s0 =	sand.u32 $0x1, s1  }
0x8c: {  	s17 =	sshll.u32 s0, $0xA;
	s2 =	sadd.s32 s3, s2  }
0x8d: {  	s2 =	sadd.s32 s2, s17  }
0x8e: {  	[smem:$0x3FC5] =	sst s2  }
0x8f: {  	_ = 	snop  }
0x90: {  	s2 =	sld [smem:$0x3FD0];
	(tm) =	ssettm $0x1  }
0x91: {  	s18 =	sld [smem:$0x3FFB];
	_ =	sdelay $0x3  }
0x92: {  	_ =	strace s18  }
0x93: {  	s3 =	sld [smem:$0x3FFC];
	_ =	sdelay $0x3  }
0x94: {  	_ =	strace s3  }
0x95: {  	s3 =	sld [smem:$0x3FFD];
	_ =	sdelay $0x3  }
0x96: {  	_ =	strace s3  }
0x97: {  	_ =	strace $0x8FFFFFFF  }
0x98: {  	s19 =	sld [smem:$0x3FDB];
	_ =	sdelay $0x1  }
0x99: {  	s4 =	simm.s32 $_scs_section_size  }
0x9a: {  	s5 =	simm.s32 $_size__tile_overlayer_lowered;
	s6 =	simm.s32 $_tile_overlayer_lowered  }
0x9b: {  	s22 =	simm.s32 $0x1BFF;
	s21 =	sshll.u32 s6, $0x1;
	s3 =	sadd.s32 s4, s19  }
0x9c: {  	s7 =	simm.s32 $0x0;
	s20 =	sshll.u32 s5, $0x1;
	s5 =	sadd.s32 s21, s3  }
0x9d: {  	[timem:s7], [sflag:s22] =	dma.local [hbm:s5], s20  }
0x9e: {  	_ =	swait.ge [sflag:s22], s20  }
0x9f: {  	s4 =	ssub.s32 $0x0, s20;
	[sflag:s22] =	ssyncset.done $0x0  }
0xa0: {  	[sflag:s22] =	ssyncadd.s32 s4;
	_ =	sdelay $0x1  }
0xa1: {  	s23 =	simm.s32 $0x1B8B  }
0xa2: {  	_ =	swait.ge [sflag:s23], $0x1  }
0xa3: {  	[sflag:s23] =	ssyncset.done $0x0  }
0xa4: {  	s25 =	simm.s32 $0x1B8E;
	s24 =	sld [smem:$0x3FFE];
	[sflag:s23] =	ssyncadd.s32 $0xFFFFFFFF  }
0xa5: {  	s26 =	simm.s32 $execute0_lowered;
	[smem:$0x3FD2] =	sst s25  }
0xa6: {  	s5 =	sshll.u32 s26, $0x1;
	_ =	strace $0x80000046;
	[dreg:$0x1] =	wrdreg $0xFFFFFFFF  }
0xa7: {  	s28 =	simm.s32 $_size_execute0_lowered;
	s3 =	sadd.s32 s3, s5;
	[dreg:$0x0] =	wrdreg $0x0  }
0xa8: {  	s5 =	sshll.u32 s28, $0x1;
	[dreg:$0x2] =	wrdreg s3  }
0xa9: {  	[dreg:$0x3] =	wrdreg s5  }
0xaa: {  	[dreg:$0x4] =	wrdreg $0xC0  }
0xab: {  	_ =	task [dreg:s7], $0x5FFFF  }
0xac: {  	[dreg:$0x1] =	wrdreg $0xFFFFFFFF  }
0xad: {  	[dreg:$0x0] =	wrdreg $0x60  }
0xae: {  	[dreg:$0x2] =	wrdreg s24  }
0xaf: {  	[dreg:$0x3] =	wrdreg s2  }
0xb0: {  	[dreg:$0x4] =	wrdreg $0x9  }
0xb1: {  	_ =	task.clear_ibuf [dreg:s7], $0x5FFFF;
	_ =	strace $0x90000046  }
0xb2: {  	s29 =	simm.s32 $0x9;
	_ =	strace $0x80000048  }
0xb3: {  	_ =	swait.ge [sflag:s29], $0x1  }
0xb4: {  	[sflag:s29] =	ssyncadd.s32 $0xFFFFFFFF  }
0xb5: {  	_ =	strace $0x90000048  }
0xb6: {  	_ =	sfence  }
0xb7: {  	s30 =	sld [smem:$0x0];
	_ =	sdelay $0x2  }
0xb8: {  	s31 =	sshll.u32 s1, $0xD;
	s1 =	sshrl.u32 s1, $0x2  }
0xb9: {  	s3 =	sand.u32 $0x4000, s31;
	s1 =	sadd.s32 s1, s30  }
0xba: {  	s0 =	sor.u32 s3, s0;
	s1 =	sshll.u32 s1, $0x11  }
0xbb: {  	s0 =	sor.u32 s1, s0  }
0xbc: {  	s0 =	sadd.s32 $0x8F2B, s0  }
0xbd: {  	[sflag:s0] =	ssyncadd.remote.s32 $0x1  }
0xbe: {  	_ =	sfence.sel $0xFFFF  }
0xbf: {  	[dreg:$0x0] =	wrdreg $0xFFFFFFFF;
	(pc) =	sbr.abs _section_cstart, $3  }
0xc0: {  	[dreg:$0x1] =	wrdreg $0xFFFFFFFF  }
0xc1: {  	_ =	task.clear_ibuf [dreg:s7], $0x2FFFF;
	_ =	strace $0x9FFFFFFF  }
0xc2: {  	(tm) =	ssettm $0x7FFFFFFF  }
0xc3: {  	_ =	shalt  }
tec
execute0_lowered:
.L_overlay_start_1:
0x0: {  	(tag) =	ssettag $0x1  }
0x1: {  	v0 =	vimm.s32 $0xFEDCBA9  }
0x2: {  	v19 =	vlaneseq.u32;
	v1 =	vimm.s32 $0x87654321;
	v2 =	vimm.s32 $0x10FEDCBA  }
0x3: {  	v3 =	vimm.s32 $0x98765432;
	v4 =	vimm.s32 $0x210FEDCB;
	v5 =	vimm.s32 $0xA9876543  }
0x4: {  	v6 =	vimm.s32 $0x3210FEDC;
	v7 =	vimm.s32 $0xBA987654;
	v11 =	vimm.s32 $0x43210FED  }
0x5: {  	v12 =	vimm.s32 $0xCBA98765;
	v22 =	vimm.s32 $0x543210FE;
	v23 =	vimm.s32 $0xDCBA9876  }
0x6: {  	v13 =	vimm.s32 $0x6543210F;
	v14 =	vimm.s32 $0xEDCBA987;
	v15 =	vimm.s32 $0xFEDCBA98  }
0x7: {  	v38 =	vimm.s32 $0x400;
	vm0 =	vcmask $0x2304;
	vm1 =	vcmask $0x2708  }
0x8: {  	vm2 =	vcmask $0x2B0C;
	vm3 =	vcmask $0x2F10;
	vm4 =	vcmask $0x3314  }
0x9: {  	vm5 =	vcmask $0x3718;
	vm6 =	vcmask $0x3B1C;
	v45 =	vimm.s32 $0x0  }
0xa: {  	vm14 =	vcmask $0x300;
	v55 =	vimm.s32 $0x388;
	v56 =	vimm.s32 $0x8  }
0xb: {  	vm13 =	vcmask $0x704;
	vm12 =	vcmask $0xB08;
	vm11 =	vcmask $0xF0C  }
0xc: {  	vm10 =	vcmask $0x1310;
	vm9 =	vcmask $0x1714;
	vm8 =	vcmask $0x1B18  }
0xd: {  	vm7 =	vcmask $0x1F1C;
	vm15 =	vcmask $0x3B38;
	v58 =	vimm.s32 $0x88  }
0xe: {  	v59 =	vimm.s32 $0x108;
	v60 =	vimm.s32 $0x188;
	v61 =	vimm.s32 $0x208  }
0xf: {  	v62 =	vimm.s32 $0x288;
	v63 =	vimm.s32 $0x308;
	v0 =	vunpack.c.l.s4.s8 v0  }
0x10: {  	v1 =	vunpack.c.l.s4.s8 v1;
	v2 =	vunpack.c.l.s4.s8 v2;
	v3 =	vunpack.c.l.s4.s8 v3  }
0x11: {  	v4 =	vunpack.c.l.s4.s8 v4;
	v5 =	vunpack.c.l.s4.s8 v5;
	v6 =	vunpack.c.l.s4.s8 v6  }
0x12: {  	v7 =	vunpack.c.l.s4.s8 v7;
	v11 =	vunpack.c.l.s4.s8 v11;
	v17 =	vunpack.c.l.s4.s8 v12  }
0x13: {  	v12 =	vunpack.c.l.s4.s8 v23;
	v13 =	vunpack.c.l.s4.s8 v13;
	v14 =	vunpack.c.l.s4.s8 v14  }
0x14: {  	v15 =	vunpack.c.l.s4.s8 v15;
	v39 =	vsel vm0, $0x0, v38;
	v40 =	vsel vm1, $0x0, v38  }
0x15: {  	v41 =	vsel vm2, $0x0, v38;
	v42 =	vsel vm3, $0x0, v38;
	v43 =	vsel vm4, $0x0, v38  }
0x16: {  	v44 =	vsel vm5, $0x0, v38;
	v46 =	vsel vm0, $0x400, v45;
	v47 =	vshrl.u32 v19, $0x3  }
0x17: {  	v48 =	vsel vm1, $0x400, v45;
	v49 =	vsel vm2, $0x400, v45;
	v51 =	vsel vm3, $0x400, v45  }
0x18: {  	v52 =	vsel vm4, $0x400, v45;
	v53 =	vsel vm5, $0x400, v45;
	vm5 =	vcmask $0x2724  }
0x19: {  	vm4 =	vcmask $0x2B28;
	vm3 =	vcmask $0x2F2C;
	vm2 =	vcmask $0x3330  }
0x1a: {  	vm1 =	vcmask $0x3734;
	v57 =	vand.u32 $0x7, v19;
	v50 =	vmul.u32 $0xFFFFFC00, v47  }
0x1b: {  	v0 =	vunpack.c.0.s8.s32 v0;
	v1 =	vunpack.c.0.s8.s32 v1;
	v2 =	vunpack.c.0.s8.s32 v2  }
0x1c: {  	v3 =	vunpack.c.0.s8.s32 v3;
	v4 =	vunpack.c.0.s8.s32 v4;
	v5 =	vunpack.c.0.s8.s32 v5  }
0x1d: {  	v6 =	vunpack.c.0.s8.s32 v6;
	v7 =	vunpack.c.0.s8.s32 v7;
	v21 =	vunpack.c.0.s8.s32 v11  }
0x1e: {  	v11 =	vunpack.c.l.s4.s8 v22;
	v12 =	vunpack.c.0.s8.s32 v12;
	v13 =	vunpack.c.0.s8.s32 v13  }
0x1f: {  	v14 =	vunpack.c.0.s8.s32 v14;
	v15 =	vunpack.c.0.s8.s32 v15;
	v8 =	vcombine.low v1, v0  }
0x20: {  	v54 =	vadd.s32 $0x400, v50;
	v9 =	vcombine.low v3, v2;
	v10 =	vcombine.low v5, v4  }
0x21: {  	v20 =	vcombine.low v7, v6;
	v11 =	vunpack.c.0.s8.s32 v11;
	v15 =	vand.u32 $0xF, v15  }
0x22: {  	v0 =	vcombine.low v0, v1;
	v27 =	vcombine.low v2, v3;
	v8 =	vand.u32 $0xF, v8  }
0x23: {  	v28 =	vcombine.low v4, v5;
	v30 =	vcombine.low v6, v7;
	v16 =	vand.u32 $0xF, v9;
	[tilespmem:$0x1FE00] =	vst v8  }
0x24: {  	v2 =	vsel vm14, $0x200, v60;
	v0 =	vand.u32 $0xF, v0;
	v32 =	vcombine.low v11, v12;
	[tilespmem:$0x1FE10] =	vst v16  }
0x25: {  	v33 =	vcombine.low v13, v14;
	v2 =	vsel vm13, $0x280, v2;
	v1 =	vand.u32 $0xF, v27;
	[tilespmem:$0x1FE80] =	vst v0  }
0x26: {  	v18 =	vand.u32 $0xF, v10;
	v9 =	vand.u32 $0xF, v20;
	[tilespmem:$0x1FE90] =	vst v1;
	v0 =	vand.u32 $0xF, v32  }
0x27: {  	v34 =	vand.u32 $0xF, v28;
	v35 =	vand.u32 $0xF, v30;
	[tilespmem:$0x1FED0] =	vst v0;
	v0 =	vsel vm6, $0x0, v38  }
0x28: {  	v37 =	vand.u32 $0xF, v33;
	v1 =	vsel vm6, $0x400, v45;
	[tilespmem:$0x1FF50] =	vst v0;
	v0 =	vmul.u32 $0x400, v47  }
0x29: {  	v2 =	vsel vm12, $0x300, v2;
	v8 =	vunpack.c.0.s8.s32 v17;
	[tilespmem:$0x1FFC0] =	vst v1;
	v1 =	vsel vm14, $0x80, v56  }
0x2a: {  	v16 =	vimm.s32 $0x76543210;
	v1 =	vsel vm13, $0x100, v1;
	[tilespmem:$0x1FFD0] =	vst v0;
	v0 =	vsel vm14, $0x0, v55  }
0x2b: {  	v17 =	vcombine.low v12, v11;
	v1 =	vsel vm12, $0x180, v1;
	v0 =	vsel vm13, $0x80, v0  }
0x2c: {  	[tilespmem:$0x1FE20] =	vst v18;
	v18 =	vcombine.low v14, v13;
	v1 =	vsel vm11, $0x200, v1;
	v0 =	vsel vm12, $0x100, v0  }
0x2d: {  	v2 =	vsel vm11, $0x380, v2;
	v1 =	vsel vm10, $0x280, v1;
	v0 =	vsel vm11, $0x180, v0  }
0x2e: {  	v16 =	vunpack.c.l.s4.s8 v16;
	v1 =	vsel vm9, $0x300, v1;
	v0 =	vsel vm10, $0x200, v0  }
0x2f: {  	v2 =	vsel vm10, $0x0, v2;
	v1 =	vsel vm8, $0x380, v1;
	v0 =	vsel vm9, $0x280, v0  }
0x30: {  	vm6 =	vcmask $0x2320;
	v1 =	vsel vm7, $0x0, v1;
	v0 =	vsel vm8, $0x300, v0  }
0x31: {  	v24 =	vcombine.low v8, v21;
	v1 =	vsel vm6, $0x88, v1;
	v0 =	vsel vm7, $0x380, v0  }
0x32: {  	v26 =	vand.u32 $0xF, v17;
	v1 =	vsel vm5, $0x108, v1;
	v0 =	vsel vm6, $0x8, v0  }
0x33: {  	v29 =	vand.u32 $0xF, v18;
	v1 =	vsel vm4, $0x188, v1;
	v0 =	vsel vm5, $0x88, v0  }
0x34: {  	v31 =	vcombine.low v21, v8;
	v1 =	vsel vm3, $0x208, v1;
	v0 =	vsel vm4, $0x108, v0  }
0x35: {  	v2 =	vsel vm9, $0x80, v2;
	v1 =	vsel vm2, $0x288, v1;
	v0 =	vsel vm3, $0x188, v0  }
0x36: {  	v16 =	vunpack.c.0.s8.s32 v16;
	v1 =	vsel vm1, $0x308, v1;
	v0 =	vsel vm2, $0x208, v0  }
0x37: {  	[tilespmem:$0x1FFF0] =	vst v57;
	v57 =	vsel vm15, $0x388, v1;
	v1 =	vsel vm14, $0x180, v59;
	v0 =	vsel vm1, $0x288, v0  }
0x38: {  	v1 =	vsel vm13, $0x200, v1;
	v56 =	vsel vm15, $0x308, v0;
	v0 =	vsel vm14, $0x100, v58  }
0x39: {  	v2 =	vsel vm8, $0x100, v2;
	v1 =	vsel vm12, $0x280, v1;
	v0 =	vsel vm13, $0x180, v0  }
0x3a: {  	[tilespmem:$0x1FE30] =	vst v9;
	v9 =	vand.u32 $0xF, v24;
	v1 =	vsel vm11, $0x300, v1;
	v0 =	vsel vm12, $0x200, v0  }
0x3b: {  	v36 =	vand.u32 $0xF, v31;
	v1 =	vsel vm10, $0x380, v1;
	v0 =	vsel vm11, $0x280, v0  }
0x3c: {  	v2 =	vsel vm7, $0x180, v2;
	v1 =	vsel vm9, $0x0, v1;
	v0 =	vsel vm10, $0x300, v0  }
0x3d: {  	[tilespmem:$0x1FEF0] =	vst v39;
	v25 =	vcombine.low v15, v16;
	v1 =	vsel vm8, $0x80, v1;
	v0 =	vsel vm9, $0x380, v0  }
0x3e: {  	[tilespmem:$0x1FF00] =	vst v40;
	v2 =	vsel vm6, $0x208, v2;
	v1 =	vsel vm7, $0x100, v1;
	v0 =	vsel vm8, $0x0, v0  }
0x3f: {  	[tilespmem:$0x1FF10] =	vst v41;
	v2 =	vsel vm5, $0x288, v2;
	v1 =	vsel vm6, $0x188, v1;
	v0 =	vsel vm7, $0x80, v0  }
0x40: {  	[tilespmem:$0x1FF20] =	vst v42;
	v2 =	vsel vm4, $0x308, v2;
	v1 =	vsel vm5, $0x208, v1;
	v0 =	vsel vm6, $0x108, v0  }
0x41: {  	[tilespmem:$0x1FF30] =	vst v43;
	v2 =	vsel vm3, $0x388, v2;
	v1 =	vsel vm4, $0x288, v1;
	v0 =	vsel vm5, $0x188, v0  }
0x42: {  	[tilespmem:$0x1FF40] =	vst v44;
	v2 =	vsel vm2, $0x8, v2;
	v1 =	vsel vm3, $0x308, v1;
	v0 =	vsel vm4, $0x208, v0  }
0x43: {  	[tilespmem:$0x1FF60] =	vst v46;
	v2 =	vsel vm1, $0x88, v2;
	v1 =	vsel vm2, $0x388, v1;
	v0 =	vsel vm3, $0x288, v0  }
0x44: {  	[tilespmem:$0x1FEC0] =	vst v36;
	v36 =	vsel vm15, $0x108, v2;
	v1 =	vsel vm1, $0x8, v1;
	v0 =	vsel vm2, $0x308, v0  }
0x45: {  	[tilespmem:$0x1FEB0] =	vst v35;
	v2 =	vsel vm14, $0x380, v63;
	v35 =	vsel vm15, $0x88, v1;
	v0 =	vsel vm1, $0x388, v0  }
0x46: {  	s0 =	rddreg [dreg:$0x0];
	[tilespmem:$0x1FEA0] =	vst v34;
	v1 =	vsel vm14, $0x300, v62;
	v34 =	vsel vm15, $0x8, v0;
	v0 =	vsel vm14, $0x280, v61  }
0x47: {  	s1 =	srdreg.scid;
	s3 =	stileid.u32;
	[tilespmem:$0x1FF70] =	vst v48;
	v2 =	vsel vm13, $0x0, v2;
	v1 =	vsel vm13, $0x380, v1;
	v0 =	vsel vm13, $0x300, v0  }
0x48: {  	s2 =	rddreg [dreg:$0x1];
	s4 =	simm.s32 $0x0;
	s10 =	simm.s32 $0x6400;
	[tilespmem:$0x1FF80] =	vst v49;
	v2 =	vsel vm12, $0x80, v2;
	v1 =	vsel vm12, $0x0, v1;
	v0 =	vsel vm12, $0x380, v0  }
0x49: {  	s12 =	simm.s32 $0x9600;
	s13 =	simm.s32 $0xB600;
	s14 =	simm.s32 $0xD600;
	[tilespmem:$0x1FF90] =	vst v51;
	v2 =	vsel vm11, $0x100, v2;
	v1 =	vsel vm11, $0x80, v1;
	v0 =	vsel vm11, $0x0, v0  }
0x4a: {  	s11 =	simm.s32 $0x80;
	s16 =	simm.s32 $0x11600;
	s17 =	simm.s32 $0x400;
	[tilespmem:$0x1FFA0] =	vst v52;
	v2 =	vsel vm10, $0x180, v2;
	v1 =	vsel vm10, $0x100, v1;
	v0 =	vsel vm10, $0x80, v0  }
0x4b: {  	s15 =	simm.s32 $0x1;
	s18 =	simm.s32 $0x8000;
	s19 =	simm.s32 $0xF600;
	[tilespmem:$0x1FFB0] =	vst v53;
	v2 =	vsel vm9, $0x200, v2;
	v1 =	vsel vm9, $0x180, v1;
	v0 =	vsel vm9, $0x100, v0  }
0x4c: {  	s20 =	simm.s32 $0x2;
	s21 =	simm.s32 $0x13600;
	s22 =	simm.s32 $0x3;
	[tilespmem:$0x1FFE0] =	vst v54;
	v2 =	vsel vm8, $0x280, v2;
	v1 =	vsel vm8, $0x200, v1;
	v0 =	vsel vm8, $0x180, v0  }
0x4d: {  	s23 =	simm.s32 $0x7;
	s1 =	sand.u32 $0x1, s1;
	s3 =	sshll.u32 s3, $0x1;
	[tilespmem:$0x1FEE0] =	vst v37;
	v2 =	vsel vm7, $0x300, v2;
	v1 =	vsel vm7, $0x280, v1;
	v0 =	vsel vm7, $0x200, v0  }
0x4e: {  	s24 =	simm.s32 $0x15600;
	s25 =	simm.s32 $0x4;
	s3 =	sor.u32 s1, s3;
	[tilespmem:$0x1FE60] =	vst v26;
	v2 =	vsel vm6, $0x388, v2;
	v1 =	vsel vm6, $0x308, v1;
	v0 =	vsel vm6, $0x288, v0  }
0x4f: {  	s26 =	simm.s32 $0x8;
	s1 =	ssub.s32 $0x2, s1;
	s29 =	smul.u32 $0xC80, s3;
	[tilespmem:$0x1FE70] =	vst v29;
	v2 =	vsel vm5, $0x8, v2;
	v1 =	vsel vm5, $0x388, v1;
	v0 =	vsel vm5, $0x308, v0  }
0x50: {  	[smem:$0x7FF] =	sst s4;
	s4 =	sadd.s32 $0xF42C00, s0;
	s6 =	sshrl.u32 s1, $0x1;
	[tilespmem:$0x1FE40] =	vst v9;
	v2 =	vsel vm4, $0x88, v2;
	v1 =	vsel vm4, $0x8, v1;
	v0 =	vsel vm4, $0x388, v0  }
0x51: {  	s30 =	ssub.s32 s1, s6;
	s5 =	sadd.s32 s29, s0;
	s0 =	sadd.s32 $0x19800, s0;
	[tilespmem:$0x1FE50] =	vst v25;
	v2 =	vsel vm3, $0x108, v2;
	v1 =	vsel vm3, $0x88, v1;
	v0 =	vsel vm3, $0x8, v0  }
0x52: {  	s31 =	sadd.s32 $0x800, s5;
	_ =	strace $0x80000047;
	[dreg:$0x3] =	wrdreg s0;
	v2 =	vsel vm2, $0x188, v2;
	v1 =	vsel vm2, $0x108, v1;
	v0 =	vsel vm2, $0x88, v0  }
0x53: {  	s28 =	simm.s32 $0x17600;
	[dreg:$0x4] =	wrdreg s31;
	s0 =	smax.u32 s30, $0x1;
	v2 =	vsel vm1, $0x208, v2;
	v1 =	vsel vm1, $0x188, v1;
	v0 =	vsel vm1, $0x108, v0  }
0x54: {  	s6 =	smul.u32 $0xC8, s3;
	s1 =	simm.s32 $0x0;
	[dreg:$0x5] =	wrdreg s0;
	v55 =	vsel vm15, $0x288, v2;
	v54 =	vsel vm15, $0x208, v1;
	v37 =	vsel vm15, $0x188, v0  }
.LBB2_1:
0x55: {  	[dreg:$0x6] =	wrdreg s1  }
0x56: {  	s0 =	simm.s32 $0x0;
	s30 =	rddreg [dreg:$0x4];
	s3 =	simm.s32 $0x9  }
0x57: {  	[tilespmem:s0], [sflag:$0x9] =	stream.linear.gather [hbm4b:s30+s0], $0x6400, $0x38;
	[tilespmem:$0x19600] =	vst v63  }
0x58: {  	_ =	swait.ge [sflag:s3], $0x6400  }
0x59: {  	[sflag:s3] =	ssyncset.done $0x0  }
0x5a: {  	s31 =	rddreg [dreg:$0x3];
	[sflag:s3] =	ssyncadd.s32 $0xFFFF9C00  }
0x5b: {  	[tilespmem:s10], [sflag:$0x9] =	stream.linear.gather [hbm4b:s31+s0], $0x3200, $0x38;
	[tilespmem:$0x19600] =	vst v63  }
0x5c: {  	_ =	swait.ge [sflag:s3], $0x3200  }
0x5d: {  	[sflag:s3] =	ssyncset.done $0x0  }
0x5e: {  	[sflag:s3] =	ssyncadd.s32 $0xFFFFCE00  }
0x5f: {  	[tilespmem:s12], [sflag:$0x1] =	stream.indirect.gather [hbm4b:s4+s11], $0x40, s0, s11, $0xb8;
	[tilespmem:$0x19600] =	vst v63  }
0x60: {  	s1 =	simm.s32 $0x0  }
0x61: {  	[tilespmem:s13], [sflag:$0x2] =	stream.indirect.gather [hbm4b:s4+s11], $0x40, s11, s11, $0xb8;
	[tilespmem:$0x19600] =	vst v63  }
.LBB2_2:
0x62: {  	s7 =	sshll.u32 s1, $0x2  }
0x63: {  	s5 =	sor.u32 $0x2, s7  }
0x64: {  	s0 =	sshll.u32 s5, $0x7  }
0x65: {  	s0 =	sand.u32 $0x3FFFFF00, s0  }
0x66: {  	[tilespmem:s14], [sflag:$0x3] =	stream.indirect.gather [hbm4b:s4+s11], $0x40, s0, s11, $0xb8;
	[tilespmem:$0x19600] =	vst v63  }
0x67: {  	_ =	swait.ge [sflag:s15], $0x2000  }
0x68: {  	v45 =	vld [tilespmem:$0x1FE00]  }
0x69: {  	s8 =	sadd.s32 s6, s7;
	v46 =	vld [tilespmem:$0x1FE10]  }
0x6a: {  	s0 =	sshrl.u32 s8, $0x5;
	v47 =	vld [tilespmem:$0x1FE20]  }
0x6b: {  	v0 =	vlaneseq.u32;
	s3 =	sshll.u32 s0, $0x6;
	v48 =	vld [tilespmem:$0x1FE30]  }
0x6c: {  	v0 =	vor.u32 s3, v0;
	v49 =	vld [tilespmem:$0x1FE40]  }
0x6d: {  	v50 =	vld [tilespmem:$0x1FE60];
	[tilespmem:$0x1FD00] =	vst v0;
	v0 =	vor.u32 s3, v45  }
0x6e: {  	[tilespmem:$0x1FD10] =	vst v0;
	v0 =	vor.u32 s3, v46  }
0x6f: {  	[tilespmem:$0x1FD20] =	vst v0;
	v0 =	vor.u32 s3, v47  }
0x70: {  	[tilespmem:$0x1FD30] =	vst v0;
	v0 =	vor.u32 s3, v48  }
0x71: {  	[tilespmem:$0x1FD40] =	vst v0;
	v0 =	vor.u32 s3, v49  }
0x72: {  	p0 =	seq.s32 s1, $0x0;
	[sflag:s15] =	ssyncset.done $0x0;
	[tilespmem:$0x1FD50] =	vst v0;
	v0 =	vor.u32 s3, v50  }
0x73: {  	s9 =	simm.s32 @!p0 $0x5;
	[sflag:s15] =	ssyncadd.s32 $0xFFFFE000;
	[tilespmem:$0x1FD60] =	vst v0  }
0x74: {  	_ =	swait.ge @!p0 [sflag:s9], $0x2000  }
0x75: {  	v51 =	vld [tilespmem:$0x1FE70]  }
0x76: {  	v52 =	vld [tilespmem:$0x1FE50]  }
0x77: {  	v53 =	vld [tilespmem:$0x1FE80]  }
0x78: {  	v58 =	vld [tilespmem:$0x1FE90]  }
0x79: {  	v59 =	vld [tilespmem:$0x1FEA0]  }
0x7a: {  	v60 =	vld [tilespmem:$0x1FEB0];
	v0 =	vor.u32 s3, v51  }
0x7b: {  	v61 =	vld [tilespmem:$0x1FEC0];
	[tilespmem:$0x1FD70] =	vst v0;
	v0 =	vor.u32 s3, v52  }
0x7c: {  	v62 =	vld [tilespmem:$0x1FED0];
	[tilespmem:$0x1FD80] =	vst v0;
	v0 =	vor.u32 s3, v53  }
0x7d: {  	v63 =	vld [tilespmem:$0x1FEE0];
	[tilespmem:$0x1FD90] =	vst v0;
	v0 =	vor.u32 s3, v58  }
0x7e: {  	[tilespmem:$0x1FDA0] =	vst v0;
	v0 =	vor.u32 s3, v59  }
0x7f: {  	[tilespmem:$0x1FDB0] =	vst v0;
	v0 =	vor.u32 s3, v60  }
0x80: {  	[tilespmem:$0x1FDC0] =	vst v0;
	v0 =	vor.u32 s3, v61  }
0x81: {  	[tilespmem:$0x1FDD0] =	vst v0;
	v0 =	vor.u32 s3, v62  }
0x82: {  	[sflag:s9] =	ssyncset.done @!p0 $0x0;
	[tilespmem:$0x1FDE0] =	vst v0;
	v0 =	vor.u32 s3, v63  }
0x83: {  	s29 =	simm.s32 $0x0;
	[sflag:s9] =	ssyncadd.s32 @!p0 $0xFFFFE000;
	s3 =	simm.s32 $0x0;
	[tilespmem:$0x1FDF0] =	vst v0  }
.LBB2_3:
0x84: {  	v1 =	vld [tilespmem:$0x1FD10];
	_ =	sdelay $0x3  }
0x85: {  	s9 =	sshll.u32 s29, $0x4  }
0x86: {  	v2 =	vld [tilespmem:$0x1FD20];
	v1 =	vor.u32 s9, v1;
	_ =	sdelay $0x1  }
0x87: {  	v0 =	vld [tilespmem:$0x1FD00];
	_ =	sdelay $0x1  }
0x88: {  	v3 =	vld [tilespmem:$0x1FD30]  }
0x89: {  	v2 =	vor.u32 s9, v2;
	v14 =	vld.idx.msk [tilespmem:v1+s10+$0x0], $0xffff  }
0x8a: {  	v1 =	vld [tilespmem:$0x1FD60]  }
0x8b: {  	v0 =	vor.u32 s9, v0;
	_ =	sdelay $0x1  }
0x8c: {  	v4 =	vld [tilespmem:$0x1FD40];
	v3 =	vor.u32 s9, v3  }
0x8d: {  	v11 =	vld.idx.msk [tilespmem:v2+s10+$0x0], $0xffff  }
0x8e: {  	v2 =	vld [tilespmem:$0x1FD70];
	v1 =	vor.u32 s9, v1  }
0x8f: {  	v15 =	vld.idx.msk [tilespmem:v0+s10+$0x0], $0xffff  }
0x90: {  	v0 =	vld [tilespmem:$0x1FD50]  }
0x91: {  	v4 =	vor.u32 s9, v4;
	v9 =	vld.idx.msk [tilespmem:v3+s10+$0x0], $0xffff  }
0x92: {  	v3 =	vld [tilespmem:$0x1FD80]  }
0x93: {  	v2 =	vor.u32 s9, v2;
	v12 =	vld.idx.msk [tilespmem:v1+s10+$0x0], $0xffff  }
0x94: {  	v1 =	vld [tilespmem:$0x1FDA0]  }
0x95: {  	v33 =	vld [tilespmem:$0x1FFF0]  }
0x96: {  	v8 =	vld.idx.msk [tilespmem:v4+s10+$0x0], $0xffff;
	v0 =	vor.u32 s9, v0  }
0x97: {  	v4 =	vld [tilespmem:$0x1FD90];
	v3 =	vor.u32 s9, v3  }
0x98: {  	v20 =	vld.idx.msk [tilespmem:v2+s10+$0x0], $0xffff  }
0x99: {  	v6 =	vlaneseq.u32;
	v2 =	vld [tilespmem:$0x1FDB0];
	v1 =	vor.u32 s9, v1  }
0x9a: {  	v38 =	vmul.u32 $0x40, v6;
	v58 =	vor.u32 s9, v6;
	v6 =	vld [tilespmem:$0x1FFD0]  }
0x9b: {  	v10 =	vld.idx.msk [tilespmem:v0+s10+$0x0], $0xffff  }
0x9c: {  	v4 =	vor.u32 s9, v4;
	v0 =	vld.idx.msk [tilespmem:v3+s10+$0x0], $0xffff  }
0x9d: {  	v5 =	vmov s3;
	v3 =	vld [tilespmem:$0x1FDC0]  }
0x9e: {  	s30 =	sshll.u32 s29, $0x1;
	v5 =	vshll.u32 v5, $0x6;
	v2 =	vor.u32 s9, v2;
	v19 =	vld.idx.msk [tilespmem:v1+s10+$0x0], $0xffff  }
0x9f: {  	v51 =	vor.u32 v38, v5;
	v5 =	vmov s30;
	v1 =	vld [tilespmem:$0x1FDF0]  }
0xa0: {  	v52 =	vshll.u32 v5, $0xA;
	v5 =	vld [tilespmem:$0x1FDE0]  }
0xa1: {  	v18 =	vld.idx.msk [tilespmem:v4+s10+$0x0], $0xffff  }
0xa2: {  	v7 =	vor.u32 v51, v58;
	v4 =	vld [tilespmem:$0x1FDD0]  }
0xa3: {  	v3 =	vor.u32 s9, v3;
	v41 =	vld.idx.msk [tilespmem:v2+s10+$0x0], $0xffff  }
0xa4: {  	v2 =	vld [tilespmem:$0x1FE00];
	v1 =	vor.u32 s9, v1;
	_ =	sdelay $0x2  }
0xa5: {  	v6 =	vor.u32 v6, v52;
	v7 =	vld.idx.msk [tilespmem:v7+s12+$0x0], $0xffff;
	v4 =	vor.u32 s9, v4  }
0xa6: {  	v13 =	vor.u32 s3, v56;
	v6 =	vor.u32 v33, v6;
	v17 =	vld.idx.msk [tilespmem:v3+s10+$0x0], $0xffff  }
0xa7: {  	v5 =	vor.u32 s9, v5;
	v16 =	vor.u32 s9, v2;
	v2 =	vadd.s32 v6, v13;
	v39 =	vld.idx.msk [tilespmem:v1+s10+$0x0], $0xffff  }
0xa8: {  	v3 =	vor.u32 v51, v16;
	v1 =	vld [tilespmem:$0x1FFC0];
	_ =	sdelay $0x1  }
0xa9: {  	[tilespmem:$0x1FCC0] =	vst v16;
	v16 =	vld.idx.msk [tilespmem:v4+s10+$0x0], $0xffff;
	v4 =	vadd.f32 v7, v15;
	_ =	sdelay $0x1  }
0xaa: {  	v40 =	vld.idx.msk [tilespmem:v5+s10+$0x0], $0xffff;
	[tilespmem:v2+s16+$0x0] =	vst.idx.msk $0xffff, v4  }
0xab: {  	v2 =	vld.idx.msk [tilespmem:v3+s12+$0x0], $0xffff;
	v1 =	vor.u32 v1, v52  }
0xac: {  	v3 =	vor.u32 v33, v1;
	v1 =	vld [tilespmem:$0x1FE10];
	_ =	sdelay $0x3  }
0xad: {  	[tilespmem:$0x1FCD0] =	vst v15;
	v15 =	vor.u32 s3, v57  }
0xae: {  	v4 =	vor.u32 s9, v1;
	v1 =	vadd.s32 v3, v15;
	_ =	sdelay $0x2  }
0xaf: {  	v2 =	vadd.f32 v2, v14  }
0xb0: {  	[tilespmem:$0x1FCE0] =	vst v3  }
0xb1: {  	v3 =	vor.u32 v51, v4;
	[tilespmem:v1+s16+$0x0] =	vst.idx.msk $0xffff, v2;
	v1 =	vld [tilespmem:$0x1FFB0];
	_ =	sdelay $0x4  }
0xb2: {  	v2 =	vld.idx.msk [tilespmem:v3+s12+$0x0], $0xffff;
	v1 =	vor.u32 v1, v52  }
0xb3: {  	v3 =	vor.u32 v33, v1;
	v1 =	vld [tilespmem:$0x1FE20];
	_ =	sdelay $0x3  }
0xb4: {  	v43 =	vor.u32 s3, v34  }
0xb5: {  	[tilespmem:$0x1FCF0] =	vst v4;
	v4 =	vor.u32 s9, v1;
	v1 =	vadd.s32 v3, v43;
	_ =	sdelay $0x2  }
0xb6: {  	v2 =	vadd.f32 v2, v11;
	_ =	sdelay $0x1  }
0xb7: {  	v30 =	vmov v3;
	v3 =	vor.u32 v51, v4;
	[tilespmem:v1+s16+$0x0] =	vst.idx.msk $0xffff, v2;
	v1 =	vld [tilespmem:$0x1FFA0];
	_ =	sdelay $0x4  }
0xb8: {  	v3 =	vld.idx.msk [tilespmem:v3+s12+$0x0], $0xffff;
	v1 =	vor.u32 v1, v52  }
0xb9: {  	v45 =	vor.u32 s3, v35;
	v2 =	vld [tilespmem:$0x1FE30];
	v1 =	vor.u32 v33, v1  }
0xba: {  	v31 =	vmov v4;
	v4 =	vadd.s32 v1, v45;
	_ =	sdelay $0x2  }
0xbb: {  	v3 =	vadd.f32 v3, v9  }
0xbc: {  	v2 =	vor.u32 s9, v2  }
0xbd: {  	v5 =	vor.u32 v51, v2;
	[tilespmem:v4+s16+$0x0] =	vst.idx.msk $0xffff, v3;
	v3 =	vld [tilespmem:$0x1FF90];
	_ =	sdelay $0x4  }
0xbe: {  	v5 =	vld.idx.msk [tilespmem:v5+s12+$0x0], $0xffff;
	v3 =	vor.u32 v3, v52  }
0xbf: {  	v47 =	vor.u32 s3, v36;
	v4 =	vld [tilespmem:$0x1FE40];
	v3 =	vor.u32 v33, v3  }
0xc0: {  	[tilespmem:$0x1FCB0] =	vst v6;
	v6 =	vadd.s32 v3, v47;
	_ =	sdelay $0x2  }
0xc1: {  	v5 =	vadd.f32 v5, v8  }
0xc2: {  	v4 =	vor.u32 s9, v4  }
0xc3: {  	v7 =	vor.u32 v51, v4;
	[tilespmem:v6+s16+$0x0] =	vst.idx.msk $0xffff, v5;
	v5 =	vld [tilespmem:$0x1FF80];
	_ =	sdelay $0x4  }
0xc4: {  	v7 =	vld.idx.msk [tilespmem:v7+s12+$0x0], $0xffff;
	v5 =	vor.u32 v5, v52  }
0xc5: {  	v49 =	vor.u32 s3, v37;
	v6 =	vld [tilespmem:$0x1FE60];
	v5 =	vor.u32 v33, v5  }
0xc6: {  	v28 =	vmov v8;
	v8 =	vadd.s32 v5, v49;
	_ =	sdelay $0x2  }
0xc7: {  	v7 =	vadd.f32 v7, v10  }
0xc8: {  	v6 =	vor.u32 s9, v6  }
0xc9: {  	v21 =	vmov v9;
	v9 =	vor.u32 v51, v6;
	[tilespmem:v8+s16+$0x0] =	vst.idx.msk $0xffff, v7;
	v7 =	vld [tilespmem:$0x1FF70];
	_ =	sdelay $0x4  }
0xca: {  	v9 =	vld.idx.msk [tilespmem:v9+s12+$0x0], $0xffff;
	v7 =	vor.u32 v7, v52  }
0xcb: {  	v53 =	vor.u32 s3, v54;
	v8 =	vld [tilespmem:$0x1FE70];
	v7 =	vor.u32 v33, v7  }
0xcc: {  	v27 =	vmov v10;
	v10 =	vadd.s32 v7, v53;
	_ =	sdelay $0x2  }
0xcd: {  	v9 =	vadd.f32 v9, v12  }
0xce: {  	v8 =	vor.u32 s9, v8  }
0xcf: {  	v22 =	vmov v11;
	v11 =	vor.u32 v51, v8;
	[tilespmem:v10+s16+$0x0] =	vst.idx.msk $0xffff, v9;
	v9 =	vld [tilespmem:$0x1FF60];
	_ =	sdelay $0x4  }
0xd0: {  	v11 =	vld.idx.msk [tilespmem:v11+s12+$0x0], $0xffff;
	v9 =	vor.u32 v9, v52  }
0xd1: {  	v29 =	vmov v54;
	v54 =	vor.u32 s3, v55;
	v10 =	vld [tilespmem:$0x1FE50];
	v9 =	vor.u32 v33, v9  }
0xd2: {  	v26 =	vmov v12;
	v12 =	vadd.s32 v9, v54;
	_ =	sdelay $0x2  }
0xd3: {  	v11 =	vadd.f32 v11, v20  }
0xd4: {  	v10 =	vor.u32 s9, v10  }
0xd5: {  	v23 =	vmov v14;
	v14 =	vor.u32 v51, v10;
	[tilespmem:v12+s16+$0x0] =	vst.idx.msk $0xffff, v11;
	v11 =	vld [tilespmem:$0x1FFE0];
	_ =	sdelay $0x4  }
0xd6: {  	v14 =	vld.idx.msk [tilespmem:v14+s12+$0x0], $0xffff;
	v11 =	vor.u32 v11, v52  }
0xd7: {  	v12 =	vld [tilespmem:$0x1FE80];
	v11 =	vor.u32 v33, v11  }
0xd8: {  	v13 =	vadd.s32 v11, v13;
	_ =	sdelay $0x2  }
0xd9: {  	v14 =	vadd.f32 v14, v0  }
0xda: {  	v12 =	vor.u32 s9, v12  }
0xdb: {  	v42 =	vor.u32 v51, v12;
	[tilespmem:v13+s16+$0x0] =	vst.idx.msk $0xffff, v14;
	v13 =	vld [tilespmem:$0x1FF50];
	_ =	sdelay $0x4  }
0xdc: {  	v42 =	vld.idx.msk [tilespmem:v42+s12+$0x0], $0xffff;
	v13 =	vor.u32 v13, v52  }
0xdd: {  	v14 =	vld [tilespmem:$0x1FE90];
	v13 =	vor.u32 v33, v13  }
0xde: {  	v15 =	vadd.s32 v13, v15;
	_ =	sdelay $0x2  }
0xdf: {  	v42 =	vadd.f32 v42, v18  }
0xe0: {  	v14 =	vor.u32 s9, v14  }
0xe1: {  	v44 =	vor.u32 v51, v14;
	[tilespmem:v15+s16+$0x0] =	vst.idx.msk $0xffff, v42;
	v15 =	vld [tilespmem:$0x1FF40];
	_ =	sdelay $0x1  }
0xe2: {  	v32 =	vld [tilespmem:$0x1FEA0];
	_ =	sdelay $0x2  }
0xe3: {  	v44 =	vld.idx.msk [tilespmem:v44+s12+$0x0], $0xffff;
	v15 =	vor.u32 v15, v52  }
0xe4: {  	v15 =	vor.u32 v33, v15  }
0xe5: {  	v42 =	vor.u32 s9, v32;
	v43 =	vadd.s32 v15, v43  }
0xe6: {  	v59 =	vld [tilespmem:$0x1FF30];
	v46 =	vor.u32 v51, v42;
	_ =	sdelay $0x1  }
0xe7: {  	v62 =	vld [tilespmem:$0x1FEB0];
	v44 =	vadd.f32 v44, v19;
	_ =	sdelay $0x1  }
0xe8: {  	[tilespmem:v43+s16+$0x0] =	vst.idx.msk $0xffff, v44  }
0xe9: {  	v61 =	vor.u32 v59, v52;
	v46 =	vld.idx.msk [tilespmem:v46+s12+$0x0], $0xffff  }
0xea: {  	v43 =	vor.u32 v33, v61  }
0xeb: {  	v44 =	vor.u32 s9, v62;
	v45 =	vadd.s32 v43, v45  }
0xec: {  	v63 =	vld [tilespmem:$0x1FF20];
	v48 =	vor.u32 v51, v44;
	_ =	sdelay $0x1  }
0xed: {  	v46 =	vadd.f32 v46, v41;
	_ =	sdelay $0x1  }
0xee: {  	[tilespmem:v45+s16+$0x0] =	vst.idx.msk $0xffff, v46  }
0xef: {  	v60 =	vmovc v20;
	v20 =	vmov v19;
	v19 =	vmov v41;
	v41 =	vor.u32 v63, v52;
	v48 =	vld.idx.msk [tilespmem:v48+s12+$0x0], $0xffff  }
0xf0: {  	v45 =	vor.u32 v33, v41;
	v46 =	vld [tilespmem:$0x1FEC0]  }
0xf1: {  	v47 =	vadd.s32 v45, v47;
	_ =	sdelay $0x2  }
0xf2: {  	v48 =	vadd.f32 v48, v17  }
0xf3: {  	v46 =	vor.u32 s9, v46  }
0xf4: {  	v50 =	vor.u32 v51, v46;
	[tilespmem:v47+s16+$0x0] =	vst.idx.msk $0xffff, v48;
	v48 =	vld [tilespmem:$0x1FF10];
	_ =	sdelay $0x3  }
0xf5: {  	v61 =	vld [tilespmem:$0x1FED0]  }
0xf6: {  	v50 =	vld.idx.msk [tilespmem:v50+s12+$0x0], $0xffff;
	v59 =	vor.u32 v48, v52  }
0xf7: {  	v47 =	vor.u32 v33, v59  }
0xf8: {  	v49 =	vadd.s32 v47, v49;
	_ =	sdelay $0x1  }
0xf9: {  	v48 =	vor.u32 s9, v61  }
0xfa: {  	v63 =	vld [tilespmem:$0x1FF00];
	v62 =	vor.u32 v51, v48;
	v50 =	vadd.f32 v50, v16;
	_ =	sdelay $0x1  }
0xfb: {  	[tilespmem:v49+s16+$0x0] =	vst.idx.msk $0xffff, v50;
	v50 =	vld [tilespmem:$0x1FEE0];
	_ =	sdelay $0x2  }
0xfc: {  	v41 =	vor.u32 v63, v52;
	v61 =	vmov v55;
	v55 =	vld.idx.msk [tilespmem:v62+s12+$0x0], $0xffff  }
0xfd: {  	v49 =	vor.u32 v33, v41  }
0xfe: {  	v53 =	vadd.s32 v49, v53;
	v50 =	vor.u32 s9, v50  }
0xff: {  	v51 =	vor.u32 v51, v50;
	_ =	sdelay $0x1  }
0x100: {  	v55 =	vadd.f32 v55, v40  }
0x101: {  	v62 =	vld [tilespmem:$0x1FEF0]  }
0x102: {  	[tilespmem:v53+s16+$0x0] =	vst.idx.msk $0xffff, v55  }
0x103: {  	s30 =	simm.s32 $0x10;
	v55 =	vld.idx.msk [tilespmem:v51+s12+$0x0], $0xffff  }
0x104: {  	v59 =	vmov s30  }
0x105: {  	v63 =	vshll.u32 v59, $0x6  }
0x106: {  	v24 =	vmovc v58;
	v25 =	vmovc v0;
	v0 =	vmov v18;
	v18 =	vmov v17;
	v52 =	vor.u32 v62, v52  }
0x107: {  	v17 =	vmovc v16;
	v16 =	vmovc v40;
	v51 =	vor.u32 v33, v52;
	v33 =	vmov v38;
	v52 =	vor.u32 v38, v63  }
0x108: {  	s9 =	simm.s32 $0x20;
	v63 =	vmovc v39;
	v54 =	vadd.s32 v51, v54;
	v53 =	vor.u32 v52, v58;
	v55 =	vadd.f32 v55, v39  }
.LBB2_4:
0x109: {  	_ =	sdelay $0x1  }
0x10a: {  	v32 =	vld [tilespmem:$0x1FCB0]  }
0x10b: {  	v40 =	vld [tilespmem:$0x1FCC0]  }
0x10c: {  	v58 =	vld [tilespmem:$0x1FCD0];
	[tilespmem:v54+s16+$0x0] =	vst.idx.msk $0xffff, v55  }
0x10d: {  	v53 =	vld.idx.msk [tilespmem:v53+s12+$0x0], $0xffff  }
0x10e: {  	v54 =	vor.u32 s30, v56  }
0x10f: {  	v62 =	vadd.s32 v32, v54  }
0x110: {  	v41 =	vor.u32 v52, v40;
	_ =	sdelay $0x1  }
0x111: {  	v59 =	vld [tilespmem:$0x1FCE0];
	v53 =	vadd.f32 v53, v58  }
0x112: {  	v40 =	vld [tilespmem:$0x1FCF0]  }
0x113: {  	[tilespmem:v62+s16+$0x0] =	vst.idx.msk $0xffff, v53  }
0x114: {  	v53 =	vld.idx.msk [tilespmem:v41+s12+$0x0], $0xffff  }
0x115: {  	v55 =	vor.u32 s30, v57  }
0x116: {  	v62 =	vadd.s32 v59, v55  }
0x117: {  	v41 =	vor.u32 v52, v40;
	_ =	sdelay $0x1  }
0x118: {  	v53 =	vadd.f32 v53, v23;
	_ =	sdelay $0x1  }
0x119: {  	[tilespmem:v62+s16+$0x0] =	vst.idx.msk $0xffff, v53  }
0x11a: {  	v53 =	vld.idx.msk [tilespmem:v41+s12+$0x0], $0xffff  }
0x11b: {  	v38 =	vmov v56;
	v56 =	vor.u32 s30, v34  }
0x11c: {  	v62 =	vadd.s32 v30, v56  }
0x11d: {  	v40 =	vor.u32 v52, v31;
	_ =	sdelay $0x1  }
0x11e: {  	v53 =	vadd.f32 v53, v22;
	_ =	sdelay $0x1  }
0x11f: {  	[tilespmem:v62+s16+$0x0] =	vst.idx.msk $0xffff, v53  }
0x120: {  	v32 =	vld.idx.msk [tilespmem:v40+s12+$0x0], $0xffff  }
0x121: {  	v53 =	vor.u32 s30, v35  }
0x122: {  	v41 =	vadd.s32 v1, v53  }
0x123: {  	v40 =	vor.u32 v52, v2;
	_ =	sdelay $0x1  }
0x124: {  	v32 =	vadd.f32 v32, v21;
	_ =	sdelay $0x1  }
0x125: {  	[tilespmem:v41+s16+$0x0] =	vst.idx.msk $0xffff, v32  }
0x126: {  	v32 =	vld.idx.msk [tilespmem:v40+s12+$0x0], $0xffff  }
0x127: {  	v62 =	vmov v33;
	v33 =	vor.u32 s30, v36  }
0x128: {  	v39 =	vmov v57;
	v57 =	vadd.s32 v3, v33  }
0x129: {  	v41 =	vor.u32 v52, v4;
	_ =	sdelay $0x1  }
0x12a: {  	v32 =	vadd.f32 v32, v28;
	_ =	sdelay $0x1  }
0x12b: {  	[tilespmem:v57+s16+$0x0] =	vst.idx.msk $0xffff, v32  }
0x12c: {  	v32 =	vld.idx.msk [tilespmem:v41+s12+$0x0], $0xffff  }
0x12d: {  	v40 =	vmov v34;
	v34 =	vor.u32 s30, v37  }
0x12e: {  	v57 =	vadd.s32 v5, v34  }
0x12f: {  	v58 =	vor.u32 v52, v6;
	_ =	sdelay $0x1  }
0x130: {  	v32 =	vadd.f32 v32, v27;
	_ =	sdelay $0x1  }
0x131: {  	[tilespmem:v57+s16+$0x0] =	vst.idx.msk $0xffff, v32  }
0x132: {  	v32 =	vld.idx.msk [tilespmem:v58+s12+$0x0], $0xffff  }
0x133: {  	v41 =	vmov v35;
	v35 =	vor.u32 s30, v29  }
0x134: {  	v57 =	vadd.s32 v7, v35  }
0x135: {  	v59 =	vor.u32 v52, v8;
	_ =	sdelay $0x1  }
0x136: {  	v32 =	vadd.f32 v32, v26;
	_ =	sdelay $0x1  }
0x137: {  	[tilespmem:v57+s16+$0x0] =	vst.idx.msk $0xffff, v32  }
0x138: {  	v32 =	vld.idx.msk [tilespmem:v59+s12+$0x0], $0xffff  }
0x139: {  	v58 =	vmov v36;
	v36 =	vor.u32 s30, v61  }
0x13a: {  	v57 =	vadd.s32 v9, v36  }
0x13b: {  	v59 =	vmov v37;
	v37 =	vor.u32 v52, v10;
	_ =	sdelay $0x1  }
0x13c: {  	v32 =	vadd.f32 v32, v60;
	_ =	sdelay $0x1  }
0x13d: {  	[tilespmem:v57+s16+$0x0] =	vst.idx.msk $0xffff, v32  }
0x13e: {  	v32 =	vld.idx.msk [tilespmem:v37+s12+$0x0], $0xffff;
	_ =	sdelay $0x1  }
0x13f: {  	v37 =	vadd.s32 v11, v54  }
0x140: {  	v54 =	vor.u32 v52, v12;
	_ =	sdelay $0x1  }
0x141: {  	v32 =	vadd.f32 v32, v25;
	_ =	sdelay $0x1  }
0x142: {  	[tilespmem:v37+s16+$0x0] =	vst.idx.msk $0xffff, v32  }
0x143: {  	v32 =	vld.idx.msk [tilespmem:v54+s12+$0x0], $0xffff;
	_ =	sdelay $0x1  }
0x144: {  	v37 =	vadd.s32 v13, v55  }
0x145: {  	v54 =	vor.u32 v52, v14;
	_ =	sdelay $0x1  }
0x146: {  	v32 =	vadd.f32 v32, v0;
	_ =	sdelay $0x1  }
0x147: {  	[tilespmem:v37+s16+$0x0] =	vst.idx.msk $0xffff, v32  }
0x148: {  	v32 =	vld.idx.msk [tilespmem:v54+s12+$0x0], $0xffff;
	_ =	sdelay $0x1  }
0x149: {  	v37 =	vadd.s32 v15, v56  }
0x14a: {  	v54 =	vor.u32 v52, v42;
	_ =	sdelay $0x1  }
0x14b: {  	v32 =	vadd.f32 v32, v20;
	_ =	sdelay $0x1  }
0x14c: {  	[tilespmem:v37+s16+$0x0] =	vst.idx.msk $0xffff, v32  }
0x14d: {  	v32 =	vld.idx.msk [tilespmem:v54+s12+$0x0], $0xffff;
	_ =	sdelay $0x1  }
0x14e: {  	v37 =	vadd.s32 v43, v53  }
0x14f: {  	v53 =	vor.u32 v52, v44;
	_ =	sdelay $0x1  }
0x150: {  	v32 =	vadd.f32 v32, v19;
	_ =	sdelay $0x1  }
0x151: {  	[tilespmem:v37+s16+$0x0] =	vst.idx.msk $0xffff, v32  }
0x152: {  	v32 =	vld.idx.msk [tilespmem:v53+s12+$0x0], $0xffff;
	_ =	sdelay $0x1  }
0x153: {  	v33 =	vadd.s32 v45, v33  }
0x154: {  	v54 =	vor.u32 v52, v46;
	_ =	sdelay $0x1  }
0x155: {  	v32 =	vadd.f32 v32, v18;
	_ =	sdelay $0x1  }
0x156: {  	[tilespmem:v33+s16+$0x0] =	vst.idx.msk $0xffff, v32  }
0x157: {  	v32 =	vld.idx.msk [tilespmem:v54+s12+$0x0], $0xffff;
	_ =	sdelay $0x1  }
0x158: {  	v55 =	vadd.s32 v47, v34  }
0x159: {  	v37 =	vmov v59;
	v59 =	vor.u32 v52, v48;
	_ =	sdelay $0x1  }
0x15a: {  	v32 =	vadd.f32 v32, v17;
	_ =	sdelay $0x1  }
0x15b: {  	[tilespmem:v55+s16+$0x0] =	vst.idx.msk $0xffff, v32  }
0x15c: {  	v32 =	vld.idx.msk [tilespmem:v59+s12+$0x0], $0xffff;
	_ =	sdelay $0x1  }
0x15d: {  	v53 =	vadd.s32 v49, v35  }
0x15e: {  	v54 =	vor.u32 v52, v50;
	_ =	sdelay $0x1  }
0x15f: {  	v32 =	vadd.f32 v32, v16;
	_ =	sdelay $0x1  }
0x160: {  	[tilespmem:v53+s16+$0x0] =	vst.idx.msk $0xffff, v32  }
0x161: {  	p1 =	sne.s32 s9, $0x70;
	s31 =	smov.u32 s9;
	v32 =	vld.idx.msk [tilespmem:v54+s12+$0x0], $0xffff  }
.Ltmp0:
0x162: {  	s30 =	smov.u32 s31;
	(pc) =	sbr.rel @p1 .LBB2_4-.Ltmp0, $4  }
0x163: {  	v55 =	vmov s30  }
0x164: {  	v57 =	vmov v39;
	v59 =	vshll.u32 v55, $0x6  }
0x165: {  	v34 =	vmovc v40;
	v56 =	vmovc v38;
	v35 =	vmov v41;
	v33 =	vmov v62;
	v52 =	vor.u32 v62, v59  }
0x166: {  	s9 =	sadd.s32 $0x10, s9;
	v53 =	vor.u32 v52, v24;
	v54 =	vadd.s32 v51, v36;
	v36 =	vmovc v58;
	v55 =	vadd.f32 v32, v63  }
0x167: {  	_ =	sdelay $0x1  }
0x168: {  	v24 =	vld [tilespmem:$0x1FCB0]  }
0x169: {  	v58 =	vld [tilespmem:$0x1FCC0]  }
0x16a: {  	[tilespmem:v54+s16+$0x0] =	vst.idx.msk $0xffff, v55;
	v55 =	vld [tilespmem:$0x1FCD0]  }
0x16b: {  	v40 =	vld.idx.msk [tilespmem:v53+s12+$0x0], $0xffff  }
0x16c: {  	v32 =	vor.u32 s30, v56  }
0x16d: {  	v41 =	vadd.s32 v24, v32  }
0x16e: {  	v59 =	vor.u32 v52, v58;
	_ =	sdelay $0x1  }
0x16f: {  	v24 =	vadd.f32 v40, v55;
	_ =	sdelay $0x1  }
0x170: {  	v58 =	vld [tilespmem:$0x1FCE0];
	[tilespmem:v41+s16+$0x0] =	vst.idx.msk $0xffff, v24  }
0x171: {  	v24 =	vld.idx.msk [tilespmem:v59+s12+$0x0], $0xffff  }
0x172: {  	v59 =	vld [tilespmem:$0x1FCF0];
	_ =	sdelay $0x2  }
0x173: {  	v40 =	vor.u32 s30, v57  }
0x174: {  	v41 =	vadd.s32 v58, v40  }
0x175: {  	v53 =	vor.u32 v52, v59;
	_ =	sdelay $0x1  }
0x176: {  	v23 =	vadd.f32 v24, v23;
	_ =	sdelay $0x1  }
0x177: {  	[tilespmem:v41+s16+$0x0] =	vst.idx.msk $0xffff, v23  }
0x178: {  	v23 =	vld.idx.msk [tilespmem:v53+s12+$0x0], $0xffff  }
0x179: {  	v41 =	vor.u32 s30, v34  }
0x17a: {  	v30 =	vadd.s32 v30, v41  }
0x17b: {  	v31 =	vor.u32 v52, v31;
	_ =	sdelay $0x1  }
0x17c: {  	v22 =	vadd.f32 v23, v22;
	_ =	sdelay $0x1  }
0x17d: {  	[tilespmem:v30+s16+$0x0] =	vst.idx.msk $0xffff, v22  }
0x17e: {  	v22 =	vld.idx.msk [tilespmem:v31+s12+$0x0], $0xffff  }
0x17f: {  	v23 =	vor.u32 s30, v35  }
0x180: {  	v1 =	vadd.s32 v1, v23  }
0x181: {  	v2 =	vor.u32 v52, v2;
	_ =	sdelay $0x1  }
0x182: {  	v21 =	vadd.f32 v22, v21;
	_ =	sdelay $0x1  }
0x183: {  	[tilespmem:v1+s16+$0x0] =	vst.idx.msk $0xffff, v21  }
0x184: {  	v1 =	vld.idx.msk [tilespmem:v2+s12+$0x0], $0xffff  }
0x185: {  	v53 =	vor.u32 s30, v36  }
0x186: {  	v3 =	vadd.s32 v3, v53  }
0x187: {  	v4 =	vor.u32 v52, v4;
	_ =	sdelay $0x1  }
0x188: {  	v1 =	vadd.f32 v1, v28;
	_ =	sdelay $0x1  }
0x189: {  	[tilespmem:v3+s16+$0x0] =	vst.idx.msk $0xffff, v1  }
0x18a: {  	v1 =	vld.idx.msk [tilespmem:v4+s12+$0x0], $0xffff  }
0x18b: {  	v3 =	vor.u32 s30, v37  }
0x18c: {  	v54 =	vadd.s32 v5, v3  }
0x18d: {  	v55 =	vor.u32 v52, v6;
	_ =	sdelay $0x1  }
0x18e: {  	v1 =	vadd.f32 v1, v27;
	_ =	sdelay $0x1  }
0x18f: {  	[tilespmem:v54+s16+$0x0] =	vst.idx.msk $0xffff, v1  }
0x190: {  	v1 =	vld.idx.msk [tilespmem:v55+s12+$0x0], $0xffff  }
0x191: {  	v58 =	vor.u32 s30, v29  }
0x192: {  	v59 =	vadd.s32 v7, v58  }
0x193: {  	v21 =	vor.u32 v52, v8;
	_ =	sdelay $0x1  }
0x194: {  	v1 =	vadd.f32 v1, v26;
	_ =	sdelay $0x1  }
0x195: {  	[tilespmem:v59+s16+$0x0] =	vst.idx.msk $0xffff, v1  }
0x196: {  	v1 =	vld.idx.msk [tilespmem:v21+s12+$0x0], $0xffff  }
0x197: {  	v22 =	vor.u32 s30, v61  }
0x198: {  	v26 =	vadd.s32 v9, v22  }
0x199: {  	v27 =	vor.u32 v52, v10;
	_ =	sdelay $0x1  }
0x19a: {  	v1 =	vadd.f32 v1, v60;
	_ =	sdelay $0x1  }
0x19b: {  	[tilespmem:v26+s16+$0x0] =	vst.idx.msk $0xffff, v1  }
0x19c: {  	v1 =	vld.idx.msk [tilespmem:v27+s12+$0x0], $0xffff;
	_ =	sdelay $0x1  }
0x19d: {  	v28 =	vadd.s32 v11, v32  }
0x19e: {  	v30 =	vor.u32 v52, v12;
	_ =	sdelay $0x1  }
0x19f: {  	v1 =	vadd.f32 v1, v25;
	_ =	sdelay $0x1  }
0x1a0: {  	[tilespmem:v28+s16+$0x0] =	vst.idx.msk $0xffff, v1  }
0x1a1: {  	v1 =	vld.idx.msk [tilespmem:v30+s12+$0x0], $0xffff;
	_ =	sdelay $0x1  }
0x1a2: {  	v31 =	vadd.s32 v13, v40  }
0x1a3: {  	v32 =	vor.u32 v52, v14;
	_ =	sdelay $0x1  }
0x1a4: {  	v1 =	vadd.f32 v1, v0;
	_ =	sdelay $0x1  }
0x1a5: {  	[tilespmem:v31+s16+$0x0] =	vst.idx.msk $0xffff, v1  }
0x1a6: {  	v1 =	vld.idx.msk [tilespmem:v32+s12+$0x0], $0xffff;
	_ =	sdelay $0x1  }
0x1a7: {  	v40 =	vadd.s32 v15, v41  }
0x1a8: {  	v41 =	vor.u32 v52, v42;
	_ =	sdelay $0x1  }
0x1a9: {  	v42 =	vadd.f32 v1, v20;
	_ =	sdelay $0x1  }
0x1aa: {  	[tilespmem:v40+s16+$0x0] =	vst.idx.msk $0xffff, v42  }
0x1ab: {  	v0 =	vld.idx.msk [tilespmem:v41+s12+$0x0], $0xffff;
	_ =	sdelay $0x1  }
0x1ac: {  	v43 =	vadd.s32 v43, v23  }
0x1ad: {  	v44 =	vor.u32 v52, v44;
	_ =	sdelay $0x1  }
0x1ae: {  	v0 =	vadd.f32 v0, v19;
	_ =	sdelay $0x1  }
0x1af: {  	[tilespmem:v43+s16+$0x0] =	vst.idx.msk $0xffff, v0  }
0x1b0: {  	v0 =	vld.idx.msk [tilespmem:v44+s12+$0x0], $0xffff;
	_ =	sdelay $0x1  }
0x1b1: {  	v45 =	vadd.s32 v45, v53  }
0x1b2: {  	v53 =	vor.u32 v52, v46;
	_ =	sdelay $0x1  }
0x1b3: {  	v0 =	vadd.f32 v0, v18;
	_ =	sdelay $0x1  }
0x1b4: {  	[tilespmem:v45+s16+$0x0] =	vst.idx.msk $0xffff, v0  }
0x1b5: {  	v0 =	vld.idx.msk [tilespmem:v53+s12+$0x0], $0xffff;
	_ =	sdelay $0x1  }
0x1b6: {  	v54 =	vadd.s32 v47, v3  }
0x1b7: {  	v55 =	vor.u32 v52, v48;
	_ =	sdelay $0x1  }
0x1b8: {  	v0 =	vadd.f32 v0, v17;
	_ =	sdelay $0x1  }
0x1b9: {  	[tilespmem:v54+s16+$0x0] =	vst.idx.msk $0xffff, v0  }
0x1ba: {  	v0 =	vld.idx.msk [tilespmem:v55+s12+$0x0], $0xffff;
	_ =	sdelay $0x1  }
0x1bb: {  	v58 =	vadd.s32 v49, v58  }
0x1bc: {  	v59 =	vor.u32 v52, v50;
	_ =	sdelay $0x1  }
0x1bd: {  	v0 =	vadd.f32 v0, v16;
	_ =	sdelay $0x1  }
0x1be: {  	[tilespmem:v58+s16+$0x0] =	vst.idx.msk $0xffff, v0  }
0x1bf: {  	v0 =	vld.idx.msk [tilespmem:v59+s12+$0x0], $0xffff  }
0x1c0: {  	s29 =	sadd.s32 $0x1, s29  }
0x1c1: {  	p1 =	sne.s32 s29, $0x4;
	v60 =	vadd.s32 v51, v22  }
.Ltmp1:
0x1c2: {  	_ = 	snop;
	(pc) =	sbr.rel @p1 .LBB2_3-.Ltmp1, $3  }
0x1c3: {  	_ = 	snop  }
0x1c4: {  	v0 =	vadd.f32 v0, v63;
	_ =	sdelay $0x1  }
0x1c5: {  	v54 =	vmov v29;
	v55 =	vmov v61;
	[tilespmem:v60+s16+$0x0] =	vst.idx.msk $0xffff, v0  }
0x1c6: {  	s3 =	sshll.u32 s8, $0x7  }
0x1c7: {  	s3 =	sand.u32 $0xE00, s3  }
0x1c8: {  	s0 =	sshll.u32 s0, $0xF;
	s3 =	sadd.s32 s2, s3  }
0x1c9: {  	s0 =	sadd.s32 s0, s3  }
0x1ca: {  	[hbm4b:s0+s17] =	stream.strided.scatter [tilespmem:s16], [sflag:$0x5], $0x2000, s18, s17, $0x38;
	[tilespmem:$0x19600] =	vst v63  }
0x1cb: {  	s0 =	sor.u32 $0x3, s7  }
0x1cc: {  	s9 =	sshll.u32 s0, $0x7  }
0x1cd: {  	s3 =	sand.u32 $0x3FFFFF80, s9  }
0x1ce: {  	[tilespmem:s19], [sflag:$0x4] =	stream.indirect.gather [hbm4b:s4+s11], $0x40, s3, s11, $0xb8;
	[tilespmem:$0x19600] =	vst v63  }
0x1cf: {  	_ =	swait.ge [sflag:s20], $0x2000  }
0x1d0: {  	s30 =	sor.u32 $0x1, s7;
	v44 =	vld [tilespmem:$0x1FE00]  }
0x1d1: {  	s8 =	sadd.s32 s6, s30;
	v45 =	vld [tilespmem:$0x1FE10]  }
0x1d2: {  	s7 =	sshrl.u32 s8, $0x5;
	v46 =	vld [tilespmem:$0x1FE20]  }
0x1d3: {  	v0 =	vlaneseq.u32;
	s31 =	sshll.u32 s7, $0x6;
	v47 =	vld [tilespmem:$0x1FE30]  }
0x1d4: {  	v0 =	vor.u32 s31, v0;
	v48 =	vld [tilespmem:$0x1FE40]  }
0x1d5: {  	[tilespmem:$0x1FBB0] =	vst v0;
	v49 =	vld [tilespmem:$0x1FE60];
	v0 =	vor.u32 s31, v44  }
0x1d6: {  	[tilespmem:$0x1FBC0] =	vst v0;
	v0 =	vor.u32 s31, v45  }
0x1d7: {  	[tilespmem:$0x1FBD0] =	vst v0;
	v0 =	vor.u32 s31, v46  }
0x1d8: {  	[tilespmem:$0x1FBE0] =	vst v0;
	v0 =	vor.u32 s31, v47  }
0x1d9: {  	[tilespmem:$0x1FBF0] =	vst v0;
	v0 =	vor.u32 s31, v48  }
0x1da: {  	[sflag:s20] =	ssyncset.done $0x0;
	[tilespmem:$0x1FC00] =	vst v0;
	v0 =	vor.u32 s31, v49  }
0x1db: {  	s9 =	simm.s32 @!p0 $0x6;
	[sflag:s20] =	ssyncadd.s32 $0xFFFFE000;
	[tilespmem:$0x1FC10] =	vst v0  }
0x1dc: {  	_ =	swait.ge @!p0 [sflag:s9], $0x2000  }
0x1dd: {  	v50 =	vld [tilespmem:$0x1FE70]  }
0x1de: {  	v51 =	vld [tilespmem:$0x1FE50]  }
0x1df: {  	v52 =	vld [tilespmem:$0x1FE80]  }
0x1e0: {  	v53 =	vld [tilespmem:$0x1FE90]  }
0x1e1: {  	v58 =	vld [tilespmem:$0x1FEA0]  }
0x1e2: {  	v59 =	vld [tilespmem:$0x1FEB0];
	v0 =	vor.u32 s31, v50  }
0x1e3: {  	v60 =	vld [tilespmem:$0x1FEC0];
	[tilespmem:$0x1FC20] =	vst v0;
	v0 =	vor.u32 s31, v51  }
0x1e4: {  	v61 =	vld [tilespmem:$0x1FED0];
	[tilespmem:$0x1FC30] =	vst v0;
	v0 =	vor.u32 s31, v52  }
0x1e5: {  	v63 =	vld [tilespmem:$0x1FEE0];
	[tilespmem:$0x1FC40] =	vst v0;
	v0 =	vor.u32 s31, v53  }
0x1e6: {  	[tilespmem:$0x1FC50] =	vst v0;
	v0 =	vor.u32 s31, v58  }
0x1e7: {  	[tilespmem:$0x1FC60] =	vst v0;
	v0 =	vor.u32 s31, v59  }
0x1e8: {  	[tilespmem:$0x1FC70] =	vst v0;
	v0 =	vor.u32 s31, v60  }
0x1e9: {  	[tilespmem:$0x1FC80] =	vst v0;
	v0 =	vor.u32 s31, v61  }
0x1ea: {  	[sflag:s9] =	ssyncset.done @!p0 $0x0;
	[tilespmem:$0x1FC90] =	vst v0;
	v0 =	vor.u32 s31, v63  }
0x1eb: {  	s29 =	simm.s32 $0x0;
	s3 =	simm.s32 $0x0;
	[sflag:s9] =	ssyncadd.s32 @!p0 $0xFFFFE000;
	[tilespmem:$0x1FCA0] =	vst v0  }
.LBB2_7:
0x1ec: {  	v1 =	vld [tilespmem:$0x1FBC0];
	_ =	sdelay $0x3  }
0x1ed: {  	s9 =	sshll.u32 s29, $0x4  }
0x1ee: {  	v2 =	vld [tilespmem:$0x1FBD0];
	v1 =	vor.u32 s9, v1;
	_ =	sdelay $0x1  }
0x1ef: {  	v0 =	vld [tilespmem:$0x1FBB0];
	_ =	sdelay $0x1  }
0x1f0: {  	v3 =	vld [tilespmem:$0x1FBE0]  }
0x1f1: {  	v2 =	vor.u32 s9, v2;
	v14 =	vld.idx.msk [tilespmem:v1+s10+$0x0], $0xffff  }
0x1f2: {  	v1 =	vld [tilespmem:$0x1FC10]  }
0x1f3: {  	v0 =	vor.u32 s9, v0;
	_ =	sdelay $0x1  }
0x1f4: {  	v4 =	vld [tilespmem:$0x1FBF0];
	v3 =	vor.u32 s9, v3  }
0x1f5: {  	v11 =	vld.idx.msk [tilespmem:v2+s10+$0x0], $0xffff  }
0x1f6: {  	v2 =	vld [tilespmem:$0x1FC20];
	v1 =	vor.u32 s9, v1  }
0x1f7: {  	v15 =	vld.idx.msk [tilespmem:v0+s10+$0x0], $0xffff  }
0x1f8: {  	v0 =	vld [tilespmem:$0x1FC00]  }
0x1f9: {  	v4 =	vor.u32 s9, v4;
	v9 =	vld.idx.msk [tilespmem:v3+s10+$0x0], $0xffff  }
0x1fa: {  	v3 =	vld [tilespmem:$0x1FC30]  }
0x1fb: {  	v2 =	vor.u32 s9, v2;
	v12 =	vld.idx.msk [tilespmem:v1+s10+$0x0], $0xffff  }
0x1fc: {  	v1 =	vld [tilespmem:$0x1FC50]  }
0x1fd: {  	v53 =	vld [tilespmem:$0x1FFF0]  }
0x1fe: {  	v8 =	vld.idx.msk [tilespmem:v4+s10+$0x0], $0xffff;
	v0 =	vor.u32 s9, v0  }
0x1ff: {  	v4 =	vld [tilespmem:$0x1FC40];
	v3 =	vor.u32 s9, v3  }
0x200: {  	v20 =	vld.idx.msk [tilespmem:v2+s10+$0x0], $0xffff  }
0x201: {  	v6 =	vlaneseq.u32;
	v2 =	vld [tilespmem:$0x1FC60];
	v1 =	vor.u32 s9, v1  }
0x202: {  	v61 =	vor.u32 s9, v6;
	v6 =	vld [tilespmem:$0x1FFD0]  }
0x203: {  	v10 =	vld.idx.msk [tilespmem:v0+s10+$0x0], $0xffff  }
0x204: {  	v4 =	vor.u32 s9, v4;
	v0 =	vld.idx.msk [tilespmem:v3+s10+$0x0], $0xffff  }
0x205: {  	v5 =	vmov s3;
	v3 =	vld [tilespmem:$0x1FC70]  }
0x206: {  	s30 =	sshll.u32 s29, $0x1;
	v5 =	vshll.u32 v5, $0x6;
	v2 =	vor.u32 s9, v2;
	v19 =	vld.idx.msk [tilespmem:v1+s10+$0x0], $0xffff  }
0x207: {  	v51 =	vor.u32 v33, v5;
	v5 =	vmov s30;
	v1 =	vld [tilespmem:$0x1FCA0]  }
0x208: {  	v52 =	vshll.u32 v5, $0xA;
	v5 =	vld [tilespmem:$0x1FC90]  }
0x209: {  	v18 =	vld.idx.msk [tilespmem:v4+s10+$0x0], $0xffff  }
0x20a: {  	v7 =	vor.u32 v51, v61;
	v4 =	vld [tilespmem:$0x1FC80]  }
0x20b: {  	v3 =	vor.u32 s9, v3;
	v46 =	vld.idx.msk [tilespmem:v2+s10+$0x0], $0xffff  }
0x20c: {  	v2 =	vld [tilespmem:$0x1FE00];
	v1 =	vor.u32 s9, v1;
	_ =	sdelay $0x2  }
0x20d: {  	v6 =	vor.u32 v6, v52;
	v7 =	vld.idx.msk [tilespmem:v7+s13+$0x0], $0xffff;
	v4 =	vor.u32 s9, v4  }
0x20e: {  	v13 =	vor.u32 s3, v56;
	v6 =	vor.u32 v53, v6;
	v17 =	vld.idx.msk [tilespmem:v3+s10+$0x0], $0xffff  }
0x20f: {  	v5 =	vor.u32 s9, v5;
	v16 =	vor.u32 s9, v2;
	v2 =	vadd.s32 v6, v13;
	v63 =	vld.idx.msk [tilespmem:v1+s10+$0x0], $0xffff  }
0x210: {  	v3 =	vor.u32 v51, v16;
	v1 =	vld [tilespmem:$0x1FFC0];
	_ =	sdelay $0x1  }
0x211: {  	[tilespmem:$0x1FB70] =	vst v16;
	v16 =	vld.idx.msk [tilespmem:v4+s10+$0x0], $0xffff;
	v4 =	vadd.f32 v7, v15;
	_ =	sdelay $0x1  }
0x212: {  	v60 =	vld.idx.msk [tilespmem:v5+s10+$0x0], $0xffff;
	[tilespmem:v2+s21+$0x0] =	vst.idx.msk $0xffff, v4  }
0x213: {  	v2 =	vld.idx.msk [tilespmem:v3+s13+$0x0], $0xffff;
	v1 =	vor.u32 v1, v52  }
0x214: {  	v3 =	vor.u32 v53, v1;
	v1 =	vld [tilespmem:$0x1FE10];
	_ =	sdelay $0x3  }
0x215: {  	[tilespmem:$0x1FB80] =	vst v15;
	v15 =	vor.u32 s3, v57  }
0x216: {  	v4 =	vor.u32 s9, v1;
	v1 =	vadd.s32 v3, v15;
	_ =	sdelay $0x2  }
0x217: {  	v2 =	vadd.f32 v2, v14  }
0x218: {  	[tilespmem:$0x1FB90] =	vst v3  }
0x219: {  	v3 =	vor.u32 v51, v4;
	[tilespmem:v1+s21+$0x0] =	vst.idx.msk $0xffff, v2;
	v1 =	vld [tilespmem:$0x1FFB0];
	_ =	sdelay $0x4  }
0x21a: {  	v2 =	vld.idx.msk [tilespmem:v3+s13+$0x0], $0xffff;
	v1 =	vor.u32 v1, v52  }
0x21b: {  	v3 =	vor.u32 v53, v1;
	v1 =	vld [tilespmem:$0x1FE20];
	_ =	sdelay $0x3  }
0x21c: {  	v32 =	vor.u32 s3, v34  }
0x21d: {  	[tilespmem:$0x1FBA0] =	vst v4;
	v4 =	vor.u32 s9, v1;
	v1 =	vadd.s32 v3, v32;
	_ =	sdelay $0x2  }
0x21e: {  	v2 =	vadd.f32 v2, v11;
	_ =	sdelay $0x1  }
0x21f: {  	v30 =	vmov v3;
	v3 =	vor.u32 v51, v4;
	[tilespmem:v1+s21+$0x0] =	vst.idx.msk $0xffff, v2;
	v1 =	vld [tilespmem:$0x1FFA0];
	_ =	sdelay $0x4  }
0x220: {  	v3 =	vld.idx.msk [tilespmem:v3+s13+$0x0], $0xffff;
	v1 =	vor.u32 v1, v52  }
0x221: {  	v50 =	vor.u32 s3, v35;
	v2 =	vld [tilespmem:$0x1FE30];
	v1 =	vor.u32 v53, v1  }
0x222: {  	v31 =	vmov v4;
	v4 =	vadd.s32 v1, v50;
	_ =	sdelay $0x2  }
0x223: {  	v3 =	vadd.f32 v3, v9  }
0x224: {  	v2 =	vor.u32 s9, v2  }
0x225: {  	v5 =	vor.u32 v51, v2;
	[tilespmem:v4+s21+$0x0] =	vst.idx.msk $0xffff, v3;
	v3 =	vld [tilespmem:$0x1FF90];
	_ =	sdelay $0x4  }
0x226: {  	v5 =	vld.idx.msk [tilespmem:v5+s13+$0x0], $0xffff;
	v3 =	vor.u32 v3, v52  }
0x227: {  	v22 =	vmov v34;
	v34 =	vor.u32 s3, v36;
	v4 =	vld [tilespmem:$0x1FE40];
	v3 =	vor.u32 v53, v3  }
0x228: {  	[tilespmem:$0x1FB60] =	vst v6;
	v6 =	vadd.s32 v3, v34;
	_ =	sdelay $0x2  }
0x229: {  	v5 =	vadd.f32 v5, v8  }
0x22a: {  	v4 =	vor.u32 s9, v4  }
0x22b: {  	v7 =	vor.u32 v51, v4;
	[tilespmem:v6+s21+$0x0] =	vst.idx.msk $0xffff, v5;
	v5 =	vld [tilespmem:$0x1FF80];
	_ =	sdelay $0x4  }
0x22c: {  	v7 =	vld.idx.msk [tilespmem:v7+s13+$0x0], $0xffff;
	v5 =	vor.u32 v5, v52  }
0x22d: {  	v27 =	vmov v35;
	v35 =	vor.u32 s3, v37;
	v6 =	vld [tilespmem:$0x1FE60];
	v5 =	vor.u32 v53, v5  }
0x22e: {  	v59 =	vmov v8;
	v8 =	vadd.s32 v5, v35;
	_ =	sdelay $0x2  }
0x22f: {  	v7 =	vadd.f32 v7, v10  }
0x230: {  	v6 =	vor.u32 s9, v6  }
0x231: {  	v21 =	vmov v9;
	v9 =	vor.u32 v51, v6;
	[tilespmem:v8+s21+$0x0] =	vst.idx.msk $0xffff, v7;
	v7 =	vld [tilespmem:$0x1FF70];
	_ =	sdelay $0x4  }
0x232: {  	v9 =	vld.idx.msk [tilespmem:v9+s13+$0x0], $0xffff;
	v7 =	vor.u32 v7, v52  }
0x233: {  	v28 =	vmov v36;
	v36 =	vor.u32 s3, v54;
	v8 =	vld [tilespmem:$0x1FE70];
	v7 =	vor.u32 v53, v7  }
0x234: {  	v25 =	vmov v10;
	v10 =	vadd.s32 v7, v36;
	_ =	sdelay $0x2  }
0x235: {  	v9 =	vadd.f32 v9, v12  }
0x236: {  	v8 =	vor.u32 s9, v8  }
0x237: {  	v26 =	vmov v11;
	v11 =	vor.u32 v51, v8;
	[tilespmem:v10+s21+$0x0] =	vst.idx.msk $0xffff, v9;
	v9 =	vld [tilespmem:$0x1FF60];
	_ =	sdelay $0x4  }
0x238: {  	v11 =	vld.idx.msk [tilespmem:v11+s13+$0x0], $0xffff;
	v9 =	vor.u32 v9, v52  }
0x239: {  	v29 =	vmov v37;
	v37 =	vor.u32 s3, v55;
	v10 =	vld [tilespmem:$0x1FE50];
	v9 =	vor.u32 v53, v9  }
0x23a: {  	v58 =	vmov v12;
	v12 =	vadd.s32 v9, v37;
	_ =	sdelay $0x2  }
0x23b: {  	v11 =	vadd.f32 v11, v20  }
0x23c: {  	v10 =	vor.u32 s9, v10  }
0x23d: {  	v23 =	vmov v14;
	v14 =	vor.u32 v51, v10;
	[tilespmem:v12+s21+$0x0] =	vst.idx.msk $0xffff, v11;
	v11 =	vld [tilespmem:$0x1FFE0];
	_ =	sdelay $0x4  }
0x23e: {  	v14 =	vld.idx.msk [tilespmem:v14+s13+$0x0], $0xffff;
	v11 =	vor.u32 v11, v52  }
0x23f: {  	v12 =	vld [tilespmem:$0x1FE80];
	v11 =	vor.u32 v53, v11  }
0x240: {  	v13 =	vadd.s32 v11, v13;
	_ =	sdelay $0x2  }
0x241: {  	v14 =	vadd.f32 v14, v0  }
0x242: {  	v12 =	vor.u32 s9, v12  }
0x243: {  	v42 =	vor.u32 v51, v12;
	[tilespmem:v13+s21+$0x0] =	vst.idx.msk $0xffff, v14;
	v13 =	vld [tilespmem:$0x1FF50];
	_ =	sdelay $0x4  }
0x244: {  	v42 =	vld.idx.msk [tilespmem:v42+s13+$0x0], $0xffff;
	v13 =	vor.u32 v13, v52  }
0x245: {  	v14 =	vld [tilespmem:$0x1FE90];
	v13 =	vor.u32 v53, v13  }
0x246: {  	v15 =	vadd.s32 v13, v15;
	_ =	sdelay $0x2  }
0x247: {  	v42 =	vadd.f32 v42, v18  }
0x248: {  	v14 =	vor.u32 s9, v14  }
0x249: {  	v43 =	vor.u32 v51, v14;
	[tilespmem:v15+s21+$0x0] =	vst.idx.msk $0xffff, v42;
	v15 =	vld [tilespmem:$0x1FF40];
	_ =	sdelay $0x1  }
0x24a: {  	v45 =	vld [tilespmem:$0x1FEA0];
	_ =	sdelay $0x2  }
0x24b: {  	v43 =	vld.idx.msk [tilespmem:v43+s13+$0x0], $0xffff;
	v15 =	vor.u32 v15, v52  }
0x24c: {  	v15 =	vor.u32 v53, v15  }
0x24d: {  	v42 =	vor.u32 s9, v45;
	v32 =	vadd.s32 v15, v32  }
0x24e: {  	v47 =	vld [tilespmem:$0x1FF30];
	v44 =	vor.u32 v51, v42;
	_ =	sdelay $0x1  }
0x24f: {  	v48 =	vld [tilespmem:$0x1FEB0];
	v43 =	vadd.f32 v43, v19;
	_ =	sdelay $0x1  }
0x250: {  	[tilespmem:v32+s21+$0x0] =	vst.idx.msk $0xffff, v43  }
0x251: {  	v32 =	vor.u32 v47, v52;
	v45 =	vld.idx.msk [tilespmem:v44+s13+$0x0], $0xffff  }
0x252: {  	v43 =	vor.u32 v53, v32  }
0x253: {  	v44 =	vor.u32 s9, v48;
	v49 =	vadd.s32 v43, v50  }
0x254: {  	v47 =	vld [tilespmem:$0x1FF20];
	v50 =	vor.u32 v51, v44;
	_ =	sdelay $0x1  }
0x255: {  	v48 =	vld [tilespmem:$0x1FEC0];
	v45 =	vadd.f32 v45, v46;
	_ =	sdelay $0x1  }
0x256: {  	[tilespmem:v49+s21+$0x0] =	vst.idx.msk $0xffff, v45  }
0x257: {  	v32 =	vor.u32 v47, v52;
	v33 =	vld.idx.msk [tilespmem:v50+s13+$0x0], $0xffff  }
0x258: {  	v45 =	vor.u32 v53, v32  }
0x259: {  	v41 =	vmovc v20;
	v20 =	vmovc v19;
	v19 =	vmov v46;
	v46 =	vor.u32 s9, v48;
	v49 =	vadd.s32 v45, v34  }
0x25a: {  	v47 =	vld [tilespmem:$0x1FF10];
	v50 =	vor.u32 v51, v46;
	_ =	sdelay $0x1  }
0x25b: {  	v48 =	vld [tilespmem:$0x1FED0];
	v33 =	vadd.f32 v33, v17;
	_ =	sdelay $0x1  }
0x25c: {  	[tilespmem:v49+s21+$0x0] =	vst.idx.msk $0xffff, v33  }
0x25d: {  	v32 =	vor.u32 v47, v52;
	v33 =	vld.idx.msk [tilespmem:v50+s13+$0x0], $0xffff  }
0x25e: {  	v47 =	vor.u32 v53, v32  }
0x25f: {  	v48 =	vor.u32 s9, v48;
	v49 =	vadd.s32 v47, v35  }
0x260: {  	v50 =	vor.u32 v51, v48;
	_ =	sdelay $0x1  }
0x261: {  	v33 =	vadd.f32 v33, v16;
	_ =	sdelay $0x1  }
0x262: {  	[tilespmem:v49+s21+$0x0] =	vst.idx.msk $0xffff, v33;
	v49 =	vld [tilespmem:$0x1FF00]  }
0x263: {  	v33 =	vld.idx.msk [tilespmem:v50+s13+$0x0], $0xffff  }
0x264: {  	v50 =	vld [tilespmem:$0x1FEE0];
	_ =	sdelay $0x2  }
0x265: {  	v32 =	vor.u32 v49, v52  }
0x266: {  	v49 =	vor.u32 v53, v32  }
0x267: {  	v50 =	vor.u32 s9, v50;
	v32 =	vadd.s32 v49, v36  }
0x268: {  	v36 =	vor.u32 v51, v50;
	_ =	sdelay $0x1  }
0x269: {  	v33 =	vadd.f32 v33, v60  }
0x26a: {  	v40 =	vmovc v0;
	v0 =	vmovc v18;
	v18 =	vmov v17;
	v17 =	vmov v16;
	v16 =	vmov v60;
	v60 =	vld [tilespmem:$0x1FEF0]  }
0x26b: {  	[tilespmem:v32+s21+$0x0] =	vst.idx.msk $0xffff, v33  }
0x26c: {  	v32 =	vld.idx.msk [tilespmem:v36+s13+$0x0], $0xffff  }
0x26d: {  	s30 =	simm.s32 $0x10  }
0x26e: {  	v51 =	vmov s30  }
0x26f: {  	v34 =	vor.u32 v60, v52;
	v33 =	vshll.u32 v51, $0x6  }
0x270: {  	v24 =	vmovc v61;
	v60 =	vmov v54;
	v51 =	vor.u32 v53, v34;
	v52 =	vor.u32 v62, v33  }
0x271: {  	s9 =	simm.s32 $0x20;
	v54 =	vadd.s32 v51, v37;
	v53 =	vor.u32 v52, v61;
	v61 =	vmovc v55;
	v55 =	vadd.f32 v32, v63  }
.LBB2_8:
0x272: {  	_ =	sdelay $0x1  }
0x273: {  	v34 =	vld [tilespmem:$0x1FB60]  }
0x274: {  	v35 =	vld [tilespmem:$0x1FB70]  }
0x275: {  	v36 =	vld [tilespmem:$0x1FB80];
	[tilespmem:v54+s21+$0x0] =	vst.idx.msk $0xffff, v55  }
0x276: {  	v32 =	vld.idx.msk [tilespmem:v53+s13+$0x0], $0xffff  }
0x277: {  	v33 =	vor.u32 s30, v56  }
0x278: {  	v34 =	vadd.s32 v34, v33  }
0x279: {  	v35 =	vor.u32 v52, v35;
	_ =	sdelay $0x1  }
0x27a: {  	v54 =	vld [tilespmem:$0x1FB90];
	v32 =	vadd.f32 v32, v36  }
0x27b: {  	v55 =	vld [tilespmem:$0x1FBA0]  }
0x27c: {  	[tilespmem:v34+s21+$0x0] =	vst.idx.msk $0xffff, v32  }
0x27d: {  	v32 =	vld.idx.msk [tilespmem:v35+s13+$0x0], $0xffff  }
0x27e: {  	v34 =	vor.u32 s30, v57  }
0x27f: {  	v35 =	vadd.s32 v54, v34  }
0x280: {  	v36 =	vor.u32 v52, v55;
	_ =	sdelay $0x1  }
0x281: {  	v32 =	vadd.f32 v32, v23;
	_ =	sdelay $0x1  }
0x282: {  	[tilespmem:v35+s21+$0x0] =	vst.idx.msk $0xffff, v32  }
0x283: {  	v32 =	vld.idx.msk [tilespmem:v36+s13+$0x0], $0xffff  }
0x284: {  	v35 =	vor.u32 s30, v22  }
0x285: {  	v56 =	vadd.s32 v30, v35  }
0x286: {  	v37 =	vor.u32 v52, v31;
	_ =	sdelay $0x1  }
0x287: {  	v32 =	vadd.f32 v32, v26;
	_ =	sdelay $0x1  }
0x288: {  	[tilespmem:v56+s21+$0x0] =	vst.idx.msk $0xffff, v32  }
0x289: {  	v32 =	vld.idx.msk [tilespmem:v37+s13+$0x0], $0xffff  }
0x28a: {  	v36 =	vor.u32 s30, v27  }
0x28b: {  	v57 =	vadd.s32 v1, v36  }
0x28c: {  	v56 =	vor.u32 v52, v2;
	_ =	sdelay $0x1  }
0x28d: {  	v32 =	vadd.f32 v32, v21;
	_ =	sdelay $0x1  }
0x28e: {  	[tilespmem:v57+s21+$0x0] =	vst.idx.msk $0xffff, v32  }
0x28f: {  	v32 =	vld.idx.msk [tilespmem:v56+s13+$0x0], $0xffff  }
0x290: {  	v37 =	vor.u32 s30, v28  }
0x291: {  	v53 =	vadd.s32 v3, v37  }
0x292: {  	v57 =	vor.u32 v52, v4;
	_ =	sdelay $0x1  }
0x293: {  	v32 =	vadd.f32 v32, v59;
	_ =	sdelay $0x1  }
0x294: {  	[tilespmem:v53+s21+$0x0] =	vst.idx.msk $0xffff, v32  }
0x295: {  	v32 =	vld.idx.msk [tilespmem:v57+s13+$0x0], $0xffff  }
0x296: {  	v53 =	vor.u32 s30, v29  }
0x297: {  	v54 =	vadd.s32 v5, v53  }
0x298: {  	v57 =	vor.u32 v52, v6;
	_ =	sdelay $0x1  }
0x299: {  	v32 =	vadd.f32 v32, v25;
	_ =	sdelay $0x1  }
0x29a: {  	[tilespmem:v54+s21+$0x0] =	vst.idx.msk $0xffff, v32  }
0x29b: {  	v32 =	vld.idx.msk [tilespmem:v57+s13+$0x0], $0xffff  }
0x29c: {  	v54 =	vor.u32 s30, v60  }
0x29d: {  	v55 =	vadd.s32 v7, v54  }
0x29e: {  	v56 =	vor.u32 v52, v8;
	_ =	sdelay $0x1  }
0x29f: {  	v32 =	vadd.f32 v32, v58;
	_ =	sdelay $0x1  }
0x2a0: {  	[tilespmem:v55+s21+$0x0] =	vst.idx.msk $0xffff, v32  }
0x2a1: {  	v32 =	vld.idx.msk [tilespmem:v56+s13+$0x0], $0xffff  }
0x2a2: {  	v55 =	vor.u32 s30, v61  }
0x2a3: {  	v56 =	vadd.s32 v9, v55  }
0x2a4: {  	v57 =	vor.u32 v52, v10;
	_ =	sdelay $0x1  }
0x2a5: {  	v32 =	vadd.f32 v32, v41;
	_ =	sdelay $0x1  }
0x2a6: {  	[tilespmem:v56+s21+$0x0] =	vst.idx.msk $0xffff, v32  }
0x2a7: {  	v32 =	vld.idx.msk [tilespmem:v57+s13+$0x0], $0xffff;
	_ =	sdelay $0x1  }
0x2a8: {  	v33 =	vadd.s32 v11, v33  }
0x2a9: {  	v56 =	vor.u32 v52, v12;
	_ =	sdelay $0x1  }
0x2aa: {  	v32 =	vadd.f32 v32, v40;
	_ =	sdelay $0x1  }
0x2ab: {  	[tilespmem:v33+s21+$0x0] =	vst.idx.msk $0xffff, v32  }
0x2ac: {  	v32 =	vld.idx.msk [tilespmem:v56+s13+$0x0], $0xffff;
	_ =	sdelay $0x1  }
0x2ad: {  	v33 =	vadd.s32 v13, v34  }
0x2ae: {  	v34 =	vor.u32 v52, v14;
	_ =	sdelay $0x1  }
0x2af: {  	v32 =	vadd.f32 v32, v0;
	_ =	sdelay $0x1  }
0x2b0: {  	[tilespmem:v33+s21+$0x0] =	vst.idx.msk $0xffff, v32  }
0x2b1: {  	v32 =	vld.idx.msk [tilespmem:v34+s13+$0x0], $0xffff;
	_ =	sdelay $0x1  }
0x2b2: {  	v33 =	vadd.s32 v15, v35  }
0x2b3: {  	v34 =	vor.u32 v52, v42;
	_ =	sdelay $0x1  }
0x2b4: {  	v32 =	vadd.f32 v32, v20;
	_ =	sdelay $0x1  }
0x2b5: {  	[tilespmem:v33+s21+$0x0] =	vst.idx.msk $0xffff, v32  }
0x2b6: {  	v32 =	vld.idx.msk [tilespmem:v34+s13+$0x0], $0xffff;
	_ =	sdelay $0x1  }
0x2b7: {  	v33 =	vadd.s32 v43, v36  }
0x2b8: {  	v36 =	vor.u32 v52, v44;
	_ =	sdelay $0x1  }
0x2b9: {  	v32 =	vadd.f32 v32, v19;
	_ =	sdelay $0x1  }
0x2ba: {  	[tilespmem:v33+s21+$0x0] =	vst.idx.msk $0xffff, v32  }
0x2bb: {  	v32 =	vld.idx.msk [tilespmem:v36+s13+$0x0], $0xffff;
	_ =	sdelay $0x1  }
0x2bc: {  	v36 =	vadd.s32 v45, v37  }
0x2bd: {  	v37 =	vor.u32 v52, v46;
	_ =	sdelay $0x1  }
0x2be: {  	v32 =	vadd.f32 v32, v18;
	_ =	sdelay $0x1  }
0x2bf: {  	[tilespmem:v36+s21+$0x0] =	vst.idx.msk $0xffff, v32  }
0x2c0: {  	v32 =	vld.idx.msk [tilespmem:v37+s13+$0x0], $0xffff;
	_ =	sdelay $0x1  }
0x2c1: {  	v53 =	vadd.s32 v47, v53  }
0x2c2: {  	v36 =	vor.u32 v52, v48;
	_ =	sdelay $0x1  }
0x2c3: {  	v32 =	vadd.f32 v32, v17;
	_ =	sdelay $0x1  }
0x2c4: {  	[tilespmem:v53+s21+$0x0] =	vst.idx.msk $0xffff, v32  }
0x2c5: {  	v32 =	vld.idx.msk [tilespmem:v36+s13+$0x0], $0xffff;
	_ =	sdelay $0x1  }
0x2c6: {  	v37 =	vadd.s32 v49, v54  }
0x2c7: {  	v53 =	vor.u32 v52, v50;
	_ =	sdelay $0x1  }
0x2c8: {  	v32 =	vadd.f32 v32, v16;
	_ =	sdelay $0x1  }
0x2c9: {  	[tilespmem:v37+s21+$0x0] =	vst.idx.msk $0xffff, v32  }
0x2ca: {  	p1 =	sne.s32 s9, $0x70;
	s31 =	smov.u32 s9;
	v32 =	vld.idx.msk [tilespmem:v53+s13+$0x0], $0xffff  }
.Ltmp2:
0x2cb: {  	s30 =	smov.u32 s31;
	(pc) =	sbr.rel @p1 .LBB2_8-.Ltmp2, $4  }
0x2cc: {  	v54 =	vmov s30  }
0x2cd: {  	v33 =	vshll.u32 v54, $0x6  }
0x2ce: {  	v57 =	vmov v39;
	v52 =	vor.u32 v62, v33  }
0x2cf: {  	s9 =	sadd.s32 $0x10, s9;
	v56 =	vmovc v38;
	v54 =	vadd.s32 v51, v55;
	v53 =	vor.u32 v52, v24;
	v55 =	vadd.f32 v32, v63  }
0x2d0: {  	_ =	sdelay $0x2  }
0x2d1: {  	v24 =	vld [tilespmem:$0x1FB60]  }
0x2d2: {  	[tilespmem:v54+s21+$0x0] =	vst.idx.msk $0xffff, v55;
	v54 =	vld [tilespmem:$0x1FB70]  }
0x2d3: {  	v55 =	vld [tilespmem:$0x1FB80]  }
0x2d4: {  	v35 =	vld.idx.msk [tilespmem:v53+s13+$0x0], $0xffff  }
0x2d5: {  	v32 =	vor.u32 s30, v56  }
0x2d6: {  	v34 =	vadd.s32 v24, v32  }
0x2d7: {  	v36 =	vor.u32 v52, v54;
	_ =	sdelay $0x1  }
0x2d8: {  	v37 =	vld [tilespmem:$0x1FB90];
	v24 =	vadd.f32 v35, v55  }
0x2d9: {  	v53 =	vld [tilespmem:$0x1FBA0]  }
0x2da: {  	[tilespmem:v34+s21+$0x0] =	vst.idx.msk $0xffff, v24  }
0x2db: {  	v24 =	vld.idx.msk [tilespmem:v36+s13+$0x0], $0xffff  }
0x2dc: {  	v34 =	vor.u32 s30, v57  }
0x2dd: {  	v35 =	vadd.s32 v37, v34  }
0x2de: {  	v36 =	vor.u32 v52, v53;
	_ =	sdelay $0x1  }
0x2df: {  	v23 =	vadd.f32 v24, v23;
	_ =	sdelay $0x1  }
0x2e0: {  	[tilespmem:v35+s21+$0x0] =	vst.idx.msk $0xffff, v23  }
0x2e1: {  	v23 =	vld.idx.msk [tilespmem:v36+s13+$0x0], $0xffff  }
0x2e2: {  	v24 =	vor.u32 s30, v22  }
0x2e3: {  	v54 =	vadd.s32 v30, v24  }
0x2e4: {  	v55 =	vor.u32 v52, v31;
	_ =	sdelay $0x1  }
0x2e5: {  	v37 =	vadd.f32 v23, v26;
	_ =	sdelay $0x1  }
0x2e6: {  	[tilespmem:v54+s21+$0x0] =	vst.idx.msk $0xffff, v37  }
0x2e7: {  	v36 =	vmov v22;
	v22 =	vld.idx.msk [tilespmem:v55+s13+$0x0], $0xffff  }
0x2e8: {  	v23 =	vor.u32 s30, v27  }
0x2e9: {  	v1 =	vadd.s32 v1, v23  }
0x2ea: {  	v2 =	vor.u32 v52, v2;
	_ =	sdelay $0x1  }
0x2eb: {  	v21 =	vadd.f32 v22, v21;
	_ =	sdelay $0x1  }
0x2ec: {  	[tilespmem:v1+s21+$0x0] =	vst.idx.msk $0xffff, v21  }
0x2ed: {  	v1 =	vld.idx.msk [tilespmem:v2+s13+$0x0], $0xffff  }
0x2ee: {  	v2 =	vor.u32 s30, v28  }
0x2ef: {  	v3 =	vadd.s32 v3, v2  }
0x2f0: {  	v4 =	vor.u32 v52, v4;
	_ =	sdelay $0x1  }
0x2f1: {  	v1 =	vadd.f32 v1, v59;
	_ =	sdelay $0x1  }
0x2f2: {  	[tilespmem:v3+s21+$0x0] =	vst.idx.msk $0xffff, v1  }
0x2f3: {  	v1 =	vld.idx.msk [tilespmem:v4+s13+$0x0], $0xffff  }
0x2f4: {  	v53 =	vor.u32 s30, v29  }
0x2f5: {  	v54 =	vadd.s32 v5, v53  }
0x2f6: {  	v55 =	vor.u32 v52, v6;
	_ =	sdelay $0x1  }
0x2f7: {  	v1 =	vadd.f32 v1, v25;
	_ =	sdelay $0x1  }
0x2f8: {  	[tilespmem:v54+s21+$0x0] =	vst.idx.msk $0xffff, v1  }
0x2f9: {  	v1 =	vld.idx.msk [tilespmem:v55+s13+$0x0], $0xffff  }
0x2fa: {  	v59 =	vor.u32 s30, v60  }
0x2fb: {  	v21 =	vadd.s32 v7, v59  }
0x2fc: {  	v22 =	vor.u32 v52, v8;
	_ =	sdelay $0x1  }
0x2fd: {  	v1 =	vadd.f32 v1, v58;
	_ =	sdelay $0x1  }
0x2fe: {  	[tilespmem:v21+s21+$0x0] =	vst.idx.msk $0xffff, v1  }
0x2ff: {  	v1 =	vld.idx.msk [tilespmem:v22+s13+$0x0], $0xffff  }
0x300: {  	v25 =	vor.u32 s30, v61  }
0x301: {  	v26 =	vadd.s32 v9, v25  }
0x302: {  	v30 =	vor.u32 v52, v10;
	_ =	sdelay $0x1  }
0x303: {  	v1 =	vadd.f32 v1, v41;
	_ =	sdelay $0x1  }
0x304: {  	[tilespmem:v26+s21+$0x0] =	vst.idx.msk $0xffff, v1  }
0x305: {  	v1 =	vld.idx.msk [tilespmem:v30+s13+$0x0], $0xffff;
	_ =	sdelay $0x1  }
0x306: {  	v31 =	vadd.s32 v11, v32  }
0x307: {  	v32 =	vor.u32 v52, v12;
	_ =	sdelay $0x1  }
0x308: {  	v1 =	vadd.f32 v1, v40;
	_ =	sdelay $0x1  }
0x309: {  	[tilespmem:v31+s21+$0x0] =	vst.idx.msk $0xffff, v1  }
0x30a: {  	v1 =	vld.idx.msk [tilespmem:v32+s13+$0x0], $0xffff;
	_ =	sdelay $0x1  }
0x30b: {  	v35 =	vadd.s32 v13, v34  }
0x30c: {  	v37 =	vor.u32 v52, v14;
	_ =	sdelay $0x1  }
0x30d: {  	v1 =	vadd.f32 v1, v0;
	_ =	sdelay $0x1  }
0x30e: {  	[tilespmem:v35+s21+$0x0] =	vst.idx.msk $0xffff, v1  }
0x30f: {  	v1 =	vld.idx.msk [tilespmem:v37+s13+$0x0], $0xffff;
	_ =	sdelay $0x1  }
0x310: {  	v40 =	vadd.s32 v15, v24  }
0x311: {  	v41 =	vor.u32 v52, v42;
	_ =	sdelay $0x1  }
0x312: {  	v42 =	vadd.f32 v1, v20;
	_ =	sdelay $0x1  }
0x313: {  	[tilespmem:v40+s21+$0x0] =	vst.idx.msk $0xffff, v42  }
0x314: {  	v0 =	vld.idx.msk [tilespmem:v41+s13+$0x0], $0xffff;
	_ =	sdelay $0x1  }
0x315: {  	v43 =	vadd.s32 v43, v23  }
0x316: {  	v44 =	vor.u32 v52, v44;
	_ =	sdelay $0x1  }
0x317: {  	v0 =	vadd.f32 v0, v19;
	_ =	sdelay $0x1  }
0x318: {  	[tilespmem:v43+s21+$0x0] =	vst.idx.msk $0xffff, v0  }
0x319: {  	v0 =	vld.idx.msk [tilespmem:v44+s13+$0x0], $0xffff;
	_ =	sdelay $0x1  }
0x31a: {  	v45 =	vadd.s32 v45, v2  }
0x31b: {  	v46 =	vor.u32 v52, v46;
	_ =	sdelay $0x1  }
0x31c: {  	v0 =	vadd.f32 v0, v18;
	_ =	sdelay $0x1  }
0x31d: {  	[tilespmem:v45+s21+$0x0] =	vst.idx.msk $0xffff, v0  }
0x31e: {  	v0 =	vld.idx.msk [tilespmem:v46+s13+$0x0], $0xffff;
	_ =	sdelay $0x1  }
0x31f: {  	v53 =	vadd.s32 v47, v53  }
0x320: {  	v54 =	vor.u32 v52, v48;
	_ =	sdelay $0x1  }
0x321: {  	v0 =	vadd.f32 v0, v17;
	_ =	sdelay $0x1  }
0x322: {  	[tilespmem:v53+s21+$0x0] =	vst.idx.msk $0xffff, v0  }
0x323: {  	v0 =	vld.idx.msk [tilespmem:v54+s13+$0x0], $0xffff;
	_ =	sdelay $0x1  }
0x324: {  	v55 =	vadd.s32 v49, v59  }
0x325: {  	v58 =	vor.u32 v52, v50;
	_ =	sdelay $0x1  }
0x326: {  	v0 =	vadd.f32 v0, v16;
	_ =	sdelay $0x1  }
0x327: {  	[tilespmem:v55+s21+$0x0] =	vst.idx.msk $0xffff, v0  }
0x328: {  	v0 =	vld.idx.msk [tilespmem:v58+s13+$0x0], $0xffff  }
0x329: {  	s29 =	sadd.s32 $0x1, s29  }
0x32a: {  	p1 =	sne.s32 s29, $0x4;
	v59 =	vadd.s32 v51, v25  }
.Ltmp3:
0x32b: {  	_ = 	snop;
	(pc) =	sbr.rel @p1 .LBB2_7-.Ltmp3, $4  }
0x32c: {  	_ = 	snop  }
0x32d: {  	v0 =	vadd.f32 v0, v63  }
0x32e: {  	v33 =	vmov v62;
	v34 =	vmov v36  }
0x32f: {  	v36 =	vmovc v28;
	v35 =	vmovc v27;
	v37 =	vmov v29;
	v54 =	vmov v60;
	v55 =	vmov v61;
	[tilespmem:v59+s21+$0x0] =	vst.idx.msk $0xffff, v0  }
0x330: {  	p1 =	sne.s32 s1, $0x31  }
.Ltmp4:
0x331: {  	s3 =	sshll.u32 s8, $0x7;
	(pc) =	sbr.rel @p1 .LBB2_12-.Ltmp4, $4  }
0x332: {  	s3 =	sand.u32 $0xE80, s3  }
0x333: {  	s7 =	sshll.u32 s7, $0xF;
	s3 =	sadd.s32 s2, s3  }
0x334: {  	s3 =	sadd.s32 s7, s3  }
0x335: {  	[hbm4b:s3+s17] =	stream.strided.scatter [tilespmem:s21], [sflag:$0x6], $0x2000, s18, s17, $0x38;
	[tilespmem:$0x19600] =	vst v63  }
.Ltmp5:
0x336: {  	(pc) =	sbr.rel .LBB2_13-.Ltmp5, $4  }
0x337: {  	_ = 	snop  }
0x338: {  	_ =	swait.ge [sflag:s22], $0x2000  }
0x339: {  	[sflag:s22] =	ssyncset.done $0x0  }
0x33a: {  	[sflag:s22] =	ssyncadd.s32 $0xFFFFE000  }
.LBB2_12:
0x33b: {  	s3 =	sshll.u32 s1, $0x9  }
0x33c: {  	s3 =	sand.u32 $0x3FFFFE00, s3  }
.Ltmp6:
0x33d: {  	s3 =	sadd.s32 $0x200, s3;
	(pc) =	sbr.rel @p0 .LBB2_14-.Ltmp6, $4  }
0x33e: {  	[tilespmem:s12], [sflag:$0x1] =	stream.indirect.gather [hbm4b:s4+s11], $0x40, s3, s11, $0xb8;
	[tilespmem:$0x19600] =	vst v63  }
0x33f: {  	_ =	swait.ge [sflag:s22], $0x2000  }
0x340: {  	[sflag:s22] =	ssyncset.done $0x0  }
0x341: {  	[sflag:s22] =	ssyncadd.s32 $0xFFFFE000  }
.LBB2_13:
0x342: {  	_ =	swait.ge [sflag:s23], $0x2000  }
0x343: {  	[sflag:s23] =	ssyncset.done $0x0  }
0x344: {  	[sflag:s23] =	ssyncadd.s32 $0xFFFFE000  }
.LBB2_14:
0x345: {  	v44 =	vld [tilespmem:$0x1FE00]  }
0x346: {  	s7 =	sadd.s32 s6, s5;
	v45 =	vld [tilespmem:$0x1FE10]  }
0x347: {  	v46 =	vld [tilespmem:$0x1FE20];
	s5 =	sshrl.u32 s7, $0x5  }
0x348: {  	v0 =	vlaneseq.u32;
	v47 =	vld [tilespmem:$0x1FE30];
	s3 =	sshll.u32 s5, $0x6  }
0x349: {  	v48 =	vld [tilespmem:$0x1FE40];
	v0 =	vor.u32 s3, v0  }
0x34a: {  	v49 =	vld [tilespmem:$0x1FE60];
	[tilespmem:$0x1FA60] =	vst v0;
	v0 =	vor.u32 s3, v44  }
0x34b: {  	v50 =	vld [tilespmem:$0x1FE70];
	[tilespmem:$0x1FA70] =	vst v0;
	v0 =	vor.u32 s3, v45  }
0x34c: {  	v51 =	vld [tilespmem:$0x1FE50];
	[tilespmem:$0x1FA80] =	vst v0;
	v0 =	vor.u32 s3, v46  }
0x34d: {  	v52 =	vld [tilespmem:$0x1FE80];
	[tilespmem:$0x1FA90] =	vst v0;
	v0 =	vor.u32 s3, v47  }
0x34e: {  	v53 =	vld [tilespmem:$0x1FE90];
	[tilespmem:$0x1FAA0] =	vst v0;
	v0 =	vor.u32 s3, v48  }
0x34f: {  	v58 =	vld [tilespmem:$0x1FEA0];
	[tilespmem:$0x1FAB0] =	vst v0;
	v0 =	vor.u32 s3, v49  }
0x350: {  	v59 =	vld [tilespmem:$0x1FEB0];
	[tilespmem:$0x1FAC0] =	vst v0;
	v0 =	vor.u32 s3, v50  }
0x351: {  	v60 =	vld [tilespmem:$0x1FEC0];
	[tilespmem:$0x1FAD0] =	vst v0;
	v0 =	vor.u32 s3, v51  }
0x352: {  	v61 =	vld [tilespmem:$0x1FED0];
	[tilespmem:$0x1FAE0] =	vst v0;
	v0 =	vor.u32 s3, v52  }
0x353: {  	v63 =	vld [tilespmem:$0x1FEE0];
	[tilespmem:$0x1FAF0] =	vst v0;
	v0 =	vor.u32 s3, v53  }
0x354: {  	[tilespmem:$0x1FB00] =	vst v0;
	v0 =	vor.u32 s3, v58  }
0x355: {  	[tilespmem:$0x1FB10] =	vst v0;
	v0 =	vor.u32 s3, v59  }
0x356: {  	[tilespmem:$0x1FB20] =	vst v0;
	v0 =	vor.u32 s3, v60  }
0x357: {  	[tilespmem:$0x1FB30] =	vst v0;
	v0 =	vor.u32 s3, v61  }
0x358: {  	[tilespmem:$0x1FB40] =	vst v0;
	v0 =	vor.u32 s3, v63  }
0x359: {  	s8 =	simm.s32 $0x0;
	s3 =	simm.s32 $0x0;
	[tilespmem:$0x1FB50] =	vst v0  }
.LBB2_15:
0x35a: {  	v1 =	vld [tilespmem:$0x1FA70];
	_ =	sdelay $0x3  }
0x35b: {  	s9 =	sshll.u32 s8, $0x4  }
0x35c: {  	v2 =	vld [tilespmem:$0x1FA80];
	v1 =	vor.u32 s9, v1;
	_ =	sdelay $0x1  }
0x35d: {  	v0 =	vld [tilespmem:$0x1FA60];
	_ =	sdelay $0x1  }
0x35e: {  	v3 =	vld [tilespmem:$0x1FA90]  }
0x35f: {  	v2 =	vor.u32 s9, v2;
	v14 =	vld.idx.msk [tilespmem:v1+s10+$0x0], $0xffff  }
0x360: {  	v1 =	vld [tilespmem:$0x1FAC0]  }
0x361: {  	v0 =	vor.u32 s9, v0;
	_ =	sdelay $0x1  }
0x362: {  	v4 =	vld [tilespmem:$0x1FAA0];
	v3 =	vor.u32 s9, v3  }
0x363: {  	v11 =	vld.idx.msk [tilespmem:v2+s10+$0x0], $0xffff  }
0x364: {  	v2 =	vld [tilespmem:$0x1FAD0];
	v1 =	vor.u32 s9, v1  }
0x365: {  	v15 =	vld.idx.msk [tilespmem:v0+s10+$0x0], $0xffff  }
0x366: {  	v0 =	vld [tilespmem:$0x1FAB0]  }
0x367: {  	v4 =	vor.u32 s9, v4;
	v9 =	vld.idx.msk [tilespmem:v3+s10+$0x0], $0xffff  }
0x368: {  	v3 =	vld [tilespmem:$0x1FAE0]  }
0x369: {  	v2 =	vor.u32 s9, v2;
	v12 =	vld.idx.msk [tilespmem:v1+s10+$0x0], $0xffff  }
0x36a: {  	v1 =	vld [tilespmem:$0x1FB00]  }
0x36b: {  	v53 =	vld [tilespmem:$0x1FFF0]  }
0x36c: {  	v8 =	vld.idx.msk [tilespmem:v4+s10+$0x0], $0xffff;
	v0 =	vor.u32 s9, v0  }
0x36d: {  	v4 =	vld [tilespmem:$0x1FAF0];
	v3 =	vor.u32 s9, v3  }
0x36e: {  	v20 =	vld.idx.msk [tilespmem:v2+s10+$0x0], $0xffff  }
0x36f: {  	v6 =	vlaneseq.u32;
	v2 =	vld [tilespmem:$0x1FB10];
	v1 =	vor.u32 s9, v1  }
0x370: {  	v61 =	vor.u32 s9, v6;
	v6 =	vld [tilespmem:$0x1FFD0]  }
0x371: {  	v10 =	vld.idx.msk [tilespmem:v0+s10+$0x0], $0xffff  }
0x372: {  	v4 =	vor.u32 s9, v4;
	v0 =	vld.idx.msk [tilespmem:v3+s10+$0x0], $0xffff  }
0x373: {  	v5 =	vmov s3;
	v3 =	vld [tilespmem:$0x1FB20]  }
0x374: {  	s29 =	sshll.u32 s8, $0x1;
	v5 =	vshll.u32 v5, $0x6;
	v2 =	vor.u32 s9, v2;
	v19 =	vld.idx.msk [tilespmem:v1+s10+$0x0], $0xffff  }
0x375: {  	v51 =	vor.u32 v33, v5;
	v5 =	vmov s29;
	v1 =	vld [tilespmem:$0x1FB50]  }
0x376: {  	v52 =	vshll.u32 v5, $0xA;
	v5 =	vld [tilespmem:$0x1FB40]  }
0x377: {  	v18 =	vld.idx.msk [tilespmem:v4+s10+$0x0], $0xffff  }
0x378: {  	v7 =	vor.u32 v51, v61;
	v4 =	vld [tilespmem:$0x1FB30]  }
0x379: {  	v3 =	vor.u32 s9, v3;
	v46 =	vld.idx.msk [tilespmem:v2+s10+$0x0], $0xffff  }
0x37a: {  	v2 =	vld [tilespmem:$0x1FE00];
	v1 =	vor.u32 s9, v1;
	_ =	sdelay $0x2  }
0x37b: {  	v6 =	vor.u32 v6, v52;
	v7 =	vld.idx.msk [tilespmem:v7+s14+$0x0], $0xffff;
	v4 =	vor.u32 s9, v4  }
0x37c: {  	v13 =	vor.u32 s3, v56;
	v6 =	vor.u32 v53, v6;
	v17 =	vld.idx.msk [tilespmem:v3+s10+$0x0], $0xffff  }
0x37d: {  	v5 =	vor.u32 s9, v5;
	v16 =	vor.u32 s9, v2;
	v2 =	vadd.s32 v6, v13;
	v63 =	vld.idx.msk [tilespmem:v1+s10+$0x0], $0xffff  }
0x37e: {  	v3 =	vor.u32 v51, v16;
	v1 =	vld [tilespmem:$0x1FFC0];
	_ =	sdelay $0x1  }
0x37f: {  	[tilespmem:$0x1FA20] =	vst v16;
	v16 =	vld.idx.msk [tilespmem:v4+s10+$0x0], $0xffff;
	v4 =	vadd.f32 v7, v15;
	_ =	sdelay $0x1  }
0x380: {  	v60 =	vld.idx.msk [tilespmem:v5+s10+$0x0], $0xffff;
	[tilespmem:v2+s24+$0x0] =	vst.idx.msk $0xffff, v4  }
0x381: {  	v2 =	vld.idx.msk [tilespmem:v3+s14+$0x0], $0xffff;
	v1 =	vor.u32 v1, v52  }
0x382: {  	v3 =	vor.u32 v53, v1;
	v1 =	vld [tilespmem:$0x1FE10];
	_ =	sdelay $0x3  }
0x383: {  	[tilespmem:$0x1FA30] =	vst v15;
	v15 =	vor.u32 s3, v57  }
0x384: {  	v4 =	vor.u32 s9, v1;
	v1 =	vadd.s32 v3, v15;
	_ =	sdelay $0x2  }
0x385: {  	v2 =	vadd.f32 v2, v14  }
0x386: {  	[tilespmem:$0x1FA40] =	vst v3  }
0x387: {  	v3 =	vor.u32 v51, v4;
	[tilespmem:v1+s24+$0x0] =	vst.idx.msk $0xffff, v2;
	v1 =	vld [tilespmem:$0x1FFB0];
	_ =	sdelay $0x4  }
0x388: {  	v2 =	vld.idx.msk [tilespmem:v3+s14+$0x0], $0xffff;
	v1 =	vor.u32 v1, v52  }
0x389: {  	v3 =	vor.u32 v53, v1;
	v1 =	vld [tilespmem:$0x1FE20];
	_ =	sdelay $0x3  }
0x38a: {  	v32 =	vor.u32 s3, v34  }
0x38b: {  	[tilespmem:$0x1FA50] =	vst v4;
	v4 =	vor.u32 s9, v1;
	v1 =	vadd.s32 v3, v32;
	_ =	sdelay $0x2  }
0x38c: {  	v2 =	vadd.f32 v2, v11;
	_ =	sdelay $0x1  }
0x38d: {  	v30 =	vmov v3;
	v3 =	vor.u32 v51, v4;
	[tilespmem:v1+s24+$0x0] =	vst.idx.msk $0xffff, v2;
	v1 =	vld [tilespmem:$0x1FFA0];
	_ =	sdelay $0x4  }
0x38e: {  	v3 =	vld.idx.msk [tilespmem:v3+s14+$0x0], $0xffff;
	v1 =	vor.u32 v1, v52  }
0x38f: {  	v50 =	vor.u32 s3, v35;
	v2 =	vld [tilespmem:$0x1FE30];
	v1 =	vor.u32 v53, v1  }
0x390: {  	v31 =	vmov v4;
	v4 =	vadd.s32 v1, v50;
	_ =	sdelay $0x2  }
0x391: {  	v3 =	vadd.f32 v3, v9  }
0x392: {  	v2 =	vor.u32 s9, v2  }
0x393: {  	v5 =	vor.u32 v51, v2;
	[tilespmem:v4+s24+$0x0] =	vst.idx.msk $0xffff, v3;
	v3 =	vld [tilespmem:$0x1FF90];
	_ =	sdelay $0x4  }
0x394: {  	v5 =	vld.idx.msk [tilespmem:v5+s14+$0x0], $0xffff;
	v3 =	vor.u32 v3, v52  }
0x395: {  	v22 =	vmov v34;
	v34 =	vor.u32 s3, v36;
	v4 =	vld [tilespmem:$0x1FE40];
	v3 =	vor.u32 v53, v3  }
0x396: {  	[tilespmem:$0x1FA10] =	vst v6;
	v6 =	vadd.s32 v3, v34;
	_ =	sdelay $0x2  }
0x397: {  	v5 =	vadd.f32 v5, v8  }
0x398: {  	v4 =	vor.u32 s9, v4  }
0x399: {  	v7 =	vor.u32 v51, v4;
	[tilespmem:v6+s24+$0x0] =	vst.idx.msk $0xffff, v5;
	v5 =	vld [tilespmem:$0x1FF80];
	_ =	sdelay $0x4  }
0x39a: {  	v7 =	vld.idx.msk [tilespmem:v7+s14+$0x0], $0xffff;
	v5 =	vor.u32 v5, v52  }
0x39b: {  	v27 =	vmov v35;
	v35 =	vor.u32 s3, v37;
	v6 =	vld [tilespmem:$0x1FE60];
	v5 =	vor.u32 v53, v5  }
0x39c: {  	v59 =	vmov v8;
	v8 =	vadd.s32 v5, v35;
	_ =	sdelay $0x2  }
0x39d: {  	v7 =	vadd.f32 v7, v10  }
0x39e: {  	v6 =	vor.u32 s9, v6  }
0x39f: {  	v21 =	vmov v9;
	v9 =	vor.u32 v51, v6;
	[tilespmem:v8+s24+$0x0] =	vst.idx.msk $0xffff, v7;
	v7 =	vld [tilespmem:$0x1FF70];
	_ =	sdelay $0x4  }
0x3a0: {  	v9 =	vld.idx.msk [tilespmem:v9+s14+$0x0], $0xffff;
	v7 =	vor.u32 v7, v52  }
0x3a1: {  	v28 =	vmov v36;
	v36 =	vor.u32 s3, v54;
	v8 =	vld [tilespmem:$0x1FE70];
	v7 =	vor.u32 v53, v7  }
0x3a2: {  	v25 =	vmov v10;
	v10 =	vadd.s32 v7, v36;
	_ =	sdelay $0x2  }
0x3a3: {  	v9 =	vadd.f32 v9, v12  }
0x3a4: {  	v8 =	vor.u32 s9, v8  }
0x3a5: {  	v26 =	vmov v11;
	v11 =	vor.u32 v51, v8;
	[tilespmem:v10+s24+$0x0] =	vst.idx.msk $0xffff, v9;
	v9 =	vld [tilespmem:$0x1FF60];
	_ =	sdelay $0x4  }
0x3a6: {  	v11 =	vld.idx.msk [tilespmem:v11+s14+$0x0], $0xffff;
	v9 =	vor.u32 v9, v52  }
0x3a7: {  	v29 =	vmov v37;
	v37 =	vor.u32 s3, v55;
	v10 =	vld [tilespmem:$0x1FE50];
	v9 =	vor.u32 v53, v9  }
0x3a8: {  	v58 =	vmov v12;
	v12 =	vadd.s32 v9, v37;
	_ =	sdelay $0x2  }
0x3a9: {  	v11 =	vadd.f32 v11, v20  }
0x3aa: {  	v10 =	vor.u32 s9, v10  }
0x3ab: {  	v23 =	vmov v14;
	v14 =	vor.u32 v51, v10;
	[tilespmem:v12+s24+$0x0] =	vst.idx.msk $0xffff, v11;
	v11 =	vld [tilespmem:$0x1FFE0];
	_ =	sdelay $0x4  }
0x3ac: {  	v14 =	vld.idx.msk [tilespmem:v14+s14+$0x0], $0xffff;
	v11 =	vor.u32 v11, v52  }
0x3ad: {  	v12 =	vld [tilespmem:$0x1FE80];
	v11 =	vor.u32 v53, v11  }
0x3ae: {  	v13 =	vadd.s32 v11, v13;
	_ =	sdelay $0x2  }
0x3af: {  	v14 =	vadd.f32 v14, v0  }
0x3b0: {  	v12 =	vor.u32 s9, v12  }
0x3b1: {  	v42 =	vor.u32 v51, v12;
	[tilespmem:v13+s24+$0x0] =	vst.idx.msk $0xffff, v14;
	v13 =	vld [tilespmem:$0x1FF50];
	_ =	sdelay $0x4  }
0x3b2: {  	v42 =	vld.idx.msk [tilespmem:v42+s14+$0x0], $0xffff;
	v13 =	vor.u32 v13, v52  }
0x3b3: {  	v14 =	vld [tilespmem:$0x1FE90];
	v13 =	vor.u32 v53, v13  }
0x3b4: {  	v15 =	vadd.s32 v13, v15;
	_ =	sdelay $0x2  }
0x3b5: {  	v42 =	vadd.f32 v42, v18  }
0x3b6: {  	v14 =	vor.u32 s9, v14  }
0x3b7: {  	v43 =	vor.u32 v51, v14;
	[tilespmem:v15+s24+$0x0] =	vst.idx.msk $0xffff, v42;
	v15 =	vld [tilespmem:$0x1FF40];
	_ =	sdelay $0x1  }
0x3b8: {  	v45 =	vld [tilespmem:$0x1FEA0];
	_ =	sdelay $0x2  }
0x3b9: {  	v43 =	vld.idx.msk [tilespmem:v43+s14+$0x0], $0xffff;
	v15 =	vor.u32 v15, v52  }
0x3ba: {  	v15 =	vor.u32 v53, v15  }
0x3bb: {  	v42 =	vor.u32 s9, v45;
	v32 =	vadd.s32 v15, v32  }
0x3bc: {  	v47 =	vld [tilespmem:$0x1FF30];
	v44 =	vor.u32 v51, v42;
	_ =	sdelay $0x1  }
0x3bd: {  	v48 =	vld [tilespmem:$0x1FEB0];
	v43 =	vadd.f32 v43, v19;
	_ =	sdelay $0x1  }
0x3be: {  	[tilespmem:v32+s24+$0x0] =	vst.idx.msk $0xffff, v43  }
0x3bf: {  	v32 =	vor.u32 v47, v52;
	v45 =	vld.idx.msk [tilespmem:v44+s14+$0x0], $0xffff  }
0x3c0: {  	v43 =	vor.u32 v53, v32  }
0x3c1: {  	v44 =	vor.u32 s9, v48;
	v49 =	vadd.s32 v43, v50  }
0x3c2: {  	v47 =	vld [tilespmem:$0x1FF20];
	v50 =	vor.u32 v51, v44;
	_ =	sdelay $0x1  }
0x3c3: {  	v48 =	vld [tilespmem:$0x1FEC0];
	v45 =	vadd.f32 v45, v46;
	_ =	sdelay $0x1  }
0x3c4: {  	[tilespmem:v49+s24+$0x0] =	vst.idx.msk $0xffff, v45  }
0x3c5: {  	v32 =	vor.u32 v47, v52;
	v33 =	vld.idx.msk [tilespmem:v50+s14+$0x0], $0xffff  }
0x3c6: {  	v45 =	vor.u32 v53, v32  }
0x3c7: {  	v41 =	vmovc v20;
	v20 =	vmovc v19;
	v19 =	vmov v46;
	v46 =	vor.u32 s9, v48;
	v49 =	vadd.s32 v45, v34  }
0x3c8: {  	v47 =	vld [tilespmem:$0x1FF10];
	v50 =	vor.u32 v51, v46;
	_ =	sdelay $0x1  }
0x3c9: {  	v48 =	vld [tilespmem:$0x1FED0];
	v33 =	vadd.f32 v33, v17;
	_ =	sdelay $0x1  }
0x3ca: {  	[tilespmem:v49+s24+$0x0] =	vst.idx.msk $0xffff, v33  }
0x3cb: {  	v32 =	vor.u32 v47, v52;
	v33 =	vld.idx.msk [tilespmem:v50+s14+$0x0], $0xffff  }
0x3cc: {  	v47 =	vor.u32 v53, v32  }
0x3cd: {  	v48 =	vor.u32 s9, v48;
	v49 =	vadd.s32 v47, v35  }
0x3ce: {  	v50 =	vor.u32 v51, v48;
	_ =	sdelay $0x1  }
0x3cf: {  	v33 =	vadd.f32 v33, v16;
	_ =	sdelay $0x1  }
0x3d0: {  	[tilespmem:v49+s24+$0x0] =	vst.idx.msk $0xffff, v33;
	v49 =	vld [tilespmem:$0x1FF00]  }
0x3d1: {  	v33 =	vld.idx.msk [tilespmem:v50+s14+$0x0], $0xffff  }
0x3d2: {  	v50 =	vld [tilespmem:$0x1FEE0];
	_ =	sdelay $0x2  }
0x3d3: {  	v32 =	vor.u32 v49, v52  }
0x3d4: {  	v49 =	vor.u32 v53, v32  }
0x3d5: {  	v50 =	vor.u32 s9, v50;
	v32 =	vadd.s32 v49, v36  }
0x3d6: {  	v36 =	vor.u32 v51, v50;
	_ =	sdelay $0x1  }
0x3d7: {  	v33 =	vadd.f32 v33, v60  }
0x3d8: {  	v40 =	vmovc v0;
	v0 =	vmovc v18;
	v18 =	vmov v17;
	v17 =	vmov v16;
	v16 =	vmov v60;
	v60 =	vld [tilespmem:$0x1FEF0]  }
0x3d9: {  	[tilespmem:v32+s24+$0x0] =	vst.idx.msk $0xffff, v33  }
0x3da: {  	v32 =	vld.idx.msk [tilespmem:v36+s14+$0x0], $0xffff  }
0x3db: {  	s29 =	simm.s32 $0x10  }
0x3dc: {  	v51 =	vmov s29  }
0x3dd: {  	v34 =	vor.u32 v60, v52;
	v33 =	vshll.u32 v51, $0x6  }
0x3de: {  	v24 =	vmovc v61;
	v60 =	vmov v54;
	v51 =	vor.u32 v53, v34;
	v52 =	vor.u32 v62, v33  }
0x3df: {  	s9 =	simm.s32 $0x20;
	v54 =	vadd.s32 v51, v37;
	v53 =	vor.u32 v52, v61;
	v61 =	vmovc v55;
	v55 =	vadd.f32 v32, v63  }
.LBB2_16:
0x3e0: {  	_ =	sdelay $0x1  }
0x3e1: {  	v34 =	vld [tilespmem:$0x1FA10]  }
0x3e2: {  	v35 =	vld [tilespmem:$0x1FA20]  }
0x3e3: {  	v36 =	vld [tilespmem:$0x1FA30];
	[tilespmem:v54+s24+$0x0] =	vst.idx.msk $0xffff, v55  }
0x3e4: {  	v32 =	vld.idx.msk [tilespmem:v53+s14+$0x0], $0xffff  }
0x3e5: {  	v33 =	vor.u32 s29, v56  }
0x3e6: {  	v34 =	vadd.s32 v34, v33  }
0x3e7: {  	v35 =	vor.u32 v52, v35;
	_ =	sdelay $0x1  }
0x3e8: {  	v54 =	vld [tilespmem:$0x1FA40];
	v32 =	vadd.f32 v32, v36  }
0x3e9: {  	v55 =	vld [tilespmem:$0x1FA50]  }
0x3ea: {  	[tilespmem:v34+s24+$0x0] =	vst.idx.msk $0xffff, v32  }
0x3eb: {  	v32 =	vld.idx.msk [tilespmem:v35+s14+$0x0], $0xffff  }
0x3ec: {  	v34 =	vor.u32 s29, v57  }
0x3ed: {  	v35 =	vadd.s32 v54, v34  }
0x3ee: {  	v36 =	vor.u32 v52, v55;
	_ =	sdelay $0x1  }
0x3ef: {  	v32 =	vadd.f32 v32, v23;
	_ =	sdelay $0x1  }
0x3f0: {  	[tilespmem:v35+s24+$0x0] =	vst.idx.msk $0xffff, v32  }
0x3f1: {  	v32 =	vld.idx.msk [tilespmem:v36+s14+$0x0], $0xffff  }
0x3f2: {  	v35 =	vor.u32 s29, v22  }
0x3f3: {  	v56 =	vadd.s32 v30, v35  }
0x3f4: {  	v37 =	vor.u32 v52, v31;
	_ =	sdelay $0x1  }
0x3f5: {  	v32 =	vadd.f32 v32, v26;
	_ =	sdelay $0x1  }
0x3f6: {  	[tilespmem:v56+s24+$0x0] =	vst.idx.msk $0xffff, v32  }
0x3f7: {  	v32 =	vld.idx.msk [tilespmem:v37+s14+$0x0], $0xffff  }
0x3f8: {  	v36 =	vor.u32 s29, v27  }
0x3f9: {  	v57 =	vadd.s32 v1, v36  }
0x3fa: {  	v56 =	vor.u32 v52, v2;
	_ =	sdelay $0x1  }
0x3fb: {  	v32 =	vadd.f32 v32, v21;
	_ =	sdelay $0x1  }
0x3fc: {  	[tilespmem:v57+s24+$0x0] =	vst.idx.msk $0xffff, v32  }
0x3fd: {  	v32 =	vld.idx.msk [tilespmem:v56+s14+$0x0], $0xffff  }
0x3fe: {  	v37 =	vor.u32 s29, v28  }
0x3ff: {  	v53 =	vadd.s32 v3, v37  }
0x400: {  	v57 =	vor.u32 v52, v4;
	_ =	sdelay $0x1  }
0x401: {  	v32 =	vadd.f32 v32, v59;
	_ =	sdelay $0x1  }
0x402: {  	[tilespmem:v53+s24+$0x0] =	vst.idx.msk $0xffff, v32  }
0x403: {  	v32 =	vld.idx.msk [tilespmem:v57+s14+$0x0], $0xffff  }
0x404: {  	v53 =	vor.u32 s29, v29  }
0x405: {  	v54 =	vadd.s32 v5, v53  }
0x406: {  	v57 =	vor.u32 v52, v6;
	_ =	sdelay $0x1  }
0x407: {  	v32 =	vadd.f32 v32, v25;
	_ =	sdelay $0x1  }
0x408: {  	[tilespmem:v54+s24+$0x0] =	vst.idx.msk $0xffff, v32  }
0x409: {  	v32 =	vld.idx.msk [tilespmem:v57+s14+$0x0], $0xffff  }
0x40a: {  	v54 =	vor.u32 s29, v60  }
0x40b: {  	v55 =	vadd.s32 v7, v54  }
0x40c: {  	v56 =	vor.u32 v52, v8;
	_ =	sdelay $0x1  }
0x40d: {  	v32 =	vadd.f32 v32, v58;
	_ =	sdelay $0x1  }
0x40e: {  	[tilespmem:v55+s24+$0x0] =	vst.idx.msk $0xffff, v32  }
0x40f: {  	v32 =	vld.idx.msk [tilespmem:v56+s14+$0x0], $0xffff  }
0x410: {  	v55 =	vor.u32 s29, v61  }
0x411: {  	v56 =	vadd.s32 v9, v55  }
0x412: {  	v57 =	vor.u32 v52, v10;
	_ =	sdelay $0x1  }
0x413: {  	v32 =	vadd.f32 v32, v41;
	_ =	sdelay $0x1  }
0x414: {  	[tilespmem:v56+s24+$0x0] =	vst.idx.msk $0xffff, v32  }
0x415: {  	v32 =	vld.idx.msk [tilespmem:v57+s14+$0x0], $0xffff;
	_ =	sdelay $0x1  }
0x416: {  	v33 =	vadd.s32 v11, v33  }
0x417: {  	v56 =	vor.u32 v52, v12;
	_ =	sdelay $0x1  }
0x418: {  	v32 =	vadd.f32 v32, v40;
	_ =	sdelay $0x1  }
0x419: {  	[tilespmem:v33+s24+$0x0] =	vst.idx.msk $0xffff, v32  }
0x41a: {  	v32 =	vld.idx.msk [tilespmem:v56+s14+$0x0], $0xffff;
	_ =	sdelay $0x1  }
0x41b: {  	v33 =	vadd.s32 v13, v34  }
0x41c: {  	v34 =	vor.u32 v52, v14;
	_ =	sdelay $0x1  }
0x41d: {  	v32 =	vadd.f32 v32, v0;
	_ =	sdelay $0x1  }
0x41e: {  	[tilespmem:v33+s24+$0x0] =	vst.idx.msk $0xffff, v32  }
0x41f: {  	v32 =	vld.idx.msk [tilespmem:v34+s14+$0x0], $0xffff;
	_ =	sdelay $0x1  }
0x420: {  	v33 =	vadd.s32 v15, v35  }
0x421: {  	v34 =	vor.u32 v52, v42;
	_ =	sdelay $0x1  }
0x422: {  	v32 =	vadd.f32 v32, v20;
	_ =	sdelay $0x1  }
0x423: {  	[tilespmem:v33+s24+$0x0] =	vst.idx.msk $0xffff, v32  }
0x424: {  	v32 =	vld.idx.msk [tilespmem:v34+s14+$0x0], $0xffff;
	_ =	sdelay $0x1  }
0x425: {  	v33 =	vadd.s32 v43, v36  }
0x426: {  	v36 =	vor.u32 v52, v44;
	_ =	sdelay $0x1  }
0x427: {  	v32 =	vadd.f32 v32, v19;
	_ =	sdelay $0x1  }
0x428: {  	[tilespmem:v33+s24+$0x0] =	vst.idx.msk $0xffff, v32  }
0x429: {  	v32 =	vld.idx.msk [tilespmem:v36+s14+$0x0], $0xffff;
	_ =	sdelay $0x1  }
0x42a: {  	v36 =	vadd.s32 v45, v37  }
0x42b: {  	v37 =	vor.u32 v52, v46;
	_ =	sdelay $0x1  }
0x42c: {  	v32 =	vadd.f32 v32, v18;
	_ =	sdelay $0x1  }
0x42d: {  	[tilespmem:v36+s24+$0x0] =	vst.idx.msk $0xffff, v32  }
0x42e: {  	v32 =	vld.idx.msk [tilespmem:v37+s14+$0x0], $0xffff;
	_ =	sdelay $0x1  }
0x42f: {  	v53 =	vadd.s32 v47, v53  }
0x430: {  	v36 =	vor.u32 v52, v48;
	_ =	sdelay $0x1  }
0x431: {  	v32 =	vadd.f32 v32, v17;
	_ =	sdelay $0x1  }
0x432: {  	[tilespmem:v53+s24+$0x0] =	vst.idx.msk $0xffff, v32  }
0x433: {  	v32 =	vld.idx.msk [tilespmem:v36+s14+$0x0], $0xffff;
	_ =	sdelay $0x1  }
0x434: {  	v37 =	vadd.s32 v49, v54  }
0x435: {  	v53 =	vor.u32 v52, v50;
	_ =	sdelay $0x1  }
0x436: {  	v32 =	vadd.f32 v32, v16;
	_ =	sdelay $0x1  }
0x437: {  	[tilespmem:v37+s24+$0x0] =	vst.idx.msk $0xffff, v32  }
0x438: {  	p2 =	sne.s32 s9, $0x70;
	s30 =	smov.u32 s9;
	v32 =	vld.idx.msk [tilespmem:v53+s14+$0x0], $0xffff  }
.Ltmp7:
0x439: {  	s29 =	smov.u32 s30;
	(pc) =	sbr.rel @p2 .LBB2_16-.Ltmp7, $4  }
0x43a: {  	v54 =	vmov s29  }
0x43b: {  	v33 =	vshll.u32 v54, $0x6  }
0x43c: {  	v57 =	vmov v39;
	v52 =	vor.u32 v62, v33  }
0x43d: {  	s9 =	sadd.s32 $0x10, s9;
	v56 =	vmovc v38;
	v54 =	vadd.s32 v51, v55;
	v53 =	vor.u32 v52, v24;
	v55 =	vadd.f32 v32, v63  }
0x43e: {  	_ =	sdelay $0x2  }
0x43f: {  	v24 =	vld [tilespmem:$0x1FA10]  }
0x440: {  	[tilespmem:v54+s24+$0x0] =	vst.idx.msk $0xffff, v55;
	v54 =	vld [tilespmem:$0x1FA20]  }
0x441: {  	v55 =	vld [tilespmem:$0x1FA30]  }
0x442: {  	v35 =	vld.idx.msk [tilespmem:v53+s14+$0x0], $0xffff  }
0x443: {  	v32 =	vor.u32 s29, v56  }
0x444: {  	v34 =	vadd.s32 v24, v32  }
0x445: {  	v36 =	vor.u32 v52, v54;
	_ =	sdelay $0x1  }
0x446: {  	v37 =	vld [tilespmem:$0x1FA40];
	v24 =	vadd.f32 v35, v55  }
0x447: {  	v53 =	vld [tilespmem:$0x1FA50]  }
0x448: {  	[tilespmem:v34+s24+$0x0] =	vst.idx.msk $0xffff, v24  }
0x449: {  	v24 =	vld.idx.msk [tilespmem:v36+s14+$0x0], $0xffff  }
0x44a: {  	v34 =	vor.u32 s29, v57  }
0x44b: {  	v35 =	vadd.s32 v37, v34  }
0x44c: {  	v36 =	vor.u32 v52, v53;
	_ =	sdelay $0x1  }
0x44d: {  	v23 =	vadd.f32 v24, v23;
	_ =	sdelay $0x1  }
0x44e: {  	[tilespmem:v35+s24+$0x0] =	vst.idx.msk $0xffff, v23  }
0x44f: {  	v23 =	vld.idx.msk [tilespmem:v36+s14+$0x0], $0xffff  }
0x450: {  	v24 =	vor.u32 s29, v22  }
0x451: {  	v54 =	vadd.s32 v30, v24  }
0x452: {  	v55 =	vor.u32 v52, v31;
	_ =	sdelay $0x1  }
0x453: {  	v37 =	vadd.f32 v23, v26;
	_ =	sdelay $0x1  }
0x454: {  	[tilespmem:v54+s24+$0x0] =	vst.idx.msk $0xffff, v37  }
0x455: {  	v36 =	vmov v22;
	v22 =	vld.idx.msk [tilespmem:v55+s14+$0x0], $0xffff  }
0x456: {  	v23 =	vor.u32 s29, v27  }
0x457: {  	v1 =	vadd.s32 v1, v23  }
0x458: {  	v2 =	vor.u32 v52, v2;
	_ =	sdelay $0x1  }
0x459: {  	v21 =	vadd.f32 v22, v21;
	_ =	sdelay $0x1  }
0x45a: {  	[tilespmem:v1+s24+$0x0] =	vst.idx.msk $0xffff, v21  }
0x45b: {  	v1 =	vld.idx.msk [tilespmem:v2+s14+$0x0], $0xffff  }
0x45c: {  	v2 =	vor.u32 s29, v28  }
0x45d: {  	v3 =	vadd.s32 v3, v2  }
0x45e: {  	v4 =	vor.u32 v52, v4;
	_ =	sdelay $0x1  }
0x45f: {  	v1 =	vadd.f32 v1, v59;
	_ =	sdelay $0x1  }
0x460: {  	[tilespmem:v3+s24+$0x0] =	vst.idx.msk $0xffff, v1  }
0x461: {  	v1 =	vld.idx.msk [tilespmem:v4+s14+$0x0], $0xffff  }
0x462: {  	v53 =	vor.u32 s29, v29  }
0x463: {  	v54 =	vadd.s32 v5, v53  }
0x464: {  	v55 =	vor.u32 v52, v6;
	_ =	sdelay $0x1  }
0x465: {  	v1 =	vadd.f32 v1, v25;
	_ =	sdelay $0x1  }
0x466: {  	[tilespmem:v54+s24+$0x0] =	vst.idx.msk $0xffff, v1  }
0x467: {  	v1 =	vld.idx.msk [tilespmem:v55+s14+$0x0], $0xffff  }
0x468: {  	v59 =	vor.u32 s29, v60  }
0x469: {  	v21 =	vadd.s32 v7, v59  }
0x46a: {  	v22 =	vor.u32 v52, v8;
	_ =	sdelay $0x1  }
0x46b: {  	v1 =	vadd.f32 v1, v58;
	_ =	sdelay $0x1  }
0x46c: {  	[tilespmem:v21+s24+$0x0] =	vst.idx.msk $0xffff, v1  }
0x46d: {  	v1 =	vld.idx.msk [tilespmem:v22+s14+$0x0], $0xffff  }
0x46e: {  	v25 =	vor.u32 s29, v61  }
0x46f: {  	v26 =	vadd.s32 v9, v25  }
0x470: {  	v30 =	vor.u32 v52, v10;
	_ =	sdelay $0x1  }
0x471: {  	v1 =	vadd.f32 v1, v41;
	_ =	sdelay $0x1  }
0x472: {  	[tilespmem:v26+s24+$0x0] =	vst.idx.msk $0xffff, v1  }
0x473: {  	v1 =	vld.idx.msk [tilespmem:v30+s14+$0x0], $0xffff;
	_ =	sdelay $0x1  }
0x474: {  	v31 =	vadd.s32 v11, v32  }
0x475: {  	v32 =	vor.u32 v52, v12;
	_ =	sdelay $0x1  }
0x476: {  	v1 =	vadd.f32 v1, v40;
	_ =	sdelay $0x1  }
0x477: {  	[tilespmem:v31+s24+$0x0] =	vst.idx.msk $0xffff, v1  }
0x478: {  	v1 =	vld.idx.msk [tilespmem:v32+s14+$0x0], $0xffff;
	_ =	sdelay $0x1  }
0x479: {  	v35 =	vadd.s32 v13, v34  }
0x47a: {  	v37 =	vor.u32 v52, v14;
	_ =	sdelay $0x1  }
0x47b: {  	v1 =	vadd.f32 v1, v0;
	_ =	sdelay $0x1  }
0x47c: {  	[tilespmem:v35+s24+$0x0] =	vst.idx.msk $0xffff, v1  }
0x47d: {  	v1 =	vld.idx.msk [tilespmem:v37+s14+$0x0], $0xffff;
	_ =	sdelay $0x1  }
0x47e: {  	v40 =	vadd.s32 v15, v24  }
0x47f: {  	v41 =	vor.u32 v52, v42;
	_ =	sdelay $0x1  }
0x480: {  	v42 =	vadd.f32 v1, v20;
	_ =	sdelay $0x1  }
0x481: {  	[tilespmem:v40+s24+$0x0] =	vst.idx.msk $0xffff, v42  }
0x482: {  	v0 =	vld.idx.msk [tilespmem:v41+s14+$0x0], $0xffff;
	_ =	sdelay $0x1  }
0x483: {  	v43 =	vadd.s32 v43, v23  }
0x484: {  	v44 =	vor.u32 v52, v44;
	_ =	sdelay $0x1  }
0x485: {  	v0 =	vadd.f32 v0, v19;
	_ =	sdelay $0x1  }
0x486: {  	[tilespmem:v43+s24+$0x0] =	vst.idx.msk $0xffff, v0  }
0x487: {  	v0 =	vld.idx.msk [tilespmem:v44+s14+$0x0], $0xffff;
	_ =	sdelay $0x1  }
0x488: {  	v45 =	vadd.s32 v45, v2  }
0x489: {  	v46 =	vor.u32 v52, v46;
	_ =	sdelay $0x1  }
0x48a: {  	v0 =	vadd.f32 v0, v18;
	_ =	sdelay $0x1  }
0x48b: {  	[tilespmem:v45+s24+$0x0] =	vst.idx.msk $0xffff, v0  }
0x48c: {  	v0 =	vld.idx.msk [tilespmem:v46+s14+$0x0], $0xffff;
	_ =	sdelay $0x1  }
0x48d: {  	v53 =	vadd.s32 v47, v53  }
0x48e: {  	v54 =	vor.u32 v52, v48;
	_ =	sdelay $0x1  }
0x48f: {  	v0 =	vadd.f32 v0, v17;
	_ =	sdelay $0x1  }
0x490: {  	[tilespmem:v53+s24+$0x0] =	vst.idx.msk $0xffff, v0  }
0x491: {  	v0 =	vld.idx.msk [tilespmem:v54+s14+$0x0], $0xffff;
	_ =	sdelay $0x1  }
0x492: {  	v55 =	vadd.s32 v49, v59  }
0x493: {  	v58 =	vor.u32 v52, v50;
	_ =	sdelay $0x1  }
0x494: {  	v0 =	vadd.f32 v0, v16;
	_ =	sdelay $0x1  }
0x495: {  	[tilespmem:v55+s24+$0x0] =	vst.idx.msk $0xffff, v0  }
0x496: {  	v0 =	vld.idx.msk [tilespmem:v58+s14+$0x0], $0xffff  }
0x497: {  	s8 =	sadd.s32 $0x1, s8  }
0x498: {  	p2 =	sne.s32 s8, $0x4;
	v59 =	vadd.s32 v51, v25  }
.Ltmp8:
0x499: {  	_ = 	snop;
	(pc) =	sbr.rel @p2 .LBB2_15-.Ltmp8, $4  }
0x49a: {  	_ = 	snop  }
0x49b: {  	v0 =	vadd.f32 v0, v63  }
0x49c: {  	v33 =	vmov v62;
	v34 =	vmov v36  }
0x49d: {  	v36 =	vmovc v28;
	v35 =	vmovc v27;
	v37 =	vmov v29;
	v54 =	vmov v60;
	v55 =	vmov v61;
	[tilespmem:v59+s24+$0x0] =	vst.idx.msk $0xffff, v0  }
.Ltmp9:
0x49e: {  	s3 =	sshll.u32 s7, $0x7;
	(pc) =	sbr.rel @p1 .LBB2_20-.Ltmp9, $4  }
0x49f: {  	s3 =	sand.u32 $0xF00, s3  }
0x4a0: {  	s5 =	sshll.u32 s5, $0xF;
	s3 =	sadd.s32 s2, s3  }
0x4a1: {  	s3 =	sadd.s32 s5, s3  }
0x4a2: {  	[hbm4b:s3+s17] =	stream.strided.scatter [tilespmem:s24], [sflag:$0x7], $0x2000, s18, s17, $0x38;
	[tilespmem:$0x19600] =	vst v63  }
.Ltmp10:
0x4a3: {  	(pc) =	sbr.rel .LBB2_21-.Ltmp10, $4  }
0x4a4: {  	_ = 	snop  }
0x4a5: {  	_ =	swait.ge [sflag:s25], $0x2000  }
0x4a6: {  	[sflag:s25] =	ssyncset.done $0x0  }
0x4a7: {  	[sflag:s25] =	ssyncadd.s32 $0xFFFFE000  }
.LBB2_20:
0x4a8: {  	s3 =	sshll.u32 s1, $0x9  }
0x4a9: {  	s3 =	sand.u32 $0x3FFFFE00, s3  }
.Ltmp11:
0x4aa: {  	s3 =	sadd.s32 $0x280, s3;
	(pc) =	sbr.rel @p0 .LBB2_22-.Ltmp11, $4  }
0x4ab: {  	[tilespmem:s13], [sflag:$0x2] =	stream.indirect.gather [hbm4b:s4+s11], $0x40, s3, s11, $0xb8;
	[tilespmem:$0x19600] =	vst v63  }
0x4ac: {  	_ =	swait.ge [sflag:s25], $0x2000  }
0x4ad: {  	[sflag:s25] =	ssyncset.done $0x0  }
0x4ae: {  	[sflag:s25] =	ssyncadd.s32 $0xFFFFE000  }
.LBB2_21:
0x4af: {  	_ =	swait.ge [sflag:s26], $0x2000  }
0x4b0: {  	[sflag:s26] =	ssyncset.done $0x0  }
0x4b1: {  	[sflag:s26] =	ssyncadd.s32 $0xFFFFE000  }
.LBB2_22:
0x4b2: {  	v44 =	vld [tilespmem:$0x1FE00]  }
0x4b3: {  	s5 =	sadd.s32 s6, s0;
	v45 =	vld [tilespmem:$0x1FE10]  }
0x4b4: {  	v46 =	vld [tilespmem:$0x1FE20];
	s0 =	sshrl.u32 s5, $0x5  }
0x4b5: {  	v0 =	vlaneseq.u32;
	v47 =	vld [tilespmem:$0x1FE30];
	s3 =	sshll.u32 s0, $0x6  }
0x4b6: {  	v48 =	vld [tilespmem:$0x1FE40];
	v0 =	vor.u32 s3, v0  }
0x4b7: {  	v49 =	vld [tilespmem:$0x1FE60];
	[tilespmem:$0x1F910] =	vst v0;
	v0 =	vor.u32 s3, v44  }
0x4b8: {  	v50 =	vld [tilespmem:$0x1FE70];
	[tilespmem:$0x1F920] =	vst v0;
	v0 =	vor.u32 s3, v45  }
0x4b9: {  	v51 =	vld [tilespmem:$0x1FE50];
	[tilespmem:$0x1F930] =	vst v0;
	v0 =	vor.u32 s3, v46  }
0x4ba: {  	v52 =	vld [tilespmem:$0x1FE80];
	[tilespmem:$0x1F940] =	vst v0;
	v0 =	vor.u32 s3, v47  }
0x4bb: {  	v53 =	vld [tilespmem:$0x1FE90];
	[tilespmem:$0x1F950] =	vst v0;
	v0 =	vor.u32 s3, v48  }
0x4bc: {  	v58 =	vld [tilespmem:$0x1FEA0];
	[tilespmem:$0x1F960] =	vst v0;
	v0 =	vor.u32 s3, v49  }
0x4bd: {  	v59 =	vld [tilespmem:$0x1FEB0];
	[tilespmem:$0x1F970] =	vst v0;
	v0 =	vor.u32 s3, v50  }
0x4be: {  	v60 =	vld [tilespmem:$0x1FEC0];
	[tilespmem:$0x1F980] =	vst v0;
	v0 =	vor.u32 s3, v51  }
0x4bf: {  	v61 =	vld [tilespmem:$0x1FED0];
	[tilespmem:$0x1F990] =	vst v0;
	v0 =	vor.u32 s3, v52  }
0x4c0: {  	v63 =	vld [tilespmem:$0x1FEE0];
	[tilespmem:$0x1F9A0] =	vst v0;
	v0 =	vor.u32 s3, v53  }
0x4c1: {  	[tilespmem:$0x1F9B0] =	vst v0;
	v0 =	vor.u32 s3, v58  }
0x4c2: {  	[tilespmem:$0x1F9C0] =	vst v0;
	v0 =	vor.u32 s3, v59  }
0x4c3: {  	[tilespmem:$0x1F9D0] =	vst v0;
	v0 =	vor.u32 s3, v60  }
0x4c4: {  	[tilespmem:$0x1F9E0] =	vst v0;
	v0 =	vor.u32 s3, v61  }
0x4c5: {  	[tilespmem:$0x1F9F0] =	vst v0;
	v0 =	vor.u32 s3, v63  }
0x4c6: {  	s7 =	simm.s32 $0x0;
	s3 =	simm.s32 $0x0;
	[tilespmem:$0x1FA00] =	vst v0  }
.LBB2_23:
0x4c7: {  	v1 =	vld [tilespmem:$0x1F920];
	_ =	sdelay $0x3  }
0x4c8: {  	s8 =	sshll.u32 s7, $0x4  }
0x4c9: {  	v2 =	vld [tilespmem:$0x1F930];
	v1 =	vor.u32 s8, v1;
	_ =	sdelay $0x1  }
0x4ca: {  	v0 =	vld [tilespmem:$0x1F910];
	_ =	sdelay $0x1  }
0x4cb: {  	v3 =	vld [tilespmem:$0x1F940]  }
0x4cc: {  	v2 =	vor.u32 s8, v2;
	v14 =	vld.idx.msk [tilespmem:v1+s10+$0x0], $0xffff  }
0x4cd: {  	v1 =	vld [tilespmem:$0x1F970]  }
0x4ce: {  	v0 =	vor.u32 s8, v0;
	_ =	sdelay $0x1  }
0x4cf: {  	v4 =	vld [tilespmem:$0x1F950];
	v3 =	vor.u32 s8, v3  }
0x4d0: {  	v11 =	vld.idx.msk [tilespmem:v2+s10+$0x0], $0xffff  }
0x4d1: {  	v2 =	vld [tilespmem:$0x1F980];
	v1 =	vor.u32 s8, v1  }
0x4d2: {  	v15 =	vld.idx.msk [tilespmem:v0+s10+$0x0], $0xffff  }
0x4d3: {  	v0 =	vld [tilespmem:$0x1F960]  }
0x4d4: {  	v4 =	vor.u32 s8, v4;
	v9 =	vld.idx.msk [tilespmem:v3+s10+$0x0], $0xffff  }
0x4d5: {  	v3 =	vld [tilespmem:$0x1F990]  }
0x4d6: {  	v2 =	vor.u32 s8, v2;
	v12 =	vld.idx.msk [tilespmem:v1+s10+$0x0], $0xffff  }
0x4d7: {  	v1 =	vld [tilespmem:$0x1F9B0]  }
0x4d8: {  	v53 =	vld [tilespmem:$0x1FFF0]  }
0x4d9: {  	v8 =	vld.idx.msk [tilespmem:v4+s10+$0x0], $0xffff;
	v0 =	vor.u32 s8, v0  }
0x4da: {  	v4 =	vld [tilespmem:$0x1F9A0];
	v3 =	vor.u32 s8, v3  }
0x4db: {  	v20 =	vld.idx.msk [tilespmem:v2+s10+$0x0], $0xffff  }
0x4dc: {  	v6 =	vlaneseq.u32;
	v2 =	vld [tilespmem:$0x1F9C0];
	v1 =	vor.u32 s8, v1  }
0x4dd: {  	v61 =	vor.u32 s8, v6;
	v6 =	vld [tilespmem:$0x1FFD0]  }
0x4de: {  	v10 =	vld.idx.msk [tilespmem:v0+s10+$0x0], $0xffff  }
0x4df: {  	v4 =	vor.u32 s8, v4;
	v0 =	vld.idx.msk [tilespmem:v3+s10+$0x0], $0xffff  }
0x4e0: {  	v5 =	vmov s3;
	v3 =	vld [tilespmem:$0x1F9D0]  }
0x4e1: {  	s9 =	sshll.u32 s7, $0x1;
	v5 =	vshll.u32 v5, $0x6;
	v2 =	vor.u32 s8, v2;
	v19 =	vld.idx.msk [tilespmem:v1+s10+$0x0], $0xffff  }
0x4e2: {  	v51 =	vor.u32 v33, v5;
	v5 =	vmov s9;
	v1 =	vld [tilespmem:$0x1FA00]  }
0x4e3: {  	v52 =	vshll.u32 v5, $0xA;
	v5 =	vld [tilespmem:$0x1F9F0]  }
0x4e4: {  	v18 =	vld.idx.msk [tilespmem:v4+s10+$0x0], $0xffff  }
0x4e5: {  	v7 =	vor.u32 v51, v61;
	v4 =	vld [tilespmem:$0x1F9E0]  }
0x4e6: {  	v3 =	vor.u32 s8, v3;
	v46 =	vld.idx.msk [tilespmem:v2+s10+$0x0], $0xffff  }
0x4e7: {  	v2 =	vld [tilespmem:$0x1FE00];
	v1 =	vor.u32 s8, v1;
	_ =	sdelay $0x2  }
0x4e8: {  	v6 =	vor.u32 v6, v52;
	v7 =	vld.idx.msk [tilespmem:v7+s19+$0x0], $0xffff;
	v4 =	vor.u32 s8, v4  }
0x4e9: {  	v13 =	vor.u32 s3, v56;
	v6 =	vor.u32 v53, v6;
	v17 =	vld.idx.msk [tilespmem:v3+s10+$0x0], $0xffff  }
0x4ea: {  	v5 =	vor.u32 s8, v5;
	v16 =	vor.u32 s8, v2;
	v2 =	vadd.s32 v6, v13;
	v63 =	vld.idx.msk [tilespmem:v1+s10+$0x0], $0xffff  }
0x4eb: {  	v3 =	vor.u32 v51, v16;
	v1 =	vld [tilespmem:$0x1FFC0];
	_ =	sdelay $0x1  }
0x4ec: {  	[tilespmem:$0x1F8D0] =	vst v16;
	v16 =	vld.idx.msk [tilespmem:v4+s10+$0x0], $0xffff;
	v4 =	vadd.f32 v7, v15;
	_ =	sdelay $0x1  }
0x4ed: {  	v60 =	vld.idx.msk [tilespmem:v5+s10+$0x0], $0xffff;
	[tilespmem:v2+s28+$0x0] =	vst.idx.msk $0xffff, v4  }
0x4ee: {  	v2 =	vld.idx.msk [tilespmem:v3+s19+$0x0], $0xffff;
	v1 =	vor.u32 v1, v52  }
0x4ef: {  	v3 =	vor.u32 v53, v1;
	v1 =	vld [tilespmem:$0x1FE10];
	_ =	sdelay $0x3  }
0x4f0: {  	[tilespmem:$0x1F8E0] =	vst v15;
	v15 =	vor.u32 s3, v57  }
0x4f1: {  	v4 =	vor.u32 s8, v1;
	v1 =	vadd.s32 v3, v15;
	_ =	sdelay $0x2  }
0x4f2: {  	v2 =	vadd.f32 v2, v14  }
0x4f3: {  	[tilespmem:$0x1F8F0] =	vst v3  }
0x4f4: {  	v3 =	vor.u32 v51, v4;
	[tilespmem:v1+s28+$0x0] =	vst.idx.msk $0xffff, v2;
	v1 =	vld [tilespmem:$0x1FFB0];
	_ =	sdelay $0x4  }
0x4f5: {  	v2 =	vld.idx.msk [tilespmem:v3+s19+$0x0], $0xffff;
	v1 =	vor.u32 v1, v52  }
0x4f6: {  	v3 =	vor.u32 v53, v1;
	v1 =	vld [tilespmem:$0x1FE20];
	_ =	sdelay $0x3  }
0x4f7: {  	v32 =	vor.u32 s3, v34  }
0x4f8: {  	[tilespmem:$0x1F900] =	vst v4;
	v4 =	vor.u32 s8, v1;
	v1 =	vadd.s32 v3, v32;
	_ =	sdelay $0x2  }
0x4f9: {  	v2 =	vadd.f32 v2, v11;
	_ =	sdelay $0x1  }
0x4fa: {  	v30 =	vmov v3;
	v3 =	vor.u32 v51, v4;
	[tilespmem:v1+s28+$0x0] =	vst.idx.msk $0xffff, v2;
	v1 =	vld [tilespmem:$0x1FFA0];
	_ =	sdelay $0x4  }
0x4fb: {  	v3 =	vld.idx.msk [tilespmem:v3+s19+$0x0], $0xffff;
	v1 =	vor.u32 v1, v52  }
0x4fc: {  	v50 =	vor.u32 s3, v35;
	v2 =	vld [tilespmem:$0x1FE30];
	v1 =	vor.u32 v53, v1  }
0x4fd: {  	v31 =	vmov v4;
	v4 =	vadd.s32 v1, v50;
	_ =	sdelay $0x2  }
0x4fe: {  	v3 =	vadd.f32 v3, v9  }
0x4ff: {  	v2 =	vor.u32 s8, v2  }
0x500: {  	v5 =	vor.u32 v51, v2;
	[tilespmem:v4+s28+$0x0] =	vst.idx.msk $0xffff, v3;
	v3 =	vld [tilespmem:$0x1FF90];
	_ =	sdelay $0x4  }
0x501: {  	v5 =	vld.idx.msk [tilespmem:v5+s19+$0x0], $0xffff;
	v3 =	vor.u32 v3, v52  }
0x502: {  	v22 =	vmov v34;
	v34 =	vor.u32 s3, v36;
	v4 =	vld [tilespmem:$0x1FE40];
	v3 =	vor.u32 v53, v3  }
0x503: {  	[tilespmem:$0x1F8C0] =	vst v6;
	v6 =	vadd.s32 v3, v34;
	_ =	sdelay $0x2  }
0x504: {  	v5 =	vadd.f32 v5, v8  }
0x505: {  	v4 =	vor.u32 s8, v4  }
0x506: {  	v7 =	vor.u32 v51, v4;
	[tilespmem:v6+s28+$0x0] =	vst.idx.msk $0xffff, v5;
	v5 =	vld [tilespmem:$0x1FF80];
	_ =	sdelay $0x4  }
0x507: {  	v7 =	vld.idx.msk [tilespmem:v7+s19+$0x0], $0xffff;
	v5 =	vor.u32 v5, v52  }
0x508: {  	v27 =	vmov v35;
	v35 =	vor.u32 s3, v37;
	v6 =	vld [tilespmem:$0x1FE60];
	v5 =	vor.u32 v53, v5  }
0x509: {  	v59 =	vmov v8;
	v8 =	vadd.s32 v5, v35;
	_ =	sdelay $0x2  }
0x50a: {  	v7 =	vadd.f32 v7, v10  }
0x50b: {  	v6 =	vor.u32 s8, v6  }
0x50c: {  	v21 =	vmov v9;
	v9 =	vor.u32 v51, v6;
	[tilespmem:v8+s28+$0x0] =	vst.idx.msk $0xffff, v7;
	v7 =	vld [tilespmem:$0x1FF70];
	_ =	sdelay $0x4  }
0x50d: {  	v9 =	vld.idx.msk [tilespmem:v9+s19+$0x0], $0xffff;
	v7 =	vor.u32 v7, v52  }
0x50e: {  	v28 =	vmov v36;
	v36 =	vor.u32 s3, v54;
	v8 =	vld [tilespmem:$0x1FE70];
	v7 =	vor.u32 v53, v7  }
0x50f: {  	v25 =	vmov v10;
	v10 =	vadd.s32 v7, v36;
	_ =	sdelay $0x2  }
0x510: {  	v9 =	vadd.f32 v9, v12  }
0x511: {  	v8 =	vor.u32 s8, v8  }
0x512: {  	v26 =	vmov v11;
	v11 =	vor.u32 v51, v8;
	[tilespmem:v10+s28+$0x0] =	vst.idx.msk $0xffff, v9;
	v9 =	vld [tilespmem:$0x1FF60];
	_ =	sdelay $0x4  }
0x513: {  	v11 =	vld.idx.msk [tilespmem:v11+s19+$0x0], $0xffff;
	v9 =	vor.u32 v9, v52  }
0x514: {  	v29 =	vmov v37;
	v37 =	vor.u32 s3, v55;
	v10 =	vld [tilespmem:$0x1FE50];
	v9 =	vor.u32 v53, v9  }
0x515: {  	v58 =	vmov v12;
	v12 =	vadd.s32 v9, v37;
	_ =	sdelay $0x2  }
0x516: {  	v11 =	vadd.f32 v11, v20  }
0x517: {  	v10 =	vor.u32 s8, v10  }
0x518: {  	v23 =	vmov v14;
	v14 =	vor.u32 v51, v10;
	[tilespmem:v12+s28+$0x0] =	vst.idx.msk $0xffff, v11;
	v11 =	vld [tilespmem:$0x1FFE0];
	_ =	sdelay $0x4  }
0x519: {  	v14 =	vld.idx.msk [tilespmem:v14+s19+$0x0], $0xffff;
	v11 =	vor.u32 v11, v52  }
0x51a: {  	v12 =	vld [tilespmem:$0x1FE80];
	v11 =	vor.u32 v53, v11  }
0x51b: {  	v13 =	vadd.s32 v11, v13;
	_ =	sdelay $0x2  }
0x51c: {  	v14 =	vadd.f32 v14, v0  }
0x51d: {  	v12 =	vor.u32 s8, v12  }
0x51e: {  	v42 =	vor.u32 v51, v12;
	[tilespmem:v13+s28+$0x0] =	vst.idx.msk $0xffff, v14;
	v13 =	vld [tilespmem:$0x1FF50];
	_ =	sdelay $0x4  }
0x51f: {  	v42 =	vld.idx.msk [tilespmem:v42+s19+$0x0], $0xffff;
	v13 =	vor.u32 v13, v52  }
0x520: {  	v14 =	vld [tilespmem:$0x1FE90];
	v13 =	vor.u32 v53, v13  }
0x521: {  	v15 =	vadd.s32 v13, v15;
	_ =	sdelay $0x2  }
0x522: {  	v42 =	vadd.f32 v42, v18  }
0x523: {  	v14 =	vor.u32 s8, v14  }
0x524: {  	v43 =	vor.u32 v51, v14;
	[tilespmem:v15+s28+$0x0] =	vst.idx.msk $0xffff, v42;
	v15 =	vld [tilespmem:$0x1FF40];
	_ =	sdelay $0x1  }
0x525: {  	v45 =	vld [tilespmem:$0x1FEA0];
	_ =	sdelay $0x2  }
0x526: {  	v43 =	vld.idx.msk [tilespmem:v43+s19+$0x0], $0xffff;
	v15 =	vor.u32 v15, v52  }
0x527: {  	v15 =	vor.u32 v53, v15  }
0x528: {  	v42 =	vor.u32 s8, v45;
	v32 =	vadd.s32 v15, v32  }
0x529: {  	v47 =	vld [tilespmem:$0x1FF30];
	v44 =	vor.u32 v51, v42;
	_ =	sdelay $0x1  }
0x52a: {  	v48 =	vld [tilespmem:$0x1FEB0];
	v43 =	vadd.f32 v43, v19;
	_ =	sdelay $0x1  }
0x52b: {  	[tilespmem:v32+s28+$0x0] =	vst.idx.msk $0xffff, v43  }
0x52c: {  	v32 =	vor.u32 v47, v52;
	v45 =	vld.idx.msk [tilespmem:v44+s19+$0x0], $0xffff  }
0x52d: {  	v43 =	vor.u32 v53, v32  }
0x52e: {  	v44 =	vor.u32 s8, v48;
	v49 =	vadd.s32 v43, v50  }
0x52f: {  	v47 =	vld [tilespmem:$0x1FF20];
	v50 =	vor.u32 v51, v44;
	_ =	sdelay $0x1  }
0x530: {  	v48 =	vld [tilespmem:$0x1FEC0];
	v45 =	vadd.f32 v45, v46;
	_ =	sdelay $0x1  }
0x531: {  	[tilespmem:v49+s28+$0x0] =	vst.idx.msk $0xffff, v45  }
0x532: {  	v32 =	vor.u32 v47, v52;
	v33 =	vld.idx.msk [tilespmem:v50+s19+$0x0], $0xffff  }
0x533: {  	v45 =	vor.u32 v53, v32  }
0x534: {  	v41 =	vmovc v20;
	v20 =	vmovc v19;
	v19 =	vmov v46;
	v46 =	vor.u32 s8, v48;
	v49 =	vadd.s32 v45, v34  }
0x535: {  	v47 =	vld [tilespmem:$0x1FF10];
	v50 =	vor.u32 v51, v46;
	_ =	sdelay $0x1  }
0x536: {  	v48 =	vld [tilespmem:$0x1FED0];
	v33 =	vadd.f32 v33, v17;
	_ =	sdelay $0x1  }
0x537: {  	[tilespmem:v49+s28+$0x0] =	vst.idx.msk $0xffff, v33  }
0x538: {  	v32 =	vor.u32 v47, v52;
	v33 =	vld.idx.msk [tilespmem:v50+s19+$0x0], $0xffff  }
0x539: {  	v47 =	vor.u32 v53, v32  }
0x53a: {  	v48 =	vor.u32 s8, v48;
	v49 =	vadd.s32 v47, v35  }
0x53b: {  	v50 =	vor.u32 v51, v48;
	_ =	sdelay $0x1  }
0x53c: {  	v33 =	vadd.f32 v33, v16;
	_ =	sdelay $0x1  }
0x53d: {  	[tilespmem:v49+s28+$0x0] =	vst.idx.msk $0xffff, v33;
	v49 =	vld [tilespmem:$0x1FF00]  }
0x53e: {  	v33 =	vld.idx.msk [tilespmem:v50+s19+$0x0], $0xffff  }
0x53f: {  	v50 =	vld [tilespmem:$0x1FEE0];
	_ =	sdelay $0x2  }
0x540: {  	v32 =	vor.u32 v49, v52  }
0x541: {  	v49 =	vor.u32 v53, v32  }
0x542: {  	v50 =	vor.u32 s8, v50;
	v32 =	vadd.s32 v49, v36  }
0x543: {  	v36 =	vor.u32 v51, v50;
	_ =	sdelay $0x1  }
0x544: {  	v33 =	vadd.f32 v33, v60  }
0x545: {  	v40 =	vmovc v0;
	v0 =	vmovc v18;
	v18 =	vmov v17;
	v17 =	vmov v16;
	v16 =	vmov v60;
	v60 =	vld [tilespmem:$0x1FEF0]  }
0x546: {  	[tilespmem:v32+s28+$0x0] =	vst.idx.msk $0xffff, v33  }
0x547: {  	v32 =	vld.idx.msk [tilespmem:v36+s19+$0x0], $0xffff  }
0x548: {  	s8 =	simm.s32 $0x10  }
0x549: {  	v51 =	vmov s8  }
0x54a: {  	v34 =	vor.u32 v60, v52;
	v33 =	vshll.u32 v51, $0x6  }
0x54b: {  	v24 =	vmovc v61;
	v60 =	vmov v54;
	v51 =	vor.u32 v53, v34;
	v52 =	vor.u32 v62, v33  }
0x54c: {  	s9 =	simm.s32 $0x20;
	v54 =	vadd.s32 v51, v37;
	v53 =	vor.u32 v52, v61;
	v61 =	vmovc v55;
	v55 =	vadd.f32 v32, v63  }
.LBB2_24:
0x54d: {  	_ =	sdelay $0x1  }
0x54e: {  	v34 =	vld [tilespmem:$0x1F8C0]  }
0x54f: {  	v35 =	vld [tilespmem:$0x1F8D0]  }
0x550: {  	v36 =	vld [tilespmem:$0x1F8E0];
	[tilespmem:v54+s28+$0x0] =	vst.idx.msk $0xffff, v55  }
0x551: {  	v32 =	vld.idx.msk [tilespmem:v53+s19+$0x0], $0xffff  }
0x552: {  	v33 =	vor.u32 s8, v56  }
0x553: {  	v34 =	vadd.s32 v34, v33  }
0x554: {  	v35 =	vor.u32 v52, v35;
	_ =	sdelay $0x1  }
0x555: {  	v54 =	vld [tilespmem:$0x1F8F0];
	v32 =	vadd.f32 v32, v36  }
0x556: {  	v55 =	vld [tilespmem:$0x1F900]  }
0x557: {  	[tilespmem:v34+s28+$0x0] =	vst.idx.msk $0xffff, v32  }
0x558: {  	v32 =	vld.idx.msk [tilespmem:v35+s19+$0x0], $0xffff  }
0x559: {  	v34 =	vor.u32 s8, v57  }
0x55a: {  	v35 =	vadd.s32 v54, v34  }
0x55b: {  	v36 =	vor.u32 v52, v55;
	_ =	sdelay $0x1  }
0x55c: {  	v32 =	vadd.f32 v32, v23;
	_ =	sdelay $0x1  }
0x55d: {  	[tilespmem:v35+s28+$0x0] =	vst.idx.msk $0xffff, v32  }
0x55e: {  	v32 =	vld.idx.msk [tilespmem:v36+s19+$0x0], $0xffff  }
0x55f: {  	v35 =	vor.u32 s8, v22  }
0x560: {  	v56 =	vadd.s32 v30, v35  }
0x561: {  	v37 =	vor.u32 v52, v31;
	_ =	sdelay $0x1  }
0x562: {  	v32 =	vadd.f32 v32, v26;
	_ =	sdelay $0x1  }
0x563: {  	[tilespmem:v56+s28+$0x0] =	vst.idx.msk $0xffff, v32  }
0x564: {  	v32 =	vld.idx.msk [tilespmem:v37+s19+$0x0], $0xffff  }
0x565: {  	v36 =	vor.u32 s8, v27  }
0x566: {  	v57 =	vadd.s32 v1, v36  }
0x567: {  	v56 =	vor.u32 v52, v2;
	_ =	sdelay $0x1  }
0x568: {  	v32 =	vadd.f32 v32, v21;
	_ =	sdelay $0x1  }
0x569: {  	[tilespmem:v57+s28+$0x0] =	vst.idx.msk $0xffff, v32  }
0x56a: {  	v32 =	vld.idx.msk [tilespmem:v56+s19+$0x0], $0xffff  }
0x56b: {  	v37 =	vor.u32 s8, v28  }
0x56c: {  	v53 =	vadd.s32 v3, v37  }
0x56d: {  	v57 =	vor.u32 v52, v4;
	_ =	sdelay $0x1  }
0x56e: {  	v32 =	vadd.f32 v32, v59;
	_ =	sdelay $0x1  }
0x56f: {  	[tilespmem:v53+s28+$0x0] =	vst.idx.msk $0xffff, v32  }
0x570: {  	v32 =	vld.idx.msk [tilespmem:v57+s19+$0x0], $0xffff  }
0x571: {  	v53 =	vor.u32 s8, v29  }
0x572: {  	v54 =	vadd.s32 v5, v53  }
0x573: {  	v57 =	vor.u32 v52, v6;
	_ =	sdelay $0x1  }
0x574: {  	v32 =	vadd.f32 v32, v25;
	_ =	sdelay $0x1  }
0x575: {  	[tilespmem:v54+s28+$0x0] =	vst.idx.msk $0xffff, v32  }
0x576: {  	v32 =	vld.idx.msk [tilespmem:v57+s19+$0x0], $0xffff  }
0x577: {  	v54 =	vor.u32 s8, v60  }
0x578: {  	v55 =	vadd.s32 v7, v54  }
0x579: {  	v56 =	vor.u32 v52, v8;
	_ =	sdelay $0x1  }
0x57a: {  	v32 =	vadd.f32 v32, v58;
	_ =	sdelay $0x1  }
0x57b: {  	[tilespmem:v55+s28+$0x0] =	vst.idx.msk $0xffff, v32  }
0x57c: {  	v32 =	vld.idx.msk [tilespmem:v56+s19+$0x0], $0xffff  }
0x57d: {  	v55 =	vor.u32 s8, v61  }
0x57e: {  	v56 =	vadd.s32 v9, v55  }
0x57f: {  	v57 =	vor.u32 v52, v10;
	_ =	sdelay $0x1  }
0x580: {  	v32 =	vadd.f32 v32, v41;
	_ =	sdelay $0x1  }
0x581: {  	[tilespmem:v56+s28+$0x0] =	vst.idx.msk $0xffff, v32  }
0x582: {  	v32 =	vld.idx.msk [tilespmem:v57+s19+$0x0], $0xffff;
	_ =	sdelay $0x1  }
0x583: {  	v33 =	vadd.s32 v11, v33  }
0x584: {  	v56 =	vor.u32 v52, v12;
	_ =	sdelay $0x1  }
0x585: {  	v32 =	vadd.f32 v32, v40;
	_ =	sdelay $0x1  }
0x586: {  	[tilespmem:v33+s28+$0x0] =	vst.idx.msk $0xffff, v32  }
0x587: {  	v32 =	vld.idx.msk [tilespmem:v56+s19+$0x0], $0xffff;
	_ =	sdelay $0x1  }
0x588: {  	v33 =	vadd.s32 v13, v34  }
0x589: {  	v34 =	vor.u32 v52, v14;
	_ =	sdelay $0x1  }
0x58a: {  	v32 =	vadd.f32 v32, v0;
	_ =	sdelay $0x1  }
0x58b: {  	[tilespmem:v33+s28+$0x0] =	vst.idx.msk $0xffff, v32  }
0x58c: {  	v32 =	vld.idx.msk [tilespmem:v34+s19+$0x0], $0xffff;
	_ =	sdelay $0x1  }
0x58d: {  	v33 =	vadd.s32 v15, v35  }
0x58e: {  	v34 =	vor.u32 v52, v42;
	_ =	sdelay $0x1  }
0x58f: {  	v32 =	vadd.f32 v32, v20;
	_ =	sdelay $0x1  }
0x590: {  	[tilespmem:v33+s28+$0x0] =	vst.idx.msk $0xffff, v32  }
0x591: {  	v32 =	vld.idx.msk [tilespmem:v34+s19+$0x0], $0xffff;
	_ =	sdelay $0x1  }
0x592: {  	v33 =	vadd.s32 v43, v36  }
0x593: {  	v36 =	vor.u32 v52, v44;
	_ =	sdelay $0x1  }
0x594: {  	v32 =	vadd.f32 v32, v19;
	_ =	sdelay $0x1  }
0x595: {  	[tilespmem:v33+s28+$0x0] =	vst.idx.msk $0xffff, v32  }
0x596: {  	v32 =	vld.idx.msk [tilespmem:v36+s19+$0x0], $0xffff;
	_ =	sdelay $0x1  }
0x597: {  	v36 =	vadd.s32 v45, v37  }
0x598: {  	v37 =	vor.u32 v52, v46;
	_ =	sdelay $0x1  }
0x599: {  	v32 =	vadd.f32 v32, v18;
	_ =	sdelay $0x1  }
0x59a: {  	[tilespmem:v36+s28+$0x0] =	vst.idx.msk $0xffff, v32  }
0x59b: {  	v32 =	vld.idx.msk [tilespmem:v37+s19+$0x0], $0xffff;
	_ =	sdelay $0x1  }
0x59c: {  	v53 =	vadd.s32 v47, v53  }
0x59d: {  	v36 =	vor.u32 v52, v48;
	_ =	sdelay $0x1  }
0x59e: {  	v32 =	vadd.f32 v32, v17;
	_ =	sdelay $0x1  }
0x59f: {  	[tilespmem:v53+s28+$0x0] =	vst.idx.msk $0xffff, v32  }
0x5a0: {  	v32 =	vld.idx.msk [tilespmem:v36+s19+$0x0], $0xffff;
	_ =	sdelay $0x1  }
0x5a1: {  	v37 =	vadd.s32 v49, v54  }
0x5a2: {  	v53 =	vor.u32 v52, v50;
	_ =	sdelay $0x1  }
0x5a3: {  	v32 =	vadd.f32 v32, v16;
	_ =	sdelay $0x1  }
0x5a4: {  	[tilespmem:v37+s28+$0x0] =	vst.idx.msk $0xffff, v32  }
0x5a5: {  	p0 =	sne.s32 s9, $0x70;
	s29 =	smov.u32 s9;
	v32 =	vld.idx.msk [tilespmem:v53+s19+$0x0], $0xffff  }
.Ltmp12:
0x5a6: {  	s8 =	smov.u32 s29;
	(pc) =	sbr.rel @p0 .LBB2_24-.Ltmp12, $4  }
0x5a7: {  	v54 =	vmov s8  }
0x5a8: {  	v33 =	vshll.u32 v54, $0x6  }
0x5a9: {  	v57 =	vmov v39;
	v52 =	vor.u32 v62, v33  }
0x5aa: {  	s9 =	sadd.s32 $0x10, s9;
	v56 =	vmovc v38;
	v54 =	vadd.s32 v51, v55;
	v53 =	vor.u32 v52, v24;
	v55 =	vadd.f32 v32, v63  }
0x5ab: {  	_ =	sdelay $0x2  }
0x5ac: {  	v24 =	vld [tilespmem:$0x1F8C0]  }
0x5ad: {  	[tilespmem:v54+s28+$0x0] =	vst.idx.msk $0xffff, v55;
	v54 =	vld [tilespmem:$0x1F8D0]  }
0x5ae: {  	v55 =	vld [tilespmem:$0x1F8E0]  }
0x5af: {  	v35 =	vld.idx.msk [tilespmem:v53+s19+$0x0], $0xffff  }
0x5b0: {  	v32 =	vor.u32 s8, v56  }
0x5b1: {  	v34 =	vadd.s32 v24, v32  }
0x5b2: {  	v36 =	vor.u32 v52, v54;
	_ =	sdelay $0x1  }
0x5b3: {  	v37 =	vld [tilespmem:$0x1F8F0];
	v24 =	vadd.f32 v35, v55  }
0x5b4: {  	v53 =	vld [tilespmem:$0x1F900]  }
0x5b5: {  	[tilespmem:v34+s28+$0x0] =	vst.idx.msk $0xffff, v24  }
0x5b6: {  	v24 =	vld.idx.msk [tilespmem:v36+s19+$0x0], $0xffff  }
0x5b7: {  	v34 =	vor.u32 s8, v57  }
0x5b8: {  	v35 =	vadd.s32 v37, v34  }
0x5b9: {  	v36 =	vor.u32 v52, v53;
	_ =	sdelay $0x1  }
0x5ba: {  	v23 =	vadd.f32 v24, v23;
	_ =	sdelay $0x1  }
0x5bb: {  	[tilespmem:v35+s28+$0x0] =	vst.idx.msk $0xffff, v23  }
0x5bc: {  	v23 =	vld.idx.msk [tilespmem:v36+s19+$0x0], $0xffff  }
0x5bd: {  	v24 =	vor.u32 s8, v22  }
0x5be: {  	v54 =	vadd.s32 v30, v24  }
0x5bf: {  	v55 =	vor.u32 v52, v31;
	_ =	sdelay $0x1  }
0x5c0: {  	v37 =	vadd.f32 v23, v26;
	_ =	sdelay $0x1  }
0x5c1: {  	[tilespmem:v54+s28+$0x0] =	vst.idx.msk $0xffff, v37  }
0x5c2: {  	v36 =	vmov v22;
	v22 =	vld.idx.msk [tilespmem:v55+s19+$0x0], $0xffff  }
0x5c3: {  	v23 =	vor.u32 s8, v27  }
0x5c4: {  	v1 =	vadd.s32 v1, v23  }
0x5c5: {  	v2 =	vor.u32 v52, v2;
	_ =	sdelay $0x1  }
0x5c6: {  	v21 =	vadd.f32 v22, v21;
	_ =	sdelay $0x1  }
0x5c7: {  	[tilespmem:v1+s28+$0x0] =	vst.idx.msk $0xffff, v21  }
0x5c8: {  	v1 =	vld.idx.msk [tilespmem:v2+s19+$0x0], $0xffff  }
0x5c9: {  	v2 =	vor.u32 s8, v28  }
0x5ca: {  	v3 =	vadd.s32 v3, v2  }
0x5cb: {  	v4 =	vor.u32 v52, v4;
	_ =	sdelay $0x1  }
0x5cc: {  	v1 =	vadd.f32 v1, v59;
	_ =	sdelay $0x1  }
0x5cd: {  	[tilespmem:v3+s28+$0x0] =	vst.idx.msk $0xffff, v1  }
0x5ce: {  	v1 =	vld.idx.msk [tilespmem:v4+s19+$0x0], $0xffff  }
0x5cf: {  	v53 =	vor.u32 s8, v29  }
0x5d0: {  	v54 =	vadd.s32 v5, v53  }
0x5d1: {  	v55 =	vor.u32 v52, v6;
	_ =	sdelay $0x1  }
0x5d2: {  	v1 =	vadd.f32 v1, v25;
	_ =	sdelay $0x1  }
0x5d3: {  	[tilespmem:v54+s28+$0x0] =	vst.idx.msk $0xffff, v1  }
0x5d4: {  	v1 =	vld.idx.msk [tilespmem:v55+s19+$0x0], $0xffff  }
0x5d5: {  	v59 =	vor.u32 s8, v60  }
0x5d6: {  	v21 =	vadd.s32 v7, v59  }
0x5d7: {  	v22 =	vor.u32 v52, v8;
	_ =	sdelay $0x1  }
0x5d8: {  	v1 =	vadd.f32 v1, v58;
	_ =	sdelay $0x1  }
0x5d9: {  	[tilespmem:v21+s28+$0x0] =	vst.idx.msk $0xffff, v1  }
0x5da: {  	v1 =	vld.idx.msk [tilespmem:v22+s19+$0x0], $0xffff  }
0x5db: {  	v25 =	vor.u32 s8, v61  }
0x5dc: {  	v26 =	vadd.s32 v9, v25  }
0x5dd: {  	v30 =	vor.u32 v52, v10;
	_ =	sdelay $0x1  }
0x5de: {  	v1 =	vadd.f32 v1, v41;
	_ =	sdelay $0x1  }
0x5df: {  	[tilespmem:v26+s28+$0x0] =	vst.idx.msk $0xffff, v1  }
0x5e0: {  	v1 =	vld.idx.msk [tilespmem:v30+s19+$0x0], $0xffff;
	_ =	sdelay $0x1  }
0x5e1: {  	v31 =	vadd.s32 v11, v32  }
0x5e2: {  	v32 =	vor.u32 v52, v12;
	_ =	sdelay $0x1  }
0x5e3: {  	v1 =	vadd.f32 v1, v40;
	_ =	sdelay $0x1  }
0x5e4: {  	[tilespmem:v31+s28+$0x0] =	vst.idx.msk $0xffff, v1  }
0x5e5: {  	v1 =	vld.idx.msk [tilespmem:v32+s19+$0x0], $0xffff;
	_ =	sdelay $0x1  }
0x5e6: {  	v35 =	vadd.s32 v13, v34  }
0x5e7: {  	v37 =	vor.u32 v52, v14;
	_ =	sdelay $0x1  }
0x5e8: {  	v1 =	vadd.f32 v1, v0;
	_ =	sdelay $0x1  }
0x5e9: {  	[tilespmem:v35+s28+$0x0] =	vst.idx.msk $0xffff, v1  }
0x5ea: {  	v1 =	vld.idx.msk [tilespmem:v37+s19+$0x0], $0xffff;
	_ =	sdelay $0x1  }
0x5eb: {  	v40 =	vadd.s32 v15, v24  }
0x5ec: {  	v41 =	vor.u32 v52, v42;
	_ =	sdelay $0x1  }
0x5ed: {  	v42 =	vadd.f32 v1, v20;
	_ =	sdelay $0x1  }
0x5ee: {  	[tilespmem:v40+s28+$0x0] =	vst.idx.msk $0xffff, v42  }
0x5ef: {  	v0 =	vld.idx.msk [tilespmem:v41+s19+$0x0], $0xffff;
	_ =	sdelay $0x1  }
0x5f0: {  	v43 =	vadd.s32 v43, v23  }
0x5f1: {  	v44 =	vor.u32 v52, v44;
	_ =	sdelay $0x1  }
0x5f2: {  	v0 =	vadd.f32 v0, v19;
	_ =	sdelay $0x1  }
0x5f3: {  	[tilespmem:v43+s28+$0x0] =	vst.idx.msk $0xffff, v0  }
0x5f4: {  	v0 =	vld.idx.msk [tilespmem:v44+s19+$0x0], $0xffff;
	_ =	sdelay $0x1  }
0x5f5: {  	v45 =	vadd.s32 v45, v2  }
0x5f6: {  	v46 =	vor.u32 v52, v46;
	_ =	sdelay $0x1  }
0x5f7: {  	v0 =	vadd.f32 v0, v18;
	_ =	sdelay $0x1  }
0x5f8: {  	[tilespmem:v45+s28+$0x0] =	vst.idx.msk $0xffff, v0  }
0x5f9: {  	v0 =	vld.idx.msk [tilespmem:v46+s19+$0x0], $0xffff;
	_ =	sdelay $0x1  }
0x5fa: {  	v53 =	vadd.s32 v47, v53  }
0x5fb: {  	v54 =	vor.u32 v52, v48;
	_ =	sdelay $0x1  }
0x5fc: {  	v0 =	vadd.f32 v0, v17;
	_ =	sdelay $0x1  }
0x5fd: {  	[tilespmem:v53+s28+$0x0] =	vst.idx.msk $0xffff, v0  }
0x5fe: {  	v0 =	vld.idx.msk [tilespmem:v54+s19+$0x0], $0xffff;
	_ =	sdelay $0x1  }
0x5ff: {  	v55 =	vadd.s32 v49, v59  }
0x600: {  	v58 =	vor.u32 v52, v50;
	_ =	sdelay $0x1  }
0x601: {  	v0 =	vadd.f32 v0, v16;
	_ =	sdelay $0x1  }
0x602: {  	[tilespmem:v55+s28+$0x0] =	vst.idx.msk $0xffff, v0  }
0x603: {  	v0 =	vld.idx.msk [tilespmem:v58+s19+$0x0], $0xffff  }
0x604: {  	s7 =	sadd.s32 $0x1, s7  }
0x605: {  	p0 =	sne.s32 s7, $0x4;
	v59 =	vadd.s32 v51, v25  }
.Ltmp13:
0x606: {  	_ = 	snop;
	(pc) =	sbr.rel @p0 .LBB2_23-.Ltmp13, $4  }
0x607: {  	_ = 	snop  }
0x608: {  	v0 =	vadd.f32 v0, v63  }
0x609: {  	v33 =	vmov v62;
	v34 =	vmov v36  }
0x60a: {  	v36 =	vmovc v28;
	v35 =	vmovc v27;
	v37 =	vmov v29;
	v54 =	vmov v60;
	v55 =	vmov v61;
	[tilespmem:v59+s28+$0x0] =	vst.idx.msk $0xffff, v0  }
0x60b: {  	s1 =	sadd.s32 $0x1, s1  }
0x60c: {  	p0 =	sne.s32 s1, $0x32  }
.Ltmp14:
0x60d: {  	s3 =	sshll.u32 s5, $0x7;
	(pc) =	sbr.rel @p0 .LBB2_2-.Ltmp14, $4  }
0x60e: {  	s3 =	sand.u32 $0xF80, s3  }
0x60f: {  	s0 =	sshll.u32 s0, $0xF;
	s3 =	sadd.s32 s2, s3  }
0x610: {  	s0 =	sadd.s32 s0, s3  }
0x611: {  	[hbm4b:s0+s17] =	stream.strided.scatter [tilespmem:s28], [sflag:$0x8], $0x2000, s18, s17, $0x38;
	[tilespmem:$0x19600] =	vst v63  }
0x612: {  	s0 =	simm.s32 $0x5  }
0x613: {  	_ =	swait.ge [sflag:s0], $0x2000  }
0x614: {  	[sflag:s0] =	ssyncset.done $0x0  }
0x615: {  	s30 =	simm.s32 $0x6;
	[sflag:s0] =	ssyncadd.s32 $0xFFFFE000  }
0x616: {  	_ =	swait.ge [sflag:s30], $0x2000  }
0x617: {  	[sflag:s30] =	ssyncset.done $0x0  }
0x618: {  	[sflag:s30] =	ssyncadd.s32 $0xFFFFE000  }
0x619: {  	_ =	swait.ge [sflag:s23], $0x2000  }
0x61a: {  	[sflag:s23] =	ssyncset.done $0x0  }
0x61b: {  	[sflag:s23] =	ssyncadd.s32 $0xFFFFE000  }
0x61c: {  	_ =	swait.ge [sflag:s26], $0x2000  }
0x61d: {  	s1 =	rddreg [dreg:$0x6]  }
0x61e: {  	s31 =	rddreg [dreg:$0x5];
	s1 =	sadd.s32 $0x1, s1  }
0x61f: {  	p0 =	sne.s32 s1, s31  }
.Ltmp15:
0x620: {  	_ = 	snop;
	(pc) =	sbr.rel @p0 .LBB2_1-.Ltmp15, $3  }
0x621: {  	_ =	sdelay $0x1  }
0x622: {  	[sflag:s26] =	ssyncset.done $0x0  }
0x623: {  	[sflag:s26] =	ssyncadd.s32 $0xFFFFE000  }
0x624: {  	_ =	sfence.sel $0x180000  }
0x625: {  	[bflag:$0x0] =	sbarrier.arrive $0xFFFF  }
0x626: {  	_ =	strace $0x90000047  }
0x627: {  	s0 =	stileid.u32;
	[bflag:$0x2] =	sbarrier.arrive $0xFFFF  }
0x628: {  	p0 =	sne.s32 s0, $0x0;
	s0 =	rddreg [dreg:$0x2]  }
0x629: {  	s0 =	sadd.s32 @!p0 $0x100000, s0  }
0x62a: {  	[sflag:s0] =	ssyncadd.tile.s32 @!p0 $0x1;
	_ =	shalt  }
.Lfunc_end2:
_tile_overlayer_lowered:
.L_overlay_start_2:
0x62b: {  	(tag) =	ssettag $0x2  }
0x62c: {  	s0 =	rddreg [dreg:$0x0];
	s2 =	stileid.u32  }
0x62d: {  	s1 =	rddreg [dreg:$0x1];
	p0 =	sne.s32 s2, $0x0  }
0x62e: {  	s3 =	rddreg [dreg:$0x2];
	[bflag:$0x3] =	sbarrier.arrive $0xFFFF;
	s2 =	simm.s32 @!p0 $0x1C09  }
0x62f: {  	[timem:s3], [sflag:s2] =	dma.local @!p0 [hbm:s0], s1  }
0x630: {  	s0 =	simm.s32 @!p0 $0x9  }
0x631: {  	_ =	swait.ge @!p0 [sflag:s0], s1  }
0x632: {  	s1 =	ssub.s32 @!p0 $0x0, s1;
	[sflag:s0] =	ssyncset.done @!p0 $0x0  }
0x633: {  	[sflag:s0] =	ssyncadd.s32 @!p0 s1  }
0x634: {  	[bflag:$0x3] =	sbarrier.arrive $0xFFFF  }
0x635: {  	_ =	shalt  }

</sc_bundles>
